<compile_context>
chip_gen: v7x
topology: tpu7x:2x2x1
jax: 0.10.2.dev20260603
libtpu: 0.0.44.dev20260713+nightly
codegen_flags: <defaults>
</compile_context>

<pallas_src>
import functools

import jax
import jax.numpy as jnp
from jax import lax
from jax.experimental import pallas as pl
from jax.experimental.pallas import tpu as pltpu
from jax.experimental.pallas import tpu_sc as plsc

N = 10000
F = 128
H = 4
FH = 32
NC = 2
NS = 16
NW = NC * NS
L = 16
B = 80

NPACK = (N + 31) // 32
NP = 10368
RPT = NP // NS



def _dense_in_body(x_ref, w_ref, acat_ref, h_ref, alpha_ref, m_ref):
    h = jnp.dot(x_ref[...], w_ref[...], preferred_element_type=jnp.float32)
    h_ref[...] = h
    al = jnp.dot(h, acat_ref[...], preferred_element_type=jnp.float32)
    alpha_ref[...] = al
    m = jnp.max(al[:, 0:4]) + jnp.max(al[:, 4:8])
    m = jnp.maximum(m, 0.2 * m)
    m_ref[...] = jnp.full((1, L), m, jnp.float32)


def _dense_mid_body(acc_ref, den_ref, b_ref, w_ref, acat_ref, s_ref,
                    h_ref, alpha_ref, m_ref):
    num = acc_ref[0] + acc_ref[1]
    den = den_ref[0] + den_ref[1]
    den_b = jnp.dot(den, s_ref[...], preferred_element_type=jnp.float32)
    x2 = jnp.maximum(num / (den_b + 1e-16) + b_ref[...], 0.0)
    h = jnp.dot(x2, w_ref[...], preferred_element_type=jnp.float32)
    h_ref[...] = h
    al = jnp.dot(h, acat_ref[...], preferred_element_type=jnp.float32)
    alpha_ref[...] = al
    m = jnp.max(al[:, 0:4]) + jnp.max(al[:, 4:8])
    m = jnp.maximum(m, 0.2 * m)
    m_ref[...] = jnp.full((1, L), m, jnp.float32)


def _dense_out_body(acc_ref, den_ref, b_ref, s_ref, wc_ref, bc_ref, out_ref):
    num = acc_ref[0] + acc_ref[1]
    den = den_ref[0] + den_ref[1]
    den_b = jnp.dot(den, s_ref[...], preferred_element_type=jnp.float32)
    x3 = jnp.maximum(num / (den_b + 1e-16) + b_ref[...], 0.0)
    logits = jnp.dot(x3, wc_ref[...], preferred_element_type=jnp.float32)
    logits = logits + bc_ref[...]
    mx = jnp.max(logits, axis=1, keepdims=True)
    z = logits - mx
    lse = jnp.log(jnp.sum(jnp.exp(z), axis=1, keepdims=True))
    out_ref[...] = z - lse



def _edge_body(h_hbm, pa_hbm, m_hbm, esrc_hbm, edst_hbm, acc_out,
               src_v, dst_v, ridx_v, didx_v, pas_v, hrow_v, msg_v, dtail_v,
               w_v, m_v, acc_sh, sem_h, sem_a, E):
    cid = lax.axis_index("c")
    sid = lax.axis_index("s")
    wid = cid * NS + sid
    epw = E // NW
    nchunk = epw // B

    lane = lax.iota(jnp.int32, L)
    zero16 = jnp.zeros((L,), jnp.float32)

    def _zb(i, c):
        msg_v[i // 8, pl.ds((i % 8) * L, L)] = zero16
        dtail_v[i // 8, pl.ds((i % 8) * L, L)] = zero16
        return c
    lax.fori_loop(0, B * 8, _zb, 0)

    for k in range(RPT // B):
        pltpu.sync_copy(msg_v, acc_sh.at[pl.ds(sid * RPT + k * B, B)])
    rem = RPT - (RPT // B) * B
    if rem:
        pltpu.sync_copy(msg_v.at[pl.ds(0, rem)],
                        acc_sh.at[pl.ds(sid * RPT + (RPT // B) * B, rem)])
    plsc.subcore_barrier()

    pltpu.sync_copy(m_hbm, m_v)
    mvec = m_v[...]

    def _chunk(c, carry):
        base = wid * epw + c * B
        pltpu.sync_copy(esrc_hbm.at[pl.ds(base, B)], src_v)
        pltpu.sync_copy(edst_hbm.at[pl.ds(base, B)], dst_v)
        cp_h = pltpu.async_copy(h_hbm.at[src_v], hrow_v, sem_h)

        for j in range(B // L):
            sv = src_v[pl.ds(j * L, L)]
            ridx_v[pl.ds(j * L, L)] = lax.shift_right_logical(sv, 4)
        pltpu.async_copy(pa_hbm.at[ridx_v], pas_v, sem_a).wait()
        for j in range(B // L):
            erow = j * L + lane
            sv = src_v[pl.ds(j * L, L)]
            scol = jnp.bitwise_and(sv, 15) * 8
            for hh in range(H):
                a_s = plsc.load_gather(pas_v, [erow, scol + hh])
                plsc.store_scatter(msg_v, [erow, jnp.full((L,), H + hh, jnp.int32)], a_s)

        for j in range(B // L):
            dv = dst_v[pl.ds(j * L, L)]
            ridx_v[pl.ds(j * L, L)] = lax.shift_right_logical(dv, 4)
        pltpu.async_copy(pa_hbm.at[ridx_v], pas_v, sem_a).wait()
        for j in range(B // L):
            erow = j * L + lane
            dv = dst_v[pl.ds(j * L, L)]
            didx_v[pl.ds(j * L, L)] = N + lax.shift_right_logical(dv, 5)
            dcol = jnp.bitwise_and(dv, 15) * 8
            slotc = jnp.bitwise_and(dv, 31) * H
            for hh in range(H):
                a_d = plsc.load_gather(pas_v, [erow, dcol + (H + hh)])
                a_s = plsc.load_gather(msg_v, [erow, jnp.full((L,), H + hh, jnp.int32)])
                e = a_s + a_d
                e = jnp.where(e > 0, e, 0.2 * e)
                w = jnp.exp(e - mvec)
                plsc.store_scatter(w_v, [erow * H + hh], w)
                plsc.store_scatter(dtail_v, [erow, slotc + hh], w)

        cp_h.wait()

        def _edge(i, carry2):
            ws = [plsc.load_gather(w_v, [jnp.full((L,), i * H + hh, jnp.int32)])
                  for hh in range(H)]
            for hh in range(H):
                for f2 in range(FH // L):
                    col = hh * FH + f2 * L
                    msg_v[i, pl.ds(col, L)] = hrow_v[i, pl.ds(col, L)] * ws[hh]
            return carry2
        lax.fori_loop(0, B, _edge, 0)

        pltpu.sync_copy(msg_v, acc_sh.at[dst_v], add=True)
        pltpu.sync_copy(dtail_v, acc_sh.at[didx_v], add=True)

        for j in range(B // L):
            erow = j * L + lane
            dv = dst_v[pl.ds(j * L, L)]
            slotc = jnp.bitwise_and(dv, 31) * H
            for hh in range(H):
                plsc.store_scatter(dtail_v, [erow, slotc + hh],
                                   jnp.zeros((L,), jnp.float32))
        return carry
    lax.fori_loop(0, nchunk, _chunk, 0)

    plsc.subcore_barrier()
    pltpu.sync_copy(acc_sh.at[pl.ds(sid * RPT, RPT)],
                    acc_out.at[cid, pl.ds(sid * RPT, RPT)])


def _edge_pass(h, alpha, m, edge_index):
    E = edge_index.shape[1]
    mesh = plsc.VectorSubcoreMesh(core_axis_name="c", subcore_axis_name="s")
    kern = pl.kernel(
        functools.partial(_edge_body, E=E),
        out_type=jax.ShapeDtypeStruct((NC, NP, F), jnp.float32),
        mesh=mesh,
        compiler_params=pltpu.CompilerParams(needs_layout_passes=False),
        scratch_types=[
            pltpu.VMEM((B,), jnp.int32),
            pltpu.VMEM((B,), jnp.int32),
            pltpu.VMEM((B,), jnp.int32),
            pltpu.VMEM((B,), jnp.int32),
            pltpu.VMEM((B, F), jnp.float32),
            pltpu.VMEM((B, F), jnp.float32),
            pltpu.VMEM((B, F), jnp.float32),
            pltpu.VMEM((B, F), jnp.float32),
            pltpu.VMEM((B * H,), jnp.float32),
            pltpu.VMEM((L,), jnp.float32),
            pltpu.VMEM_SHARED((NP, F), jnp.float32),
            pltpu.SemaphoreType.DMA,
            pltpu.SemaphoreType.DMA,
        ],
    )
    pa = alpha[:, :8].reshape(N // 16, 128)
    acc = kern(h, pa, m.reshape(-1), edge_index[0], edge_index[1])
    num = acc[:, :N, :]
    den = acc[:, N:N + NPACK, :].reshape(NC, NPACK * 32, 4)[:, :N, :]
    return num, den



def _blockdiag(a):
    return (a[:, :, None] * jnp.eye(H, dtype=a.dtype)[:, None, :]).reshape(H * FH, H)


def kernel(x, edge_index, W1, a_src1, a_dst1, b1, W2, a_src2, a_dst2, b2, Wc, bc):
    acat1 = jnp.concatenate(
        [_blockdiag(a_src1), _blockdiag(a_dst1), jnp.zeros((F, 8), jnp.float32)], axis=1)
    acat2 = jnp.concatenate(
        [_blockdiag(a_src2), _blockdiag(a_dst2), jnp.zeros((F, 8), jnp.float32)], axis=1)
    s_sel = jnp.repeat(jnp.eye(H, dtype=jnp.float32), FH, axis=1)

    h1, alpha1, m1 = pl.pallas_call(
        _dense_in_body,
        out_shape=(
            jax.ShapeDtypeStruct((N, F), jnp.float32),
            jax.ShapeDtypeStruct((N, L), jnp.float32),
            jax.ShapeDtypeStruct((1, L), jnp.float32),
        ),
    )(x, W1, acat1)

    acc1, den1 = _edge_pass(h1, alpha1, m1, edge_index)

    h2, alpha2, m2 = pl.pallas_call(
        _dense_mid_body,
        out_shape=(
            jax.ShapeDtypeStruct((N, F), jnp.float32),
            jax.ShapeDtypeStruct((N, L), jnp.float32),
            jax.ShapeDtypeStruct((1, L), jnp.float32),
        ),
    )(acc1, den1, b1.reshape(1, F), W2, acat2, s_sel)

    acc2, den2 = _edge_pass(h2, alpha2, m2, edge_index)

    out = pl.pallas_call(
        _dense_out_body,
        out_shape=jax.ShapeDtypeStruct((N, bc.shape[0]), jnp.float32),
    )(acc2, den2, b2.reshape(1, F), s_sel, Wc, bc.reshape(1, bc.shape[0]))
    return out

# --- scband reference (transcript-rebuilt; emitter-appended) ---
"""Pipeline reference for scband-node-gat-42107859370482 (READ-ONLY COPY).

The authoritative reference and input builder live on the scoring server;
editing this copy changes nothing except your own understanding.
"""

import jax, jax.numpy as jnp
import numpy as np

N = 10000
E = 320000
F_IN = 128
H = 4
F_H = 32
C = 40


def setup_inputs(seed: int = 0) -> dict:
    key = jax.random.key(seed)
    ks = jax.random.split(key, 12)
    x = jax.random.normal(ks[0], (N, F_IN), jnp.float32)
    edge_index = jax.random.randint(ks[1], (2, E), 0, N, dtype=jnp.int32)
    s = 0.05
    W1 = jax.random.normal(ks[2], (F_IN, H * F_H), jnp.float32) * s
    a_src1 = jax.random.normal(ks[3], (H, F_H), jnp.float32) * s
    a_dst1 = jax.random.normal(ks[4], (H, F_H), jnp.float32) * s
    b1 = jnp.zeros((H * F_H,), jnp.float32)
    W2 = jax.random.normal(ks[5], (H * F_H, H * F_H), jnp.float32) * s
    a_src2 = jax.random.normal(ks[6], (H, F_H), jnp.float32) * s
    a_dst2 = jax.random.normal(ks[7], (H, F_H), jnp.float32) * s
    b2 = jnp.zeros((H * F_H,), jnp.float32)
    Wc = jax.random.normal(ks[8], (H * F_H, C), jnp.float32) * s
    bc = jnp.zeros((C,), jnp.float32)
    return {"x": x, "edge_index": edge_index, "W1": W1, "a_src1": a_src1,
            "a_dst1": a_dst1, "b1": b1, "W2": W2, "a_src2": a_src2,
            "a_dst2": a_dst2, "b2": b2, "Wc": Wc, "bc": bc}


def gat_layer(x, edge_index, W, a_s, a_d, b):
    src = edge_index[0]
    dst = edge_index[1]
    h = (x @ W).reshape(-1, H, F_H)          # [N, H, F_H]
    alpha_s = jnp.sum(h * a_s[None, :, :], axis=-1)  # [N, H]
    alpha_d = jnp.sum(h * a_d[None, :, :], axis=-1)  # [N, H]
    e = alpha_s[src] + alpha_d[dst]                  # [E, H]
    e = jax.nn.leaky_relu(e, negative_slope=0.2)
    # softmax over incoming edges per destination node
    m = jax.ops.segment_max(e, dst, num_segments=N)
    e = jnp.exp(e - m[dst])
    denom = jax.ops.segment_sum(e, dst, num_segments=N)
    alpha = e / (denom[dst] + 1e-16)                 # [E, H]
    msg = alpha[:, :, None] * h[src]                 # [E, H, F_H]
    out = jax.ops.segment_sum(msg, dst, num_segments=N)  # [N, H, F_H]
    return out.reshape(-1, H * F_H) + b


def reference(x, edge_index, W1, a_src1, a_dst1, b1, W2, a_src2, a_dst2, b2, Wc, bc):
    h = gat_layer(x, edge_index, W1, a_src1, a_dst1, b1)
    h = jax.nn.relu(h)
    # dropout is identity at inference (training=False)
    h = gat_layer(h, edge_index, W2, a_src2, a_dst2, b2)
    h = jax.nn.relu(h)
    logits = h @ Wc + bc
    return jax.nn.log_softmax(logits, axis=1)

if __name__ == "__main__":
    import jax
    _d = setup_inputs()
    print(jax.jit(kernel)(*tuple(_d.values())))

</pallas_src>

<mosaic_0001>
#map = affine_map<(d0, d1) -> (0, 0)>
#map1 = affine_map<(d0, d1) -> (0)>
#map2 = affine_map<(d0, d1) -> (0, 0, 0)>
module attributes {stable_mosaic.version = 14 : i64} {
  func.func @_edge_body(%arg0: i32, %arg1: i32, %arg2: memref<10000x128xf32, #tpu.memory_space<hbm>>, %arg3: memref<625x128xf32, #tpu.memory_space<hbm>>, %arg4: memref<16xf32, #tpu.memory_space<hbm>>, %arg5: memref<320000xi32, #tpu.memory_space<hbm>>, %arg6: memref<320000xi32, #tpu.memory_space<hbm>>, %arg7: memref<2x10368x128xf32, #tpu.memory_space<hbm>>, %arg8: memref<80xi32, #tpu.memory_space<vmem>>, %arg9: memref<80xi32, #tpu.memory_space<vmem>>, %arg10: memref<80xi32, #tpu.memory_space<vmem>>, %arg11: memref<80xi32, #tpu.memory_space<vmem>>, %arg12: memref<80x128xf32, #tpu.memory_space<vmem>>, %arg13: memref<80x128xf32, #tpu.memory_space<vmem>>, %arg14: memref<80x128xf32, #tpu.memory_space<vmem>>, %arg15: memref<80x128xf32, #tpu.memory_space<vmem>>, %arg16: memref<320xf32, #tpu.memory_space<vmem>>, %arg17: memref<16xf32, #tpu.memory_space<vmem>>, %arg18: memref<10368x128xf32, #tpu.memory_space<vmem_shared>>, %arg19: memref<!tpu.dma_semaphore, #tpu.memory_space<semaphore_mem>>, %arg20: memref<!tpu.dma_semaphore, #tpu.memory_space<semaphore_mem>>) attributes {dimension_semantics = [#tpu.dimension_semantics<core_parallel>, #tpu.dimension_semantics<subcore_parallel>], iteration_bounds = array<i64: 2, 16>, scalar_prefetch = 0 : i64, scratch_operands = 13 : i64, tpu.core_type = #tpu.core_type<sc_vector_subcore>, window_params = [{transform_indices = #map}, {transform_indices = #map}, {transform_indices = #map1}, {transform_indices = #map1}, {transform_indices = #map1}, {transform_indices = #map2}]} {
    %mul3A = arith.constant 16 : i32
    %mul3A_0 = arith.muli %arg0, %mul3A : i32
    %add3A = arith.addi %mul3A_0, %arg1 : i32
    %iota3A = tpu.iota {dimensions = array<i32: 0>} : vector<16xi32>
    %broadcast_in_dim3A = arith.constant 0.000000e+00 : f32
    %broadcast_in_dim3A_1 = vector.broadcast %broadcast_in_dim3A : f32 to vector<16xf32>
    %scan3A = arith.constant 0 : i32
    %scan3A_2 = arith.constant 0 : i32
    %scan3A_3 = arith.constant 640 : i32
    %scan3A_4 = arith.addi %scan3A_2, %scan3A_3 : i32
    %scan3A_5 = arith.constant 1 : i32
    scf.for %scan3A_55 = %scan3A_2 to %scan3A_4 step %scan3A_5  : i32 {
      %jit3A = arith.constant 8 : i32
      %div3A = arith.divsi %scan3A_55, %jit3A : i32
      %sign3A = arith.constant 0 : i32
      %sign3A_56 = arith.cmpi sgt, %scan3A_55, %sign3A : i32
      %sign3A_57 = arith.extui %sign3A_56 : i1 to i32
      %sign3A_58 = arith.constant 0 : i32
      %sign3A_59 = arith.cmpi slt, %scan3A_55, %sign3A_58 : i32
      %sign3A_60 = arith.extui %sign3A_59 : i1 to i32
      %sign3A_61 = arith.subi %sign3A_57, %sign3A_60 : i32
      %sign3A_62 = arith.constant 0 : i32
      %sign3A_63 = arith.cmpi sgt, %jit3A, %sign3A_62 : i32
      %sign3A_64 = arith.extui %sign3A_63 : i1 to i32
      %sign3A_65 = arith.constant 0 : i32
      %sign3A_66 = arith.cmpi slt, %jit3A, %sign3A_65 : i32
      %sign3A_67 = arith.extui %sign3A_66 : i1 to i32
      %sign3A_68 = arith.subi %sign3A_64, %sign3A_67 : i32
      %ne3A = arith.cmpi ne, %sign3A_61, %sign3A_68 : i32
      %rem3A = arith.remsi %scan3A_55, %jit3A : i32
      %ne3A_69 = arith.constant 0 : i32
      %ne3A_70 = arith.cmpi ne, %rem3A, %ne3A_69 : i32
      %and3A = arith.andi %ne3A, %ne3A_70 : i1
      %sub3A = arith.constant 1 : i32
      %sub3A_71 = arith.subi %div3A, %sub3A : i32
      %select_n3A = arith.select %and3A, %sub3A_71, %div3A : i32
      %jit3A_72 = arith.constant 8 : i32
      %eq3A = arith.constant 0 : i32
      %eq3A_73 = arith.cmpi eq, %jit3A_72, %eq3A : i32
      %jit3A_74 = arith.constant 1 : i32
      %select_n3A_75 = arith.select %eq3A_73, %jit3A_74, %jit3A_72 : i32
      %rem3A_76 = arith.remsi %scan3A_55, %select_n3A_75 : i32
      %ne3A_77 = arith.constant 0 : i32
      %ne3A_78 = arith.cmpi ne, %rem3A_76, %ne3A_77 : i32
      %lt3A = arith.constant 0 : i32
      %lt3A_79 = arith.cmpi slt, %rem3A_76, %lt3A : i32
      %lt3A_80 = arith.constant 0 : i32
      %lt3A_81 = arith.cmpi slt, %select_n3A_75, %lt3A_80 : i32
      %ne3A_82 = arith.xori %lt3A_79, %lt3A_81 : i1
      %and3A_83 = arith.andi %ne3A_82, %ne3A_78 : i1
      %add3A_84 = arith.addi %rem3A_76, %select_n3A_75 : i32
      %select_n3A_85 = arith.select %and3A_83, %add3A_84, %rem3A_76 : i32
      %mul3A_86 = arith.constant 16 : i32
      %mul3A_87 = arith.muli %select_n3A_85, %mul3A_86 : i32
      %swap3A = arith.index_cast %select_n3A : i32 to index
      %swap3A_88 = arith.index_cast %mul3A_87 : i32 to index
      %swap3A_89 = tpu.vector_load %arg14[%swap3A, %swap3A_88] {strides = array<i32>} : memref<80x128xf32, #tpu.memory_space<vmem>>, vector<16xf32>,
      tpu.vector_store %arg14[%swap3A, %swap3A_88], %broadcast_in_dim3A_1 {strides = array<i32>} : memref<80x128xf32, #tpu.memory_space<vmem>>, vector<16xf32>,
      %jit3A_90 = arith.constant 8 : i32
      %div3A_91 = arith.divsi %scan3A_55, %jit3A_90 : i32
      %sign3A_92 = arith.constant 0 : i32
      %sign3A_93 = arith.cmpi sgt, %scan3A_55, %sign3A_92 : i32
      %sign3A_94 = arith.extui %sign3A_93 : i1 to i32
      %sign3A_95 = arith.constant 0 : i32
      %sign3A_96 = arith.cmpi slt, %scan3A_55, %sign3A_95 : i32
      %sign3A_97 = arith.extui %sign3A_96 : i1 to i32
      %sign3A_98 = arith.subi %sign3A_94, %sign3A_97 : i32
      %sign3A_99 = arith.constant 0 : i32
      %sign3A_100 = arith.cmpi sgt, %jit3A_90, %sign3A_99 : i32
      %sign3A_101 = arith.extui %sign3A_100 : i1 to i32
      %sign3A_102 = arith.constant 0 : i32
      %sign3A_103 = arith.cmpi slt, %jit3A_90, %sign3A_102 : i32
      %sign3A_104 = arith.extui %sign3A_103 : i1 to i32
      %sign3A_105 = arith.subi %sign3A_101, %sign3A_104 : i32
      %ne3A_106 = arith.cmpi ne, %sign3A_98, %sign3A_105 : i32
      %rem3A_107 = arith.remsi %scan3A_55, %jit3A_90 : i32
      %ne3A_108 = arith.constant 0 : i32
      %ne3A_109 = arith.cmpi ne, %rem3A_107, %ne3A_108 : i32
      %and3A_110 = arith.andi %ne3A_106, %ne3A_109 : i1
      %sub3A_111 = arith.constant 1 : i32
      %sub3A_112 = arith.subi %div3A_91, %sub3A_111 : i32
      %select_n3A_113 = arith.select %and3A_110, %sub3A_112, %div3A_91 : i32
      %jit3A_114 = arith.constant 8 : i32
      %eq3A_115 = arith.constant 0 : i32
      %eq3A_116 = arith.cmpi eq, %jit3A_114, %eq3A_115 : i32
      %jit3A_117 = arith.constant 1 : i32
      %select_n3A_118 = arith.select %eq3A_116, %jit3A_117, %jit3A_114 : i32
      %rem3A_119 = arith.remsi %scan3A_55, %select_n3A_118 : i32
      %ne3A_120 = arith.constant 0 : i32
      %ne3A_121 = arith.cmpi ne, %rem3A_119, %ne3A_120 : i32
      %lt3A_122 = arith.constant 0 : i32
      %lt3A_123 = arith.cmpi slt, %rem3A_119, %lt3A_122 : i32
      %lt3A_124 = arith.constant 0 : i32
      %lt3A_125 = arith.cmpi slt, %select_n3A_118, %lt3A_124 : i32
      %ne3A_126 = arith.xori %lt3A_123, %lt3A_125 : i1
      %and3A_127 = arith.andi %ne3A_126, %ne3A_121 : i1
      %add3A_128 = arith.addi %rem3A_119, %select_n3A_118 : i32
      %select_n3A_129 = arith.select %and3A_127, %add3A_128, %rem3A_119 : i32
      %mul3A_130 = arith.constant 16 : i32
      %mul3A_131 = arith.muli %select_n3A_129, %mul3A_130 : i32
      %swap3A_132 = arith.index_cast %select_n3A_113 : i32 to index
      %swap3A_133 = arith.index_cast %mul3A_131 : i32 to index
      %swap3A_134 = tpu.vector_load %arg15[%swap3A_132, %swap3A_133] {strides = array<i32>} : memref<80x128xf32, #tpu.memory_space<vmem>>, vector<16xf32>,
      tpu.vector_store %arg15[%swap3A_132, %swap3A_133], %broadcast_in_dim3A_1 {strides = array<i32>} : memref<80x128xf32, #tpu.memory_space<vmem>>, vector<16xf32>,
    }
    %scan3A_6 = arith.constant 640 : i32
    %mul3A_7 = arith.constant 648 : i32
    %mul3A_8 = arith.muli %arg1, %mul3A_7 : i32
    %add3A_9 = arith.constant 0 : i32
    %add3A_10 = arith.addi %mul3A_8, %add3A_9 : i32
    "tpu.region"() ({
      %run_scoped3A = tpu.sem_alloc : memref<!tpu.dma_semaphore, #tpu.memory_space<semaphore_mem>>
      %dma_start3A = arith.constant 0 : i32
      %dma_start3A_55 = tpu.memref_slice %arg18[%add3A_10, %dma_start3A] : memref<10368x128xf32, #tpu.memory_space<vmem_shared>> -> memref<80x128xf32, #tpu.memory_space<vmem_shared>>
      %dma_start3A_56 = arith.constant 0 : i32
      %dma_start3A_57 = tpu.memref_slice %arg18[%add3A_10, %dma_start3A_56] : memref<10368x128xf32, #tpu.memory_space<vmem_shared>> -> memref<80x128xf32, #tpu.memory_space<vmem_shared>>
      tpu.enqueue_dma source(%arg14 : memref<80x128xf32, #tpu.memory_space<vmem>>) target(%dma_start3A_57 : memref<80x128xf32, #tpu.memory_space<vmem_shared>>) target_semaphore(%run_scoped3A : memref<!tpu.dma_semaphore, #tpu.memory_space<semaphore_mem>>)
      %dma_wait3A = arith.constant 0 : i32
      %dma_wait3A_58 = tpu.memref_slice %arg18[%add3A_10, %dma_wait3A] : memref<10368x128xf32, #tpu.memory_space<vmem_shared>> -> memref<80x128xf32, #tpu.memory_space<vmem_shared>>
      %dma_wait3A_59 = arith.constant 0 : i32
      %dma_wait3A_60 = tpu.memref_slice %arg18[%add3A_10, %dma_wait3A_59] : memref<10368x128xf32, #tpu.memory_space<vmem_shared>> -> memref<80x128xf32, #tpu.memory_space<vmem_shared>>
      tpu.wait_dma2 semaphore(%run_scoped3A : memref<!tpu.dma_semaphore, #tpu.memory_space<semaphore_mem>>) src(%arg14 : memref<80x128xf32, #tpu.memory_space<vmem>>) dst(%dma_wait3A_60 : memref<80x128xf32, #tpu.memory_space<vmem_shared>>)
      tpu.yield
    }) : () -> ()
    %mul3A_11 = arith.constant 648 : i32
    %mul3A_12 = arith.muli %arg1, %mul3A_11 : i32
    %add3A_13 = arith.constant 80 : i32
    %add3A_14 = arith.addi %mul3A_12, %add3A_13 : i32
    "tpu.region"() ({
      %run_scoped3A = tpu.sem_alloc : memref<!tpu.dma_semaphore, #tpu.memory_space<semaphore_mem>>
      %dma_start3A = arith.constant 0 : i32
      %dma_start3A_55 = tpu.memref_slice %arg18[%add3A_14, %dma_start3A] : memref<10368x128xf32, #tpu.memory_space<vmem_shared>> -> memref<80x128xf32, #tpu.memory_space<vmem_shared>>
      %dma_start3A_56 = arith.constant 0 : i32
      %dma_start3A_57 = tpu.memref_slice %arg18[%add3A_14, %dma_start3A_56] : memref<10368x128xf32, #tpu.memory_space<vmem_shared>> -> memref<80x128xf32, #tpu.memory_space<vmem_shared>>
      tpu.enqueue_dma source(%arg14 : memref<80x128xf32, #tpu.memory_space<vmem>>) target(%dma_start3A_57 : memref<80x128xf32, #tpu.memory_space<vmem_shared>>) target_semaphore(%run_scoped3A : memref<!tpu.dma_semaphore, #tpu.memory_space<semaphore_mem>>)
      %dma_wait3A = arith.constant 0 : i32
      %dma_wait3A_58 = tpu.memref_slice %arg18[%add3A_14, %dma_wait3A] : memref<10368x128xf32, #tpu.memory_space<vmem_shared>> -> memref<80x128xf32, #tpu.memory_space<vmem_shared>>
      %dma_wait3A_59 = arith.constant 0 : i32
      %dma_wait3A_60 = tpu.memref_slice %arg18[%add3A_14, %dma_wait3A_59] : memref<10368x128xf32, #tpu.memory_space<vmem_shared>> -> memref<80x128xf32, #tpu.memory_space<vmem_shared>>
      tpu.wait_dma2 semaphore(%run_scoped3A : memref<!tpu.dma_semaphore, #tpu.memory_space<semaphore_mem>>) src(%arg14 : memref<80x128xf32, #tpu.memory_space<vmem>>) dst(%dma_wait3A_60 : memref<80x128xf32, #tpu.memory_space<vmem_shared>>)
      tpu.yield
    }) : () -> ()
    %mul3A_15 = arith.constant 648 : i32
    %mul3A_16 = arith.muli %arg1, %mul3A_15 : i32
    %add3A_17 = arith.constant 160 : i32
    %add3A_18 = arith.addi %mul3A_16, %add3A_17 : i32
    "tpu.region"() ({
      %run_scoped3A = tpu.sem_alloc : memref<!tpu.dma_semaphore, #tpu.memory_space<semaphore_mem>>
      %dma_start3A = arith.constant 0 : i32
      %dma_start3A_55 = tpu.memref_slice %arg18[%add3A_18, %dma_start3A] : memref<10368x128xf32, #tpu.memory_space<vmem_shared>> -> memref<80x128xf32, #tpu.memory_space<vmem_shared>>
      %dma_start3A_56 = arith.constant 0 : i32
      %dma_start3A_57 = tpu.memref_slice %arg18[%add3A_18, %dma_start3A_56] : memref<10368x128xf32, #tpu.memory_space<vmem_shared>> -> memref<80x128xf32, #tpu.memory_space<vmem_shared>>
      tpu.enqueue_dma source(%arg14 : memref<80x128xf32, #tpu.memory_space<vmem>>) target(%dma_start3A_57 : memref<80x128xf32, #tpu.memory_space<vmem_shared>>) target_semaphore(%run_scoped3A : memref<!tpu.dma_semaphore, #tpu.memory_space<semaphore_mem>>)
      %dma_wait3A = arith.constant 0 : i32
      %dma_wait3A_58 = tpu.memref_slice %arg18[%add3A_18, %dma_wait3A] : memref<10368x128xf32, #tpu.memory_space<vmem_shared>> -> memref<80x128xf32, #tpu.memory_space<vmem_shared>>
      %dma_wait3A_59 = arith.constant 0 : i32
      %dma_wait3A_60 = tpu.memref_slice %arg18[%add3A_18, %dma_wait3A_59] : memref<10368x128xf32, #tpu.memory_space<vmem_shared>> -> memref<80x128xf32, #tpu.memory_space<vmem_shared>>
      tpu.wait_dma2 semaphore(%run_scoped3A : memref<!tpu.dma_semaphore, #tpu.memory_space<semaphore_mem>>) src(%arg14 : memref<80x128xf32, #tpu.memory_space<vmem>>) dst(%dma_wait3A_60 : memref<80x128xf32, #tpu.memory_space<vmem_shared>>)
      tpu.yield
    }) : () -> ()
    %mul3A_19 = arith.constant 648 : i32
    %mul3A_20 = arith.muli %arg1, %mul3A_19 : i32
    %add3A_21 = arith.constant 240 : i32
    %add3A_22 = arith.addi %mul3A_20, %add3A_21 : i32
    "tpu.region"() ({
      %run_scoped3A = tpu.sem_alloc : memref<!tpu.dma_semaphore, #tpu.memory_space<semaphore_mem>>
      %dma_start3A = arith.constant 0 : i32
      %dma_start3A_55 = tpu.memref_slice %arg18[%add3A_22, %dma_start3A] : memref<10368x128xf32, #tpu.memory_space<vmem_shared>> -> memref<80x128xf32, #tpu.memory_space<vmem_shared>>
      %dma_start3A_56 = arith.constant 0 : i32
      %dma_start3A_57 = tpu.memref_slice %arg18[%add3A_22, %dma_start3A_56] : memref<10368x128xf32, #tpu.memory_space<vmem_shared>> -> memref<80x128xf32, #tpu.memory_space<vmem_shared>>
      tpu.enqueue_dma source(%arg14 : memref<80x128xf32, #tpu.memory_space<vmem>>) target(%dma_start3A_57 : memref<80x128xf32, #tpu.memory_space<vmem_shared>>) target_semaphore(%run_scoped3A : memref<!tpu.dma_semaphore, #tpu.memory_space<semaphore_mem>>)
      %dma_wait3A = arith.constant 0 : i32
      %dma_wait3A_58 = tpu.memref_slice %arg18[%add3A_22, %dma_wait3A] : memref<10368x128xf32, #tpu.memory_space<vmem_shared>> -> memref<80x128xf32, #tpu.memory_space<vmem_shared>>
      %dma_wait3A_59 = arith.constant 0 : i32
      %dma_wait3A_60 = tpu.memref_slice %arg18[%add3A_22, %dma_wait3A_59] : memref<10368x128xf32, #tpu.memory_space<vmem_shared>> -> memref<80x128xf32, #tpu.memory_space<vmem_shared>>
      tpu.wait_dma2 semaphore(%run_scoped3A : memref<!tpu.dma_semaphore, #tpu.memory_space<semaphore_mem>>) src(%arg14 : memref<80x128xf32, #tpu.memory_space<vmem>>) dst(%dma_wait3A_60 : memref<80x128xf32, #tpu.memory_space<vmem_shared>>)
      tpu.yield
    }) : () -> ()
    %mul3A_23 = arith.constant 648 : i32
    %mul3A_24 = arith.muli %arg1, %mul3A_23 : i32
    %add3A_25 = arith.constant 320 : i32
    %add3A_26 = arith.addi %mul3A_24, %add3A_25 : i32
    "tpu.region"() ({
      %run_scoped3A = tpu.sem_alloc : memref<!tpu.dma_semaphore, #tpu.memory_space<semaphore_mem>>
      %dma_start3A = arith.constant 0 : i32
      %dma_start3A_55 = tpu.memref_slice %arg18[%add3A_26, %dma_start3A] : memref<10368x128xf32, #tpu.memory_space<vmem_shared>> -> memref<80x128xf32, #tpu.memory_space<vmem_shared>>
      %dma_start3A_56 = arith.constant 0 : i32
      %dma_start3A_57 = tpu.memref_slice %arg18[%add3A_26, %dma_start3A_56] : memref<10368x128xf32, #tpu.memory_space<vmem_shared>> -> memref<80x128xf32, #tpu.memory_space<vmem_shared>>
      tpu.enqueue_dma source(%arg14 : memref<80x128xf32, #tpu.memory_space<vmem>>) target(%dma_start3A_57 : memref<80x128xf32, #tpu.memory_space<vmem_shared>>) target_semaphore(%run_scoped3A : memref<!tpu.dma_semaphore, #tpu.memory_space<semaphore_mem>>)
      %dma_wait3A = arith.constant 0 : i32
      %dma_wait3A_58 = tpu.memref_slice %arg18[%add3A_26, %dma_wait3A] : memref<10368x128xf32, #tpu.memory_space<vmem_shared>> -> memref<80x128xf32, #tpu.memory_space<vmem_shared>>
      %dma_wait3A_59 = arith.constant 0 : i32
      %dma_wait3A_60 = tpu.memref_slice %arg18[%add3A_26, %dma_wait3A_59] : memref<10368x128xf32, #tpu.memory_space<vmem_shared>> -> memref<80x128xf32, #tpu.memory_space<vmem_shared>>
      tpu.wait_dma2 semaphore(%run_scoped3A : memref<!tpu.dma_semaphore, #tpu.memory_space<semaphore_mem>>) src(%arg14 : memref<80x128xf32, #tpu.memory_space<vmem>>) dst(%dma_wait3A_60 : memref<80x128xf32, #tpu.memory_space<vmem_shared>>)
      tpu.yield
    }) : () -> ()
    %mul3A_27 = arith.constant 648 : i32
    %mul3A_28 = arith.muli %arg1, %mul3A_27 : i32
    %add3A_29 = arith.constant 400 : i32
    %add3A_30 = arith.addi %mul3A_28, %add3A_29 : i32
    "tpu.region"() ({
      %run_scoped3A = tpu.sem_alloc : memref<!tpu.dma_semaphore, #tpu.memory_space<semaphore_mem>>
      %dma_start3A = arith.constant 0 : i32
      %dma_start3A_55 = tpu.memref_slice %arg18[%add3A_30, %dma_start3A] : memref<10368x128xf32, #tpu.memory_space<vmem_shared>> -> memref<80x128xf32, #tpu.memory_space<vmem_shared>>
      %dma_start3A_56 = arith.constant 0 : i32
      %dma_start3A_57 = tpu.memref_slice %arg18[%add3A_30, %dma_start3A_56] : memref<10368x128xf32, #tpu.memory_space<vmem_shared>> -> memref<80x128xf32, #tpu.memory_space<vmem_shared>>
      tpu.enqueue_dma source(%arg14 : memref<80x128xf32, #tpu.memory_space<vmem>>) target(%dma_start3A_57 : memref<80x128xf32, #tpu.memory_space<vmem_shared>>) target_semaphore(%run_scoped3A : memref<!tpu.dma_semaphore, #tpu.memory_space<semaphore_mem>>)
      %dma_wait3A = arith.constant 0 : i32
      %dma_wait3A_58 = tpu.memref_slice %arg18[%add3A_30, %dma_wait3A] : memref<10368x128xf32, #tpu.memory_space<vmem_shared>> -> memref<80x128xf32, #tpu.memory_space<vmem_shared>>
      %dma_wait3A_59 = arith.constant 0 : i32
      %dma_wait3A_60 = tpu.memref_slice %arg18[%add3A_30, %dma_wait3A_59] : memref<10368x128xf32, #tpu.memory_space<vmem_shared>> -> memref<80x128xf32, #tpu.memory_space<vmem_shared>>
      tpu.wait_dma2 semaphore(%run_scoped3A : memref<!tpu.dma_semaphore, #tpu.memory_space<semaphore_mem>>) src(%arg14 : memref<80x128xf32, #tpu.memory_space<vmem>>) dst(%dma_wait3A_60 : memref<80x128xf32, #tpu.memory_space<vmem_shared>>)
      tpu.yield
    }) : () -> ()
    %mul3A_31 = arith.constant 648 : i32
    %mul3A_32 = arith.muli %arg1, %mul3A_31 : i32
    %add3A_33 = arith.constant 480 : i32
    %add3A_34 = arith.addi %mul3A_32, %add3A_33 : i32
    "tpu.region"() ({
      %run_scoped3A = tpu.sem_alloc : memref<!tpu.dma_semaphore, #tpu.memory_space<semaphore_mem>>
      %dma_start3A = arith.constant 0 : i32
      %dma_start3A_55 = tpu.memref_slice %arg18[%add3A_34, %dma_start3A] : memref<10368x128xf32, #tpu.memory_space<vmem_shared>> -> memref<80x128xf32, #tpu.memory_space<vmem_shared>>
      %dma_start3A_56 = arith.constant 0 : i32
      %dma_start3A_57 = tpu.memref_slice %arg18[%add3A_34, %dma_start3A_56] : memref<10368x128xf32, #tpu.memory_space<vmem_shared>> -> memref<80x128xf32, #tpu.memory_space<vmem_shared>>
      tpu.enqueue_dma source(%arg14 : memref<80x128xf32, #tpu.memory_space<vmem>>) target(%dma_start3A_57 : memref<80x128xf32, #tpu.memory_space<vmem_shared>>) target_semaphore(%run_scoped3A : memref<!tpu.dma_semaphore, #tpu.memory_space<semaphore_mem>>)
      %dma_wait3A = arith.constant 0 : i32
      %dma_wait3A_58 = tpu.memref_slice %arg18[%add3A_34, %dma_wait3A] : memref<10368x128xf32, #tpu.memory_space<vmem_shared>> -> memref<80x128xf32, #tpu.memory_space<vmem_shared>>
      %dma_wait3A_59 = arith.constant 0 : i32
      %dma_wait3A_60 = tpu.memref_slice %arg18[%add3A_34, %dma_wait3A_59] : memref<10368x128xf32, #tpu.memory_space<vmem_shared>> -> memref<80x128xf32, #tpu.memory_space<vmem_shared>>
      tpu.wait_dma2 semaphore(%run_scoped3A : memref<!tpu.dma_semaphore, #tpu.memory_space<semaphore_mem>>) src(%arg14 : memref<80x128xf32, #tpu.memory_space<vmem>>) dst(%dma_wait3A_60 : memref<80x128xf32, #tpu.memory_space<vmem_shared>>)
      tpu.yield
    }) : () -> ()
    %mul3A_35 = arith.constant 648 : i32
    %mul3A_36 = arith.muli %arg1, %mul3A_35 : i32
    %add3A_37 = arith.constant 560 : i32
    %add3A_38 = arith.addi %mul3A_36, %add3A_37 : i32
    "tpu.region"() ({
      %run_scoped3A = tpu.sem_alloc : memref<!tpu.dma_semaphore, #tpu.memory_space<semaphore_mem>>
      %dma_start3A = arith.constant 0 : i32
      %dma_start3A_55 = tpu.memref_slice %arg18[%add3A_38, %dma_start3A] : memref<10368x128xf32, #tpu.memory_space<vmem_shared>> -> memref<80x128xf32, #tpu.memory_space<vmem_shared>>
      %dma_start3A_56 = arith.constant 0 : i32
      %dma_start3A_57 = tpu.memref_slice %arg18[%add3A_38, %dma_start3A_56] : memref<10368x128xf32, #tpu.memory_space<vmem_shared>> -> memref<80x128xf32, #tpu.memory_space<vmem_shared>>
      tpu.enqueue_dma source(%arg14 : memref<80x128xf32, #tpu.memory_space<vmem>>) target(%dma_start3A_57 : memref<80x128xf32, #tpu.memory_space<vmem_shared>>) target_semaphore(%run_scoped3A : memref<!tpu.dma_semaphore, #tpu.memory_space<semaphore_mem>>)
      %dma_wait3A = arith.constant 0 : i32
      %dma_wait3A_58 = tpu.memref_slice %arg18[%add3A_38, %dma_wait3A] : memref<10368x128xf32, #tpu.memory_space<vmem_shared>> -> memref<80x128xf32, #tpu.memory_space<vmem_shared>>
      %dma_wait3A_59 = arith.constant 0 : i32
      %dma_wait3A_60 = tpu.memref_slice %arg18[%add3A_38, %dma_wait3A_59] : memref<10368x128xf32, #tpu.memory_space<vmem_shared>> -> memref<80x128xf32, #tpu.memory_space<vmem_shared>>
      tpu.wait_dma2 semaphore(%run_scoped3A : memref<!tpu.dma_semaphore, #tpu.memory_space<semaphore_mem>>) src(%arg14 : memref<80x128xf32, #tpu.memory_space<vmem>>) dst(%dma_wait3A_60 : memref<80x128xf32, #tpu.memory_space<vmem_shared>>)
      tpu.yield
    }) : () -> ()
    %mul3A_39 = arith.constant 648 : i32
    %mul3A_40 = arith.muli %arg1, %mul3A_39 : i32
    %add3A_41 = arith.constant 640 : i32
    %add3A_42 = arith.addi %mul3A_40, %add3A_41 : i32
    "tpu.region"() ({
      %run_scoped3A = tpu.sem_alloc : memref<!tpu.dma_semaphore, #tpu.memory_space<semaphore_mem>>
      %dma_start3A = arith.constant 0 : i32
      %dma_start3A_55 = arith.constant 0 : i32
      %dma_start3A_56 = tpu.memref_slice %arg14[%dma_start3A, %dma_start3A_55] : memref<80x128xf32, #tpu.memory_space<vmem>> -> memref<8x128xf32, #tpu.memory_space<vmem>>
      %dma_start3A_57 = arith.constant 0 : i32
      %dma_start3A_58 = tpu.memref_slice %arg18[%add3A_42, %dma_start3A_57] : memref<10368x128xf32, #tpu.memory_space<vmem_shared>> -> memref<8x128xf32, #tpu.memory_space<vmem_shared>>
      %dma_start3A_59 = arith.constant 0 : i32
      %dma_start3A_60 = tpu.memref_slice %arg18[%add3A_42, %dma_start3A_59] : memref<10368x128xf32, #tpu.memory_space<vmem_shared>> -> memref<8x128xf32, #tpu.memory_space<vmem_shared>>
      %dma_start3A_61 = arith.constant 0 : i32
      %dma_start3A_62 = arith.constant 0 : i32
      %dma_start3A_63 = tpu.memref_slice %arg14[%dma_start3A_61, %dma_start3A_62] : memref<80x128xf32, #tpu.memory_space<vmem>> -> memref<8x128xf32, #tpu.memory_space<vmem>>
      tpu.enqueue_dma source(%dma_start3A_63 : memref<8x128xf32, #tpu.memory_space<vmem>>) target(%dma_start3A_60 : memref<8x128xf32, #tpu.memory_space<vmem_shared>>) target_semaphore(%run_scoped3A : memref<!tpu.dma_semaphore, #tpu.memory_space<semaphore_mem>>)
      %dma_wait3A = arith.constant 0 : i32
      %dma_wait3A_64 = arith.constant 0 : i32
      %dma_wait3A_65 = tpu.memref_slice %arg14[%dma_wait3A, %dma_wait3A_64] : memref<80x128xf32, #tpu.memory_space<vmem>> -> memref<8x128xf32, #tpu.memory_space<vmem>>
      %dma_wait3A_66 = arith.constant 0 : i32
      %dma_wait3A_67 = tpu.memref_slice %arg18[%add3A_42, %dma_wait3A_66] : memref<10368x128xf32, #tpu.memory_space<vmem_shared>> -> memref<8x128xf32, #tpu.memory_space<vmem_shared>>
      %dma_wait3A_68 = arith.constant 0 : i32
      %dma_wait3A_69 = tpu.memref_slice %arg18[%add3A_42, %dma_wait3A_68] : memref<10368x128xf32, #tpu.memory_space<vmem_shared>> -> memref<8x128xf32, #tpu.memory_space<vmem_shared>>
      %dma_wait3A_70 = arith.constant 0 : i32
      %dma_wait3A_71 = arith.constant 0 : i32
      %dma_wait3A_72 = tpu.memref_slice %arg14[%dma_wait3A_70, %dma_wait3A_71] : memref<80x128xf32, #tpu.memory_space<vmem>> -> memref<8x128xf32, #tpu.memory_space<vmem>>
      tpu.wait_dma2 semaphore(%run_scoped3A : memref<!tpu.dma_semaphore, #tpu.memory_space<semaphore_mem>>) src(%dma_wait3A_72 : memref<8x128xf32, #tpu.memory_space<vmem>>) dst(%dma_wait3A_69 : memref<8x128xf32, #tpu.memory_space<vmem_shared>>)
      tpu.yield
    }) : () -> ()
    %barrier3A = arith.constant 0 : index
    tpu.barrier barrier_id(%barrier3A)
    "tpu.region"() ({
      %run_scoped3A = tpu.sem_alloc : memref<!tpu.dma_semaphore, #tpu.memory_space<semaphore_mem>>
      tpu.enqueue_dma source(%arg4 : memref<16xf32, #tpu.memory_space<hbm>>) target(%arg17 : memref<16xf32, #tpu.memory_space<vmem>>) target_semaphore(%run_scoped3A : memref<!tpu.dma_semaphore, #tpu.memory_space<semaphore_mem>>)
      tpu.wait_dma2 semaphore(%run_scoped3A : memref<!tpu.dma_semaphore, #tpu.memory_space<semaphore_mem>>) src(%arg4 : memref<16xf32, #tpu.memory_space<hbm>>) dst(%arg17 : memref<16xf32, #tpu.memory_space<vmem>>)
      tpu.yield
    }) : () -> ()
    %get3A = arith.constant 0 : index
    %get3A_43 = tpu.vector_load %arg17[%get3A] {strides = array<i32>} : memref<16xf32, #tpu.memory_space<vmem>>, vector<16xf32>,
    %scan3A_44 = arith.constant 0 : i32
    %scan3A_45 = arith.constant 0 : i32
    %scan3A_46 = arith.constant 125 : i32
    %scan3A_47 = arith.addi %scan3A_45, %scan3A_46 : i32
    %scan3A_48 = arith.constant 1 : i32
    scf.for %scan3A_55 = %scan3A_45 to %scan3A_47 step %scan3A_48  : i32 {
      %mul3A_56 = arith.constant 10000 : i32
      %mul3A_57 = arith.muli %add3A, %mul3A_56 : i32
      %mul3A_58 = arith.constant 80 : i32
      %mul3A_59 = arith.muli %scan3A_55, %mul3A_58 : i32
      %add3A_60 = arith.addi %mul3A_57, %mul3A_59 : i32
      "tpu.region"() ({
        %run_scoped3A = tpu.sem_alloc : memref<!tpu.dma_semaphore, #tpu.memory_space<semaphore_mem>>
        %dma_start3A_1120 = tpu.memref_slice %arg5[%add3A_60] : memref<320000xi32, #tpu.memory_space<hbm>> -> memref<80xi32, #tpu.memory_space<hbm>>
        %dma_start3A_1121 = tpu.memref_slice %arg5[%add3A_60] : memref<320000xi32, #tpu.memory_space<hbm>> -> memref<80xi32, #tpu.memory_space<hbm>>
        tpu.enqueue_dma source(%dma_start3A_1121 : memref<80xi32, #tpu.memory_space<hbm>>) target(%arg8 : memref<80xi32, #tpu.memory_space<vmem>>) target_semaphore(%run_scoped3A : memref<!tpu.dma_semaphore, #tpu.memory_space<semaphore_mem>>)
        %dma_wait3A_1122 = tpu.memref_slice %arg5[%add3A_60] : memref<320000xi32, #tpu.memory_space<hbm>> -> memref<80xi32, #tpu.memory_space<hbm>>
        %dma_wait3A_1123 = tpu.memref_slice %arg5[%add3A_60] : memref<320000xi32, #tpu.memory_space<hbm>> -> memref<80xi32, #tpu.memory_space<hbm>>
        tpu.wait_dma2 semaphore(%run_scoped3A : memref<!tpu.dma_semaphore, #tpu.memory_space<semaphore_mem>>) src(%dma_wait3A_1123 : memref<80xi32, #tpu.memory_space<hbm>>) dst(%arg8 : memref<80xi32, #tpu.memory_space<vmem>>)
        tpu.yield
      }) : () -> ()
      "tpu.region"() ({
        %run_scoped3A = tpu.sem_alloc : memref<!tpu.dma_semaphore, #tpu.memory_space<semaphore_mem>>
        %dma_start3A_1120 = tpu.memref_slice %arg6[%add3A_60] : memref<320000xi32, #tpu.memory_space<hbm>> -> memref<80xi32, #tpu.memory_space<hbm>>
        %dma_start3A_1121 = tpu.memref_slice %arg6[%add3A_60] : memref<320000xi32, #tpu.memory_space<hbm>> -> memref<80xi32, #tpu.memory_space<hbm>>
        tpu.enqueue_dma source(%dma_start3A_1121 : memref<80xi32, #tpu.memory_space<hbm>>) target(%arg9 : memref<80xi32, #tpu.memory_space<vmem>>) target_semaphore(%run_scoped3A : memref<!tpu.dma_semaphore, #tpu.memory_space<semaphore_mem>>)
        %dma_wait3A_1122 = tpu.memref_slice %arg6[%add3A_60] : memref<320000xi32, #tpu.memory_space<hbm>> -> memref<80xi32, #tpu.memory_space<hbm>>
        %dma_wait3A_1123 = tpu.memref_slice %arg6[%add3A_60] : memref<320000xi32, #tpu.memory_space<hbm>> -> memref<80xi32, #tpu.memory_space<hbm>>
        tpu.wait_dma2 semaphore(%run_scoped3A : memref<!tpu.dma_semaphore, #tpu.memory_space<semaphore_mem>>) src(%dma_wait3A_1123 : memref<80xi32, #tpu.memory_space<hbm>>) dst(%arg9 : memref<80xi32, #tpu.memory_space<vmem>>)
        tpu.yield
      }) : () -> ()
      %dma_start3A = arith.constant 0 : i32
      %dma_start3A_61 = arith.constant 0 : i32
      %dma_start3A_62 = tpu.memref_slice %arg2[%dma_start3A, %dma_start3A_61] : memref<10000x128xf32, #tpu.memory_space<hbm>> -> memref<10000x128xf32, #tpu.memory_space<hbm>>
      tpu.enqueue_indirect_dma source(%dma_start3A_62 : memref<10000x128xf32, #tpu.memory_space<hbm>>) target(%arg13 : memref<80x128xf32, #tpu.memory_space<vmem>>) offsets(%arg8 : memref<80xi32, #tpu.memory_space<vmem>>) semaphore(%arg19 : memref<!tpu.dma_semaphore, #tpu.memory_space<semaphore_mem>>)
      %get3A_63 = arith.constant 0 : index
      %get3A_64 = tpu.vector_load %arg8[%get3A_63] {strides = array<i32>} : memref<80xi32, #tpu.memory_space<vmem>>, vector<16xi32>,
      %shift_right_logical3A = arith.constant 4 : i32
      %shift_right_logical3A_65 = vector.broadcast %shift_right_logical3A : i32 to vector<16xi32>
      %shift_right_logical3A_66 = arith.shrui %get3A_64, %shift_right_logical3A_65 : vector<16xi32>
      %swap3A = arith.constant 0 : index
      %swap3A_67 = tpu.vector_load %arg10[%swap3A] {strides = array<i32>} : memref<80xi32, #tpu.memory_space<vmem>>, vector<16xi32>,
      tpu.vector_store %arg10[%swap3A], %shift_right_logical3A_66 {strides = array<i32>} : memref<80xi32, #tpu.memory_space<vmem>>, vector<16xi32>,
      %get3A_68 = arith.constant 16 : index
      %get3A_69 = tpu.vector_load %arg8[%get3A_68] {strides = array<i32>} : memref<80xi32, #tpu.memory_space<vmem>>, vector<16xi32>,
      %shift_right_logical3A_70 = arith.constant 4 : i32
      %shift_right_logical3A_71 = vector.broadcast %shift_right_logical3A_70 : i32 to vector<16xi32>
      %shift_right_logical3A_72 = arith.shrui %get3A_69, %shift_right_logical3A_71 : vector<16xi32>
      %swap3A_73 = arith.constant 16 : index
      %swap3A_74 = tpu.vector_load %arg10[%swap3A_73] {strides = array<i32>} : memref<80xi32, #tpu.memory_space<vmem>>, vector<16xi32>,
      tpu.vector_store %arg10[%swap3A_73], %shift_right_logical3A_72 {strides = array<i32>} : memref<80xi32, #tpu.memory_space<vmem>>, vector<16xi32>,
      %get3A_75 = arith.constant 32 : index
      %get3A_76 = tpu.vector_load %arg8[%get3A_75] {strides = array<i32>} : memref<80xi32, #tpu.memory_space<vmem>>, vector<16xi32>,
      %shift_right_logical3A_77 = arith.constant 4 : i32
      %shift_right_logical3A_78 = vector.broadcast %shift_right_logical3A_77 : i32 to vector<16xi32>
      %shift_right_logical3A_79 = arith.shrui %get3A_76, %shift_right_logical3A_78 : vector<16xi32>
      %swap3A_80 = arith.constant 32 : index
      %swap3A_81 = tpu.vector_load %arg10[%swap3A_80] {strides = array<i32>} : memref<80xi32, #tpu.memory_space<vmem>>, vector<16xi32>,
      tpu.vector_store %arg10[%swap3A_80], %shift_right_logical3A_79 {strides = array<i32>} : memref<80xi32, #tpu.memory_space<vmem>>, vector<16xi32>,
      %get3A_82 = arith.constant 48 : index
      %get3A_83 = tpu.vector_load %arg8[%get3A_82] {strides = array<i32>} : memref<80xi32, #tpu.memory_space<vmem>>, vector<16xi32>,
      %shift_right_logical3A_84 = arith.constant 4 : i32
      %shift_right_logical3A_85 = vector.broadcast %shift_right_logical3A_84 : i32 to vector<16xi32>
      %shift_right_logical3A_86 = arith.shrui %get3A_83, %shift_right_logical3A_85 : vector<16xi32>
      %swap3A_87 = arith.constant 48 : index
      %swap3A_88 = tpu.vector_load %arg10[%swap3A_87] {strides = array<i32>} : memref<80xi32, #tpu.memory_space<vmem>>, vector<16xi32>,
      tpu.vector_store %arg10[%swap3A_87], %shift_right_logical3A_86 {strides = array<i32>} : memref<80xi32, #tpu.memory_space<vmem>>, vector<16xi32>,
      %get3A_89 = arith.constant 64 : index
      %get3A_90 = tpu.vector_load %arg8[%get3A_89] {strides = array<i32>} : memref<80xi32, #tpu.memory_space<vmem>>, vector<16xi32>,
      %shift_right_logical3A_91 = arith.constant 4 : i32
      %shift_right_logical3A_92 = vector.broadcast %shift_right_logical3A_91 : i32 to vector<16xi32>
      %shift_right_logical3A_93 = arith.shrui %get3A_90, %shift_right_logical3A_92 : vector<16xi32>
      %swap3A_94 = arith.constant 64 : index
      %swap3A_95 = tpu.vector_load %arg10[%swap3A_94] {strides = array<i32>} : memref<80xi32, #tpu.memory_space<vmem>>, vector<16xi32>,
      tpu.vector_store %arg10[%swap3A_94], %shift_right_logical3A_93 {strides = array<i32>} : memref<80xi32, #tpu.memory_space<vmem>>, vector<16xi32>,
      %dma_start3A_96 = arith.constant 0 : i32
      %dma_start3A_97 = arith.constant 0 : i32
      %dma_start3A_98 = tpu.memref_slice %arg3[%dma_start3A_96, %dma_start3A_97] : memref<625x128xf32, #tpu.memory_space<hbm>> -> memref<625x128xf32, #tpu.memory_space<hbm>>
      tpu.enqueue_indirect_dma source(%dma_start3A_98 : memref<625x128xf32, #tpu.memory_space<hbm>>) target(%arg12 : memref<80x128xf32, #tpu.memory_space<vmem>>) offsets(%arg10 : memref<80xi32, #tpu.memory_space<vmem>>) semaphore(%arg20 : memref<!tpu.dma_semaphore, #tpu.memory_space<semaphore_mem>>)
      %dma_wait3A = arith.constant 0 : i32
      %dma_wait3A_99 = arith.constant 0 : i32
      %dma_wait3A_100 = tpu.memref_slice %arg3[%dma_wait3A, %dma_wait3A_99] : memref<625x128xf32, #tpu.memory_space<hbm>> -> memref<625x128xf32, #tpu.memory_space<hbm>>
      tpu.wait_indirect_dma semaphore(%arg20 : memref<!tpu.dma_semaphore, #tpu.memory_space<semaphore_mem>>) src(%dma_wait3A_100 : memref<625x128xf32, #tpu.memory_space<hbm>>) dst(%arg12 : memref<80x128xf32, #tpu.memory_space<vmem>>)
      %add3A_101 = arith.constant 0 : i32
      %add3A_102 = vector.broadcast %add3A_101 : i32 to vector<16xi32>
      %add3A_103 = arith.addi %add3A_102, %iota3A : vector<16xi32>
      %get3A_104 = arith.constant 0 : index
      %get3A_105 = tpu.vector_load %arg8[%get3A_104] {strides = array<i32>} : memref<80xi32, #tpu.memory_space<vmem>>, vector<16xi32>,
      %and3A = arith.constant 15 : i32
      %and3A_106 = vector.broadcast %and3A : i32 to vector<16xi32>
      %and3A_107 = arith.andi %get3A_105, %and3A_106 : vector<16xi32>
      %mul3A_108 = arith.constant 8 : i32
      %mul3A_109 = vector.broadcast %mul3A_108 : i32 to vector<16xi32>
      %mul3A_110 = arith.muli %and3A_107, %mul3A_109 : vector<16xi32>
      %add3A_111 = arith.constant 0 : i32
      %add3A_112 = vector.broadcast %add3A_111 : i32 to vector<16xi32>
      %add3A_113 = arith.addi %mul3A_110, %add3A_112 : vector<16xi32>
      %gather3A = tpu.vector_load_idx %arg12[%add3A_103, %add3A_113] : memref<80x128xf32, #tpu.memory_space<vmem>>[vector<16xi32>, vector<16xi32>], vector<16xf32>,
      %broadcast_in_dim3A_114 = arith.constant 4 : i32
      %broadcast_in_dim3A_115 = vector.broadcast %broadcast_in_dim3A_114 : i32 to vector<16xi32>
      tpu.vector_store_idx %arg14[%add3A_103, %broadcast_in_dim3A_115], %gather3A : memref<80x128xf32, #tpu.memory_space<vmem>>[vector<16xi32>, vector<16xi32>], vector<16xf32>,
      %add3A_116 = arith.constant 1 : i32
      %add3A_117 = vector.broadcast %add3A_116 : i32 to vector<16xi32>
      %add3A_118 = arith.addi %mul3A_110, %add3A_117 : vector<16xi32>
      %gather3A_119 = tpu.vector_load_idx %arg12[%add3A_103, %add3A_118] : memref<80x128xf32, #tpu.memory_space<vmem>>[vector<16xi32>, vector<16xi32>], vector<16xf32>,
      %broadcast_in_dim3A_120 = arith.constant 5 : i32
      %broadcast_in_dim3A_121 = vector.broadcast %broadcast_in_dim3A_120 : i32 to vector<16xi32>
      tpu.vector_store_idx %arg14[%add3A_103, %broadcast_in_dim3A_121], %gather3A_119 : memref<80x128xf32, #tpu.memory_space<vmem>>[vector<16xi32>, vector<16xi32>], vector<16xf32>,
      %add3A_122 = arith.constant 2 : i32
      %add3A_123 = vector.broadcast %add3A_122 : i32 to vector<16xi32>
      %add3A_124 = arith.addi %mul3A_110, %add3A_123 : vector<16xi32>
      %gather3A_125 = tpu.vector_load_idx %arg12[%add3A_103, %add3A_124] : memref<80x128xf32, #tpu.memory_space<vmem>>[vector<16xi32>, vector<16xi32>], vector<16xf32>,
      %broadcast_in_dim3A_126 = arith.constant 6 : i32
      %broadcast_in_dim3A_127 = vector.broadcast %broadcast_in_dim3A_126 : i32 to vector<16xi32>
      tpu.vector_store_idx %arg14[%add3A_103, %broadcast_in_dim3A_127], %gather3A_125 : memref<80x128xf32, #tpu.memory_space<vmem>>[vector<16xi32>, vector<16xi32>], vector<16xf32>,
      %add3A_128 = arith.constant 3 : i32
      %add3A_129 = vector.broadcast %add3A_128 : i32 to vector<16xi32>
      %add3A_130 = arith.addi %mul3A_110, %add3A_129 : vector<16xi32>
      %gather3A_131 = tpu.vector_load_idx %arg12[%add3A_103, %add3A_130] : memref<80x128xf32, #tpu.memory_space<vmem>>[vector<16xi32>, vector<16xi32>], vector<16xf32>,
      %broadcast_in_dim3A_132 = arith.constant 7 : i32
      %broadcast_in_dim3A_133 = vector.broadcast %broadcast_in_dim3A_132 : i32 to vector<16xi32>
      tpu.vector_store_idx %arg14[%add3A_103, %broadcast_in_dim3A_133], %gather3A_131 : memref<80x128xf32, #tpu.memory_space<vmem>>[vector<16xi32>, vector<16xi32>], vector<16xf32>,
      %add3A_134 = arith.constant 16 : i32
      %add3A_135 = vector.broadcast %add3A_134 : i32 to vector<16xi32>
      %add3A_136 = arith.addi %add3A_135, %iota3A : vector<16xi32>
      %get3A_137 = arith.constant 16 : index
      %get3A_138 = tpu.vector_load %arg8[%get3A_137] {strides = array<i32>} : memref<80xi32, #tpu.memory_space<vmem>>, vector<16xi32>,
      %and3A_139 = arith.constant 15 : i32
      %and3A_140 = vector.broadcast %and3A_139 : i32 to vector<16xi32>
      %and3A_141 = arith.andi %get3A_138, %and3A_140 : vector<16xi32>
      %mul3A_142 = arith.constant 8 : i32
      %mul3A_143 = vector.broadcast %mul3A_142 : i32 to vector<16xi32>
      %mul3A_144 = arith.muli %and3A_141, %mul3A_143 : vector<16xi32>
      %add3A_145 = arith.constant 0 : i32
      %add3A_146 = vector.broadcast %add3A_145 : i32 to vector<16xi32>
      %add3A_147 = arith.addi %mul3A_144, %add3A_146 : vector<16xi32>
      %gather3A_148 = tpu.vector_load_idx %arg12[%add3A_136, %add3A_147] : memref<80x128xf32, #tpu.memory_space<vmem>>[vector<16xi32>, vector<16xi32>], vector<16xf32>,
      %broadcast_in_dim3A_149 = arith.constant 4 : i32
      %broadcast_in_dim3A_150 = vector.broadcast %broadcast_in_dim3A_149 : i32 to vector<16xi32>
      tpu.vector_store_idx %arg14[%add3A_136, %broadcast_in_dim3A_150], %gather3A_148 : memref<80x128xf32, #tpu.memory_space<vmem>>[vector<16xi32>, vector<16xi32>], vector<16xf32>,
      %add3A_151 = arith.constant 1 : i32
      %add3A_152 = vector.broadcast %add3A_151 : i32 to vector<16xi32>
      %add3A_153 = arith.addi %mul3A_144, %add3A_152 : vector<16xi32>
      %gather3A_154 = tpu.vector_load_idx %arg12[%add3A_136, %add3A_153] : memref<80x128xf32, #tpu.memory_space<vmem>>[vector<16xi32>, vector<16xi32>], vector<16xf32>,
      %broadcast_in_dim3A_155 = arith.constant 5 : i32
      %broadcast_in_dim3A_156 = vector.broadcast %broadcast_in_dim3A_155 : i32 to vector<16xi32>
      tpu.vector_store_idx %arg14[%add3A_136, %broadcast_in_dim3A_156], %gather3A_154 : memref<80x128xf32, #tpu.memory_space<vmem>>[vector<16xi32>, vector<16xi32>], vector<16xf32>,
      %add3A_157 = arith.constant 2 : i32
      %add3A_158 = vector.broadcast %add3A_157 : i32 to vector<16xi32>
      %add3A_159 = arith.addi %mul3A_144, %add3A_158 : vector<16xi32>
      %gather3A_160 = tpu.vector_load_idx %arg12[%add3A_136, %add3A_159] : memref<80x128xf32, #tpu.memory_space<vmem>>[vector<16xi32>, vector<16xi32>], vector<16xf32>,
      %broadcast_in_dim3A_161 = arith.constant 6 : i32
      %broadcast_in_dim3A_162 = vector.broadcast %broadcast_in_dim3A_161 : i32 to vector<16xi32>
      tpu.vector_store_idx %arg14[%add3A_136, %broadcast_in_dim3A_162], %gather3A_160 : memref<80x128xf32, #tpu.memory_space<vmem>>[vector<16xi32>, vector<16xi32>], vector<16xf32>,
      %add3A_163 = arith.constant 3 : i32
      %add3A_164 = vector.broadcast %add3A_163 : i32 to vector<16xi32>
      %add3A_165 = arith.addi %mul3A_144, %add3A_164 : vector<16xi32>
      %gather3A_166 = tpu.vector_load_idx %arg12[%add3A_136, %add3A_165] : memref<80x128xf32, #tpu.memory_space<vmem>>[vector<16xi32>, vector<16xi32>], vector<16xf32>,
      %broadcast_in_dim3A_167 = arith.constant 7 : i32
      %broadcast_in_dim3A_168 = vector.broadcast %broadcast_in_dim3A_167 : i32 to vector<16xi32>
      tpu.vector_store_idx %arg14[%add3A_136, %broadcast_in_dim3A_168], %gather3A_166 : memref<80x128xf32, #tpu.memory_space<vmem>>[vector<16xi32>, vector<16xi32>], vector<16xf32>,
      %add3A_169 = arith.constant 32 : i32
      %add3A_170 = vector.broadcast %add3A_169 : i32 to vector<16xi32>
      %add3A_171 = arith.addi %add3A_170, %iota3A : vector<16xi32>
      %get3A_172 = arith.constant 32 : index
      %get3A_173 = tpu.vector_load %arg8[%get3A_172] {strides = array<i32>} : memref<80xi32, #tpu.memory_space<vmem>>, vector<16xi32>,
      %and3A_174 = arith.constant 15 : i32
      %and3A_175 = vector.broadcast %and3A_174 : i32 to vector<16xi32>
      %and3A_176 = arith.andi %get3A_173, %and3A_175 : vector<16xi32>
      %mul3A_177 = arith.constant 8 : i32
      %mul3A_178 = vector.broadcast %mul3A_177 : i32 to vector<16xi32>
      %mul3A_179 = arith.muli %and3A_176, %mul3A_178 : vector<16xi32>
      %add3A_180 = arith.constant 0 : i32
      %add3A_181 = vector.broadcast %add3A_180 : i32 to vector<16xi32>
      %add3A_182 = arith.addi %mul3A_179, %add3A_181 : vector<16xi32>
      %gather3A_183 = tpu.vector_load_idx %arg12[%add3A_171, %add3A_182] : memref<80x128xf32, #tpu.memory_space<vmem>>[vector<16xi32>, vector<16xi32>], vector<16xf32>,
      %broadcast_in_dim3A_184 = arith.constant 4 : i32
      %broadcast_in_dim3A_185 = vector.broadcast %broadcast_in_dim3A_184 : i32 to vector<16xi32>
      tpu.vector_store_idx %arg14[%add3A_171, %broadcast_in_dim3A_185], %gather3A_183 : memref<80x128xf32, #tpu.memory_space<vmem>>[vector<16xi32>, vector<16xi32>], vector<16xf32>,
      %add3A_186 = arith.constant 1 : i32
      %add3A_187 = vector.broadcast %add3A_186 : i32 to vector<16xi32>
      %add3A_188 = arith.addi %mul3A_179, %add3A_187 : vector<16xi32>
      %gather3A_189 = tpu.vector_load_idx %arg12[%add3A_171, %add3A_188] : memref<80x128xf32, #tpu.memory_space<vmem>>[vector<16xi32>, vector<16xi32>], vector<16xf32>,
      %broadcast_in_dim3A_190 = arith.constant 5 : i32
      %broadcast_in_dim3A_191 = vector.broadcast %broadcast_in_dim3A_190 : i32 to vector<16xi32>
      tpu.vector_store_idx %arg14[%add3A_171, %broadcast_in_dim3A_191], %gather3A_189 : memref<80x128xf32, #tpu.memory_space<vmem>>[vector<16xi32>, vector<16xi32>], vector<16xf32>,
      %add3A_192 = arith.constant 2 : i32
      %add3A_193 = vector.broadcast %add3A_192 : i32 to vector<16xi32>
      %add3A_194 = arith.addi %mul3A_179, %add3A_193 : vector<16xi32>
      %gather3A_195 = tpu.vector_load_idx %arg12[%add3A_171, %add3A_194] : memref<80x128xf32, #tpu.memory_space<vmem>>[vector<16xi32>, vector<16xi32>], vector<16xf32>,
      %broadcast_in_dim3A_196 = arith.constant 6 : i32
      %broadcast_in_dim3A_197 = vector.broadcast %broadcast_in_dim3A_196 : i32 to vector<16xi32>
      tpu.vector_store_idx %arg14[%add3A_171, %broadcast_in_dim3A_197], %gather3A_195 : memref<80x128xf32, #tpu.memory_space<vmem>>[vector<16xi32>, vector<16xi32>], vector<16xf32>,
      %add3A_198 = arith.constant 3 : i32
      %add3A_199 = vector.broadcast %add3A_198 : i32 to vector<16xi32>
      %add3A_200 = arith.addi %mul3A_179, %add3A_199 : vector<16xi32>
      %gather3A_201 = tpu.vector_load_idx %arg12[%add3A_171, %add3A_200] : memref<80x128xf32, #tpu.memory_space<vmem>>[vector<16xi32>, vector<16xi32>], vector<16xf32>,
      %broadcast_in_dim3A_202 = arith.constant 7 : i32
      %broadcast_in_dim3A_203 = vector.broadcast %broadcast_in_dim3A_202 : i32 to vector<16xi32>
      tpu.vector_store_idx %arg14[%add3A_171, %broadcast_in_dim3A_203], %gather3A_201 : memref<80x128xf32, #tpu.memory_space<vmem>>[vector<16xi32>, vector<16xi32>], vector<16xf32>,
      %add3A_204 = arith.constant 48 : i32
      %add3A_205 = vector.broadcast %add3A_204 : i32 to vector<16xi32>
      %add3A_206 = arith.addi %add3A_205, %iota3A : vector<16xi32>
      %get3A_207 = arith.constant 48 : index
      %get3A_208 = tpu.vector_load %arg8[%get3A_207] {strides = array<i32>} : memref<80xi32, #tpu.memory_space<vmem>>, vector<16xi32>,
      %and3A_209 = arith.constant 15 : i32
      %and3A_210 = vector.broadcast %and3A_209 : i32 to vector<16xi32>
      %and3A_211 = arith.andi %get3A_208, %and3A_210 : vector<16xi32>
      %mul3A_212 = arith.constant 8 : i32
      %mul3A_213 = vector.broadcast %mul3A_212 : i32 to vector<16xi32>
      %mul3A_214 = arith.muli %and3A_211, %mul3A_213 : vector<16xi32>
      %add3A_215 = arith.constant 0 : i32
      %add3A_216 = vector.broadcast %add3A_215 : i32 to vector<16xi32>
      %add3A_217 = arith.addi %mul3A_214, %add3A_216 : vector<16xi32>
      %gather3A_218 = tpu.vector_load_idx %arg12[%add3A_206, %add3A_217] : memref<80x128xf32, #tpu.memory_space<vmem>>[vector<16xi32>, vector<16xi32>], vector<16xf32>,
      %broadcast_in_dim3A_219 = arith.constant 4 : i32
      %broadcast_in_dim3A_220 = vector.broadcast %broadcast_in_dim3A_219 : i32 to vector<16xi32>
      tpu.vector_store_idx %arg14[%add3A_206, %broadcast_in_dim3A_220], %gather3A_218 : memref<80x128xf32, #tpu.memory_space<vmem>>[vector<16xi32>, vector<16xi32>], vector<16xf32>,
      %add3A_221 = arith.constant 1 : i32
      %add3A_222 = vector.broadcast %add3A_221 : i32 to vector<16xi32>
      %add3A_223 = arith.addi %mul3A_214, %add3A_222 : vector<16xi32>
      %gather3A_224 = tpu.vector_load_idx %arg12[%add3A_206, %add3A_223] : memref<80x128xf32, #tpu.memory_space<vmem>>[vector<16xi32>, vector<16xi32>], vector<16xf32>,
      %broadcast_in_dim3A_225 = arith.constant 5 : i32
      %broadcast_in_dim3A_226 = vector.broadcast %broadcast_in_dim3A_225 : i32 to vector<16xi32>
      tpu.vector_store_idx %arg14[%add3A_206, %broadcast_in_dim3A_226], %gather3A_224 : memref<80x128xf32, #tpu.memory_space<vmem>>[vector<16xi32>, vector<16xi32>], vector<16xf32>,
      %add3A_227 = arith.constant 2 : i32
      %add3A_228 = vector.broadcast %add3A_227 : i32 to vector<16xi32>
      %add3A_229 = arith.addi %mul3A_214, %add3A_228 : vector<16xi32>
      %gather3A_230 = tpu.vector_load_idx %arg12[%add3A_206, %add3A_229] : memref<80x128xf32, #tpu.memory_space<vmem>>[vector<16xi32>, vector<16xi32>], vector<16xf32>,
      %broadcast_in_dim3A_231 = arith.constant 6 : i32
      %broadcast_in_dim3A_232 = vector.broadcast %broadcast_in_dim3A_231 : i32 to vector<16xi32>
      tpu.vector_store_idx %arg14[%add3A_206, %broadcast_in_dim3A_232], %gather3A_230 : memref<80x128xf32, #tpu.memory_space<vmem>>[vector<16xi32>, vector<16xi32>], vector<16xf32>,
      %add3A_233 = arith.constant 3 : i32
      %add3A_234 = vector.broadcast %add3A_233 : i32 to vector<16xi32>
      %add3A_235 = arith.addi %mul3A_214, %add3A_234 : vector<16xi32>
      %gather3A_236 = tpu.vector_load_idx %arg12[%add3A_206, %add3A_235] : memref<80x128xf32, #tpu.memory_space<vmem>>[vector<16xi32>, vector<16xi32>], vector<16xf32>,
      %broadcast_in_dim3A_237 = arith.constant 7 : i32
      %broadcast_in_dim3A_238 = vector.broadcast %broadcast_in_dim3A_237 : i32 to vector<16xi32>
      tpu.vector_store_idx %arg14[%add3A_206, %broadcast_in_dim3A_238], %gather3A_236 : memref<80x128xf32, #tpu.memory_space<vmem>>[vector<16xi32>, vector<16xi32>], vector<16xf32>,
      %add3A_239 = arith.constant 64 : i32
      %add3A_240 = vector.broadcast %add3A_239 : i32 to vector<16xi32>
      %add3A_241 = arith.addi %add3A_240, %iota3A : vector<16xi32>
      %get3A_242 = arith.constant 64 : index
      %get3A_243 = tpu.vector_load %arg8[%get3A_242] {strides = array<i32>} : memref<80xi32, #tpu.memory_space<vmem>>, vector<16xi32>,
      %and3A_244 = arith.constant 15 : i32
      %and3A_245 = vector.broadcast %and3A_244 : i32 to vector<16xi32>
      %and3A_246 = arith.andi %get3A_243, %and3A_245 : vector<16xi32>
      %mul3A_247 = arith.constant 8 : i32
      %mul3A_248 = vector.broadcast %mul3A_247 : i32 to vector<16xi32>
      %mul3A_249 = arith.muli %and3A_246, %mul3A_248 : vector<16xi32>
      %add3A_250 = arith.constant 0 : i32
      %add3A_251 = vector.broadcast %add3A_250 : i32 to vector<16xi32>
      %add3A_252 = arith.addi %mul3A_249, %add3A_251 : vector<16xi32>
      %gather3A_253 = tpu.vector_load_idx %arg12[%add3A_241, %add3A_252] : memref<80x128xf32, #tpu.memory_space<vmem>>[vector<16xi32>, vector<16xi32>], vector<16xf32>,
      %broadcast_in_dim3A_254 = arith.constant 4 : i32
      %broadcast_in_dim3A_255 = vector.broadcast %broadcast_in_dim3A_254 : i32 to vector<16xi32>
      tpu.vector_store_idx %arg14[%add3A_241, %broadcast_in_dim3A_255], %gather3A_253 : memref<80x128xf32, #tpu.memory_space<vmem>>[vector<16xi32>, vector<16xi32>], vector<16xf32>,
      %add3A_256 = arith.constant 1 : i32
      %add3A_257 = vector.broadcast %add3A_256 : i32 to vector<16xi32>
      %add3A_258 = arith.addi %mul3A_249, %add3A_257 : vector<16xi32>
      %gather3A_259 = tpu.vector_load_idx %arg12[%add3A_241, %add3A_258] : memref<80x128xf32, #tpu.memory_space<vmem>>[vector<16xi32>, vector<16xi32>], vector<16xf32>,
      %broadcast_in_dim3A_260 = arith.constant 5 : i32
      %broadcast_in_dim3A_261 = vector.broadcast %broadcast_in_dim3A_260 : i32 to vector<16xi32>
      tpu.vector_store_idx %arg14[%add3A_241, %broadcast_in_dim3A_261], %gather3A_259 : memref<80x128xf32, #tpu.memory_space<vmem>>[vector<16xi32>, vector<16xi32>], vector<16xf32>,
      %add3A_262 = arith.constant 2 : i32
      %add3A_263 = vector.broadcast %add3A_262 : i32 to vector<16xi32>
      %add3A_264 = arith.addi %mul3A_249, %add3A_263 : vector<16xi32>
      %gather3A_265 = tpu.vector_load_idx %arg12[%add3A_241, %add3A_264] : memref<80x128xf32, #tpu.memory_space<vmem>>[vector<16xi32>, vector<16xi32>], vector<16xf32>,
      %broadcast_in_dim3A_266 = arith.constant 6 : i32
      %broadcast_in_dim3A_267 = vector.broadcast %broadcast_in_dim3A_266 : i32 to vector<16xi32>
      tpu.vector_store_idx %arg14[%add3A_241, %broadcast_in_dim3A_267], %gather3A_265 : memref<80x128xf32, #tpu.memory_space<vmem>>[vector<16xi32>, vector<16xi32>], vector<16xf32>,
      %add3A_268 = arith.constant 3 : i32
      %add3A_269 = vector.broadcast %add3A_268 : i32 to vector<16xi32>
      %add3A_270 = arith.addi %mul3A_249, %add3A_269 : vector<16xi32>
      %gather3A_271 = tpu.vector_load_idx %arg12[%add3A_241, %add3A_270] : memref<80x128xf32, #tpu.memory_space<vmem>>[vector<16xi32>, vector<16xi32>], vector<16xf32>,
      %broadcast_in_dim3A_272 = arith.constant 7 : i32
      %broadcast_in_dim3A_273 = vector.broadcast %broadcast_in_dim3A_272 : i32 to vector<16xi32>
      tpu.vector_store_idx %arg14[%add3A_241, %broadcast_in_dim3A_273], %gather3A_271 : memref<80x128xf32, #tpu.memory_space<vmem>>[vector<16xi32>, vector<16xi32>], vector<16xf32>,
      %get3A_274 = arith.constant 0 : index
      %get3A_275 = tpu.vector_load %arg9[%get3A_274] {strides = array<i32>} : memref<80xi32, #tpu.memory_space<vmem>>, vector<16xi32>,
      %shift_right_logical3A_276 = arith.constant 4 : i32
      %shift_right_logical3A_277 = vector.broadcast %shift_right_logical3A_276 : i32 to vector<16xi32>
      %shift_right_logical3A_278 = arith.shrui %get3A_275, %shift_right_logical3A_277 : vector<16xi32>
      %swap3A_279 = arith.constant 0 : index
      %swap3A_280 = tpu.vector_load %arg10[%swap3A_279] {strides = array<i32>} : memref<80xi32, #tpu.memory_space<vmem>>, vector<16xi32>,
      tpu.vector_store %arg10[%swap3A_279], %shift_right_logical3A_278 {strides = array<i32>} : memref<80xi32, #tpu.memory_space<vmem>>, vector<16xi32>,
      %get3A_281 = arith.constant 16 : index
      %get3A_282 = tpu.vector_load %arg9[%get3A_281] {strides = array<i32>} : memref<80xi32, #tpu.memory_space<vmem>>, vector<16xi32>,
      %shift_right_logical3A_283 = arith.constant 4 : i32
      %shift_right_logical3A_284 = vector.broadcast %shift_right_logical3A_283 : i32 to vector<16xi32>
      %shift_right_logical3A_285 = arith.shrui %get3A_282, %shift_right_logical3A_284 : vector<16xi32>
      %swap3A_286 = arith.constant 16 : index
      %swap3A_287 = tpu.vector_load %arg10[%swap3A_286] {strides = array<i32>} : memref<80xi32, #tpu.memory_space<vmem>>, vector<16xi32>,
      tpu.vector_store %arg10[%swap3A_286], %shift_right_logical3A_285 {strides = array<i32>} : memref<80xi32, #tpu.memory_space<vmem>>, vector<16xi32>,
      %get3A_288 = arith.constant 32 : index
      %get3A_289 = tpu.vector_load %arg9[%get3A_288] {strides = array<i32>} : memref<80xi32, #tpu.memory_space<vmem>>, vector<16xi32>,
      %shift_right_logical3A_290 = arith.constant 4 : i32
      %shift_right_logical3A_291 = vector.broadcast %shift_right_logical3A_290 : i32 to vector<16xi32>
      %shift_right_logical3A_292 = arith.shrui %get3A_289, %shift_right_logical3A_291 : vector<16xi32>
      %swap3A_293 = arith.constant 32 : index
      %swap3A_294 = tpu.vector_load %arg10[%swap3A_293] {strides = array<i32>} : memref<80xi32, #tpu.memory_space<vmem>>, vector<16xi32>,
      tpu.vector_store %arg10[%swap3A_293], %shift_right_logical3A_292 {strides = array<i32>} : memref<80xi32, #tpu.memory_space<vmem>>, vector<16xi32>,
      %get3A_295 = arith.constant 48 : index
      %get3A_296 = tpu.vector_load %arg9[%get3A_295] {strides = array<i32>} : memref<80xi32, #tpu.memory_space<vmem>>, vector<16xi32>,
      %shift_right_logical3A_297 = arith.constant 4 : i32
      %shift_right_logical3A_298 = vector.broadcast %shift_right_logical3A_297 : i32 to vector<16xi32>
      %shift_right_logical3A_299 = arith.shrui %get3A_296, %shift_right_logical3A_298 : vector<16xi32>
      %swap3A_300 = arith.constant 48 : index
      %swap3A_301 = tpu.vector_load %arg10[%swap3A_300] {strides = array<i32>} : memref<80xi32, #tpu.memory_space<vmem>>, vector<16xi32>,
      tpu.vector_store %arg10[%swap3A_300], %shift_right_logical3A_299 {strides = array<i32>} : memref<80xi32, #tpu.memory_space<vmem>>, vector<16xi32>,
      %get3A_302 = arith.constant 64 : index
      %get3A_303 = tpu.vector_load %arg9[%get3A_302] {strides = array<i32>} : memref<80xi32, #tpu.memory_space<vmem>>, vector<16xi32>,
      %shift_right_logical3A_304 = arith.constant 4 : i32
      %shift_right_logical3A_305 = vector.broadcast %shift_right_logical3A_304 : i32 to vector<16xi32>
      %shift_right_logical3A_306 = arith.shrui %get3A_303, %shift_right_logical3A_305 : vector<16xi32>
      %swap3A_307 = arith.constant 64 : index
      %swap3A_308 = tpu.vector_load %arg10[%swap3A_307] {strides = array<i32>} : memref<80xi32, #tpu.memory_space<vmem>>, vector<16xi32>,
      tpu.vector_store %arg10[%swap3A_307], %shift_right_logical3A_306 {strides = array<i32>} : memref<80xi32, #tpu.memory_space<vmem>>, vector<16xi32>,
      %dma_start3A_309 = arith.constant 0 : i32
      %dma_start3A_310 = arith.constant 0 : i32
      %dma_start3A_311 = tpu.memref_slice %arg3[%dma_start3A_309, %dma_start3A_310] : memref<625x128xf32, #tpu.memory_space<hbm>> -> memref<625x128xf32, #tpu.memory_space<hbm>>
      tpu.enqueue_indirect_dma source(%dma_start3A_311 : memref<625x128xf32, #tpu.memory_space<hbm>>) target(%arg12 : memref<80x128xf32, #tpu.memory_space<vmem>>) offsets(%arg10 : memref<80xi32, #tpu.memory_space<vmem>>) semaphore(%arg20 : memref<!tpu.dma_semaphore, #tpu.memory_space<semaphore_mem>>)
      %dma_wait3A_312 = arith.constant 0 : i32
      %dma_wait3A_313 = arith.constant 0 : i32
      %dma_wait3A_314 = tpu.memref_slice %arg3[%dma_wait3A_312, %dma_wait3A_313] : memref<625x128xf32, #tpu.memory_space<hbm>> -> memref<625x128xf32, #tpu.memory_space<hbm>>
      tpu.wait_indirect_dma semaphore(%arg20 : memref<!tpu.dma_semaphore, #tpu.memory_space<semaphore_mem>>) src(%dma_wait3A_314 : memref<625x128xf32, #tpu.memory_space<hbm>>) dst(%arg12 : memref<80x128xf32, #tpu.memory_space<vmem>>)
      %add3A_315 = arith.constant 0 : i32
      %add3A_316 = vector.broadcast %add3A_315 : i32 to vector<16xi32>
      %add3A_317 = arith.addi %add3A_316, %iota3A : vector<16xi32>
      %get3A_318 = arith.constant 0 : index
      %get3A_319 = tpu.vector_load %arg9[%get3A_318] {strides = array<i32>} : memref<80xi32, #tpu.memory_space<vmem>>, vector<16xi32>,
      %shift_right_logical3A_320 = arith.constant 5 : i32
      %shift_right_logical3A_321 = vector.broadcast %shift_right_logical3A_320 : i32 to vector<16xi32>
      %shift_right_logical3A_322 = arith.shrui %get3A_319, %shift_right_logical3A_321 : vector<16xi32>
      %add3A_323 = arith.constant 10000 : i32
      %add3A_324 = vector.broadcast %add3A_323 : i32 to vector<16xi32>
      %add3A_325 = arith.addi %add3A_324, %shift_right_logical3A_322 : vector<16xi32>
      %swap3A_326 = arith.constant 0 : index
      %swap3A_327 = tpu.vector_load %arg11[%swap3A_326] {strides = array<i32>} : memref<80xi32, #tpu.memory_space<vmem>>, vector<16xi32>,
      tpu.vector_store %arg11[%swap3A_326], %add3A_325 {strides = array<i32>} : memref<80xi32, #tpu.memory_space<vmem>>, vector<16xi32>,
      %and3A_328 = arith.constant 15 : i32
      %and3A_329 = vector.broadcast %and3A_328 : i32 to vector<16xi32>
      %and3A_330 = arith.andi %get3A_319, %and3A_329 : vector<16xi32>
      %mul3A_331 = arith.constant 8 : i32
      %mul3A_332 = vector.broadcast %mul3A_331 : i32 to vector<16xi32>
      %mul3A_333 = arith.muli %and3A_330, %mul3A_332 : vector<16xi32>
      %and3A_334 = arith.constant 31 : i32
      %and3A_335 = vector.broadcast %and3A_334 : i32 to vector<16xi32>
      %and3A_336 = arith.andi %get3A_319, %and3A_335 : vector<16xi32>
      %mul3A_337 = arith.constant 4 : i32
      %mul3A_338 = vector.broadcast %mul3A_337 : i32 to vector<16xi32>
      %mul3A_339 = arith.muli %and3A_336, %mul3A_338 : vector<16xi32>
      %add3A_340 = arith.constant 4 : i32
      %add3A_341 = vector.broadcast %add3A_340 : i32 to vector<16xi32>
      %add3A_342 = arith.addi %mul3A_333, %add3A_341 : vector<16xi32>
      %gather3A_343 = tpu.vector_load_idx %arg12[%add3A_317, %add3A_342] : memref<80x128xf32, #tpu.memory_space<vmem>>[vector<16xi32>, vector<16xi32>], vector<16xf32>,
      %broadcast_in_dim3A_344 = arith.constant 4 : i32
      %broadcast_in_dim3A_345 = vector.broadcast %broadcast_in_dim3A_344 : i32 to vector<16xi32>
      %gather3A_346 = tpu.vector_load_idx %arg14[%add3A_317, %broadcast_in_dim3A_345] : memref<80x128xf32, #tpu.memory_space<vmem>>[vector<16xi32>, vector<16xi32>], vector<16xf32>,
      %add3A_347 = arith.addf %gather3A_346, %gather3A_343 : vector<16xf32>
      %gt3A = arith.constant 0.000000e+00 : f32
      %gt3A_348 = vector.broadcast %gt3A : f32 to vector<16xf32>
      %gt3A_349 = arith.cmpf ogt, %add3A_347, %gt3A_348 : vector<16xf32>
      %mul3A_350 = arith.constant 2.000000e-01 : f32
      %mul3A_351 = vector.broadcast %mul3A_350 : f32 to vector<16xf32>
      %mul3A_352 = arith.mulf %mul3A_351, %add3A_347 : vector<16xf32>
      %select_n3A = arith.select %gt3A_349, %add3A_347, %mul3A_352 : vector<16xi1>, vector<16xf32>
      %sub3A = arith.subf %select_n3A, %get3A_43 : vector<16xf32>
      %exp3A = math.exp %sub3A : vector<16xf32>
      %mul3A_353 = arith.constant 4 : i32
      %mul3A_354 = vector.broadcast %mul3A_353 : i32 to vector<16xi32>
      %mul3A_355 = arith.muli %add3A_317, %mul3A_354 : vector<16xi32>
      %add3A_356 = arith.constant 0 : i32
      %add3A_357 = vector.broadcast %add3A_356 : i32 to vector<16xi32>
      %add3A_358 = arith.addi %mul3A_355, %add3A_357 : vector<16xi32>
      tpu.vector_store_idx %arg16[%add3A_358], %exp3A : memref<320xf32, #tpu.memory_space<vmem>>[vector<16xi32>], vector<16xf32>,
      %add3A_359 = arith.constant 0 : i32
      %add3A_360 = vector.broadcast %add3A_359 : i32 to vector<16xi32>
      %add3A_361 = arith.addi %mul3A_339, %add3A_360 : vector<16xi32>
      tpu.vector_store_idx %arg15[%add3A_317, %add3A_361], %exp3A : memref<80x128xf32, #tpu.memory_space<vmem>>[vector<16xi32>, vector<16xi32>], vector<16xf32>,
      %add3A_362 = arith.constant 5 : i32
      %add3A_363 = vector.broadcast %add3A_362 : i32 to vector<16xi32>
      %add3A_364 = arith.addi %mul3A_333, %add3A_363 : vector<16xi32>
      %gather3A_365 = tpu.vector_load_idx %arg12[%add3A_317, %add3A_364] : memref<80x128xf32, #tpu.memory_space<vmem>>[vector<16xi32>, vector<16xi32>], vector<16xf32>,
      %broadcast_in_dim3A_366 = arith.constant 5 : i32
      %broadcast_in_dim3A_367 = vector.broadcast %broadcast_in_dim3A_366 : i32 to vector<16xi32>
      %gather3A_368 = tpu.vector_load_idx %arg14[%add3A_317, %broadcast_in_dim3A_367] : memref<80x128xf32, #tpu.memory_space<vmem>>[vector<16xi32>, vector<16xi32>], vector<16xf32>,
      %add3A_369 = arith.addf %gather3A_368, %gather3A_365 : vector<16xf32>
      %gt3A_370 = arith.constant 0.000000e+00 : f32
      %gt3A_371 = vector.broadcast %gt3A_370 : f32 to vector<16xf32>
      %gt3A_372 = arith.cmpf ogt, %add3A_369, %gt3A_371 : vector<16xf32>
      %mul3A_373 = arith.constant 2.000000e-01 : f32
      %mul3A_374 = vector.broadcast %mul3A_373 : f32 to vector<16xf32>
      %mul3A_375 = arith.mulf %mul3A_374, %add3A_369 : vector<16xf32>
      %select_n3A_376 = arith.select %gt3A_372, %add3A_369, %mul3A_375 : vector<16xi1>, vector<16xf32>
      %sub3A_377 = arith.subf %select_n3A_376, %get3A_43 : vector<16xf32>
      %exp3A_378 = math.exp %sub3A_377 : vector<16xf32>
      %mul3A_379 = arith.constant 4 : i32
      %mul3A_380 = vector.broadcast %mul3A_379 : i32 to vector<16xi32>
      %mul3A_381 = arith.muli %add3A_317, %mul3A_380 : vector<16xi32>
      %add3A_382 = arith.constant 1 : i32
      %add3A_383 = vector.broadcast %add3A_382 : i32 to vector<16xi32>
      %add3A_384 = arith.addi %mul3A_381, %add3A_383 : vector<16xi32>
      tpu.vector_store_idx %arg16[%add3A_384], %exp3A_378 : memref<320xf32, #tpu.memory_space<vmem>>[vector<16xi32>], vector<16xf32>,
      %add3A_385 = arith.constant 1 : i32
      %add3A_386 = vector.broadcast %add3A_385 : i32 to vector<16xi32>
      %add3A_387 = arith.addi %mul3A_339, %add3A_386 : vector<16xi32>
      tpu.vector_store_idx %arg15[%add3A_317, %add3A_387], %exp3A_378 : memref<80x128xf32, #tpu.memory_space<vmem>>[vector<16xi32>, vector<16xi32>], vector<16xf32>,
      %add3A_388 = arith.constant 6 : i32
      %add3A_389 = vector.broadcast %add3A_388 : i32 to vector<16xi32>
      %add3A_390 = arith.addi %mul3A_333, %add3A_389 : vector<16xi32>
      %gather3A_391 = tpu.vector_load_idx %arg12[%add3A_317, %add3A_390] : memref<80x128xf32, #tpu.memory_space<vmem>>[vector<16xi32>, vector<16xi32>], vector<16xf32>,
      %broadcast_in_dim3A_392 = arith.constant 6 : i32
      %broadcast_in_dim3A_393 = vector.broadcast %broadcast_in_dim3A_392 : i32 to vector<16xi32>
      %gather3A_394 = tpu.vector_load_idx %arg14[%add3A_317, %broadcast_in_dim3A_393] : memref<80x128xf32, #tpu.memory_space<vmem>>[vector<16xi32>, vector<16xi32>], vector<16xf32>,
      %add3A_395 = arith.addf %gather3A_394, %gather3A_391 : vector<16xf32>
      %gt3A_396 = arith.constant 0.000000e+00 : f32
      %gt3A_397 = vector.broadcast %gt3A_396 : f32 to vector<16xf32>
      %gt3A_398 = arith.cmpf ogt, %add3A_395, %gt3A_397 : vector<16xf32>
      %mul3A_399 = arith.constant 2.000000e-01 : f32
      %mul3A_400 = vector.broadcast %mul3A_399 : f32 to vector<16xf32>
      %mul3A_401 = arith.mulf %mul3A_400, %add3A_395 : vector<16xf32>
      %select_n3A_402 = arith.select %gt3A_398, %add3A_395, %mul3A_401 : vector<16xi1>, vector<16xf32>
      %sub3A_403 = arith.subf %select_n3A_402, %get3A_43 : vector<16xf32>
      %exp3A_404 = math.exp %sub3A_403 : vector<16xf32>
      %mul3A_405 = arith.constant 4 : i32
      %mul3A_406 = vector.broadcast %mul3A_405 : i32 to vector<16xi32>
      %mul3A_407 = arith.muli %add3A_317, %mul3A_406 : vector<16xi32>
      %add3A_408 = arith.constant 2 : i32
      %add3A_409 = vector.broadcast %add3A_408 : i32 to vector<16xi32>
      %add3A_410 = arith.addi %mul3A_407, %add3A_409 : vector<16xi32>
      tpu.vector_store_idx %arg16[%add3A_410], %exp3A_404 : memref<320xf32, #tpu.memory_space<vmem>>[vector<16xi32>], vector<16xf32>,
      %add3A_411 = arith.constant 2 : i32
      %add3A_412 = vector.broadcast %add3A_411 : i32 to vector<16xi32>
      %add3A_413 = arith.addi %mul3A_339, %add3A_412 : vector<16xi32>
      tpu.vector_store_idx %arg15[%add3A_317, %add3A_413], %exp3A_404 : memref<80x128xf32, #tpu.memory_space<vmem>>[vector<16xi32>, vector<16xi32>], vector<16xf32>,
      %add3A_414 = arith.constant 7 : i32
      %add3A_415 = vector.broadcast %add3A_414 : i32 to vector<16xi32>
      %add3A_416 = arith.addi %mul3A_333, %add3A_415 : vector<16xi32>
      %gather3A_417 = tpu.vector_load_idx %arg12[%add3A_317, %add3A_416] : memref<80x128xf32, #tpu.memory_space<vmem>>[vector<16xi32>, vector<16xi32>], vector<16xf32>,
      %broadcast_in_dim3A_418 = arith.constant 7 : i32
      %broadcast_in_dim3A_419 = vector.broadcast %broadcast_in_dim3A_418 : i32 to vector<16xi32>
      %gather3A_420 = tpu.vector_load_idx %arg14[%add3A_317, %broadcast_in_dim3A_419] : memref<80x128xf32, #tpu.memory_space<vmem>>[vector<16xi32>, vector<16xi32>], vector<16xf32>,
      %add3A_421 = arith.addf %gather3A_420, %gather3A_417 : vector<16xf32>
      %gt3A_422 = arith.constant 0.000000e+00 : f32
      %gt3A_423 = vector.broadcast %gt3A_422 : f32 to vector<16xf32>
      %gt3A_424 = arith.cmpf ogt, %add3A_421, %gt3A_423 : vector<16xf32>
      %mul3A_425 = arith.constant 2.000000e-01 : f32
      %mul3A_426 = vector.broadcast %mul3A_425 : f32 to vector<16xf32>
      %mul3A_427 = arith.mulf %mul3A_426, %add3A_421 : vector<16xf32>
      %select_n3A_428 = arith.select %gt3A_424, %add3A_421, %mul3A_427 : vector<16xi1>, vector<16xf32>
      %sub3A_429 = arith.subf %select_n3A_428, %get3A_43 : vector<16xf32>
      %exp3A_430 = math.exp %sub3A_429 : vector<16xf32>
      %mul3A_431 = arith.constant 4 : i32
      %mul3A_432 = vector.broadcast %mul3A_431 : i32 to vector<16xi32>
      %mul3A_433 = arith.muli %add3A_317, %mul3A_432 : vector<16xi32>
      %add3A_434 = arith.constant 3 : i32
      %add3A_435 = vector.broadcast %add3A_434 : i32 to vector<16xi32>
      %add3A_436 = arith.addi %mul3A_433, %add3A_435 : vector<16xi32>
      tpu.vector_store_idx %arg16[%add3A_436], %exp3A_430 : memref<320xf32, #tpu.memory_space<vmem>>[vector<16xi32>], vector<16xf32>,
      %add3A_437 = arith.constant 3 : i32
      %add3A_438 = vector.broadcast %add3A_437 : i32 to vector<16xi32>
      %add3A_439 = arith.addi %mul3A_339, %add3A_438 : vector<16xi32>
      tpu.vector_store_idx %arg15[%add3A_317, %add3A_439], %exp3A_430 : memref<80x128xf32, #tpu.memory_space<vmem>>[vector<16xi32>, vector<16xi32>], vector<16xf32>,
      %add3A_440 = arith.constant 16 : i32
      %add3A_441 = vector.broadcast %add3A_440 : i32 to vector<16xi32>
      %add3A_442 = arith.addi %add3A_441, %iota3A : vector<16xi32>
      %get3A_443 = arith.constant 16 : index
      %get3A_444 = tpu.vector_load %arg9[%get3A_443] {strides = array<i32>} : memref<80xi32, #tpu.memory_space<vmem>>, vector<16xi32>,
      %shift_right_logical3A_445 = arith.constant 5 : i32
      %shift_right_logical3A_446 = vector.broadcast %shift_right_logical3A_445 : i32 to vector<16xi32>
      %shift_right_logical3A_447 = arith.shrui %get3A_444, %shift_right_logical3A_446 : vector<16xi32>
      %add3A_448 = arith.constant 10000 : i32
      %add3A_449 = vector.broadcast %add3A_448 : i32 to vector<16xi32>
      %add3A_450 = arith.addi %add3A_449, %shift_right_logical3A_447 : vector<16xi32>
      %swap3A_451 = arith.constant 16 : index
      %swap3A_452 = tpu.vector_load %arg11[%swap3A_451] {strides = array<i32>} : memref<80xi32, #tpu.memory_space<vmem>>, vector<16xi32>,
      tpu.vector_store %arg11[%swap3A_451], %add3A_450 {strides = array<i32>} : memref<80xi32, #tpu.memory_space<vmem>>, vector<16xi32>,
      %and3A_453 = arith.constant 15 : i32
      %and3A_454 = vector.broadcast %and3A_453 : i32 to vector<16xi32>
      %and3A_455 = arith.andi %get3A_444, %and3A_454 : vector<16xi32>
      %mul3A_456 = arith.constant 8 : i32
      %mul3A_457 = vector.broadcast %mul3A_456 : i32 to vector<16xi32>
      %mul3A_458 = arith.muli %and3A_455, %mul3A_457 : vector<16xi32>
      %and3A_459 = arith.constant 31 : i32
      %and3A_460 = vector.broadcast %and3A_459 : i32 to vector<16xi32>
      %and3A_461 = arith.andi %get3A_444, %and3A_460 : vector<16xi32>
      %mul3A_462 = arith.constant 4 : i32
      %mul3A_463 = vector.broadcast %mul3A_462 : i32 to vector<16xi32>
      %mul3A_464 = arith.muli %and3A_461, %mul3A_463 : vector<16xi32>
      %add3A_465 = arith.constant 4 : i32
      %add3A_466 = vector.broadcast %add3A_465 : i32 to vector<16xi32>
      %add3A_467 = arith.addi %mul3A_458, %add3A_466 : vector<16xi32>
      %gather3A_468 = tpu.vector_load_idx %arg12[%add3A_442, %add3A_467] : memref<80x128xf32, #tpu.memory_space<vmem>>[vector<16xi32>, vector<16xi32>], vector<16xf32>,
      %broadcast_in_dim3A_469 = arith.constant 4 : i32
      %broadcast_in_dim3A_470 = vector.broadcast %broadcast_in_dim3A_469 : i32 to vector<16xi32>
      %gather3A_471 = tpu.vector_load_idx %arg14[%add3A_442, %broadcast_in_dim3A_470] : memref<80x128xf32, #tpu.memory_space<vmem>>[vector<16xi32>, vector<16xi32>], vector<16xf32>,
      %add3A_472 = arith.addf %gather3A_471, %gather3A_468 : vector<16xf32>
      %gt3A_473 = arith.constant 0.000000e+00 : f32
      %gt3A_474 = vector.broadcast %gt3A_473 : f32 to vector<16xf32>
      %gt3A_475 = arith.cmpf ogt, %add3A_472, %gt3A_474 : vector<16xf32>
      %mul3A_476 = arith.constant 2.000000e-01 : f32
      %mul3A_477 = vector.broadcast %mul3A_476 : f32 to vector<16xf32>
      %mul3A_478 = arith.mulf %mul3A_477, %add3A_472 : vector<16xf32>
      %select_n3A_479 = arith.select %gt3A_475, %add3A_472, %mul3A_478 : vector<16xi1>, vector<16xf32>
      %sub3A_480 = arith.subf %select_n3A_479, %get3A_43 : vector<16xf32>
      %exp3A_481 = math.exp %sub3A_480 : vector<16xf32>
      %mul3A_482 = arith.constant 4 : i32
      %mul3A_483 = vector.broadcast %mul3A_482 : i32 to vector<16xi32>
      %mul3A_484 = arith.muli %add3A_442, %mul3A_483 : vector<16xi32>
      %add3A_485 = arith.constant 0 : i32
      %add3A_486 = vector.broadcast %add3A_485 : i32 to vector<16xi32>
      %add3A_487 = arith.addi %mul3A_484, %add3A_486 : vector<16xi32>
      tpu.vector_store_idx %arg16[%add3A_487], %exp3A_481 : memref<320xf32, #tpu.memory_space<vmem>>[vector<16xi32>], vector<16xf32>,
      %add3A_488 = arith.constant 0 : i32
      %add3A_489 = vector.broadcast %add3A_488 : i32 to vector<16xi32>
      %add3A_490 = arith.addi %mul3A_464, %add3A_489 : vector<16xi32>
      tpu.vector_store_idx %arg15[%add3A_442, %add3A_490], %exp3A_481 : memref<80x128xf32, #tpu.memory_space<vmem>>[vector<16xi32>, vector<16xi32>], vector<16xf32>,
      %add3A_491 = arith.constant 5 : i32
      %add3A_492 = vector.broadcast %add3A_491 : i32 to vector<16xi32>
      %add3A_493 = arith.addi %mul3A_458, %add3A_492 : vector<16xi32>
      %gather3A_494 = tpu.vector_load_idx %arg12[%add3A_442, %add3A_493] : memref<80x128xf32, #tpu.memory_space<vmem>>[vector<16xi32>, vector<16xi32>], vector<16xf32>,
      %broadcast_in_dim3A_495 = arith.constant 5 : i32
      %broadcast_in_dim3A_496 = vector.broadcast %broadcast_in_dim3A_495 : i32 to vector<16xi32>
      %gather3A_497 = tpu.vector_load_idx %arg14[%add3A_442, %broadcast_in_dim3A_496] : memref<80x128xf32, #tpu.memory_space<vmem>>[vector<16xi32>, vector<16xi32>], vector<16xf32>,
      %add3A_498 = arith.addf %gather3A_497, %gather3A_494 : vector<16xf32>
      %gt3A_499 = arith.constant 0.000000e+00 : f32
      %gt3A_500 = vector.broadcast %gt3A_499 : f32 to vector<16xf32>
      %gt3A_501 = arith.cmpf ogt, %add3A_498, %gt3A_500 : vector<16xf32>
      %mul3A_502 = arith.constant 2.000000e-01 : f32
      %mul3A_503 = vector.broadcast %mul3A_502 : f32 to vector<16xf32>
      %mul3A_504 = arith.mulf %mul3A_503, %add3A_498 : vector<16xf32>
      %select_n3A_505 = arith.select %gt3A_501, %add3A_498, %mul3A_504 : vector<16xi1>, vector<16xf32>
      %sub3A_506 = arith.subf %select_n3A_505, %get3A_43 : vector<16xf32>
      %exp3A_507 = math.exp %sub3A_506 : vector<16xf32>
      %mul3A_508 = arith.constant 4 : i32
      %mul3A_509 = vector.broadcast %mul3A_508 : i32 to vector<16xi32>
      %mul3A_510 = arith.muli %add3A_442, %mul3A_509 : vector<16xi32>
      %add3A_511 = arith.constant 1 : i32
      %add3A_512 = vector.broadcast %add3A_511 : i32 to vector<16xi32>
      %add3A_513 = arith.addi %mul3A_510, %add3A_512 : vector<16xi32>
      tpu.vector_store_idx %arg16[%add3A_513], %exp3A_507 : memref<320xf32, #tpu.memory_space<vmem>>[vector<16xi32>], vector<16xf32>,
      %add3A_514 = arith.constant 1 : i32
      %add3A_515 = vector.broadcast %add3A_514 : i32 to vector<16xi32>
      %add3A_516 = arith.addi %mul3A_464, %add3A_515 : vector<16xi32>
      tpu.vector_store_idx %arg15[%add3A_442, %add3A_516], %exp3A_507 : memref<80x128xf32, #tpu.memory_space<vmem>>[vector<16xi32>, vector<16xi32>], vector<16xf32>,
      %add3A_517 = arith.constant 6 : i32
      %add3A_518 = vector.broadcast %add3A_517 : i32 to vector<16xi32>
      %add3A_519 = arith.addi %mul3A_458, %add3A_518 : vector<16xi32>
      %gather3A_520 = tpu.vector_load_idx %arg12[%add3A_442, %add3A_519] : memref<80x128xf32, #tpu.memory_space<vmem>>[vector<16xi32>, vector<16xi32>], vector<16xf32>,
      %broadcast_in_dim3A_521 = arith.constant 6 : i32
      %broadcast_in_dim3A_522 = vector.broadcast %broadcast_in_dim3A_521 : i32 to vector<16xi32>
      %gather3A_523 = tpu.vector_load_idx %arg14[%add3A_442, %broadcast_in_dim3A_522] : memref<80x128xf32, #tpu.memory_space<vmem>>[vector<16xi32>, vector<16xi32>], vector<16xf32>,
      %add3A_524 = arith.addf %gather3A_523, %gather3A_520 : vector<16xf32>
      %gt3A_525 = arith.constant 0.000000e+00 : f32
      %gt3A_526 = vector.broadcast %gt3A_525 : f32 to vector<16xf32>
      %gt3A_527 = arith.cmpf ogt, %add3A_524, %gt3A_526 : vector<16xf32>
      %mul3A_528 = arith.constant 2.000000e-01 : f32
      %mul3A_529 = vector.broadcast %mul3A_528 : f32 to vector<16xf32>
      %mul3A_530 = arith.mulf %mul3A_529, %add3A_524 : vector<16xf32>
      %select_n3A_531 = arith.select %gt3A_527, %add3A_524, %mul3A_530 : vector<16xi1>, vector<16xf32>
      %sub3A_532 = arith.subf %select_n3A_531, %get3A_43 : vector<16xf32>
      %exp3A_533 = math.exp %sub3A_532 : vector<16xf32>
      %mul3A_534 = arith.constant 4 : i32
      %mul3A_535 = vector.broadcast %mul3A_534 : i32 to vector<16xi32>
      %mul3A_536 = arith.muli %add3A_442, %mul3A_535 : vector<16xi32>
      %add3A_537 = arith.constant 2 : i32
      %add3A_538 = vector.broadcast %add3A_537 : i32 to vector<16xi32>
      %add3A_539 = arith.addi %mul3A_536, %add3A_538 : vector<16xi32>
      tpu.vector_store_idx %arg16[%add3A_539], %exp3A_533 : memref<320xf32, #tpu.memory_space<vmem>>[vector<16xi32>], vector<16xf32>,
      %add3A_540 = arith.constant 2 : i32
      %add3A_541 = vector.broadcast %add3A_540 : i32 to vector<16xi32>
      %add3A_542 = arith.addi %mul3A_464, %add3A_541 : vector<16xi32>
      tpu.vector_store_idx %arg15[%add3A_442, %add3A_542], %exp3A_533 : memref<80x128xf32, #tpu.memory_space<vmem>>[vector<16xi32>, vector<16xi32>], vector<16xf32>,
      %add3A_543 = arith.constant 7 : i32
      %add3A_544 = vector.broadcast %add3A_543 : i32 to vector<16xi32>
      %add3A_545 = arith.addi %mul3A_458, %add3A_544 : vector<16xi32>
      %gather3A_546 = tpu.vector_load_idx %arg12[%add3A_442, %add3A_545] : memref<80x128xf32, #tpu.memory_space<vmem>>[vector<16xi32>, vector<16xi32>], vector<16xf32>,
      %broadcast_in_dim3A_547 = arith.constant 7 : i32
      %broadcast_in_dim3A_548 = vector.broadcast %broadcast_in_dim3A_547 : i32 to vector<16xi32>
      %gather3A_549 = tpu.vector_load_idx %arg14[%add3A_442, %broadcast_in_dim3A_548] : memref<80x128xf32, #tpu.memory_space<vmem>>[vector<16xi32>, vector<16xi32>], vector<16xf32>,
      %add3A_550 = arith.addf %gather3A_549, %gather3A_546 : vector<16xf32>
      %gt3A_551 = arith.constant 0.000000e+00 : f32
      %gt3A_552 = vector.broadcast %gt3A_551 : f32 to vector<16xf32>
      %gt3A_553 = arith.cmpf ogt, %add3A_550, %gt3A_552 : vector<16xf32>
      %mul3A_554 = arith.constant 2.000000e-01 : f32
      %mul3A_555 = vector.broadcast %mul3A_554 : f32 to vector<16xf32>
      %mul3A_556 = arith.mulf %mul3A_555, %add3A_550 : vector<16xf32>
      %select_n3A_557 = arith.select %gt3A_553, %add3A_550, %mul3A_556 : vector<16xi1>, vector<16xf32>
      %sub3A_558 = arith.subf %select_n3A_557, %get3A_43 : vector<16xf32>
      %exp3A_559 = math.exp %sub3A_558 : vector<16xf32>
      %mul3A_560 = arith.constant 4 : i32
      %mul3A_561 = vector.broadcast %mul3A_560 : i32 to vector<16xi32>
      %mul3A_562 = arith.muli %add3A_442, %mul3A_561 : vector<16xi32>
      %add3A_563 = arith.constant 3 : i32
      %add3A_564 = vector.broadcast %add3A_563 : i32 to vector<16xi32>
      %add3A_565 = arith.addi %mul3A_562, %add3A_564 : vector<16xi32>
      tpu.vector_store_idx %arg16[%add3A_565], %exp3A_559 : memref<320xf32, #tpu.memory_space<vmem>>[vector<16xi32>], vector<16xf32>,
      %add3A_566 = arith.constant 3 : i32
      %add3A_567 = vector.broadcast %add3A_566 : i32 to vector<16xi32>
      %add3A_568 = arith.addi %mul3A_464, %add3A_567 : vector<16xi32>
      tpu.vector_store_idx %arg15[%add3A_442, %add3A_568], %exp3A_559 : memref<80x128xf32, #tpu.memory_space<vmem>>[vector<16xi32>, vector<16xi32>], vector<16xf32>,
      %add3A_569 = arith.constant 32 : i32
      %add3A_570 = vector.broadcast %add3A_569 : i32 to vector<16xi32>
      %add3A_571 = arith.addi %add3A_570, %iota3A : vector<16xi32>
      %get3A_572 = arith.constant 32 : index
      %get3A_573 = tpu.vector_load %arg9[%get3A_572] {strides = array<i32>} : memref<80xi32, #tpu.memory_space<vmem>>, vector<16xi32>,
      %shift_right_logical3A_574 = arith.constant 5 : i32
      %shift_right_logical3A_575 = vector.broadcast %shift_right_logical3A_574 : i32 to vector<16xi32>
      %shift_right_logical3A_576 = arith.shrui %get3A_573, %shift_right_logical3A_575 : vector<16xi32>
      %add3A_577 = arith.constant 10000 : i32
      %add3A_578 = vector.broadcast %add3A_577 : i32 to vector<16xi32>
      %add3A_579 = arith.addi %add3A_578, %shift_right_logical3A_576 : vector<16xi32>
      %swap3A_580 = arith.constant 32 : index
      %swap3A_581 = tpu.vector_load %arg11[%swap3A_580] {strides = array<i32>} : memref<80xi32, #tpu.memory_space<vmem>>, vector<16xi32>,
      tpu.vector_store %arg11[%swap3A_580], %add3A_579 {strides = array<i32>} : memref<80xi32, #tpu.memory_space<vmem>>, vector<16xi32>,
      %and3A_582 = arith.constant 15 : i32
      %and3A_583 = vector.broadcast %and3A_582 : i32 to vector<16xi32>
      %and3A_584 = arith.andi %get3A_573, %and3A_583 : vector<16xi32>
      %mul3A_585 = arith.constant 8 : i32
      %mul3A_586 = vector.broadcast %mul3A_585 : i32 to vector<16xi32>
      %mul3A_587 = arith.muli %and3A_584, %mul3A_586 : vector<16xi32>
      %and3A_588 = arith.constant 31 : i32
      %and3A_589 = vector.broadcast %and3A_588 : i32 to vector<16xi32>
      %and3A_590 = arith.andi %get3A_573, %and3A_589 : vector<16xi32>
      %mul3A_591 = arith.constant 4 : i32
      %mul3A_592 = vector.broadcast %mul3A_591 : i32 to vector<16xi32>
      %mul3A_593 = arith.muli %and3A_590, %mul3A_592 : vector<16xi32>
      %add3A_594 = arith.constant 4 : i32
      %add3A_595 = vector.broadcast %add3A_594 : i32 to vector<16xi32>
      %add3A_596 = arith.addi %mul3A_587, %add3A_595 : vector<16xi32>
      %gather3A_597 = tpu.vector_load_idx %arg12[%add3A_571, %add3A_596] : memref<80x128xf32, #tpu.memory_space<vmem>>[vector<16xi32>, vector<16xi32>], vector<16xf32>,
      %broadcast_in_dim3A_598 = arith.constant 4 : i32
      %broadcast_in_dim3A_599 = vector.broadcast %broadcast_in_dim3A_598 : i32 to vector<16xi32>
      %gather3A_600 = tpu.vector_load_idx %arg14[%add3A_571, %broadcast_in_dim3A_599] : memref<80x128xf32, #tpu.memory_space<vmem>>[vector<16xi32>, vector<16xi32>], vector<16xf32>,
      %add3A_601 = arith.addf %gather3A_600, %gather3A_597 : vector<16xf32>
      %gt3A_602 = arith.constant 0.000000e+00 : f32
      %gt3A_603 = vector.broadcast %gt3A_602 : f32 to vector<16xf32>
      %gt3A_604 = arith.cmpf ogt, %add3A_601, %gt3A_603 : vector<16xf32>
      %mul3A_605 = arith.constant 2.000000e-01 : f32
      %mul3A_606 = vector.broadcast %mul3A_605 : f32 to vector<16xf32>
      %mul3A_607 = arith.mulf %mul3A_606, %add3A_601 : vector<16xf32>
      %select_n3A_608 = arith.select %gt3A_604, %add3A_601, %mul3A_607 : vector<16xi1>, vector<16xf32>
      %sub3A_609 = arith.subf %select_n3A_608, %get3A_43 : vector<16xf32>
      %exp3A_610 = math.exp %sub3A_609 : vector<16xf32>
      %mul3A_611 = arith.constant 4 : i32
      %mul3A_612 = vector.broadcast %mul3A_611 : i32 to vector<16xi32>
      %mul3A_613 = arith.muli %add3A_571, %mul3A_612 : vector<16xi32>
      %add3A_614 = arith.constant 0 : i32
      %add3A_615 = vector.broadcast %add3A_614 : i32 to vector<16xi32>
      %add3A_616 = arith.addi %mul3A_613, %add3A_615 : vector<16xi32>
      tpu.vector_store_idx %arg16[%add3A_616], %exp3A_610 : memref<320xf32, #tpu.memory_space<vmem>>[vector<16xi32>], vector<16xf32>,
      %add3A_617 = arith.constant 0 : i32
      %add3A_618 = vector.broadcast %add3A_617 : i32 to vector<16xi32>
      %add3A_619 = arith.addi %mul3A_593, %add3A_618 : vector<16xi32>
      tpu.vector_store_idx %arg15[%add3A_571, %add3A_619], %exp3A_610 : memref<80x128xf32, #tpu.memory_space<vmem>>[vector<16xi32>, vector<16xi32>], vector<16xf32>,
      %add3A_620 = arith.constant 5 : i32
      %add3A_621 = vector.broadcast %add3A_620 : i32 to vector<16xi32>
      %add3A_622 = arith.addi %mul3A_587, %add3A_621 : vector<16xi32>
      %gather3A_623 = tpu.vector_load_idx %arg12[%add3A_571, %add3A_622] : memref<80x128xf32, #tpu.memory_space<vmem>>[vector<16xi32>, vector<16xi32>], vector<16xf32>,
      %broadcast_in_dim3A_624 = arith.constant 5 : i32
      %broadcast_in_dim3A_625 = vector.broadcast %broadcast_in_dim3A_624 : i32 to vector<16xi32>
      %gather3A_626 = tpu.vector_load_idx %arg14[%add3A_571, %broadcast_in_dim3A_625] : memref<80x128xf32, #tpu.memory_space<vmem>>[vector<16xi32>, vector<16xi32>], vector<16xf32>,
      %add3A_627 = arith.addf %gather3A_626, %gather3A_623 : vector<16xf32>
      %gt3A_628 = arith.constant 0.000000e+00 : f32
      %gt3A_629 = vector.broadcast %gt3A_628 : f32 to vector<16xf32>
      %gt3A_630 = arith.cmpf ogt, %add3A_627, %gt3A_629 : vector<16xf32>
      %mul3A_631 = arith.constant 2.000000e-01 : f32
      %mul3A_632 = vector.broadcast %mul3A_631 : f32 to vector<16xf32>
      %mul3A_633 = arith.mulf %mul3A_632, %add3A_627 : vector<16xf32>
      %select_n3A_634 = arith.select %gt3A_630, %add3A_627, %mul3A_633 : vector<16xi1>, vector<16xf32>
      %sub3A_635 = arith.subf %select_n3A_634, %get3A_43 : vector<16xf32>
      %exp3A_636 = math.exp %sub3A_635 : vector<16xf32>
      %mul3A_637 = arith.constant 4 : i32
      %mul3A_638 = vector.broadcast %mul3A_637 : i32 to vector<16xi32>
      %mul3A_639 = arith.muli %add3A_571, %mul3A_638 : vector<16xi32>
      %add3A_640 = arith.constant 1 : i32
      %add3A_641 = vector.broadcast %add3A_640 : i32 to vector<16xi32>
      %add3A_642 = arith.addi %mul3A_639, %add3A_641 : vector<16xi32>
      tpu.vector_store_idx %arg16[%add3A_642], %exp3A_636 : memref<320xf32, #tpu.memory_space<vmem>>[vector<16xi32>], vector<16xf32>,
      %add3A_643 = arith.constant 1 : i32
      %add3A_644 = vector.broadcast %add3A_643 : i32 to vector<16xi32>
      %add3A_645 = arith.addi %mul3A_593, %add3A_644 : vector<16xi32>
      tpu.vector_store_idx %arg15[%add3A_571, %add3A_645], %exp3A_636 : memref<80x128xf32, #tpu.memory_space<vmem>>[vector<16xi32>, vector<16xi32>], vector<16xf32>,
      %add3A_646 = arith.constant 6 : i32
      %add3A_647 = vector.broadcast %add3A_646 : i32 to vector<16xi32>
      %add3A_648 = arith.addi %mul3A_587, %add3A_647 : vector<16xi32>
      %gather3A_649 = tpu.vector_load_idx %arg12[%add3A_571, %add3A_648] : memref<80x128xf32, #tpu.memory_space<vmem>>[vector<16xi32>, vector<16xi32>], vector<16xf32>,
      %broadcast_in_dim3A_650 = arith.constant 6 : i32
      %broadcast_in_dim3A_651 = vector.broadcast %broadcast_in_dim3A_650 : i32 to vector<16xi32>
      %gather3A_652 = tpu.vector_load_idx %arg14[%add3A_571, %broadcast_in_dim3A_651] : memref<80x128xf32, #tpu.memory_space<vmem>>[vector<16xi32>, vector<16xi32>], vector<16xf32>,
      %add3A_653 = arith.addf %gather3A_652, %gather3A_649 : vector<16xf32>
      %gt3A_654 = arith.constant 0.000000e+00 : f32
      %gt3A_655 = vector.broadcast %gt3A_654 : f32 to vector<16xf32>
      %gt3A_656 = arith.cmpf ogt, %add3A_653, %gt3A_655 : vector<16xf32>
      %mul3A_657 = arith.constant 2.000000e-01 : f32
      %mul3A_658 = vector.broadcast %mul3A_657 : f32 to vector<16xf32>
      %mul3A_659 = arith.mulf %mul3A_658, %add3A_653 : vector<16xf32>
      %select_n3A_660 = arith.select %gt3A_656, %add3A_653, %mul3A_659 : vector<16xi1>, vector<16xf32>
      %sub3A_661 = arith.subf %select_n3A_660, %get3A_43 : vector<16xf32>
      %exp3A_662 = math.exp %sub3A_661 : vector<16xf32>
      %mul3A_663 = arith.constant 4 : i32
      %mul3A_664 = vector.broadcast %mul3A_663 : i32 to vector<16xi32>
      %mul3A_665 = arith.muli %add3A_571, %mul3A_664 : vector<16xi32>
      %add3A_666 = arith.constant 2 : i32
      %add3A_667 = vector.broadcast %add3A_666 : i32 to vector<16xi32>
      %add3A_668 = arith.addi %mul3A_665, %add3A_667 : vector<16xi32>
      tpu.vector_store_idx %arg16[%add3A_668], %exp3A_662 : memref<320xf32, #tpu.memory_space<vmem>>[vector<16xi32>], vector<16xf32>,
      %add3A_669 = arith.constant 2 : i32
      %add3A_670 = vector.broadcast %add3A_669 : i32 to vector<16xi32>
      %add3A_671 = arith.addi %mul3A_593, %add3A_670 : vector<16xi32>
      tpu.vector_store_idx %arg15[%add3A_571, %add3A_671], %exp3A_662 : memref<80x128xf32, #tpu.memory_space<vmem>>[vector<16xi32>, vector<16xi32>], vector<16xf32>,
      %add3A_672 = arith.constant 7 : i32
      %add3A_673 = vector.broadcast %add3A_672 : i32 to vector<16xi32>
      %add3A_674 = arith.addi %mul3A_587, %add3A_673 : vector<16xi32>
      %gather3A_675 = tpu.vector_load_idx %arg12[%add3A_571, %add3A_674] : memref<80x128xf32, #tpu.memory_space<vmem>>[vector<16xi32>, vector<16xi32>], vector<16xf32>,
      %broadcast_in_dim3A_676 = arith.constant 7 : i32
      %broadcast_in_dim3A_677 = vector.broadcast %broadcast_in_dim3A_676 : i32 to vector<16xi32>
      %gather3A_678 = tpu.vector_load_idx %arg14[%add3A_571, %broadcast_in_dim3A_677] : memref<80x128xf32, #tpu.memory_space<vmem>>[vector<16xi32>, vector<16xi32>], vector<16xf32>,
      %add3A_679 = arith.addf %gather3A_678, %gather3A_675 : vector<16xf32>
      %gt3A_680 = arith.constant 0.000000e+00 : f32
      %gt3A_681 = vector.broadcast %gt3A_680 : f32 to vector<16xf32>
      %gt3A_682 = arith.cmpf ogt, %add3A_679, %gt3A_681 : vector<16xf32>
      %mul3A_683 = arith.constant 2.000000e-01 : f32
      %mul3A_684 = vector.broadcast %mul3A_683 : f32 to vector<16xf32>
      %mul3A_685 = arith.mulf %mul3A_684, %add3A_679 : vector<16xf32>
      %select_n3A_686 = arith.select %gt3A_682, %add3A_679, %mul3A_685 : vector<16xi1>, vector<16xf32>
      %sub3A_687 = arith.subf %select_n3A_686, %get3A_43 : vector<16xf32>
      %exp3A_688 = math.exp %sub3A_687 : vector<16xf32>
      %mul3A_689 = arith.constant 4 : i32
      %mul3A_690 = vector.broadcast %mul3A_689 : i32 to vector<16xi32>
      %mul3A_691 = arith.muli %add3A_571, %mul3A_690 : vector<16xi32>
      %add3A_692 = arith.constant 3 : i32
      %add3A_693 = vector.broadcast %add3A_692 : i32 to vector<16xi32>
      %add3A_694 = arith.addi %mul3A_691, %add3A_693 : vector<16xi32>
      tpu.vector_store_idx %arg16[%add3A_694], %exp3A_688 : memref<320xf32, #tpu.memory_space<vmem>>[vector<16xi32>], vector<16xf32>,
      %add3A_695 = arith.constant 3 : i32
      %add3A_696 = vector.broadcast %add3A_695 : i32 to vector<16xi32>
      %add3A_697 = arith.addi %mul3A_593, %add3A_696 : vector<16xi32>
      tpu.vector_store_idx %arg15[%add3A_571, %add3A_697], %exp3A_688 : memref<80x128xf32, #tpu.memory_space<vmem>>[vector<16xi32>, vector<16xi32>], vector<16xf32>,
      %add3A_698 = arith.constant 48 : i32
      %add3A_699 = vector.broadcast %add3A_698 : i32 to vector<16xi32>
      %add3A_700 = arith.addi %add3A_699, %iota3A : vector<16xi32>
      %get3A_701 = arith.constant 48 : index
      %get3A_702 = tpu.vector_load %arg9[%get3A_701] {strides = array<i32>} : memref<80xi32, #tpu.memory_space<vmem>>, vector<16xi32>,
      %shift_right_logical3A_703 = arith.constant 5 : i32
      %shift_right_logical3A_704 = vector.broadcast %shift_right_logical3A_703 : i32 to vector<16xi32>
      %shift_right_logical3A_705 = arith.shrui %get3A_702, %shift_right_logical3A_704 : vector<16xi32>
      %add3A_706 = arith.constant 10000 : i32
      %add3A_707 = vector.broadcast %add3A_706 : i32 to vector<16xi32>
      %add3A_708 = arith.addi %add3A_707, %shift_right_logical3A_705 : vector<16xi32>
      %swap3A_709 = arith.constant 48 : index
      %swap3A_710 = tpu.vector_load %arg11[%swap3A_709] {strides = array<i32>} : memref<80xi32, #tpu.memory_space<vmem>>, vector<16xi32>,
      tpu.vector_store %arg11[%swap3A_709], %add3A_708 {strides = array<i32>} : memref<80xi32, #tpu.memory_space<vmem>>, vector<16xi32>,
      %and3A_711 = arith.constant 15 : i32
      %and3A_712 = vector.broadcast %and3A_711 : i32 to vector<16xi32>
      %and3A_713 = arith.andi %get3A_702, %and3A_712 : vector<16xi32>
      %mul3A_714 = arith.constant 8 : i32
      %mul3A_715 = vector.broadcast %mul3A_714 : i32 to vector<16xi32>
      %mul3A_716 = arith.muli %and3A_713, %mul3A_715 : vector<16xi32>
      %and3A_717 = arith.constant 31 : i32
      %and3A_718 = vector.broadcast %and3A_717 : i32 to vector<16xi32>
      %and3A_719 = arith.andi %get3A_702, %and3A_718 : vector<16xi32>
      %mul3A_720 = arith.constant 4 : i32
      %mul3A_721 = vector.broadcast %mul3A_720 : i32 to vector<16xi32>
      %mul3A_722 = arith.muli %and3A_719, %mul3A_721 : vector<16xi32>
      %add3A_723 = arith.constant 4 : i32
      %add3A_724 = vector.broadcast %add3A_723 : i32 to vector<16xi32>
      %add3A_725 = arith.addi %mul3A_716, %add3A_724 : vector<16xi32>
      %gather3A_726 = tpu.vector_load_idx %arg12[%add3A_700, %add3A_725] : memref<80x128xf32, #tpu.memory_space<vmem>>[vector<16xi32>, vector<16xi32>], vector<16xf32>,
      %broadcast_in_dim3A_727 = arith.constant 4 : i32
      %broadcast_in_dim3A_728 = vector.broadcast %broadcast_in_dim3A_727 : i32 to vector<16xi32>
      %gather3A_729 = tpu.vector_load_idx %arg14[%add3A_700, %broadcast_in_dim3A_728] : memref<80x128xf32, #tpu.memory_space<vmem>>[vector<16xi32>, vector<16xi32>], vector<16xf32>,
      %add3A_730 = arith.addf %gather3A_729, %gather3A_726 : vector<16xf32>
      %gt3A_731 = arith.constant 0.000000e+00 : f32
      %gt3A_732 = vector.broadcast %gt3A_731 : f32 to vector<16xf32>
      %gt3A_733 = arith.cmpf ogt, %add3A_730, %gt3A_732 : vector<16xf32>
      %mul3A_734 = arith.constant 2.000000e-01 : f32
      %mul3A_735 = vector.broadcast %mul3A_734 : f32 to vector<16xf32>
      %mul3A_736 = arith.mulf %mul3A_735, %add3A_730 : vector<16xf32>
      %select_n3A_737 = arith.select %gt3A_733, %add3A_730, %mul3A_736 : vector<16xi1>, vector<16xf32>
      %sub3A_738 = arith.subf %select_n3A_737, %get3A_43 : vector<16xf32>
      %exp3A_739 = math.exp %sub3A_738 : vector<16xf32>
      %mul3A_740 = arith.constant 4 : i32
      %mul3A_741 = vector.broadcast %mul3A_740 : i32 to vector<16xi32>
      %mul3A_742 = arith.muli %add3A_700, %mul3A_741 : vector<16xi32>
      %add3A_743 = arith.constant 0 : i32
      %add3A_744 = vector.broadcast %add3A_743 : i32 to vector<16xi32>
      %add3A_745 = arith.addi %mul3A_742, %add3A_744 : vector<16xi32>
      tpu.vector_store_idx %arg16[%add3A_745], %exp3A_739 : memref<320xf32, #tpu.memory_space<vmem>>[vector<16xi32>], vector<16xf32>,
      %add3A_746 = arith.constant 0 : i32
      %add3A_747 = vector.broadcast %add3A_746 : i32 to vector<16xi32>
      %add3A_748 = arith.addi %mul3A_722, %add3A_747 : vector<16xi32>
      tpu.vector_store_idx %arg15[%add3A_700, %add3A_748], %exp3A_739 : memref<80x128xf32, #tpu.memory_space<vmem>>[vector<16xi32>, vector<16xi32>], vector<16xf32>,
      %add3A_749 = arith.constant 5 : i32
      %add3A_750 = vector.broadcast %add3A_749 : i32 to vector<16xi32>
      %add3A_751 = arith.addi %mul3A_716, %add3A_750 : vector<16xi32>
      %gather3A_752 = tpu.vector_load_idx %arg12[%add3A_700, %add3A_751] : memref<80x128xf32, #tpu.memory_space<vmem>>[vector<16xi32>, vector<16xi32>], vector<16xf32>,
      %broadcast_in_dim3A_753 = arith.constant 5 : i32
      %broadcast_in_dim3A_754 = vector.broadcast %broadcast_in_dim3A_753 : i32 to vector<16xi32>
      %gather3A_755 = tpu.vector_load_idx %arg14[%add3A_700, %broadcast_in_dim3A_754] : memref<80x128xf32, #tpu.memory_space<vmem>>[vector<16xi32>, vector<16xi32>], vector<16xf32>,
      %add3A_756 = arith.addf %gather3A_755, %gather3A_752 : vector<16xf32>
      %gt3A_757 = arith.constant 0.000000e+00 : f32
      %gt3A_758 = vector.broadcast %gt3A_757 : f32 to vector<16xf32>
      %gt3A_759 = arith.cmpf ogt, %add3A_756, %gt3A_758 : vector<16xf32>
      %mul3A_760 = arith.constant 2.000000e-01 : f32
      %mul3A_761 = vector.broadcast %mul3A_760 : f32 to vector<16xf32>
      %mul3A_762 = arith.mulf %mul3A_761, %add3A_756 : vector<16xf32>
      %select_n3A_763 = arith.select %gt3A_759, %add3A_756, %mul3A_762 : vector<16xi1>, vector<16xf32>
      %sub3A_764 = arith.subf %select_n3A_763, %get3A_43 : vector<16xf32>
      %exp3A_765 = math.exp %sub3A_764 : vector<16xf32>
      %mul3A_766 = arith.constant 4 : i32
      %mul3A_767 = vector.broadcast %mul3A_766 : i32 to vector<16xi32>
      %mul3A_768 = arith.muli %add3A_700, %mul3A_767 : vector<16xi32>
      %add3A_769 = arith.constant 1 : i32
      %add3A_770 = vector.broadcast %add3A_769 : i32 to vector<16xi32>
      %add3A_771 = arith.addi %mul3A_768, %add3A_770 : vector<16xi32>
      tpu.vector_store_idx %arg16[%add3A_771], %exp3A_765 : memref<320xf32, #tpu.memory_space<vmem>>[vector<16xi32>], vector<16xf32>,
      %add3A_772 = arith.constant 1 : i32
      %add3A_773 = vector.broadcast %add3A_772 : i32 to vector<16xi32>
      %add3A_774 = arith.addi %mul3A_722, %add3A_773 : vector<16xi32>
      tpu.vector_store_idx %arg15[%add3A_700, %add3A_774], %exp3A_765 : memref<80x128xf32, #tpu.memory_space<vmem>>[vector<16xi32>, vector<16xi32>], vector<16xf32>,
      %add3A_775 = arith.constant 6 : i32
      %add3A_776 = vector.broadcast %add3A_775 : i32 to vector<16xi32>
      %add3A_777 = arith.addi %mul3A_716, %add3A_776 : vector<16xi32>
      %gather3A_778 = tpu.vector_load_idx %arg12[%add3A_700, %add3A_777] : memref<80x128xf32, #tpu.memory_space<vmem>>[vector<16xi32>, vector<16xi32>], vector<16xf32>,
      %broadcast_in_dim3A_779 = arith.constant 6 : i32
      %broadcast_in_dim3A_780 = vector.broadcast %broadcast_in_dim3A_779 : i32 to vector<16xi32>
      %gather3A_781 = tpu.vector_load_idx %arg14[%add3A_700, %broadcast_in_dim3A_780] : memref<80x128xf32, #tpu.memory_space<vmem>>[vector<16xi32>, vector<16xi32>], vector<16xf32>,
      %add3A_782 = arith.addf %gather3A_781, %gather3A_778 : vector<16xf32>
      %gt3A_783 = arith.constant 0.000000e+00 : f32
      %gt3A_784 = vector.broadcast %gt3A_783 : f32 to vector<16xf32>
      %gt3A_785 = arith.cmpf ogt, %add3A_782, %gt3A_784 : vector<16xf32>
      %mul3A_786 = arith.constant 2.000000e-01 : f32
      %mul3A_787 = vector.broadcast %mul3A_786 : f32 to vector<16xf32>
      %mul3A_788 = arith.mulf %mul3A_787, %add3A_782 : vector<16xf32>
      %select_n3A_789 = arith.select %gt3A_785, %add3A_782, %mul3A_788 : vector<16xi1>, vector<16xf32>
      %sub3A_790 = arith.subf %select_n3A_789, %get3A_43 : vector<16xf32>
      %exp3A_791 = math.exp %sub3A_790 : vector<16xf32>
      %mul3A_792 = arith.constant 4 : i32
      %mul3A_793 = vector.broadcast %mul3A_792 : i32 to vector<16xi32>
      %mul3A_794 = arith.muli %add3A_700, %mul3A_793 : vector<16xi32>
      %add3A_795 = arith.constant 2 : i32
      %add3A_796 = vector.broadcast %add3A_795 : i32 to vector<16xi32>
      %add3A_797 = arith.addi %mul3A_794, %add3A_796 : vector<16xi32>
      tpu.vector_store_idx %arg16[%add3A_797], %exp3A_791 : memref<320xf32, #tpu.memory_space<vmem>>[vector<16xi32>], vector<16xf32>,
      %add3A_798 = arith.constant 2 : i32
      %add3A_799 = vector.broadcast %add3A_798 : i32 to vector<16xi32>
      %add3A_800 = arith.addi %mul3A_722, %add3A_799 : vector<16xi32>
      tpu.vector_store_idx %arg15[%add3A_700, %add3A_800], %exp3A_791 : memref<80x128xf32, #tpu.memory_space<vmem>>[vector<16xi32>, vector<16xi32>], vector<16xf32>,
      %add3A_801 = arith.constant 7 : i32
      %add3A_802 = vector.broadcast %add3A_801 : i32 to vector<16xi32>
      %add3A_803 = arith.addi %mul3A_716, %add3A_802 : vector<16xi32>
      %gather3A_804 = tpu.vector_load_idx %arg12[%add3A_700, %add3A_803] : memref<80x128xf32, #tpu.memory_space<vmem>>[vector<16xi32>, vector<16xi32>], vector<16xf32>,
      %broadcast_in_dim3A_805 = arith.constant 7 : i32
      %broadcast_in_dim3A_806 = vector.broadcast %broadcast_in_dim3A_805 : i32 to vector<16xi32>
      %gather3A_807 = tpu.vector_load_idx %arg14[%add3A_700, %broadcast_in_dim3A_806] : memref<80x128xf32, #tpu.memory_space<vmem>>[vector<16xi32>, vector<16xi32>], vector<16xf32>,
      %add3A_808 = arith.addf %gather3A_807, %gather3A_804 : vector<16xf32>
      %gt3A_809 = arith.constant 0.000000e+00 : f32
      %gt3A_810 = vector.broadcast %gt3A_809 : f32 to vector<16xf32>
      %gt3A_811 = arith.cmpf ogt, %add3A_808, %gt3A_810 : vector<16xf32>
      %mul3A_812 = arith.constant 2.000000e-01 : f32
      %mul3A_813 = vector.broadcast %mul3A_812 : f32 to vector<16xf32>
      %mul3A_814 = arith.mulf %mul3A_813, %add3A_808 : vector<16xf32>
      %select_n3A_815 = arith.select %gt3A_811, %add3A_808, %mul3A_814 : vector<16xi1>, vector<16xf32>
      %sub3A_816 = arith.subf %select_n3A_815, %get3A_43 : vector<16xf32>
      %exp3A_817 = math.exp %sub3A_816 : vector<16xf32>
      %mul3A_818 = arith.constant 4 : i32
      %mul3A_819 = vector.broadcast %mul3A_818 : i32 to vector<16xi32>
      %mul3A_820 = arith.muli %add3A_700, %mul3A_819 : vector<16xi32>
      %add3A_821 = arith.constant 3 : i32
      %add3A_822 = vector.broadcast %add3A_821 : i32 to vector<16xi32>
      %add3A_823 = arith.addi %mul3A_820, %add3A_822 : vector<16xi32>
      tpu.vector_store_idx %arg16[%add3A_823], %exp3A_817 : memref<320xf32, #tpu.memory_space<vmem>>[vector<16xi32>], vector<16xf32>,
      %add3A_824 = arith.constant 3 : i32
      %add3A_825 = vector.broadcast %add3A_824 : i32 to vector<16xi32>
      %add3A_826 = arith.addi %mul3A_722, %add3A_825 : vector<16xi32>
      tpu.vector_store_idx %arg15[%add3A_700, %add3A_826], %exp3A_817 : memref<80x128xf32, #tpu.memory_space<vmem>>[vector<16xi32>, vector<16xi32>], vector<16xf32>,
      %add3A_827 = arith.constant 64 : i32
      %add3A_828 = vector.broadcast %add3A_827 : i32 to vector<16xi32>
      %add3A_829 = arith.addi %add3A_828, %iota3A : vector<16xi32>
      %get3A_830 = arith.constant 64 : index
      %get3A_831 = tpu.vector_load %arg9[%get3A_830] {strides = array<i32>} : memref<80xi32, #tpu.memory_space<vmem>>, vector<16xi32>,
      %shift_right_logical3A_832 = arith.constant 5 : i32
      %shift_right_logical3A_833 = vector.broadcast %shift_right_logical3A_832 : i32 to vector<16xi32>
      %shift_right_logical3A_834 = arith.shrui %get3A_831, %shift_right_logical3A_833 : vector<16xi32>
      %add3A_835 = arith.constant 10000 : i32
      %add3A_836 = vector.broadcast %add3A_835 : i32 to vector<16xi32>
      %add3A_837 = arith.addi %add3A_836, %shift_right_logical3A_834 : vector<16xi32>
      %swap3A_838 = arith.constant 64 : index
      %swap3A_839 = tpu.vector_load %arg11[%swap3A_838] {strides = array<i32>} : memref<80xi32, #tpu.memory_space<vmem>>, vector<16xi32>,
      tpu.vector_store %arg11[%swap3A_838], %add3A_837 {strides = array<i32>} : memref<80xi32, #tpu.memory_space<vmem>>, vector<16xi32>,
      %and3A_840 = arith.constant 15 : i32
      %and3A_841 = vector.broadcast %and3A_840 : i32 to vector<16xi32>
      %and3A_842 = arith.andi %get3A_831, %and3A_841 : vector<16xi32>
      %mul3A_843 = arith.constant 8 : i32
      %mul3A_844 = vector.broadcast %mul3A_843 : i32 to vector<16xi32>
      %mul3A_845 = arith.muli %and3A_842, %mul3A_844 : vector<16xi32>
      %and3A_846 = arith.constant 31 : i32
      %and3A_847 = vector.broadcast %and3A_846 : i32 to vector<16xi32>
      %and3A_848 = arith.andi %get3A_831, %and3A_847 : vector<16xi32>
      %mul3A_849 = arith.constant 4 : i32
      %mul3A_850 = vector.broadcast %mul3A_849 : i32 to vector<16xi32>
      %mul3A_851 = arith.muli %and3A_848, %mul3A_850 : vector<16xi32>
      %add3A_852 = arith.constant 4 : i32
      %add3A_853 = vector.broadcast %add3A_852 : i32 to vector<16xi32>
      %add3A_854 = arith.addi %mul3A_845, %add3A_853 : vector<16xi32>
      %gather3A_855 = tpu.vector_load_idx %arg12[%add3A_829, %add3A_854] : memref<80x128xf32, #tpu.memory_space<vmem>>[vector<16xi32>, vector<16xi32>], vector<16xf32>,
      %broadcast_in_dim3A_856 = arith.constant 4 : i32
      %broadcast_in_dim3A_857 = vector.broadcast %broadcast_in_dim3A_856 : i32 to vector<16xi32>
      %gather3A_858 = tpu.vector_load_idx %arg14[%add3A_829, %broadcast_in_dim3A_857] : memref<80x128xf32, #tpu.memory_space<vmem>>[vector<16xi32>, vector<16xi32>], vector<16xf32>,
      %add3A_859 = arith.addf %gather3A_858, %gather3A_855 : vector<16xf32>
      %gt3A_860 = arith.constant 0.000000e+00 : f32
      %gt3A_861 = vector.broadcast %gt3A_860 : f32 to vector<16xf32>
      %gt3A_862 = arith.cmpf ogt, %add3A_859, %gt3A_861 : vector<16xf32>
      %mul3A_863 = arith.constant 2.000000e-01 : f32
      %mul3A_864 = vector.broadcast %mul3A_863 : f32 to vector<16xf32>
      %mul3A_865 = arith.mulf %mul3A_864, %add3A_859 : vector<16xf32>
      %select_n3A_866 = arith.select %gt3A_862, %add3A_859, %mul3A_865 : vector<16xi1>, vector<16xf32>
      %sub3A_867 = arith.subf %select_n3A_866, %get3A_43 : vector<16xf32>
      %exp3A_868 = math.exp %sub3A_867 : vector<16xf32>
      %mul3A_869 = arith.constant 4 : i32
      %mul3A_870 = vector.broadcast %mul3A_869 : i32 to vector<16xi32>
      %mul3A_871 = arith.muli %add3A_829, %mul3A_870 : vector<16xi32>
      %add3A_872 = arith.constant 0 : i32
      %add3A_873 = vector.broadcast %add3A_872 : i32 to vector<16xi32>
      %add3A_874 = arith.addi %mul3A_871, %add3A_873 : vector<16xi32>
      tpu.vector_store_idx %arg16[%add3A_874], %exp3A_868 : memref<320xf32, #tpu.memory_space<vmem>>[vector<16xi32>], vector<16xf32>,
      %add3A_875 = arith.constant 0 : i32
      %add3A_876 = vector.broadcast %add3A_875 : i32 to vector<16xi32>
      %add3A_877 = arith.addi %mul3A_851, %add3A_876 : vector<16xi32>
      tpu.vector_store_idx %arg15[%add3A_829, %add3A_877], %exp3A_868 : memref<80x128xf32, #tpu.memory_space<vmem>>[vector<16xi32>, vector<16xi32>], vector<16xf32>,
      %add3A_878 = arith.constant 5 : i32
      %add3A_879 = vector.broadcast %add3A_878 : i32 to vector<16xi32>
      %add3A_880 = arith.addi %mul3A_845, %add3A_879 : vector<16xi32>
      %gather3A_881 = tpu.vector_load_idx %arg12[%add3A_829, %add3A_880] : memref<80x128xf32, #tpu.memory_space<vmem>>[vector<16xi32>, vector<16xi32>], vector<16xf32>,
      %broadcast_in_dim3A_882 = arith.constant 5 : i32
      %broadcast_in_dim3A_883 = vector.broadcast %broadcast_in_dim3A_882 : i32 to vector<16xi32>
      %gather3A_884 = tpu.vector_load_idx %arg14[%add3A_829, %broadcast_in_dim3A_883] : memref<80x128xf32, #tpu.memory_space<vmem>>[vector<16xi32>, vector<16xi32>], vector<16xf32>,
      %add3A_885 = arith.addf %gather3A_884, %gather3A_881 : vector<16xf32>
      %gt3A_886 = arith.constant 0.000000e+00 : f32
      %gt3A_887 = vector.broadcast %gt3A_886 : f32 to vector<16xf32>
      %gt3A_888 = arith.cmpf ogt, %add3A_885, %gt3A_887 : vector<16xf32>
      %mul3A_889 = arith.constant 2.000000e-01 : f32
      %mul3A_890 = vector.broadcast %mul3A_889 : f32 to vector<16xf32>
      %mul3A_891 = arith.mulf %mul3A_890, %add3A_885 : vector<16xf32>
      %select_n3A_892 = arith.select %gt3A_888, %add3A_885, %mul3A_891 : vector<16xi1>, vector<16xf32>
      %sub3A_893 = arith.subf %select_n3A_892, %get3A_43 : vector<16xf32>
      %exp3A_894 = math.exp %sub3A_893 : vector<16xf32>
      %mul3A_895 = arith.constant 4 : i32
      %mul3A_896 = vector.broadcast %mul3A_895 : i32 to vector<16xi32>
      %mul3A_897 = arith.muli %add3A_829, %mul3A_896 : vector<16xi32>
      %add3A_898 = arith.constant 1 : i32
      %add3A_899 = vector.broadcast %add3A_898 : i32 to vector<16xi32>
      %add3A_900 = arith.addi %mul3A_897, %add3A_899 : vector<16xi32>
      tpu.vector_store_idx %arg16[%add3A_900], %exp3A_894 : memref<320xf32, #tpu.memory_space<vmem>>[vector<16xi32>], vector<16xf32>,
      %add3A_901 = arith.constant 1 : i32
      %add3A_902 = vector.broadcast %add3A_901 : i32 to vector<16xi32>
      %add3A_903 = arith.addi %mul3A_851, %add3A_902 : vector<16xi32>
      tpu.vector_store_idx %arg15[%add3A_829, %add3A_903], %exp3A_894 : memref<80x128xf32, #tpu.memory_space<vmem>>[vector<16xi32>, vector<16xi32>], vector<16xf32>,
      %add3A_904 = arith.constant 6 : i32
      %add3A_905 = vector.broadcast %add3A_904 : i32 to vector<16xi32>
      %add3A_906 = arith.addi %mul3A_845, %add3A_905 : vector<16xi32>
      %gather3A_907 = tpu.vector_load_idx %arg12[%add3A_829, %add3A_906] : memref<80x128xf32, #tpu.memory_space<vmem>>[vector<16xi32>, vector<16xi32>], vector<16xf32>,
      %broadcast_in_dim3A_908 = arith.constant 6 : i32
      %broadcast_in_dim3A_909 = vector.broadcast %broadcast_in_dim3A_908 : i32 to vector<16xi32>
      %gather3A_910 = tpu.vector_load_idx %arg14[%add3A_829, %broadcast_in_dim3A_909] : memref<80x128xf32, #tpu.memory_space<vmem>>[vector<16xi32>, vector<16xi32>], vector<16xf32>,
      %add3A_911 = arith.addf %gather3A_910, %gather3A_907 : vector<16xf32>
      %gt3A_912 = arith.constant 0.000000e+00 : f32
      %gt3A_913 = vector.broadcast %gt3A_912 : f32 to vector<16xf32>
      %gt3A_914 = arith.cmpf ogt, %add3A_911, %gt3A_913 : vector<16xf32>
      %mul3A_915 = arith.constant 2.000000e-01 : f32
      %mul3A_916 = vector.broadcast %mul3A_915 : f32 to vector<16xf32>
      %mul3A_917 = arith.mulf %mul3A_916, %add3A_911 : vector<16xf32>
      %select_n3A_918 = arith.select %gt3A_914, %add3A_911, %mul3A_917 : vector<16xi1>, vector<16xf32>
      %sub3A_919 = arith.subf %select_n3A_918, %get3A_43 : vector<16xf32>
      %exp3A_920 = math.exp %sub3A_919 : vector<16xf32>
      %mul3A_921 = arith.constant 4 : i32
      %mul3A_922 = vector.broadcast %mul3A_921 : i32 to vector<16xi32>
      %mul3A_923 = arith.muli %add3A_829, %mul3A_922 : vector<16xi32>
      %add3A_924 = arith.constant 2 : i32
      %add3A_925 = vector.broadcast %add3A_924 : i32 to vector<16xi32>
      %add3A_926 = arith.addi %mul3A_923, %add3A_925 : vector<16xi32>
      tpu.vector_store_idx %arg16[%add3A_926], %exp3A_920 : memref<320xf32, #tpu.memory_space<vmem>>[vector<16xi32>], vector<16xf32>,
      %add3A_927 = arith.constant 2 : i32
      %add3A_928 = vector.broadcast %add3A_927 : i32 to vector<16xi32>
      %add3A_929 = arith.addi %mul3A_851, %add3A_928 : vector<16xi32>
      tpu.vector_store_idx %arg15[%add3A_829, %add3A_929], %exp3A_920 : memref<80x128xf32, #tpu.memory_space<vmem>>[vector<16xi32>, vector<16xi32>], vector<16xf32>,
      %add3A_930 = arith.constant 7 : i32
      %add3A_931 = vector.broadcast %add3A_930 : i32 to vector<16xi32>
      %add3A_932 = arith.addi %mul3A_845, %add3A_931 : vector<16xi32>
      %gather3A_933 = tpu.vector_load_idx %arg12[%add3A_829, %add3A_932] : memref<80x128xf32, #tpu.memory_space<vmem>>[vector<16xi32>, vector<16xi32>], vector<16xf32>,
      %broadcast_in_dim3A_934 = arith.constant 7 : i32
      %broadcast_in_dim3A_935 = vector.broadcast %broadcast_in_dim3A_934 : i32 to vector<16xi32>
      %gather3A_936 = tpu.vector_load_idx %arg14[%add3A_829, %broadcast_in_dim3A_935] : memref<80x128xf32, #tpu.memory_space<vmem>>[vector<16xi32>, vector<16xi32>], vector<16xf32>,
      %add3A_937 = arith.addf %gather3A_936, %gather3A_933 : vector<16xf32>
      %gt3A_938 = arith.constant 0.000000e+00 : f32
      %gt3A_939 = vector.broadcast %gt3A_938 : f32 to vector<16xf32>
      %gt3A_940 = arith.cmpf ogt, %add3A_937, %gt3A_939 : vector<16xf32>
      %mul3A_941 = arith.constant 2.000000e-01 : f32
      %mul3A_942 = vector.broadcast %mul3A_941 : f32 to vector<16xf32>
      %mul3A_943 = arith.mulf %mul3A_942, %add3A_937 : vector<16xf32>
      %select_n3A_944 = arith.select %gt3A_940, %add3A_937, %mul3A_943 : vector<16xi1>, vector<16xf32>
      %sub3A_945 = arith.subf %select_n3A_944, %get3A_43 : vector<16xf32>
      %exp3A_946 = math.exp %sub3A_945 : vector<16xf32>
      %mul3A_947 = arith.constant 4 : i32
      %mul3A_948 = vector.broadcast %mul3A_947 : i32 to vector<16xi32>
      %mul3A_949 = arith.muli %add3A_829, %mul3A_948 : vector<16xi32>
      %add3A_950 = arith.constant 3 : i32
      %add3A_951 = vector.broadcast %add3A_950 : i32 to vector<16xi32>
      %add3A_952 = arith.addi %mul3A_949, %add3A_951 : vector<16xi32>
      tpu.vector_store_idx %arg16[%add3A_952], %exp3A_946 : memref<320xf32, #tpu.memory_space<vmem>>[vector<16xi32>], vector<16xf32>,
      %add3A_953 = arith.constant 3 : i32
      %add3A_954 = vector.broadcast %add3A_953 : i32 to vector<16xi32>
      %add3A_955 = arith.addi %mul3A_851, %add3A_954 : vector<16xi32>
      tpu.vector_store_idx %arg15[%add3A_829, %add3A_955], %exp3A_946 : memref<80x128xf32, #tpu.memory_space<vmem>>[vector<16xi32>, vector<16xi32>], vector<16xf32>,
      %dma_wait3A_956 = arith.constant 0 : i32
      %dma_wait3A_957 = arith.constant 0 : i32
      %dma_wait3A_958 = tpu.memref_slice %arg2[%dma_wait3A_956, %dma_wait3A_957] : memref<10000x128xf32, #tpu.memory_space<hbm>> -> memref<10000x128xf32, #tpu.memory_space<hbm>>
      tpu.wait_indirect_dma semaphore(%arg19 : memref<!tpu.dma_semaphore, #tpu.memory_space<semaphore_mem>>) src(%dma_wait3A_958 : memref<10000x128xf32, #tpu.memory_space<hbm>>) dst(%arg13 : memref<80x128xf32, #tpu.memory_space<vmem>>)
      %scan3A_959 = arith.constant 0 : i32
      %scan3A_960 = arith.constant 0 : i32
      %scan3A_961 = arith.constant 80 : i32
      %scan3A_962 = arith.addi %scan3A_960, %scan3A_961 : i32
      %scan3A_963 = arith.constant 1 : i32
      scf.for %scan3A_1120 = %scan3A_960 to %scan3A_962 step %scan3A_963  : i32 {
        %mul3A_1121 = arith.constant 4 : i32
        %mul3A_1122 = arith.muli %scan3A_1120, %mul3A_1121 : i32
        %add3A_1123 = arith.constant 0 : i32
        %add3A_1124 = arith.addi %mul3A_1122, %add3A_1123 : i32
        %broadcast_in_dim3A_1125 = vector.broadcast %add3A_1124 : i32 to vector<16xi32>
        %gather3A_1126 = tpu.vector_load_idx %arg16[%broadcast_in_dim3A_1125] : memref<320xf32, #tpu.memory_space<vmem>>[vector<16xi32>], vector<16xf32>,
        %mul3A_1127 = arith.constant 4 : i32
        %mul3A_1128 = arith.muli %scan3A_1120, %mul3A_1127 : i32
        %add3A_1129 = arith.constant 1 : i32
        %add3A_1130 = arith.addi %mul3A_1128, %add3A_1129 : i32
        %broadcast_in_dim3A_1131 = vector.broadcast %add3A_1130 : i32 to vector<16xi32>
        %gather3A_1132 = tpu.vector_load_idx %arg16[%broadcast_in_dim3A_1131] : memref<320xf32, #tpu.memory_space<vmem>>[vector<16xi32>], vector<16xf32>,
        %mul3A_1133 = arith.constant 4 : i32
        %mul3A_1134 = arith.muli %scan3A_1120, %mul3A_1133 : i32
        %add3A_1135 = arith.constant 2 : i32
        %add3A_1136 = arith.addi %mul3A_1134, %add3A_1135 : i32
        %broadcast_in_dim3A_1137 = vector.broadcast %add3A_1136 : i32 to vector<16xi32>
        %gather3A_1138 = tpu.vector_load_idx %arg16[%broadcast_in_dim3A_1137] : memref<320xf32, #tpu.memory_space<vmem>>[vector<16xi32>], vector<16xf32>,
        %mul3A_1139 = arith.constant 4 : i32
        %mul3A_1140 = arith.muli %scan3A_1120, %mul3A_1139 : i32
        %add3A_1141 = arith.constant 3 : i32
        %add3A_1142 = arith.addi %mul3A_1140, %add3A_1141 : i32
        %broadcast_in_dim3A_1143 = vector.broadcast %add3A_1142 : i32 to vector<16xi32>
        %gather3A_1144 = tpu.vector_load_idx %arg16[%broadcast_in_dim3A_1143] : memref<320xf32, #tpu.memory_space<vmem>>[vector<16xi32>], vector<16xf32>,
        %get3A_1145 = arith.index_cast %scan3A_1120 : i32 to index
        %get3A_1146 = arith.constant 0 : index
        %get3A_1147 = tpu.vector_load %arg13[%get3A_1145, %get3A_1146] {strides = array<i32>} : memref<80x128xf32, #tpu.memory_space<vmem>>, vector<16xf32>,
        %mul3A_1148 = arith.mulf %get3A_1147, %gather3A_1126 : vector<16xf32>
        %swap3A_1149 = arith.index_cast %scan3A_1120 : i32 to index
        %swap3A_1150 = arith.constant 0 : index
        %swap3A_1151 = tpu.vector_load %arg14[%swap3A_1149, %swap3A_1150] {strides = array<i32>} : memref<80x128xf32, #tpu.memory_space<vmem>>, vector<16xf32>,
        tpu.vector_store %arg14[%swap3A_1149, %swap3A_1150], %mul3A_1148 {strides = array<i32>} : memref<80x128xf32, #tpu.memory_space<vmem>>, vector<16xf32>,
        %get3A_1152 = arith.index_cast %scan3A_1120 : i32 to index
        %get3A_1153 = arith.constant 16 : index
        %get3A_1154 = tpu.vector_load %arg13[%get3A_1152, %get3A_1153] {strides = array<i32>} : memref<80x128xf32, #tpu.memory_space<vmem>>, vector<16xf32>,
        %mul3A_1155 = arith.mulf %get3A_1154, %gather3A_1126 : vector<16xf32>
        %swap3A_1156 = arith.index_cast %scan3A_1120 : i32 to index
        %swap3A_1157 = arith.constant 16 : index
        %swap3A_1158 = tpu.vector_load %arg14[%swap3A_1156, %swap3A_1157] {strides = array<i32>} : memref<80x128xf32, #tpu.memory_space<vmem>>, vector<16xf32>,
        tpu.vector_store %arg14[%swap3A_1156, %swap3A_1157], %mul3A_1155 {strides = array<i32>} : memref<80x128xf32, #tpu.memory_space<vmem>>, vector<16xf32>,
        %get3A_1159 = arith.index_cast %scan3A_1120 : i32 to index
        %get3A_1160 = arith.constant 32 : index
        %get3A_1161 = tpu.vector_load %arg13[%get3A_1159, %get3A_1160] {strides = array<i32>} : memref<80x128xf32, #tpu.memory_space<vmem>>, vector<16xf32>,
        %mul3A_1162 = arith.mulf %get3A_1161, %gather3A_1132 : vector<16xf32>
        %swap3A_1163 = arith.index_cast %scan3A_1120 : i32 to index
        %swap3A_1164 = arith.constant 32 : index
        %swap3A_1165 = tpu.vector_load %arg14[%swap3A_1163, %swap3A_1164] {strides = array<i32>} : memref<80x128xf32, #tpu.memory_space<vmem>>, vector<16xf32>,
        tpu.vector_store %arg14[%swap3A_1163, %swap3A_1164], %mul3A_1162 {strides = array<i32>} : memref<80x128xf32, #tpu.memory_space<vmem>>, vector<16xf32>,
        %get3A_1166 = arith.index_cast %scan3A_1120 : i32 to index
        %get3A_1167 = arith.constant 48 : index
        %get3A_1168 = tpu.vector_load %arg13[%get3A_1166, %get3A_1167] {strides = array<i32>} : memref<80x128xf32, #tpu.memory_space<vmem>>, vector<16xf32>,
        %mul3A_1169 = arith.mulf %get3A_1168, %gather3A_1132 : vector<16xf32>
        %swap3A_1170 = arith.index_cast %scan3A_1120 : i32 to index
        %swap3A_1171 = arith.constant 48 : index
        %swap3A_1172 = tpu.vector_load %arg14[%swap3A_1170, %swap3A_1171] {strides = array<i32>} : memref<80x128xf32, #tpu.memory_space<vmem>>, vector<16xf32>,
        tpu.vector_store %arg14[%swap3A_1170, %swap3A_1171], %mul3A_1169 {strides = array<i32>} : memref<80x128xf32, #tpu.memory_space<vmem>>, vector<16xf32>,
        %get3A_1173 = arith.index_cast %scan3A_1120 : i32 to index
        %get3A_1174 = arith.constant 64 : index
        %get3A_1175 = tpu.vector_load %arg13[%get3A_1173, %get3A_1174] {strides = array<i32>} : memref<80x128xf32, #tpu.memory_space<vmem>>, vector<16xf32>,
        %mul3A_1176 = arith.mulf %get3A_1175, %gather3A_1138 : vector<16xf32>
        %swap3A_1177 = arith.index_cast %scan3A_1120 : i32 to index
        %swap3A_1178 = arith.constant 64 : index
        %swap3A_1179 = tpu.vector_load %arg14[%swap3A_1177, %swap3A_1178] {strides = array<i32>} : memref<80x128xf32, #tpu.memory_space<vmem>>, vector<16xf32>,
        tpu.vector_store %arg14[%swap3A_1177, %swap3A_1178], %mul3A_1176 {strides = array<i32>} : memref<80x128xf32, #tpu.memory_space<vmem>>, vector<16xf32>,
        %get3A_1180 = arith.index_cast %scan3A_1120 : i32 to index
        %get3A_1181 = arith.constant 80 : index
        %get3A_1182 = tpu.vector_load %arg13[%get3A_1180, %get3A_1181] {strides = array<i32>} : memref<80x128xf32, #tpu.memory_space<vmem>>, vector<16xf32>,
        %mul3A_1183 = arith.mulf %get3A_1182, %gather3A_1138 : vector<16xf32>
        %swap3A_1184 = arith.index_cast %scan3A_1120 : i32 to index
        %swap3A_1185 = arith.constant 80 : index
        %swap3A_1186 = tpu.vector_load %arg14[%swap3A_1184, %swap3A_1185] {strides = array<i32>} : memref<80x128xf32, #tpu.memory_space<vmem>>, vector<16xf32>,
        tpu.vector_store %arg14[%swap3A_1184, %swap3A_1185], %mul3A_1183 {strides = array<i32>} : memref<80x128xf32, #tpu.memory_space<vmem>>, vector<16xf32>,
        %get3A_1187 = arith.index_cast %scan3A_1120 : i32 to index
        %get3A_1188 = arith.constant 96 : index
        %get3A_1189 = tpu.vector_load %arg13[%get3A_1187, %get3A_1188] {strides = array<i32>} : memref<80x128xf32, #tpu.memory_space<vmem>>, vector<16xf32>,
        %mul3A_1190 = arith.mulf %get3A_1189, %gather3A_1144 : vector<16xf32>
        %swap3A_1191 = arith.index_cast %scan3A_1120 : i32 to index
        %swap3A_1192 = arith.constant 96 : index
        %swap3A_1193 = tpu.vector_load %arg14[%swap3A_1191, %swap3A_1192] {strides = array<i32>} : memref<80x128xf32, #tpu.memory_space<vmem>>, vector<16xf32>,
        tpu.vector_store %arg14[%swap3A_1191, %swap3A_1192], %mul3A_1190 {strides = array<i32>} : memref<80x128xf32, #tpu.memory_space<vmem>>, vector<16xf32>,
        %get3A_1194 = arith.index_cast %scan3A_1120 : i32 to index
        %get3A_1195 = arith.constant 112 : index
        %get3A_1196 = tpu.vector_load %arg13[%get3A_1194, %get3A_1195] {strides = array<i32>} : memref<80x128xf32, #tpu.memory_space<vmem>>, vector<16xf32>,
        %mul3A_1197 = arith.mulf %get3A_1196, %gather3A_1144 : vector<16xf32>
        %swap3A_1198 = arith.index_cast %scan3A_1120 : i32 to index
        %swap3A_1199 = arith.constant 112 : index
        %swap3A_1200 = tpu.vector_load %arg14[%swap3A_1198, %swap3A_1199] {strides = array<i32>} : memref<80x128xf32, #tpu.memory_space<vmem>>, vector<16xf32>,
        tpu.vector_store %arg14[%swap3A_1198, %swap3A_1199], %mul3A_1197 {strides = array<i32>} : memref<80x128xf32, #tpu.memory_space<vmem>>, vector<16xf32>,
      }
      %scan3A_964 = arith.constant 80 : i32
      "tpu.region"() ({
        %run_scoped3A = tpu.sem_alloc : memref<!tpu.dma_semaphore, #tpu.memory_space<semaphore_mem>>
        %dma_start3A_1120 = arith.constant 0 : i32
        %dma_start3A_1121 = arith.constant 0 : i32
        %dma_start3A_1122 = tpu.memref_slice %arg18[%dma_start3A_1120, %dma_start3A_1121] : memref<10368x128xf32, #tpu.memory_space<vmem_shared>> -> memref<10368x128xf32, #tpu.memory_space<vmem_shared>>
        tpu.enqueue_indirect_dma source(%arg14 : memref<80x128xf32, #tpu.memory_space<vmem>>) target(%dma_start3A_1122 : memref<10368x128xf32, #tpu.memory_space<vmem_shared>>) offsets(%arg9 : memref<80xi32, #tpu.memory_space<vmem>>) semaphore(%run_scoped3A : memref<!tpu.dma_semaphore, #tpu.memory_space<semaphore_mem>>) {add = true}
        %dma_wait3A_1123 = arith.constant 0 : i32
        %dma_wait3A_1124 = arith.constant 0 : i32
        %dma_wait3A_1125 = tpu.memref_slice %arg18[%dma_wait3A_1123, %dma_wait3A_1124] : memref<10368x128xf32, #tpu.memory_space<vmem_shared>> -> memref<10368x128xf32, #tpu.memory_space<vmem_shared>>
        tpu.wait_indirect_dma semaphore(%run_scoped3A : memref<!tpu.dma_semaphore, #tpu.memory_space<semaphore_mem>>) src(%arg14 : memref<80x128xf32, #tpu.memory_space<vmem>>) dst(%dma_wait3A_1125 : memref<10368x128xf32, #tpu.memory_space<vmem_shared>>)
        tpu.yield
      }) : () -> ()
      "tpu.region"() ({
        %run_scoped3A = tpu.sem_alloc : memref<!tpu.dma_semaphore, #tpu.memory_space<semaphore_mem>>
        %dma_start3A_1120 = arith.constant 0 : i32
        %dma_start3A_1121 = arith.constant 0 : i32
        %dma_start3A_1122 = tpu.memref_slice %arg18[%dma_start3A_1120, %dma_start3A_1121] : memref<10368x128xf32, #tpu.memory_space<vmem_shared>> -> memref<10368x128xf32, #tpu.memory_space<vmem_shared>>
        tpu.enqueue_indirect_dma source(%arg15 : memref<80x128xf32, #tpu.memory_space<vmem>>) target(%dma_start3A_1122 : memref<10368x128xf32, #tpu.memory_space<vmem_shared>>) offsets(%arg11 : memref<80xi32, #tpu.memory_space<vmem>>) semaphore(%run_scoped3A : memref<!tpu.dma_semaphore, #tpu.memory_space<semaphore_mem>>) {add = true}
        %dma_wait3A_1123 = arith.constant 0 : i32
        %dma_wait3A_1124 = arith.constant 0 : i32
        %dma_wait3A_1125 = tpu.memref_slice %arg18[%dma_wait3A_1123, %dma_wait3A_1124] : memref<10368x128xf32, #tpu.memory_space<vmem_shared>> -> memref<10368x128xf32, #tpu.memory_space<vmem_shared>>
        tpu.wait_indirect_dma semaphore(%run_scoped3A : memref<!tpu.dma_semaphore, #tpu.memory_space<semaphore_mem>>) src(%arg15 : memref<80x128xf32, #tpu.memory_space<vmem>>) dst(%dma_wait3A_1125 : memref<10368x128xf32, #tpu.memory_space<vmem_shared>>)
        tpu.yield
      }) : () -> ()
      %add3A_965 = arith.constant 0 : i32
      %add3A_966 = vector.broadcast %add3A_965 : i32 to vector<16xi32>
      %add3A_967 = arith.addi %add3A_966, %iota3A : vector<16xi32>
      %get3A_968 = arith.constant 0 : index
      %get3A_969 = tpu.vector_load %arg9[%get3A_968] {strides = array<i32>} : memref<80xi32, #tpu.memory_space<vmem>>, vector<16xi32>,
      %and3A_970 = arith.constant 31 : i32
      %and3A_971 = vector.broadcast %and3A_970 : i32 to vector<16xi32>
      %and3A_972 = arith.andi %get3A_969, %and3A_971 : vector<16xi32>
      %mul3A_973 = arith.constant 4 : i32
      %mul3A_974 = vector.broadcast %mul3A_973 : i32 to vector<16xi32>
      %mul3A_975 = arith.muli %and3A_972, %mul3A_974 : vector<16xi32>
      %add3A_976 = arith.constant 0 : i32
      %add3A_977 = vector.broadcast %add3A_976 : i32 to vector<16xi32>
      %add3A_978 = arith.addi %mul3A_975, %add3A_977 : vector<16xi32>
      %broadcast_in_dim3A_979 = arith.constant 0.000000e+00 : f32
      %broadcast_in_dim3A_980 = vector.broadcast %broadcast_in_dim3A_979 : f32 to vector<16xf32>
      tpu.vector_store_idx %arg15[%add3A_967, %add3A_978], %broadcast_in_dim3A_980 : memref<80x128xf32, #tpu.memory_space<vmem>>[vector<16xi32>, vector<16xi32>], vector<16xf32>,
      %add3A_981 = arith.constant 1 : i32
      %add3A_982 = vector.broadcast %add3A_981 : i32 to vector<16xi32>
      %add3A_983 = arith.addi %mul3A_975, %add3A_982 : vector<16xi32>
      %broadcast_in_dim3A_984 = arith.constant 0.000000e+00 : f32
      %broadcast_in_dim3A_985 = vector.broadcast %broadcast_in_dim3A_984 : f32 to vector<16xf32>
      tpu.vector_store_idx %arg15[%add3A_967, %add3A_983], %broadcast_in_dim3A_985 : memref<80x128xf32, #tpu.memory_space<vmem>>[vector<16xi32>, vector<16xi32>], vector<16xf32>,
      %add3A_986 = arith.constant 2 : i32
      %add3A_987 = vector.broadcast %add3A_986 : i32 to vector<16xi32>
      %add3A_988 = arith.addi %mul3A_975, %add3A_987 : vector<16xi32>
      %broadcast_in_dim3A_989 = arith.constant 0.000000e+00 : f32
      %broadcast_in_dim3A_990 = vector.broadcast %broadcast_in_dim3A_989 : f32 to vector<16xf32>
      tpu.vector_store_idx %arg15[%add3A_967, %add3A_988], %broadcast_in_dim3A_990 : memref<80x128xf32, #tpu.memory_space<vmem>>[vector<16xi32>, vector<16xi32>], vector<16xf32>,
      %add3A_991 = arith.constant 3 : i32
      %add3A_992 = vector.broadcast %add3A_991 : i32 to vector<16xi32>
      %add3A_993 = arith.addi %mul3A_975, %add3A_992 : vector<16xi32>
      %broadcast_in_dim3A_994 = arith.constant 0.000000e+00 : f32
      %broadcast_in_dim3A_995 = vector.broadcast %broadcast_in_dim3A_994 : f32 to vector<16xf32>
      tpu.vector_store_idx %arg15[%add3A_967, %add3A_993], %broadcast_in_dim3A_995 : memref<80x128xf32, #tpu.memory_space<vmem>>[vector<16xi32>, vector<16xi32>], vector<16xf32>,
      %add3A_996 = arith.constant 16 : i32
      %add3A_997 = vector.broadcast %add3A_996 : i32 to vector<16xi32>
      %add3A_998 = arith.addi %add3A_997, %iota3A : vector<16xi32>
      %get3A_999 = arith.constant 16 : index
      %get3A_1000 = tpu.vector_load %arg9[%get3A_999] {strides = array<i32>} : memref<80xi32, #tpu.memory_space<vmem>>, vector<16xi32>,
      %and3A_1001 = arith.constant 31 : i32
      %and3A_1002 = vector.broadcast %and3A_1001 : i32 to vector<16xi32>
      %and3A_1003 = arith.andi %get3A_1000, %and3A_1002 : vector<16xi32>
      %mul3A_1004 = arith.constant 4 : i32
      %mul3A_1005 = vector.broadcast %mul3A_1004 : i32 to vector<16xi32>
      %mul3A_1006 = arith.muli %and3A_1003, %mul3A_1005 : vector<16xi32>
      %add3A_1007 = arith.constant 0 : i32
      %add3A_1008 = vector.broadcast %add3A_1007 : i32 to vector<16xi32>
      %add3A_1009 = arith.addi %mul3A_1006, %add3A_1008 : vector<16xi32>
      %broadcast_in_dim3A_1010 = arith.constant 0.000000e+00 : f32
      %broadcast_in_dim3A_1011 = vector.broadcast %broadcast_in_dim3A_1010 : f32 to vector<16xf32>
      tpu.vector_store_idx %arg15[%add3A_998, %add3A_1009], %broadcast_in_dim3A_1011 : memref<80x128xf32, #tpu.memory_space<vmem>>[vector<16xi32>, vector<16xi32>], vector<16xf32>,
      %add3A_1012 = arith.constant 1 : i32
      %add3A_1013 = vector.broadcast %add3A_1012 : i32 to vector<16xi32>
      %add3A_1014 = arith.addi %mul3A_1006, %add3A_1013 : vector<16xi32>
      %broadcast_in_dim3A_1015 = arith.constant 0.000000e+00 : f32
      %broadcast_in_dim3A_1016 = vector.broadcast %broadcast_in_dim3A_1015 : f32 to vector<16xf32>
      tpu.vector_store_idx %arg15[%add3A_998, %add3A_1014], %broadcast_in_dim3A_1016 : memref<80x128xf32, #tpu.memory_space<vmem>>[vector<16xi32>, vector<16xi32>], vector<16xf32>,
      %add3A_1017 = arith.constant 2 : i32
      %add3A_1018 = vector.broadcast %add3A_1017 : i32 to vector<16xi32>
      %add3A_1019 = arith.addi %mul3A_1006, %add3A_1018 : vector<16xi32>
      %broadcast_in_dim3A_1020 = arith.constant 0.000000e+00 : f32
      %broadcast_in_dim3A_1021 = vector.broadcast %broadcast_in_dim3A_1020 : f32 to vector<16xf32>
      tpu.vector_store_idx %arg15[%add3A_998, %add3A_1019], %broadcast_in_dim3A_1021 : memref<80x128xf32, #tpu.memory_space<vmem>>[vector<16xi32>, vector<16xi32>], vector<16xf32>,
      %add3A_1022 = arith.constant 3 : i32
      %add3A_1023 = vector.broadcast %add3A_1022 : i32 to vector<16xi32>
      %add3A_1024 = arith.addi %mul3A_1006, %add3A_1023 : vector<16xi32>
      %broadcast_in_dim3A_1025 = arith.constant 0.000000e+00 : f32
      %broadcast_in_dim3A_1026 = vector.broadcast %broadcast_in_dim3A_1025 : f32 to vector<16xf32>
      tpu.vector_store_idx %arg15[%add3A_998, %add3A_1024], %broadcast_in_dim3A_1026 : memref<80x128xf32, #tpu.memory_space<vmem>>[vector<16xi32>, vector<16xi32>], vector<16xf32>,
      %add3A_1027 = arith.constant 32 : i32
      %add3A_1028 = vector.broadcast %add3A_1027 : i32 to vector<16xi32>
      %add3A_1029 = arith.addi %add3A_1028, %iota3A : vector<16xi32>
      %get3A_1030 = arith.constant 32 : index
      %get3A_1031 = tpu.vector_load %arg9[%get3A_1030] {strides = array<i32>} : memref<80xi32, #tpu.memory_space<vmem>>, vector<16xi32>,
      %and3A_1032 = arith.constant 31 : i32
      %and3A_1033 = vector.broadcast %and3A_1032 : i32 to vector<16xi32>
      %and3A_1034 = arith.andi %get3A_1031, %and3A_1033 : vector<16xi32>
      %mul3A_1035 = arith.constant 4 : i32
      %mul3A_1036 = vector.broadcast %mul3A_1035 : i32 to vector<16xi32>
      %mul3A_1037 = arith.muli %and3A_1034, %mul3A_1036 : vector<16xi32>
      %add3A_1038 = arith.constant 0 : i32
      %add3A_1039 = vector.broadcast %add3A_1038 : i32 to vector<16xi32>
      %add3A_1040 = arith.addi %mul3A_1037, %add3A_1039 : vector<16xi32>
      %broadcast_in_dim3A_1041 = arith.constant 0.000000e+00 : f32
      %broadcast_in_dim3A_1042 = vector.broadcast %broadcast_in_dim3A_1041 : f32 to vector<16xf32>
      tpu.vector_store_idx %arg15[%add3A_1029, %add3A_1040], %broadcast_in_dim3A_1042 : memref<80x128xf32, #tpu.memory_space<vmem>>[vector<16xi32>, vector<16xi32>], vector<16xf32>,
      %add3A_1043 = arith.constant 1 : i32
      %add3A_1044 = vector.broadcast %add3A_1043 : i32 to vector<16xi32>
      %add3A_1045 = arith.addi %mul3A_1037, %add3A_1044 : vector<16xi32>
      %broadcast_in_dim3A_1046 = arith.constant 0.000000e+00 : f32
      %broadcast_in_dim3A_1047 = vector.broadcast %broadcast_in_dim3A_1046 : f32 to vector<16xf32>
      tpu.vector_store_idx %arg15[%add3A_1029, %add3A_1045], %broadcast_in_dim3A_1047 : memref<80x128xf32, #tpu.memory_space<vmem>>[vector<16xi32>, vector<16xi32>], vector<16xf32>,
      %add3A_1048 = arith.constant 2 : i32
      %add3A_1049 = vector.broadcast %add3A_1048 : i32 to vector<16xi32>
      %add3A_1050 = arith.addi %mul3A_1037, %add3A_1049 : vector<16xi32>
      %broadcast_in_dim3A_1051 = arith.constant 0.000000e+00 : f32
      %broadcast_in_dim3A_1052 = vector.broadcast %broadcast_in_dim3A_1051 : f32 to vector<16xf32>
      tpu.vector_store_idx %arg15[%add3A_1029, %add3A_1050], %broadcast_in_dim3A_1052 : memref<80x128xf32, #tpu.memory_space<vmem>>[vector<16xi32>, vector<16xi32>], vector<16xf32>,
      %add3A_1053 = arith.constant 3 : i32
      %add3A_1054 = vector.broadcast %add3A_1053 : i32 to vector<16xi32>
      %add3A_1055 = arith.addi %mul3A_1037, %add3A_1054 : vector<16xi32>
      %broadcast_in_dim3A_1056 = arith.constant 0.000000e+00 : f32
      %broadcast_in_dim3A_1057 = vector.broadcast %broadcast_in_dim3A_1056 : f32 to vector<16xf32>
      tpu.vector_store_idx %arg15[%add3A_1029, %add3A_1055], %broadcast_in_dim3A_1057 : memref<80x128xf32, #tpu.memory_space<vmem>>[vector<16xi32>, vector<16xi32>], vector<16xf32>,
      %add3A_1058 = arith.constant 48 : i32
      %add3A_1059 = vector.broadcast %add3A_1058 : i32 to vector<16xi32>
      %add3A_1060 = arith.addi %add3A_1059, %iota3A : vector<16xi32>
      %get3A_1061 = arith.constant 48 : index
      %get3A_1062 = tpu.vector_load %arg9[%get3A_1061] {strides = array<i32>} : memref<80xi32, #tpu.memory_space<vmem>>, vector<16xi32>,
      %and3A_1063 = arith.constant 31 : i32
      %and3A_1064 = vector.broadcast %and3A_1063 : i32 to vector<16xi32>
      %and3A_1065 = arith.andi %get3A_1062, %and3A_1064 : vector<16xi32>
      %mul3A_1066 = arith.constant 4 : i32
      %mul3A_1067 = vector.broadcast %mul3A_1066 : i32 to vector<16xi32>
      %mul3A_1068 = arith.muli %and3A_1065, %mul3A_1067 : vector<16xi32>
      %add3A_1069 = arith.constant 0 : i32
      %add3A_1070 = vector.broadcast %add3A_1069 : i32 to vector<16xi32>
      %add3A_1071 = arith.addi %mul3A_1068, %add3A_1070 : vector<16xi32>
      %broadcast_in_dim3A_1072 = arith.constant 0.000000e+00 : f32
      %broadcast_in_dim3A_1073 = vector.broadcast %broadcast_in_dim3A_1072 : f32 to vector<16xf32>
      tpu.vector_store_idx %arg15[%add3A_1060, %add3A_1071], %broadcast_in_dim3A_1073 : memref<80x128xf32, #tpu.memory_space<vmem>>[vector<16xi32>, vector<16xi32>], vector<16xf32>,
      %add3A_1074 = arith.constant 1 : i32
      %add3A_1075 = vector.broadcast %add3A_1074 : i32 to vector<16xi32>
      %add3A_1076 = arith.addi %mul3A_1068, %add3A_1075 : vector<16xi32>
      %broadcast_in_dim3A_1077 = arith.constant 0.000000e+00 : f32
      %broadcast_in_dim3A_1078 = vector.broadcast %broadcast_in_dim3A_1077 : f32 to vector<16xf32>
      tpu.vector_store_idx %arg15[%add3A_1060, %add3A_1076], %broadcast_in_dim3A_1078 : memref<80x128xf32, #tpu.memory_space<vmem>>[vector<16xi32>, vector<16xi32>], vector<16xf32>,
      %add3A_1079 = arith.constant 2 : i32
      %add3A_1080 = vector.broadcast %add3A_1079 : i32 to vector<16xi32>
      %add3A_1081 = arith.addi %mul3A_1068, %add3A_1080 : vector<16xi32>
      %broadcast_in_dim3A_1082 = arith.constant 0.000000e+00 : f32
      %broadcast_in_dim3A_1083 = vector.broadcast %broadcast_in_dim3A_1082 : f32 to vector<16xf32>
      tpu.vector_store_idx %arg15[%add3A_1060, %add3A_1081], %broadcast_in_dim3A_1083 : memref<80x128xf32, #tpu.memory_space<vmem>>[vector<16xi32>, vector<16xi32>], vector<16xf32>,
      %add3A_1084 = arith.constant 3 : i32
      %add3A_1085 = vector.broadcast %add3A_1084 : i32 to vector<16xi32>
      %add3A_1086 = arith.addi %mul3A_1068, %add3A_1085 : vector<16xi32>
      %broadcast_in_dim3A_1087 = arith.constant 0.000000e+00 : f32
      %broadcast_in_dim3A_1088 = vector.broadcast %broadcast_in_dim3A_1087 : f32 to vector<16xf32>
      tpu.vector_store_idx %arg15[%add3A_1060, %add3A_1086], %broadcast_in_dim3A_1088 : memref<80x128xf32, #tpu.memory_space<vmem>>[vector<16xi32>, vector<16xi32>], vector<16xf32>,
      %add3A_1089 = arith.constant 64 : i32
      %add3A_1090 = vector.broadcast %add3A_1089 : i32 to vector<16xi32>
      %add3A_1091 = arith.addi %add3A_1090, %iota3A : vector<16xi32>
      %get3A_1092 = arith.constant 64 : index
      %get3A_1093 = tpu.vector_load %arg9[%get3A_1092] {strides = array<i32>} : memref<80xi32, #tpu.memory_space<vmem>>, vector<16xi32>,
      %and3A_1094 = arith.constant 31 : i32
      %and3A_1095 = vector.broadcast %and3A_1094 : i32 to vector<16xi32>
      %and3A_1096 = arith.andi %get3A_1093, %and3A_1095 : vector<16xi32>
      %mul3A_1097 = arith.constant 4 : i32
      %mul3A_1098 = vector.broadcast %mul3A_1097 : i32 to vector<16xi32>
      %mul3A_1099 = arith.muli %and3A_1096, %mul3A_1098 : vector<16xi32>
      %add3A_1100 = arith.constant 0 : i32
      %add3A_1101 = vector.broadcast %add3A_1100 : i32 to vector<16xi32>
      %add3A_1102 = arith.addi %mul3A_1099, %add3A_1101 : vector<16xi32>
      %broadcast_in_dim3A_1103 = arith.constant 0.000000e+00 : f32
      %broadcast_in_dim3A_1104 = vector.broadcast %broadcast_in_dim3A_1103 : f32 to vector<16xf32>
      tpu.vector_store_idx %arg15[%add3A_1091, %add3A_1102], %broadcast_in_dim3A_1104 : memref<80x128xf32, #tpu.memory_space<vmem>>[vector<16xi32>, vector<16xi32>], vector<16xf32>,
      %add3A_1105 = arith.constant 1 : i32
      %add3A_1106 = vector.broadcast %add3A_1105 : i32 to vector<16xi32>
      %add3A_1107 = arith.addi %mul3A_1099, %add3A_1106 : vector<16xi32>
      %broadcast_in_dim3A_1108 = arith.constant 0.000000e+00 : f32
      %broadcast_in_dim3A_1109 = vector.broadcast %broadcast_in_dim3A_1108 : f32 to vector<16xf32>
      tpu.vector_store_idx %arg15[%add3A_1091, %add3A_1107], %broadcast_in_dim3A_1109 : memref<80x128xf32, #tpu.memory_space<vmem>>[vector<16xi32>, vector<16xi32>], vector<16xf32>,
      %add3A_1110 = arith.constant 2 : i32
      %add3A_1111 = vector.broadcast %add3A_1110 : i32 to vector<16xi32>
      %add3A_1112 = arith.addi %mul3A_1099, %add3A_1111 : vector<16xi32>
      %broadcast_in_dim3A_1113 = arith.constant 0.000000e+00 : f32
      %broadcast_in_dim3A_1114 = vector.broadcast %broadcast_in_dim3A_1113 : f32 to vector<16xf32>
      tpu.vector_store_idx %arg15[%add3A_1091, %add3A_1112], %broadcast_in_dim3A_1114 : memref<80x128xf32, #tpu.memory_space<vmem>>[vector<16xi32>, vector<16xi32>], vector<16xf32>,
      %add3A_1115 = arith.constant 3 : i32
      %add3A_1116 = vector.broadcast %add3A_1115 : i32 to vector<16xi32>
      %add3A_1117 = arith.addi %mul3A_1099, %add3A_1116 : vector<16xi32>
      %broadcast_in_dim3A_1118 = arith.constant 0.000000e+00 : f32
      %broadcast_in_dim3A_1119 = vector.broadcast %broadcast_in_dim3A_1118 : f32 to vector<16xf32>
      tpu.vector_store_idx %arg15[%add3A_1091, %add3A_1117], %broadcast_in_dim3A_1119 : memref<80x128xf32, #tpu.memory_space<vmem>>[vector<16xi32>, vector<16xi32>], vector<16xf32>,
    }
    %scan3A_49 = arith.constant 125 : i32
    %barrier3A_50 = arith.constant 0 : index
    tpu.barrier barrier_id(%barrier3A_50)
    %mul3A_51 = arith.constant 648 : i32
    %mul3A_52 = arith.muli %arg1, %mul3A_51 : i32
    %mul3A_53 = arith.constant 648 : i32
    %mul3A_54 = arith.muli %arg1, %mul3A_53 : i32
    "tpu.region"() ({
      %run_scoped3A = tpu.sem_alloc : memref<!tpu.dma_semaphore, #tpu.memory_space<semaphore_mem>>
      %dma_start3A = arith.constant 0 : i32
      %dma_start3A_55 = tpu.memref_slice %arg7[%arg0, %mul3A_54, %dma_start3A] : memref<2x10368x128xf32, #tpu.memory_space<hbm>> -> memref<1x648x128xf32, #tpu.memory_space<hbm>>
      %dma_start3A_56 = tpu.memref_squeeze %dma_start3A_55 : memref<1x648x128xf32, #tpu.memory_space<hbm>> -> memref<648x128xf32, #tpu.memory_space<hbm>>
      %dma_start3A_57 = arith.constant 0 : i32
      %dma_start3A_58 = tpu.memref_slice %arg18[%mul3A_52, %dma_start3A_57] : memref<10368x128xf32, #tpu.memory_space<vmem_shared>> -> memref<648x128xf32, #tpu.memory_space<vmem_shared>>
      tpu.enqueue_dma source(%dma_start3A_58 : memref<648x128xf32, #tpu.memory_space<vmem_shared>>) target(%dma_start3A_56 : memref<648x128xf32, #tpu.memory_space<hbm>>) target_semaphore(%run_scoped3A : memref<!tpu.dma_semaphore, #tpu.memory_space<semaphore_mem>>)
      %dma_wait3A = arith.constant 0 : i32
      %dma_wait3A_59 = tpu.memref_slice %arg7[%arg0, %mul3A_54, %dma_wait3A] : memref<2x10368x128xf32, #tpu.memory_space<hbm>> -> memref<1x648x128xf32, #tpu.memory_space<hbm>>
      %dma_wait3A_60 = tpu.memref_squeeze %dma_wait3A_59 : memref<1x648x128xf32, #tpu.memory_space<hbm>> -> memref<648x128xf32, #tpu.memory_space<hbm>>
      %dma_wait3A_61 = arith.constant 0 : i32
      %dma_wait3A_62 = tpu.memref_slice %arg18[%mul3A_52, %dma_wait3A_61] : memref<10368x128xf32, #tpu.memory_space<vmem_shared>> -> memref<648x128xf32, #tpu.memory_space<vmem_shared>>
      tpu.wait_dma2 semaphore(%run_scoped3A : memref<!tpu.dma_semaphore, #tpu.memory_space<semaphore_mem>>) src(%dma_wait3A_62 : memref<648x128xf32, #tpu.memory_space<vmem_shared>>) dst(%dma_wait3A_60 : memref<648x128xf32, #tpu.memory_space<hbm>>)
      tpu.yield
    }) : () -> ()
    return
  }
}

#map = affine_map<(d0, d1) -> (0, 0)>
#map1 = affine_map<(d0, d1) -> (0)>
#map2 = affine_map<(d0, d1) -> (0, 0, 0)>
module attributes {stable_mosaic.version = 14 : i64} {
  func.func @_edge_body(%arg0: i32, %arg1: i32, %arg2: memref<10000x128xf32, #tpu.memory_space<hbm>>, %arg3: memref<625x128xf32, #tpu.memory_space<hbm>>, %arg4: memref<16xf32, #tpu.memory_space<hbm>>, %arg5: memref<320000xi32, #tpu.memory_space<hbm>>, %arg6: memref<320000xi32, #tpu.memory_space<hbm>>, %arg7: memref<2x10368x128xf32, #tpu.memory_space<hbm>>, %arg8: memref<80xi32, #tpu.memory_space<vmem>>, %arg9: memref<80xi32, #tpu.memory_space<vmem>>, %arg10: memref<80xi32, #tpu.memory_space<vmem>>, %arg11: memref<80xi32, #tpu.memory_space<vmem>>, %arg12: memref<80x128xf32, #tpu.memory_space<vmem>>, %arg13: memref<80x128xf32, #tpu.memory_space<vmem>>, %arg14: memref<80x128xf32, #tpu.memory_space<vmem>>, %arg15: memref<80x128xf32, #tpu.memory_space<vmem>>, %arg16: memref<320xf32, #tpu.memory_space<vmem>>, %arg17: memref<16xf32, #tpu.memory_space<vmem>>, %arg18: memref<10368x128xf32, #tpu.memory_space<vmem_shared>>, %arg19: memref<!tpu.dma_semaphore, #tpu.memory_space<semaphore_mem>>, %arg20: memref<!tpu.dma_semaphore, #tpu.memory_space<semaphore_mem>>) attributes {dimension_semantics = [#tpu.dimension_semantics<core_parallel>, #tpu.dimension_semantics<subcore_parallel>], iteration_bounds = array<i64: 2, 16>, scalar_prefetch = 0 : i64, scratch_operands = 13 : i64, tpu.core_type = #tpu.core_type<sc_vector_subcore>, window_params = [{transform_indices = #map}, {transform_indices = #map}, {transform_indices = #map1}, {transform_indices = #map1}, {transform_indices = #map1}, {transform_indices = #map2}]} {
    %mul3A = arith.constant 16 : i32
    %mul3A_0 = arith.muli %arg0, %mul3A : i32
    %add3A = arith.addi %mul3A_0, %arg1 : i32
    %iota3A = tpu.iota {dimensions = array<i32: 0>} : vector<16xi32>
    %broadcast_in_dim3A = arith.constant 0.000000e+00 : f32
    %broadcast_in_dim3A_1 = vector.broadcast %broadcast_in_dim3A : f32 to vector<16xf32>
    %scan3A = arith.constant 0 : i32
    %scan3A_2 = arith.constant 0 : i32
    %scan3A_3 = arith.constant 640 : i32
    %scan3A_4 = arith.addi %scan3A_2, %scan3A_3 : i32
    %scan3A_5 = arith.constant 1 : i32
    scf.for %scan3A_55 = %scan3A_2 to %scan3A_4 step %scan3A_5  : i32 {
      %jit3A = arith.constant 8 : i32
      %div3A = arith.divsi %scan3A_55, %jit3A : i32
      %sign3A = arith.constant 0 : i32
      %sign3A_56 = arith.cmpi sgt, %scan3A_55, %sign3A : i32
      %sign3A_57 = arith.extui %sign3A_56 : i1 to i32
      %sign3A_58 = arith.constant 0 : i32
      %sign3A_59 = arith.cmpi slt, %scan3A_55, %sign3A_58 : i32
      %sign3A_60 = arith.extui %sign3A_59 : i1 to i32
      %sign3A_61 = arith.subi %sign3A_57, %sign3A_60 : i32
      %sign3A_62 = arith.constant 0 : i32
      %sign3A_63 = arith.cmpi sgt, %jit3A, %sign3A_62 : i32
      %sign3A_64 = arith.extui %sign3A_63 : i1 to i32
      %sign3A_65 = arith.constant 0 : i32
      %sign3A_66 = arith.cmpi slt, %jit3A, %sign3A_65 : i32
      %sign3A_67 = arith.extui %sign3A_66 : i1 to i32
      %sign3A_68 = arith.subi %sign3A_64, %sign3A_67 : i32
      %ne3A = arith.cmpi ne, %sign3A_61, %sign3A_68 : i32
      %rem3A = arith.remsi %scan3A_55, %jit3A : i32
      %ne3A_69 = arith.constant 0 : i32
      %ne3A_70 = arith.cmpi ne, %rem3A, %ne3A_69 : i32
      %and3A = arith.andi %ne3A, %ne3A_70 : i1
      %sub3A = arith.constant 1 : i32
      %sub3A_71 = arith.subi %div3A, %sub3A : i32
      %select_n3A = arith.select %and3A, %sub3A_71, %div3A : i32
      %jit3A_72 = arith.constant 8 : i32
      %eq3A = arith.constant 0 : i32
      %eq3A_73 = arith.cmpi eq, %jit3A_72, %eq3A : i32
      %jit3A_74 = arith.constant 1 : i32
      %select_n3A_75 = arith.select %eq3A_73, %jit3A_74, %jit3A_72 : i32
      %rem3A_76 = arith.remsi %scan3A_55, %select_n3A_75 : i32
      %ne3A_77 = arith.constant 0 : i32
      %ne3A_78 = arith.cmpi ne, %rem3A_76, %ne3A_77 : i32
      %lt3A = arith.constant 0 : i32
      %lt3A_79 = arith.cmpi slt, %rem3A_76, %lt3A : i32
      %lt3A_80 = arith.constant 0 : i32
      %lt3A_81 = arith.cmpi slt, %select_n3A_75, %lt3A_80 : i32
      %ne3A_82 = arith.xori %lt3A_79, %lt3A_81 : i1
      %and3A_83 = arith.andi %ne3A_82, %ne3A_78 : i1
      %add3A_84 = arith.addi %rem3A_76, %select_n3A_75 : i32
      %select_n3A_85 = arith.select %and3A_83, %add3A_84, %rem3A_76 : i32
      %mul3A_86 = arith.constant 16 : i32
      %mul3A_87 = arith.muli %select_n3A_85, %mul3A_86 : i32
      %swap3A = arith.index_cast %select_n3A : i32 to index
      %swap3A_88 = arith.index_cast %mul3A_87 : i32 to index
      %swap3A_89 = tpu.vector_load %arg14[%swap3A, %swap3A_88] {strides = array<i32>} : memref<80x128xf32, #tpu.memory_space<vmem>>, vector<16xf32>,
      tpu.vector_store %arg14[%swap3A, %swap3A_88], %broadcast_in_dim3A_1 {strides = array<i32>} : memref<80x128xf32, #tpu.memory_space<vmem>>, vector<16xf32>,
      %jit3A_90 = arith.constant 8 : i32
      %div3A_91 = arith.divsi %scan3A_55, %jit3A_90 : i32
      %sign3A_92 = arith.constant 0 : i32
      %sign3A_93 = arith.cmpi sgt, %scan3A_55, %sign3A_92 : i32
      %sign3A_94 = arith.extui %sign3A_93 : i1 to i32
      %sign3A_95 = arith.constant 0 : i32
      %sign3A_96 = arith.cmpi slt, %scan3A_55, %sign3A_95 : i32
      %sign3A_97 = arith.extui %sign3A_96 : i1 to i32
      %sign3A_98 = arith.subi %sign3A_94, %sign3A_97 : i32
      %sign3A_99 = arith.constant 0 : i32
      %sign3A_100 = arith.cmpi sgt, %jit3A_90, %sign3A_99 : i32
      %sign3A_101 = arith.extui %sign3A_100 : i1 to i32
      %sign3A_102 = arith.constant 0 : i32
      %sign3A_103 = arith.cmpi slt, %jit3A_90, %sign3A_102 : i32
      %sign3A_104 = arith.extui %sign3A_103 : i1 to i32
      %sign3A_105 = arith.subi %sign3A_101, %sign3A_104 : i32
      %ne3A_106 = arith.cmpi ne, %sign3A_98, %sign3A_105 : i32
      %rem3A_107 = arith.remsi %scan3A_55, %jit3A_90 : i32
      %ne3A_108 = arith.constant 0 : i32
      %ne3A_109 = arith.cmpi ne, %rem3A_107, %ne3A_108 : i32
      %and3A_110 = arith.andi %ne3A_106, %ne3A_109 : i1
      %sub3A_111 = arith.constant 1 : i32
      %sub3A_112 = arith.subi %div3A_91, %sub3A_111 : i32
      %select_n3A_113 = arith.select %and3A_110, %sub3A_112, %div3A_91 : i32
      %jit3A_114 = arith.constant 8 : i32
      %eq3A_115 = arith.constant 0 : i32
      %eq3A_116 = arith.cmpi eq, %jit3A_114, %eq3A_115 : i32
      %jit3A_117 = arith.constant 1 : i32
      %select_n3A_118 = arith.select %eq3A_116, %jit3A_117, %jit3A_114 : i32
      %rem3A_119 = arith.remsi %scan3A_55, %select_n3A_118 : i32
      %ne3A_120 = arith.constant 0 : i32
      %ne3A_121 = arith.cmpi ne, %rem3A_119, %ne3A_120 : i32
      %lt3A_122 = arith.constant 0 : i32
      %lt3A_123 = arith.cmpi slt, %rem3A_119, %lt3A_122 : i32
      %lt3A_124 = arith.constant 0 : i32
      %lt3A_125 = arith.cmpi slt, %select_n3A_118, %lt3A_124 : i32
      %ne3A_126 = arith.xori %lt3A_123, %lt3A_125 : i1
      %and3A_127 = arith.andi %ne3A_126, %ne3A_121 : i1
      %add3A_128 = arith.addi %rem3A_119, %select_n3A_118 : i32
      %select_n3A_129 = arith.select %and3A_127, %add3A_128, %rem3A_119 : i32
      %mul3A_130 = arith.constant 16 : i32
      %mul3A_131 = arith.muli %select_n3A_129, %mul3A_130 : i32
      %swap3A_132 = arith.index_cast %select_n3A_113 : i32 to index
      %swap3A_133 = arith.index_cast %mul3A_131 : i32 to index
      %swap3A_134 = tpu.vector_load %arg15[%swap3A_132, %swap3A_133] {strides = array<i32>} : memref<80x128xf32, #tpu.memory_space<vmem>>, vector<16xf32>,
      tpu.vector_store %arg15[%swap3A_132, %swap3A_133], %broadcast_in_dim3A_1 {strides = array<i32>} : memref<80x128xf32, #tpu.memory_space<vmem>>, vector<16xf32>,
    }
    %scan3A_6 = arith.constant 640 : i32
    %mul3A_7 = arith.constant 648 : i32
    %mul3A_8 = arith.muli %arg1, %mul3A_7 : i32
    %add3A_9 = arith.constant 0 : i32
    %add3A_10 = arith.addi %mul3A_8, %add3A_9 : i32
    "tpu.region"() ({
      %run_scoped3A = tpu.sem_alloc : memref<!tpu.dma_semaphore, #tpu.memory_space<semaphore_mem>>
      %dma_start3A = arith.constant 0 : i32
      %dma_start3A_55 = tpu.memref_slice %arg18[%add3A_10, %dma_start3A] : memref<10368x128xf32, #tpu.memory_space<vmem_shared>> -> memref<80x128xf32, #tpu.memory_space<vmem_shared>>
      %dma_start3A_56 = arith.constant 0 : i32
      %dma_start3A_57 = tpu.memref_slice %arg18[%add3A_10, %dma_start3A_56] : memref<10368x128xf32, #tpu.memory_space<vmem_shared>> -> memref<80x128xf32, #tpu.memory_space<vmem_shared>>
      tpu.enqueue_dma source(%arg14 : memref<80x128xf32, #tpu.memory_space<vmem>>) target(%dma_start3A_57 : memref<80x128xf32, #tpu.memory_space<vmem_shared>>) target_semaphore(%run_scoped3A : memref<!tpu.dma_semaphore, #tpu.memory_space<semaphore_mem>>)
      %dma_wait3A = arith.constant 0 : i32
      %dma_wait3A_58 = tpu.memref_slice %arg18[%add3A_10, %dma_wait3A] : memref<10368x128xf32, #tpu.memory_space<vmem_shared>> -> memref<80x128xf32, #tpu.memory_space<vmem_shared>>
      %dma_wait3A_59 = arith.constant 0 : i32
      %dma_wait3A_60 = tpu.memref_slice %arg18[%add3A_10, %dma_wait3A_59] : memref<10368x128xf32, #tpu.memory_space<vmem_shared>> -> memref<80x128xf32, #tpu.memory_space<vmem_shared>>
      tpu.wait_dma2 semaphore(%run_scoped3A : memref<!tpu.dma_semaphore, #tpu.memory_space<semaphore_mem>>) src(%arg14 : memref<80x128xf32, #tpu.memory_space<vmem>>) dst(%dma_wait3A_60 : memref<80x128xf32, #tpu.memory_space<vmem_shared>>)
      tpu.yield
    }) : () -> ()
    %mul3A_11 = arith.constant 648 : i32
    %mul3A_12 = arith.muli %arg1, %mul3A_11 : i32
    %add3A_13 = arith.constant 80 : i32
    %add3A_14 = arith.addi %mul3A_12, %add3A_13 : i32
    "tpu.region"() ({
      %run_scoped3A = tpu.sem_alloc : memref<!tpu.dma_semaphore, #tpu.memory_space<semaphore_mem>>
      %dma_start3A = arith.constant 0 : i32
      %dma_start3A_55 = tpu.memref_slice %arg18[%add3A_14, %dma_start3A] : memref<10368x128xf32, #tpu.memory_space<vmem_shared>> -> memref<80x128xf32, #tpu.memory_space<vmem_shared>>
      %dma_start3A_56 = arith.constant 0 : i32
      %dma_start3A_57 = tpu.memref_slice %arg18[%add3A_14, %dma_start3A_56] : memref<10368x128xf32, #tpu.memory_space<vmem_shared>> -> memref<80x128xf32, #tpu.memory_space<vmem_shared>>
      tpu.enqueue_dma source(%arg14 : memref<80x128xf32, #tpu.memory_space<vmem>>) target(%dma_start3A_57 : memref<80x128xf32, #tpu.memory_space<vmem_shared>>) target_semaphore(%run_scoped3A : memref<!tpu.dma_semaphore, #tpu.memory_space<semaphore_mem>>)
      %dma_wait3A = arith.constant 0 : i32
      %dma_wait3A_58 = tpu.memref_slice %arg18[%add3A_14, %dma_wait3A] : memref<10368x128xf32, #tpu.memory_space<vmem_shared>> -> memref<80x128xf32, #tpu.memory_space<vmem_shared>>
      %dma_wait3A_59 = arith.constant 0 : i32
      %dma_wait3A_60 = tpu.memref_slice %arg18[%add3A_14, %dma_wait3A_59] : memref<10368x128xf32, #tpu.memory_space<vmem_shared>> -> memref<80x128xf32, #tpu.memory_space<vmem_shared>>
      tpu.wait_dma2 semaphore(%run_scoped3A : memref<!tpu.dma_semaphore, #tpu.memory_space<semaphore_mem>>) src(%arg14 : memref<80x128xf32, #tpu.memory_space<vmem>>) dst(%dma_wait3A_60 : memref<80x128xf32, #tpu.memory_space<vmem_shared>>)
      tpu.yield
    }) : () -> ()
    %mul3A_15 = arith.constant 648 : i32
    %mul3A_16 = arith.muli %arg1, %mul3A_15 : i32
    %add3A_17 = arith.constant 160 : i32
    %add3A_18 = arith.addi %mul3A_16, %add3A_17 : i32
    "tpu.region"() ({
      %run_scoped3A = tpu.sem_alloc : memref<!tpu.dma_semaphore, #tpu.memory_space<semaphore_mem>>
      %dma_start3A = arith.constant 0 : i32
      %dma_start3A_55 = tpu.memref_slice %arg18[%add3A_18, %dma_start3A] : memref<10368x128xf32, #tpu.memory_space<vmem_shared>> -> memref<80x128xf32, #tpu.memory_space<vmem_shared>>
      %dma_start3A_56 = arith.constant 0 : i32
      %dma_start3A_57 = tpu.memref_slice %arg18[%add3A_18, %dma_start3A_56] : memref<10368x128xf32, #tpu.memory_space<vmem_shared>> -> memref<80x128xf32, #tpu.memory_space<vmem_shared>>
      tpu.enqueue_dma source(%arg14 : memref<80x128xf32, #tpu.memory_space<vmem>>) target(%dma_start3A_57 : memref<80x128xf32, #tpu.memory_space<vmem_shared>>) target_semaphore(%run_scoped3A : memref<!tpu.dma_semaphore, #tpu.memory_space<semaphore_mem>>)
      %dma_wait3A = arith.constant 0 : i32
      %dma_wait3A_58 = tpu.memref_slice %arg18[%add3A_18, %dma_wait3A] : memref<10368x128xf32, #tpu.memory_space<vmem_shared>> -> memref<80x128xf32, #tpu.memory_space<vmem_shared>>
      %dma_wait3A_59 = arith.constant 0 : i32
      %dma_wait3A_60 = tpu.memref_slice %arg18[%add3A_18, %dma_wait3A_59] : memref<10368x128xf32, #tpu.memory_space<vmem_shared>> -> memref<80x128xf32, #tpu.memory_space<vmem_shared>>
      tpu.wait_dma2 semaphore(%run_scoped3A : memref<!tpu.dma_semaphore, #tpu.memory_space<semaphore_mem>>) src(%arg14 : memref<80x128xf32, #tpu.memory_space<vmem>>) dst(%dma_wait3A_60 : memref<80x128xf32, #tpu.memory_space<vmem_shared>>)
      tpu.yield
    }) : () -> ()
    %mul3A_19 = arith.constant 648 : i32
    %mul3A_20 = arith.muli %arg1, %mul3A_19 : i32
    %add3A_21 = arith.constant 240 : i32
    %add3A_22 = arith.addi %mul3A_20, %add3A_21 : i32
    "tpu.region"() ({
      %run_scoped3A = tpu.sem_alloc : memref<!tpu.dma_semaphore, #tpu.memory_space<semaphore_mem>>
      %dma_start3A = arith.constant 0 : i32
      %dma_start3A_55 = tpu.memref_slice %arg18[%add3A_22, %dma_start3A] : memref<10368x128xf32, #tpu.memory_space<vmem_shared>> -> memref<80x128xf32, #tpu.memory_space<vmem_shared>>
      %dma_start3A_56 = arith.constant 0 : i32
      %dma_start3A_57 = tpu.memref_slice %arg18[%add3A_22, %dma_start3A_56] : memref<10368x128xf32, #tpu.memory_space<vmem_shared>> -> memref<80x128xf32, #tpu.memory_space<vmem_shared>>
      tpu.enqueue_dma source(%arg14 : memref<80x128xf32, #tpu.memory_space<vmem>>) target(%dma_start3A_57 : memref<80x128xf32, #tpu.memory_space<vmem_shared>>) target_semaphore(%run_scoped3A : memref<!tpu.dma_semaphore, #tpu.memory_space<semaphore_mem>>)
      %dma_wait3A = arith.constant 0 : i32
      %dma_wait3A_58 = tpu.memref_slice %arg18[%add3A_22, %dma_wait3A] : memref<10368x128xf32, #tpu.memory_space<vmem_shared>> -> memref<80x128xf32, #tpu.memory_space<vmem_shared>>
      %dma_wait3A_59 = arith.constant 0 : i32
      %dma_wait3A_60 = tpu.memref_slice %arg18[%add3A_22, %dma_wait3A_59] : memref<10368x128xf32, #tpu.memory_space<vmem_shared>> -> memref<80x128xf32, #tpu.memory_space<vmem_shared>>
      tpu.wait_dma2 semaphore(%run_scoped3A : memref<!tpu.dma_semaphore, #tpu.memory_space<semaphore_mem>>) src(%arg14 : memref<80x128xf32, #tpu.memory_space<vmem>>) dst(%dma_wait3A_60 : memref<80x128xf32, #tpu.memory_space<vmem_shared>>)
      tpu.yield
    }) : () -> ()
    %mul3A_23 = arith.constant 648 : i32
    %mul3A_24 = arith.muli %arg1, %mul3A_23 : i32
    %add3A_25 = arith.constant 320 : i32
    %add3A_26 = arith.addi %mul3A_24, %add3A_25 : i32
    "tpu.region"() ({
      %run_scoped3A = tpu.sem_alloc : memref<!tpu.dma_semaphore, #tpu.memory_space<semaphore_mem>>
      %dma_start3A = arith.constant 0 : i32
      %dma_start3A_55 = tpu.memref_slice %arg18[%add3A_26, %dma_start3A] : memref<10368x128xf32, #tpu.memory_space<vmem_shared>> -> memref<80x128xf32, #tpu.memory_space<vmem_shared>>
      %dma_start3A_56 = arith.constant 0 : i32
      %dma_start3A_57 = tpu.memref_slice %arg18[%add3A_26, %dma_start3A_56] : memref<10368x128xf32, #tpu.memory_space<vmem_shared>> -> memref<80x128xf32, #tpu.memory_space<vmem_shared>>
      tpu.enqueue_dma source(%arg14 : memref<80x128xf32, #tpu.memory_space<vmem>>) target(%dma_start3A_57 : memref<80x128xf32, #tpu.memory_space<vmem_shared>>) target_semaphore(%run_scoped3A : memref<!tpu.dma_semaphore, #tpu.memory_space<semaphore_mem>>)
      %dma_wait3A = arith.constant 0 : i32
      %dma_wait3A_58 = tpu.memref_slice %arg18[%add3A_26, %dma_wait3A] : memref<10368x128xf32, #tpu.memory_space<vmem_shared>> -> memref<80x128xf32, #tpu.memory_space<vmem_shared>>
      %dma_wait3A_59 = arith.constant 0 : i32
      %dma_wait3A_60 = tpu.memref_slice %arg18[%add3A_26, %dma_wait3A_59] : memref<10368x128xf32, #tpu.memory_space<vmem_shared>> -> memref<80x128xf32, #tpu.memory_space<vmem_shared>>
      tpu.wait_dma2 semaphore(%run_scoped3A : memref<!tpu.dma_semaphore, #tpu.memory_space<semaphore_mem>>) src(%arg14 : memref<80x128xf32, #tpu.memory_space<vmem>>) dst(%dma_wait3A_60 : memref<80x128xf32, #tpu.memory_space<vmem_shared>>)
      tpu.yield
    }) : () -> ()
    %mul3A_27 = arith.constant 648 : i32
    %mul3A_28 = arith.muli %arg1, %mul3A_27 : i32
    %add3A_29 = arith.constant 400 : i32
    %add3A_30 = arith.addi %mul3A_28, %add3A_29 : i32
    "tpu.region"() ({
      %run_scoped3A = tpu.sem_alloc : memref<!tpu.dma_semaphore, #tpu.memory_space<semaphore_mem>>
      %dma_start3A = arith.constant 0 : i32
      %dma_start3A_55 = tpu.memref_slice %arg18[%add3A_30, %dma_start3A] : memref<10368x128xf32, #tpu.memory_space<vmem_shared>> -> memref<80x128xf32, #tpu.memory_space<vmem_shared>>
      %dma_start3A_56 = arith.constant 0 : i32
      %dma_start3A_57 = tpu.memref_slice %arg18[%add3A_30, %dma_start3A_56] : memref<10368x128xf32, #tpu.memory_space<vmem_shared>> -> memref<80x128xf32, #tpu.memory_space<vmem_shared>>
      tpu.enqueue_dma source(%arg14 : memref<80x128xf32, #tpu.memory_space<vmem>>) target(%dma_start3A_57 : memref<80x128xf32, #tpu.memory_space<vmem_shared>>) target_semaphore(%run_scoped3A : memref<!tpu.dma_semaphore, #tpu.memory_space<semaphore_mem>>)
      %dma_wait3A = arith.constant 0 : i32
      %dma_wait3A_58 = tpu.memref_slice %arg18[%add3A_30, %dma_wait3A] : memref<10368x128xf32, #tpu.memory_space<vmem_shared>> -> memref<80x128xf32, #tpu.memory_space<vmem_shared>>
      %dma_wait3A_59 = arith.constant 0 : i32
      %dma_wait3A_60 = tpu.memref_slice %arg18[%add3A_30, %dma_wait3A_59] : memref<10368x128xf32, #tpu.memory_space<vmem_shared>> -> memref<80x128xf32, #tpu.memory_space<vmem_shared>>
      tpu.wait_dma2 semaphore(%run_scoped3A : memref<!tpu.dma_semaphore, #tpu.memory_space<semaphore_mem>>) src(%arg14 : memref<80x128xf32, #tpu.memory_space<vmem>>) dst(%dma_wait3A_60 : memref<80x128xf32, #tpu.memory_space<vmem_shared>>)
      tpu.yield
    }) : () -> ()
    %mul3A_31 = arith.constant 648 : i32
    %mul3A_32 = arith.muli %arg1, %mul3A_31 : i32
    %add3A_33 = arith.constant 480 : i32
    %add3A_34 = arith.addi %mul3A_32, %add3A_33 : i32
    "tpu.region"() ({
      %run_scoped3A = tpu.sem_alloc : memref<!tpu.dma_semaphore, #tpu.memory_space<semaphore_mem>>
      %dma_start3A = arith.constant 0 : i32
      %dma_start3A_55 = tpu.memref_slice %arg18[%add3A_34, %dma_start3A] : memref<10368x128xf32, #tpu.memory_space<vmem_shared>> -> memref<80x128xf32, #tpu.memory_space<vmem_shared>>
      %dma_start3A_56 = arith.constant 0 : i32
      %dma_start3A_57 = tpu.memref_slice %arg18[%add3A_34, %dma_start3A_56] : memref<10368x128xf32, #tpu.memory_space<vmem_shared>> -> memref<80x128xf32, #tpu.memory_space<vmem_shared>>
      tpu.enqueue_dma source(%arg14 : memref<80x128xf32, #tpu.memory_space<vmem>>) target(%dma_start3A_57 : memref<80x128xf32, #tpu.memory_space<vmem_shared>>) target_semaphore(%run_scoped3A : memref<!tpu.dma_semaphore, #tpu.memory_space<semaphore_mem>>)
      %dma_wait3A = arith.constant 0 : i32
      %dma_wait3A_58 = tpu.memref_slice %arg18[%add3A_34, %dma_wait3A] : memref<10368x128xf32, #tpu.memory_space<vmem_shared>> -> memref<80x128xf32, #tpu.memory_space<vmem_shared>>
      %dma_wait3A_59 = arith.constant 0 : i32
      %dma_wait3A_60 = tpu.memref_slice %arg18[%add3A_34, %dma_wait3A_59] : memref<10368x128xf32, #tpu.memory_space<vmem_shared>> -> memref<80x128xf32, #tpu.memory_space<vmem_shared>>
      tpu.wait_dma2 semaphore(%run_scoped3A : memref<!tpu.dma_semaphore, #tpu.memory_space<semaphore_mem>>) src(%arg14 : memref<80x128xf32, #tpu.memory_space<vmem>>) dst(%dma_wait3A_60 : memref<80x128xf32, #tpu.memory_space<vmem_shared>>)
      tpu.yield
    }) : () -> ()
    %mul3A_35 = arith.constant 648 : i32
    %mul3A_36 = arith.muli %arg1, %mul3A_35 : i32
    %add3A_37 = arith.constant 560 : i32
    %add3A_38 = arith.addi %mul3A_36, %add3A_37 : i32
    "tpu.region"() ({
      %run_scoped3A = tpu.sem_alloc : memref<!tpu.dma_semaphore, #tpu.memory_space<semaphore_mem>>
      %dma_start3A = arith.constant 0 : i32
      %dma_start3A_55 = tpu.memref_slice %arg18[%add3A_38, %dma_start3A] : memref<10368x128xf32, #tpu.memory_space<vmem_shared>> -> memref<80x128xf32, #tpu.memory_space<vmem_shared>>
      %dma_start3A_56 = arith.constant 0 : i32
      %dma_start3A_57 = tpu.memref_slice %arg18[%add3A_38, %dma_start3A_56] : memref<10368x128xf32, #tpu.memory_space<vmem_shared>> -> memref<80x128xf32, #tpu.memory_space<vmem_shared>>
      tpu.enqueue_dma source(%arg14 : memref<80x128xf32, #tpu.memory_space<vmem>>) target(%dma_start3A_57 : memref<80x128xf32, #tpu.memory_space<vmem_shared>>) target_semaphore(%run_scoped3A : memref<!tpu.dma_semaphore, #tpu.memory_space<semaphore_mem>>)
      %dma_wait3A = arith.constant 0 : i32
      %dma_wait3A_58 = tpu.memref_slice %arg18[%add3A_38, %dma_wait3A] : memref<10368x128xf32, #tpu.memory_space<vmem_shared>> -> memref<80x128xf32, #tpu.memory_space<vmem_shared>>
      %dma_wait3A_59 = arith.constant 0 : i32
      %dma_wait3A_60 = tpu.memref_slice %arg18[%add3A_38, %dma_wait3A_59] : memref<10368x128xf32, #tpu.memory_space<vmem_shared>> -> memref<80x128xf32, #tpu.memory_space<vmem_shared>>
      tpu.wait_dma2 semaphore(%run_scoped3A : memref<!tpu.dma_semaphore, #tpu.memory_space<semaphore_mem>>) src(%arg14 : memref<80x128xf32, #tpu.memory_space<vmem>>) dst(%dma_wait3A_60 : memref<80x128xf32, #tpu.memory_space<vmem_shared>>)
      tpu.yield
    }) : () -> ()
    %mul3A_39 = arith.constant 648 : i32
    %mul3A_40 = arith.muli %arg1, %mul3A_39 : i32
    %add3A_41 = arith.constant 640 : i32
    %add3A_42 = arith.addi %mul3A_40, %add3A_41 : i32
    "tpu.region"() ({
      %run_scoped3A = tpu.sem_alloc : memref<!tpu.dma_semaphore, #tpu.memory_space<semaphore_mem>>
      %dma_start3A = arith.constant 0 : i32
      %dma_start3A_55 = arith.constant 0 : i32
      %dma_start3A_56 = tpu.memref_slice %arg14[%dma_start3A, %dma_start3A_55] : memref<80x128xf32, #tpu.memory_space<vmem>> -> memref<8x128xf32, #tpu.memory_space<vmem>>
      %dma_start3A_57 = arith.constant 0 : i32
      %dma_start3A_58 = tpu.memref_slice %arg18[%add3A_42, %dma_start3A_57] : memref<10368x128xf32, #tpu.memory_space<vmem_shared>> -> memref<8x128xf32, #tpu.memory_space<vmem_shared>>
      %dma_start3A_59 = arith.constant 0 : i32
      %dma_start3A_60 = tpu.memref_slice %arg18[%add3A_42, %dma_start3A_59] : memref<10368x128xf32, #tpu.memory_space<vmem_shared>> -> memref<8x128xf32, #tpu.memory_space<vmem_shared>>
      %dma_start3A_61 = arith.constant 0 : i32
      %dma_start3A_62 = arith.constant 0 : i32
      %dma_start3A_63 = tpu.memref_slice %arg14[%dma_start3A_61, %dma_start3A_62] : memref<80x128xf32, #tpu.memory_space<vmem>> -> memref<8x128xf32, #tpu.memory_space<vmem>>
      tpu.enqueue_dma source(%dma_start3A_63 : memref<8x128xf32, #tpu.memory_space<vmem>>) target(%dma_start3A_60 : memref<8x128xf32, #tpu.memory_space<vmem_shared>>) target_semaphore(%run_scoped3A : memref<!tpu.dma_semaphore, #tpu.memory_space<semaphore_mem>>)
      %dma_wait3A = arith.constant 0 : i32
      %dma_wait3A_64 = arith.constant 0 : i32
      %dma_wait3A_65 = tpu.memref_slice %arg14[%dma_wait3A, %dma_wait3A_64] : memref<80x128xf32, #tpu.memory_space<vmem>> -> memref<8x128xf32, #tpu.memory_space<vmem>>
      %dma_wait3A_66 = arith.constant 0 : i32
      %dma_wait3A_67 = tpu.memref_slice %arg18[%add3A_42, %dma_wait3A_66] : memref<10368x128xf32, #tpu.memory_space<vmem_shared>> -> memref<8x128xf32, #tpu.memory_space<vmem_shared>>
      %dma_wait3A_68 = arith.constant 0 : i32
      %dma_wait3A_69 = tpu.memref_slice %arg18[%add3A_42, %dma_wait3A_68] : memref<10368x128xf32, #tpu.memory_space<vmem_shared>> -> memref<8x128xf32, #tpu.memory_space<vmem_shared>>
      %dma_wait3A_70 = arith.constant 0 : i32
      %dma_wait3A_71 = arith.constant 0 : i32
      %dma_wait3A_72 = tpu.memref_slice %arg14[%dma_wait3A_70, %dma_wait3A_71] : memref<80x128xf32, #tpu.memory_space<vmem>> -> memref<8x128xf32, #tpu.memory_space<vmem>>
      tpu.wait_dma2 semaphore(%run_scoped3A : memref<!tpu.dma_semaphore, #tpu.memory_space<semaphore_mem>>) src(%dma_wait3A_72 : memref<8x128xf32, #tpu.memory_space<vmem>>) dst(%dma_wait3A_69 : memref<8x128xf32, #tpu.memory_space<vmem_shared>>)
      tpu.yield
    }) : () -> ()
    %barrier3A = arith.constant 0 : index
    tpu.barrier barrier_id(%barrier3A)
    "tpu.region"() ({
      %run_scoped3A = tpu.sem_alloc : memref<!tpu.dma_semaphore, #tpu.memory_space<semaphore_mem>>
      tpu.enqueue_dma source(%arg4 : memref<16xf32, #tpu.memory_space<hbm>>) target(%arg17 : memref<16xf32, #tpu.memory_space<vmem>>) target_semaphore(%run_scoped3A : memref<!tpu.dma_semaphore, #tpu.memory_space<semaphore_mem>>)
      tpu.wait_dma2 semaphore(%run_scoped3A : memref<!tpu.dma_semaphore, #tpu.memory_space<semaphore_mem>>) src(%arg4 : memref<16xf32, #tpu.memory_space<hbm>>) dst(%arg17 : memref<16xf32, #tpu.memory_space<vmem>>)
      tpu.yield
    }) : () -> ()
    %get3A = arith.constant 0 : index
    %get3A_43 = tpu.vector_load %arg17[%get3A] {strides = array<i32>} : memref<16xf32, #tpu.memory_space<vmem>>, vector<16xf32>,
    %scan3A_44 = arith.constant 0 : i32
    %scan3A_45 = arith.constant 0 : i32
    %scan3A_46 = arith.constant 125 : i32
    %scan3A_47 = arith.addi %scan3A_45, %scan3A_46 : i32
    %scan3A_48 = arith.constant 1 : i32
    scf.for %scan3A_55 = %scan3A_45 to %scan3A_47 step %scan3A_48  : i32 {
      %mul3A_56 = arith.constant 10000 : i32
      %mul3A_57 = arith.muli %add3A, %mul3A_56 : i32
      %mul3A_58 = arith.constant 80 : i32
      %mul3A_59 = arith.muli %scan3A_55, %mul3A_58 : i32
      %add3A_60 = arith.addi %mul3A_57, %mul3A_59 : i32
      "tpu.region"() ({
        %run_scoped3A = tpu.sem_alloc : memref<!tpu.dma_semaphore, #tpu.memory_space<semaphore_mem>>
        %dma_start3A_1120 = tpu.memref_slice %arg5[%add3A_60] : memref<320000xi32, #tpu.memory_space<hbm>> -> memref<80xi32, #tpu.memory_space<hbm>>
        %dma_start3A_1121 = tpu.memref_slice %arg5[%add3A_60] : memref<320000xi32, #tpu.memory_space<hbm>> -> memref<80xi32, #tpu.memory_space<hbm>>
        tpu.enqueue_dma source(%dma_start3A_1121 : memref<80xi32, #tpu.memory_space<hbm>>) target(%arg8 : memref<80xi32, #tpu.memory_space<vmem>>) target_semaphore(%run_scoped3A : memref<!tpu.dma_semaphore, #tpu.memory_space<semaphore_mem>>)
        %dma_wait3A_1122 = tpu.memref_slice %arg5[%add3A_60] : memref<320000xi32, #tpu.memory_space<hbm>> -> memref<80xi32, #tpu.memory_space<hbm>>
        %dma_wait3A_1123 = tpu.memref_slice %arg5[%add3A_60] : memref<320000xi32, #tpu.memory_space<hbm>> -> memref<80xi32, #tpu.memory_space<hbm>>
        tpu.wait_dma2 semaphore(%run_scoped3A : memref<!tpu.dma_semaphore, #tpu.memory_space<semaphore_mem>>) src(%dma_wait3A_1123 : memref<80xi32, #tpu.memory_space<hbm>>) dst(%arg8 : memref<80xi32, #tpu.memory_space<vmem>>)
        tpu.yield
      }) : () -> ()
      "tpu.region"() ({
        %run_scoped3A = tpu.sem_alloc : memref<!tpu.dma_semaphore, #tpu.memory_space<semaphore_mem>>
        %dma_start3A_1120 = tpu.memref_slice %arg6[%add3A_60] : memref<320000xi32, #tpu.memory_space<hbm>> -> memref<80xi32, #tpu.memory_space<hbm>>
        %dma_start3A_1121 = tpu.memref_slice %arg6[%add3A_60] : memref<320000xi32, #tpu.memory_space<hbm>> -> memref<80xi32, #tpu.memory_space<hbm>>
        tpu.enqueue_dma source(%dma_start3A_1121 : memref<80xi32, #tpu.memory_space<hbm>>) target(%arg9 : memref<80xi32, #tpu.memory_space<vmem>>) target_semaphore(%run_scoped3A : memref<!tpu.dma_semaphore, #tpu.memory_space<semaphore_mem>>)
        %dma_wait3A_1122 = tpu.memref_slice %arg6[%add3A_60] : memref<320000xi32, #tpu.memory_space<hbm>> -> memref<80xi32, #tpu.memory_space<hbm>>
        %dma_wait3A_1123 = tpu.memref_slice %arg6[%add3A_60] : memref<320000xi32, #tpu.memory_space<hbm>> -> memref<80xi32, #tpu.memory_space<hbm>>
        tpu.wait_dma2 semaphore(%run_scoped3A : memref<!tpu.dma_semaphore, #tpu.memory_space<semaphore_mem>>) src(%dma_wait3A_1123 : memref<80xi32, #tpu.memory_space<hbm>>) dst(%arg9 : memref<80xi32, #tpu.memory_space<vmem>>)
        tpu.yield
      }) : () -> ()
      %dma_start3A = arith.constant 0 : i32
      %dma_start3A_61 = arith.constant 0 : i32
      %dma_start3A_62 = tpu.memref_slice %arg2[%dma_start3A, %dma_start3A_61] : memref<10000x128xf32, #tpu.memory_space<hbm>> -> memref<10000x128xf32, #tpu.memory_space<hbm>>
      tpu.enqueue_indirect_dma source(%dma_start3A_62 : memref<10000x128xf32, #tpu.memory_space<hbm>>) target(%arg13 : memref<80x128xf32, #tpu.memory_space<vmem>>) offsets(%arg8 : memref<80xi32, #tpu.memory_space<vmem>>) semaphore(%arg19 : memref<!tpu.dma_semaphore, #tpu.memory_space<semaphore_mem>>)
      %get3A_63 = arith.constant 0 : index
      %get3A_64 = tpu.vector_load %arg8[%get3A_63] {strides = array<i32>} : memref<80xi32, #tpu.memory_space<vmem>>, vector<16xi32>,
      %shift_right_logical3A = arith.constant 4 : i32
      %shift_right_logical3A_65 = vector.broadcast %shift_right_logical3A : i32 to vector<16xi32>
      %shift_right_logical3A_66 = arith.shrui %get3A_64, %shift_right_logical3A_65 : vector<16xi32>
      %swap3A = arith.constant 0 : index
      %swap3A_67 = tpu.vector_load %arg10[%swap3A] {strides = array<i32>} : memref<80xi32, #tpu.memory_space<vmem>>, vector<16xi32>,
      tpu.vector_store %arg10[%swap3A], %shift_right_logical3A_66 {strides = array<i32>} : memref<80xi32, #tpu.memory_space<vmem>>, vector<16xi32>,
      %get3A_68 = arith.constant 16 : index
      %get3A_69 = tpu.vector_load %arg8[%get3A_68] {strides = array<i32>} : memref<80xi32, #tpu.memory_space<vmem>>, vector<16xi32>,
      %shift_right_logical3A_70 = arith.constant 4 : i32
      %shift_right_logical3A_71 = vector.broadcast %shift_right_logical3A_70 : i32 to vector<16xi32>
      %shift_right_logical3A_72 = arith.shrui %get3A_69, %shift_right_logical3A_71 : vector<16xi32>
      %swap3A_73 = arith.constant 16 : index
      %swap3A_74 = tpu.vector_load %arg10[%swap3A_73] {strides = array<i32>} : memref<80xi32, #tpu.memory_space<vmem>>, vector<16xi32>,
      tpu.vector_store %arg10[%swap3A_73], %shift_right_logical3A_72 {strides = array<i32>} : memref<80xi32, #tpu.memory_space<vmem>>, vector<16xi32>,
      %get3A_75 = arith.constant 32 : index
      %get3A_76 = tpu.vector_load %arg8[%get3A_75] {strides = array<i32>} : memref<80xi32, #tpu.memory_space<vmem>>, vector<16xi32>,
      %shift_right_logical3A_77 = arith.constant 4 : i32
      %shift_right_logical3A_78 = vector.broadcast %shift_right_logical3A_77 : i32 to vector<16xi32>
      %shift_right_logical3A_79 = arith.shrui %get3A_76, %shift_right_logical3A_78 : vector<16xi32>
      %swap3A_80 = arith.constant 32 : index
      %swap3A_81 = tpu.vector_load %arg10[%swap3A_80] {strides = array<i32>} : memref<80xi32, #tpu.memory_space<vmem>>, vector<16xi32>,
      tpu.vector_store %arg10[%swap3A_80], %shift_right_logical3A_79 {strides = array<i32>} : memref<80xi32, #tpu.memory_space<vmem>>, vector<16xi32>,
      %get3A_82 = arith.constant 48 : index
      %get3A_83 = tpu.vector_load %arg8[%get3A_82] {strides = array<i32>} : memref<80xi32, #tpu.memory_space<vmem>>, vector<16xi32>,
      %shift_right_logical3A_84 = arith.constant 4 : i32
      %shift_right_logical3A_85 = vector.broadcast %shift_right_logical3A_84 : i32 to vector<16xi32>
      %shift_right_logical3A_86 = arith.shrui %get3A_83, %shift_right_logical3A_85 : vector<16xi32>
      %swap3A_87 = arith.constant 48 : index
      %swap3A_88 = tpu.vector_load %arg10[%swap3A_87] {strides = array<i32>} : memref<80xi32, #tpu.memory_space<vmem>>, vector<16xi32>,
      tpu.vector_store %arg10[%swap3A_87], %shift_right_logical3A_86 {strides = array<i32>} : memref<80xi32, #tpu.memory_space<vmem>>, vector<16xi32>,
      %get3A_89 = arith.constant 64 : index
      %get3A_90 = tpu.vector_load %arg8[%get3A_89] {strides = array<i32>} : memref<80xi32, #tpu.memory_space<vmem>>, vector<16xi32>,
      %shift_right_logical3A_91 = arith.constant 4 : i32
      %shift_right_logical3A_92 = vector.broadcast %shift_right_logical3A_91 : i32 to vector<16xi32>
      %shift_right_logical3A_93 = arith.shrui %get3A_90, %shift_right_logical3A_92 : vector<16xi32>
      %swap3A_94 = arith.constant 64 : index
      %swap3A_95 = tpu.vector_load %arg10[%swap3A_94] {strides = array<i32>} : memref<80xi32, #tpu.memory_space<vmem>>, vector<16xi32>,
      tpu.vector_store %arg10[%swap3A_94], %shift_right_logical3A_93 {strides = array<i32>} : memref<80xi32, #tpu.memory_space<vmem>>, vector<16xi32>,
      %dma_start3A_96 = arith.constant 0 : i32
      %dma_start3A_97 = arith.constant 0 : i32
      %dma_start3A_98 = tpu.memref_slice %arg3[%dma_start3A_96, %dma_start3A_97] : memref<625x128xf32, #tpu.memory_space<hbm>> -> memref<625x128xf32, #tpu.memory_space<hbm>>
      tpu.enqueue_indirect_dma source(%dma_start3A_98 : memref<625x128xf32, #tpu.memory_space<hbm>>) target(%arg12 : memref<80x128xf32, #tpu.memory_space<vmem>>) offsets(%arg10 : memref<80xi32, #tpu.memory_space<vmem>>) semaphore(%arg20 : memref<!tpu.dma_semaphore, #tpu.memory_space<semaphore_mem>>)
      %dma_wait3A = arith.constant 0 : i32
      %dma_wait3A_99 = arith.constant 0 : i32
      %dma_wait3A_100 = tpu.memref_slice %arg3[%dma_wait3A, %dma_wait3A_99] : memref<625x128xf32, #tpu.memory_space<hbm>> -> memref<625x128xf32, #tpu.memory_space<hbm>>
      tpu.wait_indirect_dma semaphore(%arg20 : memref<!tpu.dma_semaphore, #tpu.memory_space<semaphore_mem>>) src(%dma_wait3A_100 : memref<625x128xf32, #tpu.memory_space<hbm>>) dst(%arg12 : memref<80x128xf32, #tpu.memory_space<vmem>>)
      %add3A_101 = arith.constant 0 : i32
      %add3A_102 = vector.broadcast %add3A_101 : i32 to vector<16xi32>
      %add3A_103 = arith.addi %add3A_102, %iota3A : vector<16xi32>
      %get3A_104 = arith.constant 0 : index
      %get3A_105 = tpu.vector_load %arg8[%get3A_104] {strides = array<i32>} : memref<80xi32, #tpu.memory_space<vmem>>, vector<16xi32>,
      %and3A = arith.constant 15 : i32
      %and3A_106 = vector.broadcast %and3A : i32 to vector<16xi32>
      %and3A_107 = arith.andi %get3A_105, %and3A_106 : vector<16xi32>
      %mul3A_108 = arith.constant 8 : i32
      %mul3A_109 = vector.broadcast %mul3A_108 : i32 to vector<16xi32>
      %mul3A_110 = arith.muli %and3A_107, %mul3A_109 : vector<16xi32>
      %add3A_111 = arith.constant 0 : i32
      %add3A_112 = vector.broadcast %add3A_111 : i32 to vector<16xi32>
      %add3A_113 = arith.addi %mul3A_110, %add3A_112 : vector<16xi32>
      %gather3A = tpu.vector_load_idx %arg12[%add3A_103, %add3A_113] : memref<80x128xf32, #tpu.memory_space<vmem>>[vector<16xi32>, vector<16xi32>], vector<16xf32>,
      %broadcast_in_dim3A_114 = arith.constant 4 : i32
      %broadcast_in_dim3A_115 = vector.broadcast %broadcast_in_dim3A_114 : i32 to vector<16xi32>
      tpu.vector_store_idx %arg14[%add3A_103, %broadcast_in_dim3A_115], %gather3A : memref<80x128xf32, #tpu.memory_space<vmem>>[vector<16xi32>, vector<16xi32>], vector<16xf32>,
      %add3A_116 = arith.constant 1 : i32
      %add3A_117 = vector.broadcast %add3A_116 : i32 to vector<16xi32>
      %add3A_118 = arith.addi %mul3A_110, %add3A_117 : vector<16xi32>
      %gather3A_119 = tpu.vector_load_idx %arg12[%add3A_103, %add3A_118] : memref<80x128xf32, #tpu.memory_space<vmem>>[vector<16xi32>, vector<16xi32>], vector<16xf32>,
      %broadcast_in_dim3A_120 = arith.constant 5 : i32
      %broadcast_in_dim3A_121 = vector.broadcast %broadcast_in_dim3A_120 : i32 to vector<16xi32>
      tpu.vector_store_idx %arg14[%add3A_103, %broadcast_in_dim3A_121], %gather3A_119 : memref<80x128xf32, #tpu.memory_space<vmem>>[vector<16xi32>, vector<16xi32>], vector<16xf32>,
      %add3A_122 = arith.constant 2 : i32
      %add3A_123 = vector.broadcast %add3A_122 : i32 to vector<16xi32>
      %add3A_124 = arith.addi %mul3A_110, %add3A_123 : vector<16xi32>
      %gather3A_125 = tpu.vector_load_idx %arg12[%add3A_103, %add3A_124] : memref<80x128xf32, #tpu.memory_space<vmem>>[vector<16xi32>, vector<16xi32>], vector<16xf32>,
      %broadcast_in_dim3A_126 = arith.constant 6 : i32
      %broadcast_in_dim3A_127 = vector.broadcast %broadcast_in_dim3A_126 : i32 to vector<16xi32>
      tpu.vector_store_idx %arg14[%add3A_103, %broadcast_in_dim3A_127], %gather3A_125 : memref<80x128xf32, #tpu.memory_space<vmem>>[vector<16xi32>, vector<16xi32>], vector<16xf32>,
      %add3A_128 = arith.constant 3 : i32
      %add3A_129 = vector.broadcast %add3A_128 : i32 to vector<16xi32>
      %add3A_130 = arith.addi %mul3A_110, %add3A_129 : vector<16xi32>
      %gather3A_131 = tpu.vector_load_idx %arg12[%add3A_103, %add3A_130] : memref<80x128xf32, #tpu.memory_space<vmem>>[vector<16xi32>, vector<16xi32>], vector<16xf32>,
      %broadcast_in_dim3A_132 = arith.constant 7 : i32
      %broadcast_in_dim3A_133 = vector.broadcast %broadcast_in_dim3A_132 : i32 to vector<16xi32>
      tpu.vector_store_idx %arg14[%add3A_103, %broadcast_in_dim3A_133], %gather3A_131 : memref<80x128xf32, #tpu.memory_space<vmem>>[vector<16xi32>, vector<16xi32>], vector<16xf32>,
      %add3A_134 = arith.constant 16 : i32
      %add3A_135 = vector.broadcast %add3A_134 : i32 to vector<16xi32>
      %add3A_136 = arith.addi %add3A_135, %iota3A : vector<16xi32>
      %get3A_137 = arith.constant 16 : index
      %get3A_138 = tpu.vector_load %arg8[%get3A_137] {strides = array<i32>} : memref<80xi32, #tpu.memory_space<vmem>>, vector<16xi32>,
      %and3A_139 = arith.constant 15 : i32
      %and3A_140 = vector.broadcast %and3A_139 : i32 to vector<16xi32>
      %and3A_141 = arith.andi %get3A_138, %and3A_140 : vector<16xi32>
      %mul3A_142 = arith.constant 8 : i32
      %mul3A_143 = vector.broadcast %mul3A_142 : i32 to vector<16xi32>
      %mul3A_144 = arith.muli %and3A_141, %mul3A_143 : vector<16xi32>
      %add3A_145 = arith.constant 0 : i32
      %add3A_146 = vector.broadcast %add3A_145 : i32 to vector<16xi32>
      %add3A_147 = arith.addi %mul3A_144, %add3A_146 : vector<16xi32>
      %gather3A_148 = tpu.vector_load_idx %arg12[%add3A_136, %add3A_147] : memref<80x128xf32, #tpu.memory_space<vmem>>[vector<16xi32>, vector<16xi32>], vector<16xf32>,
      %broadcast_in_dim3A_149 = arith.constant 4 : i32
      %broadcast_in_dim3A_150 = vector.broadcast %broadcast_in_dim3A_149 : i32 to vector<16xi32>
      tpu.vector_store_idx %arg14[%add3A_136, %broadcast_in_dim3A_150], %gather3A_148 : memref<80x128xf32, #tpu.memory_space<vmem>>[vector<16xi32>, vector<16xi32>], vector<16xf32>,
      %add3A_151 = arith.constant 1 : i32
      %add3A_152 = vector.broadcast %add3A_151 : i32 to vector<16xi32>
      %add3A_153 = arith.addi %mul3A_144, %add3A_152 : vector<16xi32>
      %gather3A_154 = tpu.vector_load_idx %arg12[%add3A_136, %add3A_153] : memref<80x128xf32, #tpu.memory_space<vmem>>[vector<16xi32>, vector<16xi32>], vector<16xf32>,
      %broadcast_in_dim3A_155 = arith.constant 5 : i32
      %broadcast_in_dim3A_156 = vector.broadcast %broadcast_in_dim3A_155 : i32 to vector<16xi32>
      tpu.vector_store_idx %arg14[%add3A_136, %broadcast_in_dim3A_156], %gather3A_154 : memref<80x128xf32, #tpu.memory_space<vmem>>[vector<16xi32>, vector<16xi32>], vector<16xf32>,
      %add3A_157 = arith.constant 2 : i32
      %add3A_158 = vector.broadcast %add3A_157 : i32 to vector<16xi32>
      %add3A_159 = arith.addi %mul3A_144, %add3A_158 : vector<16xi32>
      %gather3A_160 = tpu.vector_load_idx %arg12[%add3A_136, %add3A_159] : memref<80x128xf32, #tpu.memory_space<vmem>>[vector<16xi32>, vector<16xi32>], vector<16xf32>,
      %broadcast_in_dim3A_161 = arith.constant 6 : i32
      %broadcast_in_dim3A_162 = vector.broadcast %broadcast_in_dim3A_161 : i32 to vector<16xi32>
      tpu.vector_store_idx %arg14[%add3A_136, %broadcast_in_dim3A_162], %gather3A_160 : memref<80x128xf32, #tpu.memory_space<vmem>>[vector<16xi32>, vector<16xi32>], vector<16xf32>,
      %add3A_163 = arith.constant 3 : i32
      %add3A_164 = vector.broadcast %add3A_163 : i32 to vector<16xi32>
      %add3A_165 = arith.addi %mul3A_144, %add3A_164 : vector<16xi32>
      %gather3A_166 = tpu.vector_load_idx %arg12[%add3A_136, %add3A_165] : memref<80x128xf32, #tpu.memory_space<vmem>>[vector<16xi32>, vector<16xi32>], vector<16xf32>,
      %broadcast_in_dim3A_167 = arith.constant 7 : i32
      %broadcast_in_dim3A_168 = vector.broadcast %broadcast_in_dim3A_167 : i32 to vector<16xi32>
      tpu.vector_store_idx %arg14[%add3A_136, %broadcast_in_dim3A_168], %gather3A_166 : memref<80x128xf32, #tpu.memory_space<vmem>>[vector<16xi32>, vector<16xi32>], vector<16xf32>,
      %add3A_169 = arith.constant 32 : i32
      %add3A_170 = vector.broadcast %add3A_169 : i32 to vector<16xi32>
      %add3A_171 = arith.addi %add3A_170, %iota3A : vector<16xi32>
      %get3A_172 = arith.constant 32 : index
      %get3A_173 = tpu.vector_load %arg8[%get3A_172] {strides = array<i32>} : memref<80xi32, #tpu.memory_space<vmem>>, vector<16xi32>,
      %and3A_174 = arith.constant 15 : i32
      %and3A_175 = vector.broadcast %and3A_174 : i32 to vector<16xi32>
      %and3A_176 = arith.andi %get3A_173, %and3A_175 : vector<16xi32>
      %mul3A_177 = arith.constant 8 : i32
      %mul3A_178 = vector.broadcast %mul3A_177 : i32 to vector<16xi32>
      %mul3A_179 = arith.muli %and3A_176, %mul3A_178 : vector<16xi32>
      %add3A_180 = arith.constant 0 : i32
      %add3A_181 = vector.broadcast %add3A_180 : i32 to vector<16xi32>
      %add3A_182 = arith.addi %mul3A_179, %add3A_181 : vector<16xi32>
      %gather3A_183 = tpu.vector_load_idx %arg12[%add3A_171, %add3A_182] : memref<80x128xf32, #tpu.memory_space<vmem>>[vector<16xi32>, vector<16xi32>], vector<16xf32>,
      %broadcast_in_dim3A_184 = arith.constant 4 : i32
      %broadcast_in_dim3A_185 = vector.broadcast %broadcast_in_dim3A_184 : i32 to vector<16xi32>
      tpu.vector_store_idx %arg14[%add3A_171, %broadcast_in_dim3A_185], %gather3A_183 : memref<80x128xf32, #tpu.memory_space<vmem>>[vector<16xi32>, vector<16xi32>], vector<16xf32>,
      %add3A_186 = arith.constant 1 : i32
      %add3A_187 = vector.broadcast %add3A_186 : i32 to vector<16xi32>
      %add3A_188 = arith.addi %mul3A_179, %add3A_187 : vector<16xi32>
      %gather3A_189 = tpu.vector_load_idx %arg12[%add3A_171, %add3A_188] : memref<80x128xf32, #tpu.memory_space<vmem>>[vector<16xi32>, vector<16xi32>], vector<16xf32>,
      %broadcast_in_dim3A_190 = arith.constant 5 : i32
      %broadcast_in_dim3A_191 = vector.broadcast %broadcast_in_dim3A_190 : i32 to vector<16xi32>
      tpu.vector_store_idx %arg14[%add3A_171, %broadcast_in_dim3A_191], %gather3A_189 : memref<80x128xf32, #tpu.memory_space<vmem>>[vector<16xi32>, vector<16xi32>], vector<16xf32>,
      %add3A_192 = arith.constant 2 : i32
      %add3A_193 = vector.broadcast %add3A_192 : i32 to vector<16xi32>
      %add3A_194 = arith.addi %mul3A_179, %add3A_193 : vector<16xi32>
      %gather3A_195 = tpu.vector_load_idx %arg12[%add3A_171, %add3A_194] : memref<80x128xf32, #tpu.memory_space<vmem>>[vector<16xi32>, vector<16xi32>], vector<16xf32>,
      %broadcast_in_dim3A_196 = arith.constant 6 : i32
      %broadcast_in_dim3A_197 = vector.broadcast %broadcast_in_dim3A_196 : i32 to vector<16xi32>
      tpu.vector_store_idx %arg14[%add3A_171, %broadcast_in_dim3A_197], %gather3A_195 : memref<80x128xf32, #tpu.memory_space<vmem>>[vector<16xi32>, vector<16xi32>], vector<16xf32>,
      %add3A_198 = arith.constant 3 : i32
      %add3A_199 = vector.broadcast %add3A_198 : i32 to vector<16xi32>
      %add3A_200 = arith.addi %mul3A_179, %add3A_199 : vector<16xi32>
      %gather3A_201 = tpu.vector_load_idx %arg12[%add3A_171, %add3A_200] : memref<80x128xf32, #tpu.memory_space<vmem>>[vector<16xi32>, vector<16xi32>], vector<16xf32>,
      %broadcast_in_dim3A_202 = arith.constant 7 : i32
      %broadcast_in_dim3A_203 = vector.broadcast %broadcast_in_dim3A_202 : i32 to vector<16xi32>
      tpu.vector_store_idx %arg14[%add3A_171, %broadcast_in_dim3A_203], %gather3A_201 : memref<80x128xf32, #tpu.memory_space<vmem>>[vector<16xi32>, vector<16xi32>], vector<16xf32>,
      %add3A_204 = arith.constant 48 : i32
      %add3A_205 = vector.broadcast %add3A_204 : i32 to vector<16xi32>
      %add3A_206 = arith.addi %add3A_205, %iota3A : vector<16xi32>
      %get3A_207 = arith.constant 48 : index
      %get3A_208 = tpu.vector_load %arg8[%get3A_207] {strides = array<i32>} : memref<80xi32, #tpu.memory_space<vmem>>, vector<16xi32>,
      %and3A_209 = arith.constant 15 : i32
      %and3A_210 = vector.broadcast %and3A_209 : i32 to vector<16xi32>
      %and3A_211 = arith.andi %get3A_208, %and3A_210 : vector<16xi32>
      %mul3A_212 = arith.constant 8 : i32
      %mul3A_213 = vector.broadcast %mul3A_212 : i32 to vector<16xi32>
      %mul3A_214 = arith.muli %and3A_211, %mul3A_213 : vector<16xi32>
      %add3A_215 = arith.constant 0 : i32
      %add3A_216 = vector.broadcast %add3A_215 : i32 to vector<16xi32>
      %add3A_217 = arith.addi %mul3A_214, %add3A_216 : vector<16xi32>
      %gather3A_218 = tpu.vector_load_idx %arg12[%add3A_206, %add3A_217] : memref<80x128xf32, #tpu.memory_space<vmem>>[vector<16xi32>, vector<16xi32>], vector<16xf32>,
      %broadcast_in_dim3A_219 = arith.constant 4 : i32
      %broadcast_in_dim3A_220 = vector.broadcast %broadcast_in_dim3A_219 : i32 to vector<16xi32>
      tpu.vector_store_idx %arg14[%add3A_206, %broadcast_in_dim3A_220], %gather3A_218 : memref<80x128xf32, #tpu.memory_space<vmem>>[vector<16xi32>, vector<16xi32>], vector<16xf32>,
      %add3A_221 = arith.constant 1 : i32
      %add3A_222 = vector.broadcast %add3A_221 : i32 to vector<16xi32>
      %add3A_223 = arith.addi %mul3A_214, %add3A_222 : vector<16xi32>
      %gather3A_224 = tpu.vector_load_idx %arg12[%add3A_206, %add3A_223] : memref<80x128xf32, #tpu.memory_space<vmem>>[vector<16xi32>, vector<16xi32>], vector<16xf32>,
      %broadcast_in_dim3A_225 = arith.constant 5 : i32
      %broadcast_in_dim3A_226 = vector.broadcast %broadcast_in_dim3A_225 : i32 to vector<16xi32>
      tpu.vector_store_idx %arg14[%add3A_206, %broadcast_in_dim3A_226], %gather3A_224 : memref<80x128xf32, #tpu.memory_space<vmem>>[vector<16xi32>, vector<16xi32>], vector<16xf32>,
      %add3A_227 = arith.constant 2 : i32
      %add3A_228 = vector.broadcast %add3A_227 : i32 to vector<16xi32>
      %add3A_229 = arith.addi %mul3A_214, %add3A_228 : vector<16xi32>
      %gather3A_230 = tpu.vector_load_idx %arg12[%add3A_206, %add3A_229] : memref<80x128xf32, #tpu.memory_space<vmem>>[vector<16xi32>, vector<16xi32>], vector<16xf32>,
      %broadcast_in_dim3A_231 = arith.constant 6 : i32
      %broadcast_in_dim3A_232 = vector.broadcast %broadcast_in_dim3A_231 : i32 to vector<16xi32>
      tpu.vector_store_idx %arg14[%add3A_206, %broadcast_in_dim3A_232], %gather3A_230 : memref<80x128xf32, #tpu.memory_space<vmem>>[vector<16xi32>, vector<16xi32>], vector<16xf32>,
      %add3A_233 = arith.constant 3 : i32
      %add3A_234 = vector.broadcast %add3A_233 : i32 to vector<16xi32>
      %add3A_235 = arith.addi %mul3A_214, %add3A_234 : vector<16xi32>
      %gather3A_236 = tpu.vector_load_idx %arg12[%add3A_206, %add3A_235] : memref<80x128xf32, #tpu.memory_space<vmem>>[vector<16xi32>, vector<16xi32>], vector<16xf32>,
      %broadcast_in_dim3A_237 = arith.constant 7 : i32
      %broadcast_in_dim3A_238 = vector.broadcast %broadcast_in_dim3A_237 : i32 to vector<16xi32>
      tpu.vector_store_idx %arg14[%add3A_206, %broadcast_in_dim3A_238], %gather3A_236 : memref<80x128xf32, #tpu.memory_space<vmem>>[vector<16xi32>, vector<16xi32>], vector<16xf32>,
      %add3A_239 = arith.constant 64 : i32
      %add3A_240 = vector.broadcast %add3A_239 : i32 to vector<16xi32>
      %add3A_241 = arith.addi %add3A_240, %iota3A : vector<16xi32>
      %get3A_242 = arith.constant 64 : index
      %get3A_243 = tpu.vector_load %arg8[%get3A_242] {strides = array<i32>} : memref<80xi32, #tpu.memory_space<vmem>>, vector<16xi32>,
      %and3A_244 = arith.constant 15 : i32
      %and3A_245 = vector.broadcast %and3A_244 : i32 to vector<16xi32>
      %and3A_246 = arith.andi %get3A_243, %and3A_245 : vector<16xi32>
      %mul3A_247 = arith.constant 8 : i32
      %mul3A_248 = vector.broadcast %mul3A_247 : i32 to vector<16xi32>
      %mul3A_249 = arith.muli %and3A_246, %mul3A_248 : vector<16xi32>
      %add3A_250 = arith.constant 0 : i32
      %add3A_251 = vector.broadcast %add3A_250 : i32 to vector<16xi32>
      %add3A_252 = arith.addi %mul3A_249, %add3A_251 : vector<16xi32>
      %gather3A_253 = tpu.vector_load_idx %arg12[%add3A_241, %add3A_252] : memref<80x128xf32, #tpu.memory_space<vmem>>[vector<16xi32>, vector<16xi32>], vector<16xf32>,
      %broadcast_in_dim3A_254 = arith.constant 4 : i32
      %broadcast_in_dim3A_255 = vector.broadcast %broadcast_in_dim3A_254 : i32 to vector<16xi32>
      tpu.vector_store_idx %arg14[%add3A_241, %broadcast_in_dim3A_255], %gather3A_253 : memref<80x128xf32, #tpu.memory_space<vmem>>[vector<16xi32>, vector<16xi32>], vector<16xf32>,
      %add3A_256 = arith.constant 1 : i32
      %add3A_257 = vector.broadcast %add3A_256 : i32 to vector<16xi32>
      %add3A_258 = arith.addi %mul3A_249, %add3A_257 : vector<16xi32>
      %gather3A_259 = tpu.vector_load_idx %arg12[%add3A_241, %add3A_258] : memref<80x128xf32, #tpu.memory_space<vmem>>[vector<16xi32>, vector<16xi32>], vector<16xf32>,
      %broadcast_in_dim3A_260 = arith.constant 5 : i32
      %broadcast_in_dim3A_261 = vector.broadcast %broadcast_in_dim3A_260 : i32 to vector<16xi32>
      tpu.vector_store_idx %arg14[%add3A_241, %broadcast_in_dim3A_261], %gather3A_259 : memref<80x128xf32, #tpu.memory_space<vmem>>[vector<16xi32>, vector<16xi32>], vector<16xf32>,
      %add3A_262 = arith.constant 2 : i32
      %add3A_263 = vector.broadcast %add3A_262 : i32 to vector<16xi32>
      %add3A_264 = arith.addi %mul3A_249, %add3A_263 : vector<16xi32>
      %gather3A_265 = tpu.vector_load_idx %arg12[%add3A_241, %add3A_264] : memref<80x128xf32, #tpu.memory_space<vmem>>[vector<16xi32>, vector<16xi32>], vector<16xf32>,
      %broadcast_in_dim3A_266 = arith.constant 6 : i32
      %broadcast_in_dim3A_267 = vector.broadcast %broadcast_in_dim3A_266 : i32 to vector<16xi32>
      tpu.vector_store_idx %arg14[%add3A_241, %broadcast_in_dim3A_267], %gather3A_265 : memref<80x128xf32, #tpu.memory_space<vmem>>[vector<16xi32>, vector<16xi32>], vector<16xf32>,
      %add3A_268 = arith.constant 3 : i32
      %add3A_269 = vector.broadcast %add3A_268 : i32 to vector<16xi32>
      %add3A_270 = arith.addi %mul3A_249, %add3A_269 : vector<16xi32>
      %gather3A_271 = tpu.vector_load_idx %arg12[%add3A_241, %add3A_270] : memref<80x128xf32, #tpu.memory_space<vmem>>[vector<16xi32>, vector<16xi32>], vector<16xf32>,
      %broadcast_in_dim3A_272 = arith.constant 7 : i32
      %broadcast_in_dim3A_273 = vector.broadcast %broadcast_in_dim3A_272 : i32 to vector<16xi32>
      tpu.vector_store_idx %arg14[%add3A_241, %broadcast_in_dim3A_273], %gather3A_271 : memref<80x128xf32, #tpu.memory_space<vmem>>[vector<16xi32>, vector<16xi32>], vector<16xf32>,
      %get3A_274 = arith.constant 0 : index
      %get3A_275 = tpu.vector_load %arg9[%get3A_274] {strides = array<i32>} : memref<80xi32, #tpu.memory_space<vmem>>, vector<16xi32>,
      %shift_right_logical3A_276 = arith.constant 4 : i32
      %shift_right_logical3A_277 = vector.broadcast %shift_right_logical3A_276 : i32 to vector<16xi32>
      %shift_right_logical3A_278 = arith.shrui %get3A_275, %shift_right_logical3A_277 : vector<16xi32>
      %swap3A_279 = arith.constant 0 : index
      %swap3A_280 = tpu.vector_load %arg10[%swap3A_279] {strides = array<i32>} : memref<80xi32, #tpu.memory_space<vmem>>, vector<16xi32>,
      tpu.vector_store %arg10[%swap3A_279], %shift_right_logical3A_278 {strides = array<i32>} : memref<80xi32, #tpu.memory_space<vmem>>, vector<16xi32>,
      %get3A_281 = arith.constant 16 : index
      %get3A_282 = tpu.vector_load %arg9[%get3A_281] {strides = array<i32>} : memref<80xi32, #tpu.memory_space<vmem>>, vector<16xi32>,
      %shift_right_logical3A_283 = arith.constant 4 : i32
      %shift_right_logical3A_284 = vector.broadcast %shift_right_logical3A_283 : i32 to vector<16xi32>
      %shift_right_logical3A_285 = arith.shrui %get3A_282, %shift_right_logical3A_284 : vector<16xi32>
      %swap3A_286 = arith.constant 16 : index
      %swap3A_287 = tpu.vector_load %arg10[%swap3A_286] {strides = array<i32>} : memref<80xi32, #tpu.memory_space<vmem>>, vector<16xi32>,
      tpu.vector_store %arg10[%swap3A_286], %shift_right_logical3A_285 {strides = array<i32>} : memref<80xi32, #tpu.memory_space<vmem>>, vector<16xi32>,
      %get3A_288 = arith.constant 32 : index
      %get3A_289 = tpu.vector_load %arg9[%get3A_288] {strides = array<i32>} : memref<80xi32, #tpu.memory_space<vmem>>, vector<16xi32>,
      %shift_right_logical3A_290 = arith.constant 4 : i32
      %shift_right_logical3A_291 = vector.broadcast %shift_right_logical3A_290 : i32 to vector<16xi32>
      %shift_right_logical3A_292 = arith.shrui %get3A_289, %shift_right_logical3A_291 : vector<16xi32>
      %swap3A_293 = arith.constant 32 : index
      %swap3A_294 = tpu.vector_load %arg10[%swap3A_293] {strides = array<i32>} : memref<80xi32, #tpu.memory_space<vmem>>, vector<16xi32>,
      tpu.vector_store %arg10[%swap3A_293], %shift_right_logical3A_292 {strides = array<i32>} : memref<80xi32, #tpu.memory_space<vmem>>, vector<16xi32>,
      %get3A_295 = arith.constant 48 : index
      %get3A_296 = tpu.vector_load %arg9[%get3A_295] {strides = array<i32>} : memref<80xi32, #tpu.memory_space<vmem>>, vector<16xi32>,
      %shift_right_logical3A_297 = arith.constant 4 : i32
      %shift_right_logical3A_298 = vector.broadcast %shift_right_logical3A_297 : i32 to vector<16xi32>
      %shift_right_logical3A_299 = arith.shrui %get3A_296, %shift_right_logical3A_298 : vector<16xi32>
      %swap3A_300 = arith.constant 48 : index
      %swap3A_301 = tpu.vector_load %arg10[%swap3A_300] {strides = array<i32>} : memref<80xi32, #tpu.memory_space<vmem>>, vector<16xi32>,
      tpu.vector_store %arg10[%swap3A_300], %shift_right_logical3A_299 {strides = array<i32>} : memref<80xi32, #tpu.memory_space<vmem>>, vector<16xi32>,
      %get3A_302 = arith.constant 64 : index
      %get3A_303 = tpu.vector_load %arg9[%get3A_302] {strides = array<i32>} : memref<80xi32, #tpu.memory_space<vmem>>, vector<16xi32>,
      %shift_right_logical3A_304 = arith.constant 4 : i32
      %shift_right_logical3A_305 = vector.broadcast %shift_right_logical3A_304 : i32 to vector<16xi32>
      %shift_right_logical3A_306 = arith.shrui %get3A_303, %shift_right_logical3A_305 : vector<16xi32>
      %swap3A_307 = arith.constant 64 : index
      %swap3A_308 = tpu.vector_load %arg10[%swap3A_307] {strides = array<i32>} : memref<80xi32, #tpu.memory_space<vmem>>, vector<16xi32>,
      tpu.vector_store %arg10[%swap3A_307], %shift_right_logical3A_306 {strides = array<i32>} : memref<80xi32, #tpu.memory_space<vmem>>, vector<16xi32>,
      %dma_start3A_309 = arith.constant 0 : i32
      %dma_start3A_310 = arith.constant 0 : i32
      %dma_start3A_311 = tpu.memref_slice %arg3[%dma_start3A_309, %dma_start3A_310] : memref<625x128xf32, #tpu.memory_space<hbm>> -> memref<625x128xf32, #tpu.memory_space<hbm>>
      tpu.enqueue_indirect_dma source(%dma_start3A_311 : memref<625x128xf32, #tpu.memory_space<hbm>>) target(%arg12 : memref<80x128xf32, #tpu.memory_space<vmem>>) offsets(%arg10 : memref<80xi32, #tpu.memory_space<vmem>>) semaphore(%arg20 : memref<!tpu.dma_semaphore, #tpu.memory_space<semaphore_mem>>)
      %dma_wait3A_312 = arith.constant 0 : i32
      %dma_wait3A_313 = arith.constant 0 : i32
      %dma_wait3A_314 = tpu.memref_slice %arg3[%dma_wait3A_312, %dma_wait3A_313] : memref<625x128xf32, #tpu.memory_space<hbm>> -> memref<625x128xf32, #tpu.memory_space<hbm>>
      tpu.wait_indirect_dma semaphore(%arg20 : memref<!tpu.dma_semaphore, #tpu.memory_space<semaphore_mem>>) src(%dma_wait3A_314 : memref<625x128xf32, #tpu.memory_space<hbm>>) dst(%arg12 : memref<80x128xf32, #tpu.memory_space<vmem>>)
      %add3A_315 = arith.constant 0 : i32
      %add3A_316 = vector.broadcast %add3A_315 : i32 to vector<16xi32>
      %add3A_317 = arith.addi %add3A_316, %iota3A : vector<16xi32>
      %get3A_318 = arith.constant 0 : index
      %get3A_319 = tpu.vector_load %arg9[%get3A_318] {strides = array<i32>} : memref<80xi32, #tpu.memory_space<vmem>>, vector<16xi32>,
      %shift_right_logical3A_320 = arith.constant 5 : i32
      %shift_right_logical3A_321 = vector.broadcast %shift_right_logical3A_320 : i32 to vector<16xi32>
      %shift_right_logical3A_322 = arith.shrui %get3A_319, %shift_right_logical3A_321 : vector<16xi32>
      %add3A_323 = arith.constant 10000 : i32
      %add3A_324 = vector.broadcast %add3A_323 : i32 to vector<16xi32>
      %add3A_325 = arith.addi %add3A_324, %shift_right_logical3A_322 : vector<16xi32>
      %swap3A_326 = arith.constant 0 : index
      %swap3A_327 = tpu.vector_load %arg11[%swap3A_326] {strides = array<i32>} : memref<80xi32, #tpu.memory_space<vmem>>, vector<16xi32>,
      tpu.vector_store %arg11[%swap3A_326], %add3A_325 {strides = array<i32>} : memref<80xi32, #tpu.memory_space<vmem>>, vector<16xi32>,
      %and3A_328 = arith.constant 15 : i32
      %and3A_329 = vector.broadcast %and3A_328 : i32 to vector<16xi32>
      %and3A_330 = arith.andi %get3A_319, %and3A_329 : vector<16xi32>
      %mul3A_331 = arith.constant 8 : i32
      %mul3A_332 = vector.broadcast %mul3A_331 : i32 to vector<16xi32>
      %mul3A_333 = arith.muli %and3A_330, %mul3A_332 : vector<16xi32>
      %and3A_334 = arith.constant 31 : i32
      %and3A_335 = vector.broadcast %and3A_334 : i32 to vector<16xi32>
      %and3A_336 = arith.andi %get3A_319, %and3A_335 : vector<16xi32>
      %mul3A_337 = arith.constant 4 : i32
      %mul3A_338 = vector.broadcast %mul3A_337 : i32 to vector<16xi32>
      %mul3A_339 = arith.muli %and3A_336, %mul3A_338 : vector<16xi32>
      %add3A_340 = arith.constant 4 : i32
      %add3A_341 = vector.broadcast %add3A_340 : i32 to vector<16xi32>
      %add3A_342 = arith.addi %mul3A_333, %add3A_341 : vector<16xi32>
      %gather3A_343 = tpu.vector_load_idx %arg12[%add3A_317, %add3A_342] : memref<80x128xf32, #tpu.memory_space<vmem>>[vector<16xi32>, vector<16xi32>], vector<16xf32>,
      %broadcast_in_dim3A_344 = arith.constant 4 : i32
      %broadcast_in_dim3A_345 = vector.broadcast %broadcast_in_dim3A_344 : i32 to vector<16xi32>
      %gather3A_346 = tpu.vector_load_idx %arg14[%add3A_317, %broadcast_in_dim3A_345] : memref<80x128xf32, #tpu.memory_space<vmem>>[vector<16xi32>, vector<16xi32>], vector<16xf32>,
      %add3A_347 = arith.addf %gather3A_346, %gather3A_343 : vector<16xf32>
      %gt3A = arith.constant 0.000000e+00 : f32
      %gt3A_348 = vector.broadcast %gt3A : f32 to vector<16xf32>
      %gt3A_349 = arith.cmpf ogt, %add3A_347, %gt3A_348 : vector<16xf32>
      %mul3A_350 = arith.constant 2.000000e-01 : f32
      %mul3A_351 = vector.broadcast %mul3A_350 : f32 to vector<16xf32>
      %mul3A_352 = arith.mulf %mul3A_351, %add3A_347 : vector<16xf32>
      %select_n3A = arith.select %gt3A_349, %add3A_347, %mul3A_352 : vector<16xi1>, vector<16xf32>
      %sub3A = arith.subf %select_n3A, %get3A_43 : vector<16xf32>
      %exp3A = math.exp %sub3A : vector<16xf32>
      %mul3A_353 = arith.constant 4 : i32
      %mul3A_354 = vector.broadcast %mul3A_353 : i32 to vector<16xi32>
      %mul3A_355 = arith.muli %add3A_317, %mul3A_354 : vector<16xi32>
      %add3A_356 = arith.constant 0 : i32
      %add3A_357 = vector.broadcast %add3A_356 : i32 to vector<16xi32>
      %add3A_358 = arith.addi %mul3A_355, %add3A_357 : vector<16xi32>
      tpu.vector_store_idx %arg16[%add3A_358], %exp3A : memref<320xf32, #tpu.memory_space<vmem>>[vector<16xi32>], vector<16xf32>,
      %add3A_359 = arith.constant 0 : i32
      %add3A_360 = vector.broadcast %add3A_359 : i32 to vector<16xi32>
      %add3A_361 = arith.addi %mul3A_339, %add3A_360 : vector<16xi32>
      tpu.vector_store_idx %arg15[%add3A_317, %add3A_361], %exp3A : memref<80x128xf32, #tpu.memory_space<vmem>>[vector<16xi32>, vector<16xi32>], vector<16xf32>,
      %add3A_362 = arith.constant 5 : i32
      %add3A_363 = vector.broadcast %add3A_362 : i32 to vector<16xi32>
      %add3A_364 = arith.addi %mul3A_333, %add3A_363 : vector<16xi32>
      %gather3A_365 = tpu.vector_load_idx %arg12[%add3A_317, %add3A_364] : memref<80x128xf32, #tpu.memory_space<vmem>>[vector<16xi32>, vector<16xi32>], vector<16xf32>,
      %broadcast_in_dim3A_366 = arith.constant 5 : i32
      %broadcast_in_dim3A_367 = vector.broadcast %broadcast_in_dim3A_366 : i32 to vector<16xi32>
      %gather3A_368 = tpu.vector_load_idx %arg14[%add3A_317, %broadcast_in_dim3A_367] : memref<80x128xf32, #tpu.memory_space<vmem>>[vector<16xi32>, vector<16xi32>], vector<16xf32>,
      %add3A_369 = arith.addf %gather3A_368, %gather3A_365 : vector<16xf32>
      %gt3A_370 = arith.constant 0.000000e+00 : f32
      %gt3A_371 = vector.broadcast %gt3A_370 : f32 to vector<16xf32>
      %gt3A_372 = arith.cmpf ogt, %add3A_369, %gt3A_371 : vector<16xf32>
      %mul3A_373 = arith.constant 2.000000e-01 : f32
      %mul3A_374 = vector.broadcast %mul3A_373 : f32 to vector<16xf32>
      %mul3A_375 = arith.mulf %mul3A_374, %add3A_369 : vector<16xf32>
      %select_n3A_376 = arith.select %gt3A_372, %add3A_369, %mul3A_375 : vector<16xi1>, vector<16xf32>
      %sub3A_377 = arith.subf %select_n3A_376, %get3A_43 : vector<16xf32>
      %exp3A_378 = math.exp %sub3A_377 : vector<16xf32>
      %mul3A_379 = arith.constant 4 : i32
      %mul3A_380 = vector.broadcast %mul3A_379 : i32 to vector<16xi32>
      %mul3A_381 = arith.muli %add3A_317, %mul3A_380 : vector<16xi32>
      %add3A_382 = arith.constant 1 : i32
      %add3A_383 = vector.broadcast %add3A_382 : i32 to vector<16xi32>
      %add3A_384 = arith.addi %mul3A_381, %add3A_383 : vector<16xi32>
      tpu.vector_store_idx %arg16[%add3A_384], %exp3A_378 : memref<320xf32, #tpu.memory_space<vmem>>[vector<16xi32>], vector<16xf32>,
      %add3A_385 = arith.constant 1 : i32
      %add3A_386 = vector.broadcast %add3A_385 : i32 to vector<16xi32>
      %add3A_387 = arith.addi %mul3A_339, %add3A_386 : vector<16xi32>
      tpu.vector_store_idx %arg15[%add3A_317, %add3A_387], %exp3A_378 : memref<80x128xf32, #tpu.memory_space<vmem>>[vector<16xi32>, vector<16xi32>], vector<16xf32>,
      %add3A_388 = arith.constant 6 : i32
      %add3A_389 = vector.broadcast %add3A_388 : i32 to vector<16xi32>
      %add3A_390 = arith.addi %mul3A_333, %add3A_389 : vector<16xi32>
      %gather3A_391 = tpu.vector_load_idx %arg12[%add3A_317, %add3A_390] : memref<80x128xf32, #tpu.memory_space<vmem>>[vector<16xi32>, vector<16xi32>], vector<16xf32>,
      %broadcast_in_dim3A_392 = arith.constant 6 : i32
      %broadcast_in_dim3A_393 = vector.broadcast %broadcast_in_dim3A_392 : i32 to vector<16xi32>
      %gather3A_394 = tpu.vector_load_idx %arg14[%add3A_317, %broadcast_in_dim3A_393] : memref<80x128xf32, #tpu.memory_space<vmem>>[vector<16xi32>, vector<16xi32>], vector<16xf32>,
      %add3A_395 = arith.addf %gather3A_394, %gather3A_391 : vector<16xf32>
      %gt3A_396 = arith.constant 0.000000e+00 : f32
      %gt3A_397 = vector.broadcast %gt3A_396 : f32 to vector<16xf32>
      %gt3A_398 = arith.cmpf ogt, %add3A_395, %gt3A_397 : vector<16xf32>
      %mul3A_399 = arith.constant 2.000000e-01 : f32
      %mul3A_400 = vector.broadcast %mul3A_399 : f32 to vector<16xf32>
      %mul3A_401 = arith.mulf %mul3A_400, %add3A_395 : vector<16xf32>
      %select_n3A_402 = arith.select %gt3A_398, %add3A_395, %mul3A_401 : vector<16xi1>, vector<16xf32>
      %sub3A_403 = arith.subf %select_n3A_402, %get3A_43 : vector<16xf32>
      %exp3A_404 = math.exp %sub3A_403 : vector<16xf32>
      %mul3A_405 = arith.constant 4 : i32
      %mul3A_406 = vector.broadcast %mul3A_405 : i32 to vector<16xi32>
      %mul3A_407 = arith.muli %add3A_317, %mul3A_406 : vector<16xi32>
      %add3A_408 = arith.constant 2 : i32
      %add3A_409 = vector.broadcast %add3A_408 : i32 to vector<16xi32>
      %add3A_410 = arith.addi %mul3A_407, %add3A_409 : vector<16xi32>
      tpu.vector_store_idx %arg16[%add3A_410], %exp3A_404 : memref<320xf32, #tpu.memory_space<vmem>>[vector<16xi32>], vector<16xf32>,
      %add3A_411 = arith.constant 2 : i32
      %add3A_412 = vector.broadcast %add3A_411 : i32 to vector<16xi32>
      %add3A_413 = arith.addi %mul3A_339, %add3A_412 : vector<16xi32>
      tpu.vector_store_idx %arg15[%add3A_317, %add3A_413], %exp3A_404 : memref<80x128xf32, #tpu.memory_space<vmem>>[vector<16xi32>, vector<16xi32>], vector<16xf32>,
      %add3A_414 = arith.constant 7 : i32
      %add3A_415 = vector.broadcast %add3A_414 : i32 to vector<16xi32>
      %add3A_416 = arith.addi %mul3A_333, %add3A_415 : vector<16xi32>
      %gather3A_417 = tpu.vector_load_idx %arg12[%add3A_317, %add3A_416] : memref<80x128xf32, #tpu.memory_space<vmem>>[vector<16xi32>, vector<16xi32>], vector<16xf32>,
      %broadcast_in_dim3A_418 = arith.constant 7 : i32
      %broadcast_in_dim3A_419 = vector.broadcast %broadcast_in_dim3A_418 : i32 to vector<16xi32>
      %gather3A_420 = tpu.vector_load_idx %arg14[%add3A_317, %broadcast_in_dim3A_419] : memref<80x128xf32, #tpu.memory_space<vmem>>[vector<16xi32>, vector<16xi32>], vector<16xf32>,
      %add3A_421 = arith.addf %gather3A_420, %gather3A_417 : vector<16xf32>
      %gt3A_422 = arith.constant 0.000000e+00 : f32
      %gt3A_423 = vector.broadcast %gt3A_422 : f32 to vector<16xf32>
      %gt3A_424 = arith.cmpf ogt, %add3A_421, %gt3A_423 : vector<16xf32>
      %mul3A_425 = arith.constant 2.000000e-01 : f32
      %mul3A_426 = vector.broadcast %mul3A_425 : f32 to vector<16xf32>
      %mul3A_427 = arith.mulf %mul3A_426, %add3A_421 : vector<16xf32>
      %select_n3A_428 = arith.select %gt3A_424, %add3A_421, %mul3A_427 : vector<16xi1>, vector<16xf32>
      %sub3A_429 = arith.subf %select_n3A_428, %get3A_43 : vector<16xf32>
      %exp3A_430 = math.exp %sub3A_429 : vector<16xf32>
      %mul3A_431 = arith.constant 4 : i32
      %mul3A_432 = vector.broadcast %mul3A_431 : i32 to vector<16xi32>
      %mul3A_433 = arith.muli %add3A_317, %mul3A_432 : vector<16xi32>
      %add3A_434 = arith.constant 3 : i32
      %add3A_435 = vector.broadcast %add3A_434 : i32 to vector<16xi32>
      %add3A_436 = arith.addi %mul3A_433, %add3A_435 : vector<16xi32>
      tpu.vector_store_idx %arg16[%add3A_436], %exp3A_430 : memref<320xf32, #tpu.memory_space<vmem>>[vector<16xi32>], vector<16xf32>,
      %add3A_437 = arith.constant 3 : i32
      %add3A_438 = vector.broadcast %add3A_437 : i32 to vector<16xi32>
      %add3A_439 = arith.addi %mul3A_339, %add3A_438 : vector<16xi32>
      tpu.vector_store_idx %arg15[%add3A_317, %add3A_439], %exp3A_430 : memref<80x128xf32, #tpu.memory_space<vmem>>[vector<16xi32>, vector<16xi32>], vector<16xf32>,
      %add3A_440 = arith.constant 16 : i32
      %add3A_441 = vector.broadcast %add3A_440 : i32 to vector<16xi32>
      %add3A_442 = arith.addi %add3A_441, %iota3A : vector<16xi32>
      %get3A_443 = arith.constant 16 : index
      %get3A_444 = tpu.vector_load %arg9[%get3A_443] {strides = array<i32>} : memref<80xi32, #tpu.memory_space<vmem>>, vector<16xi32>,
      %shift_right_logical3A_445 = arith.constant 5 : i32
      %shift_right_logical3A_446 = vector.broadcast %shift_right_logical3A_445 : i32 to vector<16xi32>
      %shift_right_logical3A_447 = arith.shrui %get3A_444, %shift_right_logical3A_446 : vector<16xi32>
      %add3A_448 = arith.constant 10000 : i32
      %add3A_449 = vector.broadcast %add3A_448 : i32 to vector<16xi32>
      %add3A_450 = arith.addi %add3A_449, %shift_right_logical3A_447 : vector<16xi32>
      %swap3A_451 = arith.constant 16 : index
      %swap3A_452 = tpu.vector_load %arg11[%swap3A_451] {strides = array<i32>} : memref<80xi32, #tpu.memory_space<vmem>>, vector<16xi32>,
      tpu.vector_store %arg11[%swap3A_451], %add3A_450 {strides = array<i32>} : memref<80xi32, #tpu.memory_space<vmem>>, vector<16xi32>,
      %and3A_453 = arith.constant 15 : i32
      %and3A_454 = vector.broadcast %and3A_453 : i32 to vector<16xi32>
      %and3A_455 = arith.andi %get3A_444, %and3A_454 : vector<16xi32>
      %mul3A_456 = arith.constant 8 : i32
      %mul3A_457 = vector.broadcast %mul3A_456 : i32 to vector<16xi32>
      %mul3A_458 = arith.muli %and3A_455, %mul3A_457 : vector<16xi32>
      %and3A_459 = arith.constant 31 : i32
      %and3A_460 = vector.broadcast %and3A_459 : i32 to vector<16xi32>
      %and3A_461 = arith.andi %get3A_444, %and3A_460 : vector<16xi32>
      %mul3A_462 = arith.constant 4 : i32
      %mul3A_463 = vector.broadcast %mul3A_462 : i32 to vector<16xi32>
      %mul3A_464 = arith.muli %and3A_461, %mul3A_463 : vector<16xi32>
      %add3A_465 = arith.constant 4 : i32
      %add3A_466 = vector.broadcast %add3A_465 : i32 to vector<16xi32>
      %add3A_467 = arith.addi %mul3A_458, %add3A_466 : vector<16xi32>
      %gather3A_468 = tpu.vector_load_idx %arg12[%add3A_442, %add3A_467] : memref<80x128xf32, #tpu.memory_space<vmem>>[vector<16xi32>, vector<16xi32>], vector<16xf32>,
      %broadcast_in_dim3A_469 = arith.constant 4 : i32
      %broadcast_in_dim3A_470 = vector.broadcast %broadcast_in_dim3A_469 : i32 to vector<16xi32>
      %gather3A_471 = tpu.vector_load_idx %arg14[%add3A_442, %broadcast_in_dim3A_470] : memref<80x128xf32, #tpu.memory_space<vmem>>[vector<16xi32>, vector<16xi32>], vector<16xf32>,
      %add3A_472 = arith.addf %gather3A_471, %gather3A_468 : vector<16xf32>
      %gt3A_473 = arith.constant 0.000000e+00 : f32
      %gt3A_474 = vector.broadcast %gt3A_473 : f32 to vector<16xf32>
      %gt3A_475 = arith.cmpf ogt, %add3A_472, %gt3A_474 : vector<16xf32>
      %mul3A_476 = arith.constant 2.000000e-01 : f32
      %mul3A_477 = vector.broadcast %mul3A_476 : f32 to vector<16xf32>
      %mul3A_478 = arith.mulf %mul3A_477, %add3A_472 : vector<16xf32>
      %select_n3A_479 = arith.select %gt3A_475, %add3A_472, %mul3A_478 : vector<16xi1>, vector<16xf32>
      %sub3A_480 = arith.subf %select_n3A_479, %get3A_43 : vector<16xf32>
      %exp3A_481 = math.exp %sub3A_480 : vector<16xf32>
      %mul3A_482 = arith.constant 4 : i32
      %mul3A_483 = vector.broadcast %mul3A_482 : i32 to vector<16xi32>
      %mul3A_484 = arith.muli %add3A_442, %mul3A_483 : vector<16xi32>
      %add3A_485 = arith.constant 0 : i32
      %add3A_486 = vector.broadcast %add3A_485 : i32 to vector<16xi32>
      %add3A_487 = arith.addi %mul3A_484, %add3A_486 : vector<16xi32>
      tpu.vector_store_idx %arg16[%add3A_487], %exp3A_481 : memref<320xf32, #tpu.memory_space<vmem>>[vector<16xi32>], vector<16xf32>,
      %add3A_488 = arith.constant 0 : i32
      %add3A_489 = vector.broadcast %add3A_488 : i32 to vector<16xi32>
      %add3A_490 = arith.addi %mul3A_464, %add3A_489 : vector<16xi32>
      tpu.vector_store_idx %arg15[%add3A_442, %add3A_490], %exp3A_481 : memref<80x128xf32, #tpu.memory_space<vmem>>[vector<16xi32>, vector<16xi32>], vector<16xf32>,
      %add3A_491 = arith.constant 5 : i32
      %add3A_492 = vector.broadcast %add3A_491 : i32 to vector<16xi32>
      %add3A_493 = arith.addi %mul3A_458, %add3A_492 : vector<16xi32>
      %gather3A_494 = tpu.vector_load_idx %arg12[%add3A_442, %add3A_493] : memref<80x128xf32, #tpu.memory_space<vmem>>[vector<16xi32>, vector<16xi32>], vector<16xf32>,
      %broadcast_in_dim3A_495 = arith.constant 5 : i32
      %broadcast_in_dim3A_496 = vector.broadcast %broadcast_in_dim3A_495 : i32 to vector<16xi32>
      %gather3A_497 = tpu.vector_load_idx %arg14[%add3A_442, %broadcast_in_dim3A_496] : memref<80x128xf32, #tpu.memory_space<vmem>>[vector<16xi32>, vector<16xi32>], vector<16xf32>,
      %add3A_498 = arith.addf %gather3A_497, %gather3A_494 : vector<16xf32>
      %gt3A_499 = arith.constant 0.000000e+00 : f32
      %gt3A_500 = vector.broadcast %gt3A_499 : f32 to vector<16xf32>
      %gt3A_501 = arith.cmpf ogt, %add3A_498, %gt3A_500 : vector<16xf32>
      %mul3A_502 = arith.constant 2.000000e-01 : f32
      %mul3A_503 = vector.broadcast %mul3A_502 : f32 to vector<16xf32>
      %mul3A_504 = arith.mulf %mul3A_503, %add3A_498 : vector<16xf32>
      %select_n3A_505 = arith.select %gt3A_501, %add3A_498, %mul3A_504 : vector<16xi1>, vector<16xf32>
      %sub3A_506 = arith.subf %select_n3A_505, %get3A_43 : vector<16xf32>
      %exp3A_507 = math.exp %sub3A_506 : vector<16xf32>
      %mul3A_508 = arith.constant 4 : i32
      %mul3A_509 = vector.broadcast %mul3A_508 : i32 to vector<16xi32>
      %mul3A_510 = arith.muli %add3A_442, %mul3A_509 : vector<16xi32>
      %add3A_511 = arith.constant 1 : i32
      %add3A_512 = vector.broadcast %add3A_511 : i32 to vector<16xi32>
      %add3A_513 = arith.addi %mul3A_510, %add3A_512 : vector<16xi32>
      tpu.vector_store_idx %arg16[%add3A_513], %exp3A_507 : memref<320xf32, #tpu.memory_space<vmem>>[vector<16xi32>], vector<16xf32>,
      %add3A_514 = arith.constant 1 : i32
      %add3A_515 = vector.broadcast %add3A_514 : i32 to vector<16xi32>
      %add3A_516 = arith.addi %mul3A_464, %add3A_515 : vector<16xi32>
      tpu.vector_store_idx %arg15[%add3A_442, %add3A_516], %exp3A_507 : memref<80x128xf32, #tpu.memory_space<vmem>>[vector<16xi32>, vector<16xi32>], vector<16xf32>,
      %add3A_517 = arith.constant 6 : i32
      %add3A_518 = vector.broadcast %add3A_517 : i32 to vector<16xi32>
      %add3A_519 = arith.addi %mul3A_458, %add3A_518 : vector<16xi32>
      %gather3A_520 = tpu.vector_load_idx %arg12[%add3A_442, %add3A_519] : memref<80x128xf32, #tpu.memory_space<vmem>>[vector<16xi32>, vector<16xi32>], vector<16xf32>,
      %broadcast_in_dim3A_521 = arith.constant 6 : i32
      %broadcast_in_dim3A_522 = vector.broadcast %broadcast_in_dim3A_521 : i32 to vector<16xi32>
      %gather3A_523 = tpu.vector_load_idx %arg14[%add3A_442, %broadcast_in_dim3A_522] : memref<80x128xf32, #tpu.memory_space<vmem>>[vector<16xi32>, vector<16xi32>], vector<16xf32>,
      %add3A_524 = arith.addf %gather3A_523, %gather3A_520 : vector<16xf32>
      %gt3A_525 = arith.constant 0.000000e+00 : f32
      %gt3A_526 = vector.broadcast %gt3A_525 : f32 to vector<16xf32>
      %gt3A_527 = arith.cmpf ogt, %add3A_524, %gt3A_526 : vector<16xf32>
      %mul3A_528 = arith.constant 2.000000e-01 : f32
      %mul3A_529 = vector.broadcast %mul3A_528 : f32 to vector<16xf32>
      %mul3A_530 = arith.mulf %mul3A_529, %add3A_524 : vector<16xf32>
      %select_n3A_531 = arith.select %gt3A_527, %add3A_524, %mul3A_530 : vector<16xi1>, vector<16xf32>
      %sub3A_532 = arith.subf %select_n3A_531, %get3A_43 : vector<16xf32>
      %exp3A_533 = math.exp %sub3A_532 : vector<16xf32>
      %mul3A_534 = arith.constant 4 : i32
      %mul3A_535 = vector.broadcast %mul3A_534 : i32 to vector<16xi32>
      %mul3A_536 = arith.muli %add3A_442, %mul3A_535 : vector<16xi32>
      %add3A_537 = arith.constant 2 : i32
      %add3A_538 = vector.broadcast %add3A_537 : i32 to vector<16xi32>
      %add3A_539 = arith.addi %mul3A_536, %add3A_538 : vector<16xi32>
      tpu.vector_store_idx %arg16[%add3A_539], %exp3A_533 : memref<320xf32, #tpu.memory_space<vmem>>[vector<16xi32>], vector<16xf32>,
      %add3A_540 = arith.constant 2 : i32
      %add3A_541 = vector.broadcast %add3A_540 : i32 to vector<16xi32>
      %add3A_542 = arith.addi %mul3A_464, %add3A_541 : vector<16xi32>
      tpu.vector_store_idx %arg15[%add3A_442, %add3A_542], %exp3A_533 : memref<80x128xf32, #tpu.memory_space<vmem>>[vector<16xi32>, vector<16xi32>], vector<16xf32>,
      %add3A_543 = arith.constant 7 : i32
      %add3A_544 = vector.broadcast %add3A_543 : i32 to vector<16xi32>
      %add3A_545 = arith.addi %mul3A_458, %add3A_544 : vector<16xi32>
      %gather3A_546 = tpu.vector_load_idx %arg12[%add3A_442, %add3A_545] : memref<80x128xf32, #tpu.memory_space<vmem>>[vector<16xi32>, vector<16xi32>], vector<16xf32>,
      %broadcast_in_dim3A_547 = arith.constant 7 : i32
      %broadcast_in_dim3A_548 = vector.broadcast %broadcast_in_dim3A_547 : i32 to vector<16xi32>
      %gather3A_549 = tpu.vector_load_idx %arg14[%add3A_442, %broadcast_in_dim3A_548] : memref<80x128xf32, #tpu.memory_space<vmem>>[vector<16xi32>, vector<16xi32>], vector<16xf32>,
      %add3A_550 = arith.addf %gather3A_549, %gather3A_546 : vector<16xf32>
      %gt3A_551 = arith.constant 0.000000e+00 : f32
      %gt3A_552 = vector.broadcast %gt3A_551 : f32 to vector<16xf32>
      %gt3A_553 = arith.cmpf ogt, %add3A_550, %gt3A_552 : vector<16xf32>
      %mul3A_554 = arith.constant 2.000000e-01 : f32
      %mul3A_555 = vector.broadcast %mul3A_554 : f32 to vector<16xf32>
      %mul3A_556 = arith.mulf %mul3A_555, %add3A_550 : vector<16xf32>
      %select_n3A_557 = arith.select %gt3A_553, %add3A_550, %mul3A_556 : vector<16xi1>, vector<16xf32>
      %sub3A_558 = arith.subf %select_n3A_557, %get3A_43 : vector<16xf32>
      %exp3A_559 = math.exp %sub3A_558 : vector<16xf32>
      %mul3A_560 = arith.constant 4 : i32
      %mul3A_561 = vector.broadcast %mul3A_560 : i32 to vector<16xi32>
      %mul3A_562 = arith.muli %add3A_442, %mul3A_561 : vector<16xi32>
      %add3A_563 = arith.constant 3 : i32
      %add3A_564 = vector.broadcast %add3A_563 : i32 to vector<16xi32>
      %add3A_565 = arith.addi %mul3A_562, %add3A_564 : vector<16xi32>
      tpu.vector_store_idx %arg16[%add3A_565], %exp3A_559 : memref<320xf32, #tpu.memory_space<vmem>>[vector<16xi32>], vector<16xf32>,
      %add3A_566 = arith.constant 3 : i32
      %add3A_567 = vector.broadcast %add3A_566 : i32 to vector<16xi32>
      %add3A_568 = arith.addi %mul3A_464, %add3A_567 : vector<16xi32>
      tpu.vector_store_idx %arg15[%add3A_442, %add3A_568], %exp3A_559 : memref<80x128xf32, #tpu.memory_space<vmem>>[vector<16xi32>, vector<16xi32>], vector<16xf32>,
      %add3A_569 = arith.constant 32 : i32
      %add3A_570 = vector.broadcast %add3A_569 : i32 to vector<16xi32>
      %add3A_571 = arith.addi %add3A_570, %iota3A : vector<16xi32>
      %get3A_572 = arith.constant 32 : index
      %get3A_573 = tpu.vector_load %arg9[%get3A_572] {strides = array<i32>} : memref<80xi32, #tpu.memory_space<vmem>>, vector<16xi32>,
      %shift_right_logical3A_574 = arith.constant 5 : i32
      %shift_right_logical3A_575 = vector.broadcast %shift_right_logical3A_574 : i32 to vector<16xi32>
      %shift_right_logical3A_576 = arith.shrui %get3A_573, %shift_right_logical3A_575 : vector<16xi32>
      %add3A_577 = arith.constant 10000 : i32
      %add3A_578 = vector.broadcast %add3A_577 : i32 to vector<16xi32>
      %add3A_579 = arith.addi %add3A_578, %shift_right_logical3A_576 : vector<16xi32>
      %swap3A_580 = arith.constant 32 : index
      %swap3A_581 = tpu.vector_load %arg11[%swap3A_580] {strides = array<i32>} : memref<80xi32, #tpu.memory_space<vmem>>, vector<16xi32>,
      tpu.vector_store %arg11[%swap3A_580], %add3A_579 {strides = array<i32>} : memref<80xi32, #tpu.memory_space<vmem>>, vector<16xi32>,
      %and3A_582 = arith.constant 15 : i32
      %and3A_583 = vector.broadcast %and3A_582 : i32 to vector<16xi32>
      %and3A_584 = arith.andi %get3A_573, %and3A_583 : vector<16xi32>
      %mul3A_585 = arith.constant 8 : i32
      %mul3A_586 = vector.broadcast %mul3A_585 : i32 to vector<16xi32>
      %mul3A_587 = arith.muli %and3A_584, %mul3A_586 : vector<16xi32>
      %and3A_588 = arith.constant 31 : i32
      %and3A_589 = vector.broadcast %and3A_588 : i32 to vector<16xi32>
      %and3A_590 = arith.andi %get3A_573, %and3A_589 : vector<16xi32>
      %mul3A_591 = arith.constant 4 : i32
      %mul3A_592 = vector.broadcast %mul3A_591 : i32 to vector<16xi32>
      %mul3A_593 = arith.muli %and3A_590, %mul3A_592 : vector<16xi32>
      %add3A_594 = arith.constant 4 : i32
      %add3A_595 = vector.broadcast %add3A_594 : i32 to vector<16xi32>
      %add3A_596 = arith.addi %mul3A_587, %add3A_595 : vector<16xi32>
      %gather3A_597 = tpu.vector_load_idx %arg12[%add3A_571, %add3A_596] : memref<80x128xf32, #tpu.memory_space<vmem>>[vector<16xi32>, vector<16xi32>], vector<16xf32>,
      %broadcast_in_dim3A_598 = arith.constant 4 : i32
      %broadcast_in_dim3A_599 = vector.broadcast %broadcast_in_dim3A_598 : i32 to vector<16xi32>
      %gather3A_600 = tpu.vector_load_idx %arg14[%add3A_571, %broadcast_in_dim3A_599] : memref<80x128xf32, #tpu.memory_space<vmem>>[vector<16xi32>, vector<16xi32>], vector<16xf32>,
      %add3A_601 = arith.addf %gather3A_600, %gather3A_597 : vector<16xf32>
      %gt3A_602 = arith.constant 0.000000e+00 : f32
      %gt3A_603 = vector.broadcast %gt3A_602 : f32 to vector<16xf32>
      %gt3A_604 = arith.cmpf ogt, %add3A_601, %gt3A_603 : vector<16xf32>
      %mul3A_605 = arith.constant 2.000000e-01 : f32
      %mul3A_606 = vector.broadcast %mul3A_605 : f32 to vector<16xf32>
      %mul3A_607 = arith.mulf %mul3A_606, %add3A_601 : vector<16xf32>
      %select_n3A_608 = arith.select %gt3A_604, %add3A_601, %mul3A_607 : vector<16xi1>, vector<16xf32>
      %sub3A_609 = arith.subf %select_n3A_608, %get3A_43 : vector<16xf32>
      %exp3A_610 = math.exp %sub3A_609 : vector<16xf32>
      %mul3A_611 = arith.constant 4 : i32
      %mul3A_612 = vector.broadcast %mul3A_611 : i32 to vector<16xi32>
      %mul3A_613 = arith.muli %add3A_571, %mul3A_612 : vector<16xi32>
      %add3A_614 = arith.constant 0 : i32
      %add3A_615 = vector.broadcast %add3A_614 : i32 to vector<16xi32>
      %add3A_616 = arith.addi %mul3A_613, %add3A_615 : vector<16xi32>
      tpu.vector_store_idx %arg16[%add3A_616], %exp3A_610 : memref<320xf32, #tpu.memory_space<vmem>>[vector<16xi32>], vector<16xf32>,
      %add3A_617 = arith.constant 0 : i32
      %add3A_618 = vector.broadcast %add3A_617 : i32 to vector<16xi32>
      %add3A_619 = arith.addi %mul3A_593, %add3A_618 : vector<16xi32>
      tpu.vector_store_idx %arg15[%add3A_571, %add3A_619], %exp3A_610 : memref<80x128xf32, #tpu.memory_space<vmem>>[vector<16xi32>, vector<16xi32>], vector<16xf32>,
      %add3A_620 = arith.constant 5 : i32
      %add3A_621 = vector.broadcast %add3A_620 : i32 to vector<16xi32>
      %add3A_622 = arith.addi %mul3A_587, %add3A_621 : vector<16xi32>
      %gather3A_623 = tpu.vector_load_idx %arg12[%add3A_571, %add3A_622] : memref<80x128xf32, #tpu.memory_space<vmem>>[vector<16xi32>, vector<16xi32>], vector<16xf32>,
      %broadcast_in_dim3A_624 = arith.constant 5 : i32
      %broadcast_in_dim3A_625 = vector.broadcast %broadcast_in_dim3A_624 : i32 to vector<16xi32>
      %gather3A_626 = tpu.vector_load_idx %arg14[%add3A_571, %broadcast_in_dim3A_625] : memref<80x128xf32, #tpu.memory_space<vmem>>[vector<16xi32>, vector<16xi32>], vector<16xf32>,
      %add3A_627 = arith.addf %gather3A_626, %gather3A_623 : vector<16xf32>
      %gt3A_628 = arith.constant 0.000000e+00 : f32
      %gt3A_629 = vector.broadcast %gt3A_628 : f32 to vector<16xf32>
      %gt3A_630 = arith.cmpf ogt, %add3A_627, %gt3A_629 : vector<16xf32>
      %mul3A_631 = arith.constant 2.000000e-01 : f32
      %mul3A_632 = vector.broadcast %mul3A_631 : f32 to vector<16xf32>
      %mul3A_633 = arith.mulf %mul3A_632, %add3A_627 : vector<16xf32>
      %select_n3A_634 = arith.select %gt3A_630, %add3A_627, %mul3A_633 : vector<16xi1>, vector<16xf32>
      %sub3A_635 = arith.subf %select_n3A_634, %get3A_43 : vector<16xf32>
      %exp3A_636 = math.exp %sub3A_635 : vector<16xf32>
      %mul3A_637 = arith.constant 4 : i32
      %mul3A_638 = vector.broadcast %mul3A_637 : i32 to vector<16xi32>
      %mul3A_639 = arith.muli %add3A_571, %mul3A_638 : vector<16xi32>
      %add3A_640 = arith.constant 1 : i32
      %add3A_641 = vector.broadcast %add3A_640 : i32 to vector<16xi32>
      %add3A_642 = arith.addi %mul3A_639, %add3A_641 : vector<16xi32>
      tpu.vector_store_idx %arg16[%add3A_642], %exp3A_636 : memref<320xf32, #tpu.memory_space<vmem>>[vector<16xi32>], vector<16xf32>,
      %add3A_643 = arith.constant 1 : i32
      %add3A_644 = vector.broadcast %add3A_643 : i32 to vector<16xi32>
      %add3A_645 = arith.addi %mul3A_593, %add3A_644 : vector<16xi32>
      tpu.vector_store_idx %arg15[%add3A_571, %add3A_645], %exp3A_636 : memref<80x128xf32, #tpu.memory_space<vmem>>[vector<16xi32>, vector<16xi32>], vector<16xf32>,
      %add3A_646 = arith.constant 6 : i32
      %add3A_647 = vector.broadcast %add3A_646 : i32 to vector<16xi32>
      %add3A_648 = arith.addi %mul3A_587, %add3A_647 : vector<16xi32>
      %gather3A_649 = tpu.vector_load_idx %arg12[%add3A_571, %add3A_648] : memref<80x128xf32, #tpu.memory_space<vmem>>[vector<16xi32>, vector<16xi32>], vector<16xf32>,
      %broadcast_in_dim3A_650 = arith.constant 6 : i32
      %broadcast_in_dim3A_651 = vector.broadcast %broadcast_in_dim3A_650 : i32 to vector<16xi32>
      %gather3A_652 = tpu.vector_load_idx %arg14[%add3A_571, %broadcast_in_dim3A_651] : memref<80x128xf32, #tpu.memory_space<vmem>>[vector<16xi32>, vector<16xi32>], vector<16xf32>,
      %add3A_653 = arith.addf %gather3A_652, %gather3A_649 : vector<16xf32>
      %gt3A_654 = arith.constant 0.000000e+00 : f32
      %gt3A_655 = vector.broadcast %gt3A_654 : f32 to vector<16xf32>
      %gt3A_656 = arith.cmpf ogt, %add3A_653, %gt3A_655 : vector<16xf32>
      %mul3A_657 = arith.constant 2.000000e-01 : f32
      %mul3A_658 = vector.broadcast %mul3A_657 : f32 to vector<16xf32>
      %mul3A_659 = arith.mulf %mul3A_658, %add3A_653 : vector<16xf32>
      %select_n3A_660 = arith.select %gt3A_656, %add3A_653, %mul3A_659 : vector<16xi1>, vector<16xf32>
      %sub3A_661 = arith.subf %select_n3A_660, %get3A_43 : vector<16xf32>
      %exp3A_662 = math.exp %sub3A_661 : vector<16xf32>
      %mul3A_663 = arith.constant 4 : i32
      %mul3A_664 = vector.broadcast %mul3A_663 : i32 to vector<16xi32>
      %mul3A_665 = arith.muli %add3A_571, %mul3A_664 : vector<16xi32>
      %add3A_666 = arith.constant 2 : i32
      %add3A_667 = vector.broadcast %add3A_666 : i32 to vector<16xi32>
      %add3A_668 = arith.addi %mul3A_665, %add3A_667 : vector<16xi32>
      tpu.vector_store_idx %arg16[%add3A_668], %exp3A_662 : memref<320xf32, #tpu.memory_space<vmem>>[vector<16xi32>], vector<16xf32>,
      %add3A_669 = arith.constant 2 : i32
      %add3A_670 = vector.broadcast %add3A_669 : i32 to vector<16xi32>
      %add3A_671 = arith.addi %mul3A_593, %add3A_670 : vector<16xi32>
      tpu.vector_store_idx %arg15[%add3A_571, %add3A_671], %exp3A_662 : memref<80x128xf32, #tpu.memory_space<vmem>>[vector<16xi32>, vector<16xi32>], vector<16xf32>,
      %add3A_672 = arith.constant 7 : i32
      %add3A_673 = vector.broadcast %add3A_672 : i32 to vector<16xi32>
      %add3A_674 = arith.addi %mul3A_587, %add3A_673 : vector<16xi32>
      %gather3A_675 = tpu.vector_load_idx %arg12[%add3A_571, %add3A_674] : memref<80x128xf32, #tpu.memory_space<vmem>>[vector<16xi32>, vector<16xi32>], vector<16xf32>,
      %broadcast_in_dim3A_676 = arith.constant 7 : i32
      %broadcast_in_dim3A_677 = vector.broadcast %broadcast_in_dim3A_676 : i32 to vector<16xi32>
      %gather3A_678 = tpu.vector_load_idx %arg14[%add3A_571, %broadcast_in_dim3A_677] : memref<80x128xf32, #tpu.memory_space<vmem>>[vector<16xi32>, vector<16xi32>], vector<16xf32>,
      %add3A_679 = arith.addf %gather3A_678, %gather3A_675 : vector<16xf32>
      %gt3A_680 = arith.constant 0.000000e+00 : f32
      %gt3A_681 = vector.broadcast %gt3A_680 : f32 to vector<16xf32>
      %gt3A_682 = arith.cmpf ogt, %add3A_679, %gt3A_681 : vector<16xf32>
      %mul3A_683 = arith.constant 2.000000e-01 : f32
      %mul3A_684 = vector.broadcast %mul3A_683 : f32 to vector<16xf32>
      %mul3A_685 = arith.mulf %mul3A_684, %add3A_679 : vector<16xf32>
      %select_n3A_686 = arith.select %gt3A_682, %add3A_679, %mul3A_685 : vector<16xi1>, vector<16xf32>
      %sub3A_687 = arith.subf %select_n3A_686, %get3A_43 : vector<16xf32>
      %exp3A_688 = math.exp %sub3A_687 : vector<16xf32>
      %mul3A_689 = arith.constant 4 : i32
      %mul3A_690 = vector.broadcast %mul3A_689 : i32 to vector<16xi32>
      %mul3A_691 = arith.muli %add3A_571, %mul3A_690 : vector<16xi32>
      %add3A_692 = arith.constant 3 : i32
      %add3A_693 = vector.broadcast %add3A_692 : i32 to vector<16xi32>
      %add3A_694 = arith.addi %mul3A_691, %add3A_693 : vector<16xi32>
      tpu.vector_store_idx %arg16[%add3A_694], %exp3A_688 : memref<320xf32, #tpu.memory_space<vmem>>[vector<16xi32>], vector<16xf32>,
      %add3A_695 = arith.constant 3 : i32
      %add3A_696 = vector.broadcast %add3A_695 : i32 to vector<16xi32>
      %add3A_697 = arith.addi %mul3A_593, %add3A_696 : vector<16xi32>
      tpu.vector_store_idx %arg15[%add3A_571, %add3A_697], %exp3A_688 : memref<80x128xf32, #tpu.memory_space<vmem>>[vector<16xi32>, vector<16xi32>], vector<16xf32>,
      %add3A_698 = arith.constant 48 : i32
      %add3A_699 = vector.broadcast %add3A_698 : i32 to vector<16xi32>
      %add3A_700 = arith.addi %add3A_699, %iota3A : vector<16xi32>
      %get3A_701 = arith.constant 48 : index
      %get3A_702 = tpu.vector_load %arg9[%get3A_701] {strides = array<i32>} : memref<80xi32, #tpu.memory_space<vmem>>, vector<16xi32>,
      %shift_right_logical3A_703 = arith.constant 5 : i32
      %shift_right_logical3A_704 = vector.broadcast %shift_right_logical3A_703 : i32 to vector<16xi32>
      %shift_right_logical3A_705 = arith.shrui %get3A_702, %shift_right_logical3A_704 : vector<16xi32>
      %add3A_706 = arith.constant 10000 : i32
      %add3A_707 = vector.broadcast %add3A_706 : i32 to vector<16xi32>
      %add3A_708 = arith.addi %add3A_707, %shift_right_logical3A_705 : vector<16xi32>
      %swap3A_709 = arith.constant 48 : index
      %swap3A_710 = tpu.vector_load %arg11[%swap3A_709] {strides = array<i32>} : memref<80xi32, #tpu.memory_space<vmem>>, vector<16xi32>,
      tpu.vector_store %arg11[%swap3A_709], %add3A_708 {strides = array<i32>} : memref<80xi32, #tpu.memory_space<vmem>>, vector<16xi32>,
      %and3A_711 = arith.constant 15 : i32
      %and3A_712 = vector.broadcast %and3A_711 : i32 to vector<16xi32>
      %and3A_713 = arith.andi %get3A_702, %and3A_712 : vector<16xi32>
      %mul3A_714 = arith.constant 8 : i32
      %mul3A_715 = vector.broadcast %mul3A_714 : i32 to vector<16xi32>
      %mul3A_716 = arith.muli %and3A_713, %mul3A_715 : vector<16xi32>
      %and3A_717 = arith.constant 31 : i32
      %and3A_718 = vector.broadcast %and3A_717 : i32 to vector<16xi32>
      %and3A_719 = arith.andi %get3A_702, %and3A_718 : vector<16xi32>
      %mul3A_720 = arith.constant 4 : i32
      %mul3A_721 = vector.broadcast %mul3A_720 : i32 to vector<16xi32>
      %mul3A_722 = arith.muli %and3A_719, %mul3A_721 : vector<16xi32>
      %add3A_723 = arith.constant 4 : i32
      %add3A_724 = vector.broadcast %add3A_723 : i32 to vector<16xi32>
      %add3A_725 = arith.addi %mul3A_716, %add3A_724 : vector<16xi32>
      %gather3A_726 = tpu.vector_load_idx %arg12[%add3A_700, %add3A_725] : memref<80x128xf32, #tpu.memory_space<vmem>>[vector<16xi32>, vector<16xi32>], vector<16xf32>,
      %broadcast_in_dim3A_727 = arith.constant 4 : i32
      %broadcast_in_dim3A_728 = vector.broadcast %broadcast_in_dim3A_727 : i32 to vector<16xi32>
      %gather3A_729 = tpu.vector_load_idx %arg14[%add3A_700, %broadcast_in_dim3A_728] : memref<80x128xf32, #tpu.memory_space<vmem>>[vector<16xi32>, vector<16xi32>], vector<16xf32>,
      %add3A_730 = arith.addf %gather3A_729, %gather3A_726 : vector<16xf32>
      %gt3A_731 = arith.constant 0.000000e+00 : f32
      %gt3A_732 = vector.broadcast %gt3A_731 : f32 to vector<16xf32>
      %gt3A_733 = arith.cmpf ogt, %add3A_730, %gt3A_732 : vector<16xf32>
      %mul3A_734 = arith.constant 2.000000e-01 : f32
      %mul3A_735 = vector.broadcast %mul3A_734 : f32 to vector<16xf32>
      %mul3A_736 = arith.mulf %mul3A_735, %add3A_730 : vector<16xf32>
      %select_n3A_737 = arith.select %gt3A_733, %add3A_730, %mul3A_736 : vector<16xi1>, vector<16xf32>
      %sub3A_738 = arith.subf %select_n3A_737, %get3A_43 : vector<16xf32>
      %exp3A_739 = math.exp %sub3A_738 : vector<16xf32>
      %mul3A_740 = arith.constant 4 : i32
      %mul3A_741 = vector.broadcast %mul3A_740 : i32 to vector<16xi32>
      %mul3A_742 = arith.muli %add3A_700, %mul3A_741 : vector<16xi32>
      %add3A_743 = arith.constant 0 : i32
      %add3A_744 = vector.broadcast %add3A_743 : i32 to vector<16xi32>
      %add3A_745 = arith.addi %mul3A_742, %add3A_744 : vector<16xi32>
      tpu.vector_store_idx %arg16[%add3A_745], %exp3A_739 : memref<320xf32, #tpu.memory_space<vmem>>[vector<16xi32>], vector<16xf32>,
      %add3A_746 = arith.constant 0 : i32
      %add3A_747 = vector.broadcast %add3A_746 : i32 to vector<16xi32>
      %add3A_748 = arith.addi %mul3A_722, %add3A_747 : vector<16xi32>
      tpu.vector_store_idx %arg15[%add3A_700, %add3A_748], %exp3A_739 : memref<80x128xf32, #tpu.memory_space<vmem>>[vector<16xi32>, vector<16xi32>], vector<16xf32>,
      %add3A_749 = arith.constant 5 : i32
      %add3A_750 = vector.broadcast %add3A_749 : i32 to vector<16xi32>
      %add3A_751 = arith.addi %mul3A_716, %add3A_750 : vector<16xi32>
      %gather3A_752 = tpu.vector_load_idx %arg12[%add3A_700, %add3A_751] : memref<80x128xf32, #tpu.memory_space<vmem>>[vector<16xi32>, vector<16xi32>], vector<16xf32>,
      %broadcast_in_dim3A_753 = arith.constant 5 : i32
      %broadcast_in_dim3A_754 = vector.broadcast %broadcast_in_dim3A_753 : i32 to vector<16xi32>
      %gather3A_755 = tpu.vector_load_idx %arg14[%add3A_700, %broadcast_in_dim3A_754] : memref<80x128xf32, #tpu.memory_space<vmem>>[vector<16xi32>, vector<16xi32>], vector<16xf32>,
      %add3A_756 = arith.addf %gather3A_755, %gather3A_752 : vector<16xf32>
      %gt3A_757 = arith.constant 0.000000e+00 : f32
      %gt3A_758 = vector.broadcast %gt3A_757 : f32 to vector<16xf32>
      %gt3A_759 = arith.cmpf ogt, %add3A_756, %gt3A_758 : vector<16xf32>
      %mul3A_760 = arith.constant 2.000000e-01 : f32
      %mul3A_761 = vector.broadcast %mul3A_760 : f32 to vector<16xf32>
      %mul3A_762 = arith.mulf %mul3A_761, %add3A_756 : vector<16xf32>
      %select_n3A_763 = arith.select %gt3A_759, %add3A_756, %mul3A_762 : vector<16xi1>, vector<16xf32>
      %sub3A_764 = arith.subf %select_n3A_763, %get3A_43 : vector<16xf32>
      %exp3A_765 = math.exp %sub3A_764 : vector<16xf32>
      %mul3A_766 = arith.constant 4 : i32
      %mul3A_767 = vector.broadcast %mul3A_766 : i32 to vector<16xi32>
      %mul3A_768 = arith.muli %add3A_700, %mul3A_767 : vector<16xi32>
      %add3A_769 = arith.constant 1 : i32
      %add3A_770 = vector.broadcast %add3A_769 : i32 to vector<16xi32>
      %add3A_771 = arith.addi %mul3A_768, %add3A_770 : vector<16xi32>
      tpu.vector_store_idx %arg16[%add3A_771], %exp3A_765 : memref<320xf32, #tpu.memory_space<vmem>>[vector<16xi32>], vector<16xf32>,
      %add3A_772 = arith.constant 1 : i32
      %add3A_773 = vector.broadcast %add3A_772 : i32 to vector<16xi32>
      %add3A_774 = arith.addi %mul3A_722, %add3A_773 : vector<16xi32>
      tpu.vector_store_idx %arg15[%add3A_700, %add3A_774], %exp3A_765 : memref<80x128xf32, #tpu.memory_space<vmem>>[vector<16xi32>, vector<16xi32>], vector<16xf32>,
      %add3A_775 = arith.constant 6 : i32
      %add3A_776 = vector.broadcast %add3A_775 : i32 to vector<16xi32>
      %add3A_777 = arith.addi %mul3A_716, %add3A_776 : vector<16xi32>
      %gather3A_778 = tpu.vector_load_idx %arg12[%add3A_700, %add3A_777] : memref<80x128xf32, #tpu.memory_space<vmem>>[vector<16xi32>, vector<16xi32>], vector<16xf32>,
      %broadcast_in_dim3A_779 = arith.constant 6 : i32
      %broadcast_in_dim3A_780 = vector.broadcast %broadcast_in_dim3A_779 : i32 to vector<16xi32>
      %gather3A_781 = tpu.vector_load_idx %arg14[%add3A_700, %broadcast_in_dim3A_780] : memref<80x128xf32, #tpu.memory_space<vmem>>[vector<16xi32>, vector<16xi32>], vector<16xf32>,
      %add3A_782 = arith.addf %gather3A_781, %gather3A_778 : vector<16xf32>
      %gt3A_783 = arith.constant 0.000000e+00 : f32
      %gt3A_784 = vector.broadcast %gt3A_783 : f32 to vector<16xf32>
      %gt3A_785 = arith.cmpf ogt, %add3A_782, %gt3A_784 : vector<16xf32>
      %mul3A_786 = arith.constant 2.000000e-01 : f32
      %mul3A_787 = vector.broadcast %mul3A_786 : f32 to vector<16xf32>
      %mul3A_788 = arith.mulf %mul3A_787, %add3A_782 : vector<16xf32>
      %select_n3A_789 = arith.select %gt3A_785, %add3A_782, %mul3A_788 : vector<16xi1>, vector<16xf32>
      %sub3A_790 = arith.subf %select_n3A_789, %get3A_43 : vector<16xf32>
      %exp3A_791 = math.exp %sub3A_790 : vector<16xf32>
      %mul3A_792 = arith.constant 4 : i32
      %mul3A_793 = vector.broadcast %mul3A_792 : i32 to vector<16xi32>
      %mul3A_794 = arith.muli %add3A_700, %mul3A_793 : vector<16xi32>
      %add3A_795 = arith.constant 2 : i32
      %add3A_796 = vector.broadcast %add3A_795 : i32 to vector<16xi32>
      %add3A_797 = arith.addi %mul3A_794, %add3A_796 : vector<16xi32>
      tpu.vector_store_idx %arg16[%add3A_797], %exp3A_791 : memref<320xf32, #tpu.memory_space<vmem>>[vector<16xi32>], vector<16xf32>,
      %add3A_798 = arith.constant 2 : i32
      %add3A_799 = vector.broadcast %add3A_798 : i32 to vector<16xi32>
      %add3A_800 = arith.addi %mul3A_722, %add3A_799 : vector<16xi32>
      tpu.vector_store_idx %arg15[%add3A_700, %add3A_800], %exp3A_791 : memref<80x128xf32, #tpu.memory_space<vmem>>[vector<16xi32>, vector<16xi32>], vector<16xf32>,
      %add3A_801 = arith.constant 7 : i32
      %add3A_802 = vector.broadcast %add3A_801 : i32 to vector<16xi32>
      %add3A_803 = arith.addi %mul3A_716, %add3A_802 : vector<16xi32>
      %gather3A_804 = tpu.vector_load_idx %arg12[%add3A_700, %add3A_803] : memref<80x128xf32, #tpu.memory_space<vmem>>[vector<16xi32>, vector<16xi32>], vector<16xf32>,
      %broadcast_in_dim3A_805 = arith.constant 7 : i32
      %broadcast_in_dim3A_806 = vector.broadcast %broadcast_in_dim3A_805 : i32 to vector<16xi32>
      %gather3A_807 = tpu.vector_load_idx %arg14[%add3A_700, %broadcast_in_dim3A_806] : memref<80x128xf32, #tpu.memory_space<vmem>>[vector<16xi32>, vector<16xi32>], vector<16xf32>,
      %add3A_808 = arith.addf %gather3A_807, %gather3A_804 : vector<16xf32>
      %gt3A_809 = arith.constant 0.000000e+00 : f32
      %gt3A_810 = vector.broadcast %gt3A_809 : f32 to vector<16xf32>
      %gt3A_811 = arith.cmpf ogt, %add3A_808, %gt3A_810 : vector<16xf32>
      %mul3A_812 = arith.constant 2.000000e-01 : f32
      %mul3A_813 = vector.broadcast %mul3A_812 : f32 to vector<16xf32>
      %mul3A_814 = arith.mulf %mul3A_813, %add3A_808 : vector<16xf32>
      %select_n3A_815 = arith.select %gt3A_811, %add3A_808, %mul3A_814 : vector<16xi1>, vector<16xf32>
      %sub3A_816 = arith.subf %select_n3A_815, %get3A_43 : vector<16xf32>
      %exp3A_817 = math.exp %sub3A_816 : vector<16xf32>
      %mul3A_818 = arith.constant 4 : i32
      %mul3A_819 = vector.broadcast %mul3A_818 : i32 to vector<16xi32>
      %mul3A_820 = arith.muli %add3A_700, %mul3A_819 : vector<16xi32>
      %add3A_821 = arith.constant 3 : i32
      %add3A_822 = vector.broadcast %add3A_821 : i32 to vector<16xi32>
      %add3A_823 = arith.addi %mul3A_820, %add3A_822 : vector<16xi32>
      tpu.vector_store_idx %arg16[%add3A_823], %exp3A_817 : memref<320xf32, #tpu.memory_space<vmem>>[vector<16xi32>], vector<16xf32>,
      %add3A_824 = arith.constant 3 : i32
      %add3A_825 = vector.broadcast %add3A_824 : i32 to vector<16xi32>
      %add3A_826 = arith.addi %mul3A_722, %add3A_825 : vector<16xi32>
      tpu.vector_store_idx %arg15[%add3A_700, %add3A_826], %exp3A_817 : memref<80x128xf32, #tpu.memory_space<vmem>>[vector<16xi32>, vector<16xi32>], vector<16xf32>,
      %add3A_827 = arith.constant 64 : i32
      %add3A_828 = vector.broadcast %add3A_827 : i32 to vector<16xi32>
      %add3A_829 = arith.addi %add3A_828, %iota3A : vector<16xi32>
      %get3A_830 = arith.constant 64 : index
      %get3A_831 = tpu.vector_load %arg9[%get3A_830] {strides = array<i32>} : memref<80xi32, #tpu.memory_space<vmem>>, vector<16xi32>,
      %shift_right_logical3A_832 = arith.constant 5 : i32
      %shift_right_logical3A_833 = vector.broadcast %shift_right_logical3A_832 : i32 to vector<16xi32>
      %shift_right_logical3A_834 = arith.shrui %get3A_831, %shift_right_logical3A_833 : vector<16xi32>
      %add3A_835 = arith.constant 10000 : i32
      %add3A_836 = vector.broadcast %add3A_835 : i32 to vector<16xi32>
      %add3A_837 = arith.addi %add3A_836, %shift_right_logical3A_834 : vector<16xi32>
      %swap3A_838 = arith.constant 64 : index
      %swap3A_839 = tpu.vector_load %arg11[%swap3A_838] {strides = array<i32>} : memref<80xi32, #tpu.memory_space<vmem>>, vector<16xi32>,
      tpu.vector_store %arg11[%swap3A_838], %add3A_837 {strides = array<i32>} : memref<80xi32, #tpu.memory_space<vmem>>, vector<16xi32>,
      %and3A_840 = arith.constant 15 : i32
      %and3A_841 = vector.broadcast %and3A_840 : i32 to vector<16xi32>
      %and3A_842 = arith.andi %get3A_831, %and3A_841 : vector<16xi32>
      %mul3A_843 = arith.constant 8 : i32
      %mul3A_844 = vector.broadcast %mul3A_843 : i32 to vector<16xi32>
      %mul3A_845 = arith.muli %and3A_842, %mul3A_844 : vector<16xi32>
      %and3A_846 = arith.constant 31 : i32
      %and3A_847 = vector.broadcast %and3A_846 : i32 to vector<16xi32>
      %and3A_848 = arith.andi %get3A_831, %and3A_847 : vector<16xi32>
      %mul3A_849 = arith.constant 4 : i32
      %mul3A_850 = vector.broadcast %mul3A_849 : i32 to vector<16xi32>
      %mul3A_851 = arith.muli %and3A_848, %mul3A_850 : vector<16xi32>
      %add3A_852 = arith.constant 4 : i32
      %add3A_853 = vector.broadcast %add3A_852 : i32 to vector<16xi32>
      %add3A_854 = arith.addi %mul3A_845, %add3A_853 : vector<16xi32>
      %gather3A_855 = tpu.vector_load_idx %arg12[%add3A_829, %add3A_854] : memref<80x128xf32, #tpu.memory_space<vmem>>[vector<16xi32>, vector<16xi32>], vector<16xf32>,
      %broadcast_in_dim3A_856 = arith.constant 4 : i32
      %broadcast_in_dim3A_857 = vector.broadcast %broadcast_in_dim3A_856 : i32 to vector<16xi32>
      %gather3A_858 = tpu.vector_load_idx %arg14[%add3A_829, %broadcast_in_dim3A_857] : memref<80x128xf32, #tpu.memory_space<vmem>>[vector<16xi32>, vector<16xi32>], vector<16xf32>,
      %add3A_859 = arith.addf %gather3A_858, %gather3A_855 : vector<16xf32>
      %gt3A_860 = arith.constant 0.000000e+00 : f32
      %gt3A_861 = vector.broadcast %gt3A_860 : f32 to vector<16xf32>
      %gt3A_862 = arith.cmpf ogt, %add3A_859, %gt3A_861 : vector<16xf32>
      %mul3A_863 = arith.constant 2.000000e-01 : f32
      %mul3A_864 = vector.broadcast %mul3A_863 : f32 to vector<16xf32>
      %mul3A_865 = arith.mulf %mul3A_864, %add3A_859 : vector<16xf32>
      %select_n3A_866 = arith.select %gt3A_862, %add3A_859, %mul3A_865 : vector<16xi1>, vector<16xf32>
      %sub3A_867 = arith.subf %select_n3A_866, %get3A_43 : vector<16xf32>
      %exp3A_868 = math.exp %sub3A_867 : vector<16xf32>
      %mul3A_869 = arith.constant 4 : i32
      %mul3A_870 = vector.broadcast %mul3A_869 : i32 to vector<16xi32>
      %mul3A_871 = arith.muli %add3A_829, %mul3A_870 : vector<16xi32>
      %add3A_872 = arith.constant 0 : i32
      %add3A_873 = vector.broadcast %add3A_872 : i32 to vector<16xi32>
      %add3A_874 = arith.addi %mul3A_871, %add3A_873 : vector<16xi32>
      tpu.vector_store_idx %arg16[%add3A_874], %exp3A_868 : memref<320xf32, #tpu.memory_space<vmem>>[vector<16xi32>], vector<16xf32>,
      %add3A_875 = arith.constant 0 : i32
      %add3A_876 = vector.broadcast %add3A_875 : i32 to vector<16xi32>
      %add3A_877 = arith.addi %mul3A_851, %add3A_876 : vector<16xi32>
      tpu.vector_store_idx %arg15[%add3A_829, %add3A_877], %exp3A_868 : memref<80x128xf32, #tpu.memory_space<vmem>>[vector<16xi32>, vector<16xi32>], vector<16xf32>,
      %add3A_878 = arith.constant 5 : i32
      %add3A_879 = vector.broadcast %add3A_878 : i32 to vector<16xi32>
      %add3A_880 = arith.addi %mul3A_845, %add3A_879 : vector<16xi32>
      %gather3A_881 = tpu.vector_load_idx %arg12[%add3A_829, %add3A_880] : memref<80x128xf32, #tpu.memory_space<vmem>>[vector<16xi32>, vector<16xi32>], vector<16xf32>,
      %broadcast_in_dim3A_882 = arith.constant 5 : i32
      %broadcast_in_dim3A_883 = vector.broadcast %broadcast_in_dim3A_882 : i32 to vector<16xi32>
      %gather3A_884 = tpu.vector_load_idx %arg14[%add3A_829, %broadcast_in_dim3A_883] : memref<80x128xf32, #tpu.memory_space<vmem>>[vector<16xi32>, vector<16xi32>], vector<16xf32>,
      %add3A_885 = arith.addf %gather3A_884, %gather3A_881 : vector<16xf32>
      %gt3A_886 = arith.constant 0.000000e+00 : f32
      %gt3A_887 = vector.broadcast %gt3A_886 : f32 to vector<16xf32>
      %gt3A_888 = arith.cmpf ogt, %add3A_885, %gt3A_887 : vector<16xf32>
      %mul3A_889 = arith.constant 2.000000e-01 : f32
      %mul3A_890 = vector.broadcast %mul3A_889 : f32 to vector<16xf32>
      %mul3A_891 = arith.mulf %mul3A_890, %add3A_885 : vector<16xf32>
      %select_n3A_892 = arith.select %gt3A_888, %add3A_885, %mul3A_891 : vector<16xi1>, vector<16xf32>
      %sub3A_893 = arith.subf %select_n3A_892, %get3A_43 : vector<16xf32>
      %exp3A_894 = math.exp %sub3A_893 : vector<16xf32>
      %mul3A_895 = arith.constant 4 : i32
      %mul3A_896 = vector.broadcast %mul3A_895 : i32 to vector<16xi32>
      %mul3A_897 = arith.muli %add3A_829, %mul3A_896 : vector<16xi32>
      %add3A_898 = arith.constant 1 : i32
      %add3A_899 = vector.broadcast %add3A_898 : i32 to vector<16xi32>
      %add3A_900 = arith.addi %mul3A_897, %add3A_899 : vector<16xi32>
      tpu.vector_store_idx %arg16[%add3A_900], %exp3A_894 : memref<320xf32, #tpu.memory_space<vmem>>[vector<16xi32>], vector<16xf32>,
      %add3A_901 = arith.constant 1 : i32
      %add3A_902 = vector.broadcast %add3A_901 : i32 to vector<16xi32>
      %add3A_903 = arith.addi %mul3A_851, %add3A_902 : vector<16xi32>
      tpu.vector_store_idx %arg15[%add3A_829, %add3A_903], %exp3A_894 : memref<80x128xf32, #tpu.memory_space<vmem>>[vector<16xi32>, vector<16xi32>], vector<16xf32>,
      %add3A_904 = arith.constant 6 : i32
      %add3A_905 = vector.broadcast %add3A_904 : i32 to vector<16xi32>
      %add3A_906 = arith.addi %mul3A_845, %add3A_905 : vector<16xi32>
      %gather3A_907 = tpu.vector_load_idx %arg12[%add3A_829, %add3A_906] : memref<80x128xf32, #tpu.memory_space<vmem>>[vector<16xi32>, vector<16xi32>], vector<16xf32>,
      %broadcast_in_dim3A_908 = arith.constant 6 : i32
      %broadcast_in_dim3A_909 = vector.broadcast %broadcast_in_dim3A_908 : i32 to vector<16xi32>
      %gather3A_910 = tpu.vector_load_idx %arg14[%add3A_829, %broadcast_in_dim3A_909] : memref<80x128xf32, #tpu.memory_space<vmem>>[vector<16xi32>, vector<16xi32>], vector<16xf32>,
      %add3A_911 = arith.addf %gather3A_910, %gather3A_907 : vector<16xf32>
      %gt3A_912 = arith.constant 0.000000e+00 : f32
      %gt3A_913 = vector.broadcast %gt3A_912 : f32 to vector<16xf32>
      %gt3A_914 = arith.cmpf ogt, %add3A_911, %gt3A_913 : vector<16xf32>
      %mul3A_915 = arith.constant 2.000000e-01 : f32
      %mul3A_916 = vector.broadcast %mul3A_915 : f32 to vector<16xf32>
      %mul3A_917 = arith.mulf %mul3A_916, %add3A_911 : vector<16xf32>
      %select_n3A_918 = arith.select %gt3A_914, %add3A_911, %mul3A_917 : vector<16xi1>, vector<16xf32>
      %sub3A_919 = arith.subf %select_n3A_918, %get3A_43 : vector<16xf32>
      %exp3A_920 = math.exp %sub3A_919 : vector<16xf32>
      %mul3A_921 = arith.constant 4 : i32
      %mul3A_922 = vector.broadcast %mul3A_921 : i32 to vector<16xi32>
      %mul3A_923 = arith.muli %add3A_829, %mul3A_922 : vector<16xi32>
      %add3A_924 = arith.constant 2 : i32
      %add3A_925 = vector.broadcast %add3A_924 : i32 to vector<16xi32>
      %add3A_926 = arith.addi %mul3A_923, %add3A_925 : vector<16xi32>
      tpu.vector_store_idx %arg16[%add3A_926], %exp3A_920 : memref<320xf32, #tpu.memory_space<vmem>>[vector<16xi32>], vector<16xf32>,
      %add3A_927 = arith.constant 2 : i32
      %add3A_928 = vector.broadcast %add3A_927 : i32 to vector<16xi32>
      %add3A_929 = arith.addi %mul3A_851, %add3A_928 : vector<16xi32>
      tpu.vector_store_idx %arg15[%add3A_829, %add3A_929], %exp3A_920 : memref<80x128xf32, #tpu.memory_space<vmem>>[vector<16xi32>, vector<16xi32>], vector<16xf32>,
      %add3A_930 = arith.constant 7 : i32
      %add3A_931 = vector.broadcast %add3A_930 : i32 to vector<16xi32>
      %add3A_932 = arith.addi %mul3A_845, %add3A_931 : vector<16xi32>
      %gather3A_933 = tpu.vector_load_idx %arg12[%add3A_829, %add3A_932] : memref<80x128xf32, #tpu.memory_space<vmem>>[vector<16xi32>, vector<16xi32>], vector<16xf32>,
      %broadcast_in_dim3A_934 = arith.constant 7 : i32
      %broadcast_in_dim3A_935 = vector.broadcast %broadcast_in_dim3A_934 : i32 to vector<16xi32>
      %gather3A_936 = tpu.vector_load_idx %arg14[%add3A_829, %broadcast_in_dim3A_935] : memref<80x128xf32, #tpu.memory_space<vmem>>[vector<16xi32>, vector<16xi32>], vector<16xf32>,
      %add3A_937 = arith.addf %gather3A_936, %gather3A_933 : vector<16xf32>
      %gt3A_938 = arith.constant 0.000000e+00 : f32
      %gt3A_939 = vector.broadcast %gt3A_938 : f32 to vector<16xf32>
      %gt3A_940 = arith.cmpf ogt, %add3A_937, %gt3A_939 : vector<16xf32>
      %mul3A_941 = arith.constant 2.000000e-01 : f32
      %mul3A_942 = vector.broadcast %mul3A_941 : f32 to vector<16xf32>
      %mul3A_943 = arith.mulf %mul3A_942, %add3A_937 : vector<16xf32>
      %select_n3A_944 = arith.select %gt3A_940, %add3A_937, %mul3A_943 : vector<16xi1>, vector<16xf32>
      %sub3A_945 = arith.subf %select_n3A_944, %get3A_43 : vector<16xf32>
      %exp3A_946 = math.exp %sub3A_945 : vector<16xf32>
      %mul3A_947 = arith.constant 4 : i32
      %mul3A_948 = vector.broadcast %mul3A_947 : i32 to vector<16xi32>
      %mul3A_949 = arith.muli %add3A_829, %mul3A_948 : vector<16xi32>
      %add3A_950 = arith.constant 3 : i32
      %add3A_951 = vector.broadcast %add3A_950 : i32 to vector<16xi32>
      %add3A_952 = arith.addi %mul3A_949, %add3A_951 : vector<16xi32>
      tpu.vector_store_idx %arg16[%add3A_952], %exp3A_946 : memref<320xf32, #tpu.memory_space<vmem>>[vector<16xi32>], vector<16xf32>,
      %add3A_953 = arith.constant 3 : i32
      %add3A_954 = vector.broadcast %add3A_953 : i32 to vector<16xi32>
      %add3A_955 = arith.addi %mul3A_851, %add3A_954 : vector<16xi32>
      tpu.vector_store_idx %arg15[%add3A_829, %add3A_955], %exp3A_946 : memref<80x128xf32, #tpu.memory_space<vmem>>[vector<16xi32>, vector<16xi32>], vector<16xf32>,
      %dma_wait3A_956 = arith.constant 0 : i32
      %dma_wait3A_957 = arith.constant 0 : i32
      %dma_wait3A_958 = tpu.memref_slice %arg2[%dma_wait3A_956, %dma_wait3A_957] : memref<10000x128xf32, #tpu.memory_space<hbm>> -> memref<10000x128xf32, #tpu.memory_space<hbm>>
      tpu.wait_indirect_dma semaphore(%arg19 : memref<!tpu.dma_semaphore, #tpu.memory_space<semaphore_mem>>) src(%dma_wait3A_958 : memref<10000x128xf32, #tpu.memory_space<hbm>>) dst(%arg13 : memref<80x128xf32, #tpu.memory_space<vmem>>)
      %scan3A_959 = arith.constant 0 : i32
      %scan3A_960 = arith.constant 0 : i32
      %scan3A_961 = arith.constant 80 : i32
      %scan3A_962 = arith.addi %scan3A_960, %scan3A_961 : i32
      %scan3A_963 = arith.constant 1 : i32
      scf.for %scan3A_1120 = %scan3A_960 to %scan3A_962 step %scan3A_963  : i32 {
        %mul3A_1121 = arith.constant 4 : i32
        %mul3A_1122 = arith.muli %scan3A_1120, %mul3A_1121 : i32
        %add3A_1123 = arith.constant 0 : i32
        %add3A_1124 = arith.addi %mul3A_1122, %add3A_1123 : i32
        %broadcast_in_dim3A_1125 = vector.broadcast %add3A_1124 : i32 to vector<16xi32>
        %gather3A_1126 = tpu.vector_load_idx %arg16[%broadcast_in_dim3A_1125] : memref<320xf32, #tpu.memory_space<vmem>>[vector<16xi32>], vector<16xf32>,
        %mul3A_1127 = arith.constant 4 : i32
        %mul3A_1128 = arith.muli %scan3A_1120, %mul3A_1127 : i32
        %add3A_1129 = arith.constant 1 : i32
        %add3A_1130 = arith.addi %mul3A_1128, %add3A_1129 : i32
        %broadcast_in_dim3A_1131 = vector.broadcast %add3A_1130 : i32 to vector<16xi32>
        %gather3A_1132 = tpu.vector_load_idx %arg16[%broadcast_in_dim3A_1131] : memref<320xf32, #tpu.memory_space<vmem>>[vector<16xi32>], vector<16xf32>,
        %mul3A_1133 = arith.constant 4 : i32
        %mul3A_1134 = arith.muli %scan3A_1120, %mul3A_1133 : i32
        %add3A_1135 = arith.constant 2 : i32
        %add3A_1136 = arith.addi %mul3A_1134, %add3A_1135 : i32
        %broadcast_in_dim3A_1137 = vector.broadcast %add3A_1136 : i32 to vector<16xi32>
        %gather3A_1138 = tpu.vector_load_idx %arg16[%broadcast_in_dim3A_1137] : memref<320xf32, #tpu.memory_space<vmem>>[vector<16xi32>], vector<16xf32>,
        %mul3A_1139 = arith.constant 4 : i32
        %mul3A_1140 = arith.muli %scan3A_1120, %mul3A_1139 : i32
        %add3A_1141 = arith.constant 3 : i32
        %add3A_1142 = arith.addi %mul3A_1140, %add3A_1141 : i32
        %broadcast_in_dim3A_1143 = vector.broadcast %add3A_1142 : i32 to vector<16xi32>
        %gather3A_1144 = tpu.vector_load_idx %arg16[%broadcast_in_dim3A_1143] : memref<320xf32, #tpu.memory_space<vmem>>[vector<16xi32>], vector<16xf32>,
        %get3A_1145 = arith.index_cast %scan3A_1120 : i32 to index
        %get3A_1146 = arith.constant 0 : index
        %get3A_1147 = tpu.vector_load %arg13[%get3A_1145, %get3A_1146] {strides = array<i32>} : memref<80x128xf32, #tpu.memory_space<vmem>>, vector<16xf32>,
        %mul3A_1148 = arith.mulf %get3A_1147, %gather3A_1126 : vector<16xf32>
        %swap3A_1149 = arith.index_cast %scan3A_1120 : i32 to index
        %swap3A_1150 = arith.constant 0 : index
        %swap3A_1151 = tpu.vector_load %arg14[%swap3A_1149, %swap3A_1150] {strides = array<i32>} : memref<80x128xf32, #tpu.memory_space<vmem>>, vector<16xf32>,
        tpu.vector_store %arg14[%swap3A_1149, %swap3A_1150], %mul3A_1148 {strides = array<i32>} : memref<80x128xf32, #tpu.memory_space<vmem>>, vector<16xf32>,
        %get3A_1152 = arith.index_cast %scan3A_1120 : i32 to index
        %get3A_1153 = arith.constant 16 : index
        %get3A_1154 = tpu.vector_load %arg13[%get3A_1152, %get3A_1153] {strides = array<i32>} : memref<80x128xf32, #tpu.memory_space<vmem>>, vector<16xf32>,
        %mul3A_1155 = arith.mulf %get3A_1154, %gather3A_1126 : vector<16xf32>
        %swap3A_1156 = arith.index_cast %scan3A_1120 : i32 to index
        %swap3A_1157 = arith.constant 16 : index
        %swap3A_1158 = tpu.vector_load %arg14[%swap3A_1156, %swap3A_1157] {strides = array<i32>} : memref<80x128xf32, #tpu.memory_space<vmem>>, vector<16xf32>,
        tpu.vector_store %arg14[%swap3A_1156, %swap3A_1157], %mul3A_1155 {strides = array<i32>} : memref<80x128xf32, #tpu.memory_space<vmem>>, vector<16xf32>,
        %get3A_1159 = arith.index_cast %scan3A_1120 : i32 to index
        %get3A_1160 = arith.constant 32 : index
        %get3A_1161 = tpu.vector_load %arg13[%get3A_1159, %get3A_1160] {strides = array<i32>} : memref<80x128xf32, #tpu.memory_space<vmem>>, vector<16xf32>,
        %mul3A_1162 = arith.mulf %get3A_1161, %gather3A_1132 : vector<16xf32>
        %swap3A_1163 = arith.index_cast %scan3A_1120 : i32 to index
        %swap3A_1164 = arith.constant 32 : index
        %swap3A_1165 = tpu.vector_load %arg14[%swap3A_1163, %swap3A_1164] {strides = array<i32>} : memref<80x128xf32, #tpu.memory_space<vmem>>, vector<16xf32>,
        tpu.vector_store %arg14[%swap3A_1163, %swap3A_1164], %mul3A_1162 {strides = array<i32>} : memref<80x128xf32, #tpu.memory_space<vmem>>, vector<16xf32>,
        %get3A_1166 = arith.index_cast %scan3A_1120 : i32 to index
        %get3A_1167 = arith.constant 48 : index
        %get3A_1168 = tpu.vector_load %arg13[%get3A_1166, %get3A_1167] {strides = array<i32>} : memref<80x128xf32, #tpu.memory_space<vmem>>, vector<16xf32>,
        %mul3A_1169 = arith.mulf %get3A_1168, %gather3A_1132 : vector<16xf32>
        %swap3A_1170 = arith.index_cast %scan3A_1120 : i32 to index
        %swap3A_1171 = arith.constant 48 : index
        %swap3A_1172 = tpu.vector_load %arg14[%swap3A_1170, %swap3A_1171] {strides = array<i32>} : memref<80x128xf32, #tpu.memory_space<vmem>>, vector<16xf32>,
        tpu.vector_store %arg14[%swap3A_1170, %swap3A_1171], %mul3A_1169 {strides = array<i32>} : memref<80x128xf32, #tpu.memory_space<vmem>>, vector<16xf32>,
        %get3A_1173 = arith.index_cast %scan3A_1120 : i32 to index
        %get3A_1174 = arith.constant 64 : index
        %get3A_1175 = tpu.vector_load %arg13[%get3A_1173, %get3A_1174] {strides = array<i32>} : memref<80x128xf32, #tpu.memory_space<vmem>>, vector<16xf32>,
        %mul3A_1176 = arith.mulf %get3A_1175, %gather3A_1138 : vector<16xf32>
        %swap3A_1177 = arith.index_cast %scan3A_1120 : i32 to index
        %swap3A_1178 = arith.constant 64 : index
        %swap3A_1179 = tpu.vector_load %arg14[%swap3A_1177, %swap3A_1178] {strides = array<i32>} : memref<80x128xf32, #tpu.memory_space<vmem>>, vector<16xf32>,
        tpu.vector_store %arg14[%swap3A_1177, %swap3A_1178], %mul3A_1176 {strides = array<i32>} : memref<80x128xf32, #tpu.memory_space<vmem>>, vector<16xf32>,
        %get3A_1180 = arith.index_cast %scan3A_1120 : i32 to index
        %get3A_1181 = arith.constant 80 : index
        %get3A_1182 = tpu.vector_load %arg13[%get3A_1180, %get3A_1181] {strides = array<i32>} : memref<80x128xf32, #tpu.memory_space<vmem>>, vector<16xf32>,
        %mul3A_1183 = arith.mulf %get3A_1182, %gather3A_1138 : vector<16xf32>
        %swap3A_1184 = arith.index_cast %scan3A_1120 : i32 to index
        %swap3A_1185 = arith.constant 80 : index
        %swap3A_1186 = tpu.vector_load %arg14[%swap3A_1184, %swap3A_1185] {strides = array<i32>} : memref<80x128xf32, #tpu.memory_space<vmem>>, vector<16xf32>,
        tpu.vector_store %arg14[%swap3A_1184, %swap3A_1185], %mul3A_1183 {strides = array<i32>} : memref<80x128xf32, #tpu.memory_space<vmem>>, vector<16xf32>,
        %get3A_1187 = arith.index_cast %scan3A_1120 : i32 to index
        %get3A_1188 = arith.constant 96 : index
        %get3A_1189 = tpu.vector_load %arg13[%get3A_1187, %get3A_1188] {strides = array<i32>} : memref<80x128xf32, #tpu.memory_space<vmem>>, vector<16xf32>,
        %mul3A_1190 = arith.mulf %get3A_1189, %gather3A_1144 : vector<16xf32>
        %swap3A_1191 = arith.index_cast %scan3A_1120 : i32 to index
        %swap3A_1192 = arith.constant 96 : index
        %swap3A_1193 = tpu.vector_load %arg14[%swap3A_1191, %swap3A_1192] {strides = array<i32>} : memref<80x128xf32, #tpu.memory_space<vmem>>, vector<16xf32>,
        tpu.vector_store %arg14[%swap3A_1191, %swap3A_1192], %mul3A_1190 {strides = array<i32>} : memref<80x128xf32, #tpu.memory_space<vmem>>, vector<16xf32>,
        %get3A_1194 = arith.index_cast %scan3A_1120 : i32 to index
        %get3A_1195 = arith.constant 112 : index
        %get3A_1196 = tpu.vector_load %arg13[%get3A_1194, %get3A_1195] {strides = array<i32>} : memref<80x128xf32, #tpu.memory_space<vmem>>, vector<16xf32>,
        %mul3A_1197 = arith.mulf %get3A_1196, %gather3A_1144 : vector<16xf32>
        %swap3A_1198 = arith.index_cast %scan3A_1120 : i32 to index
        %swap3A_1199 = arith.constant 112 : index
        %swap3A_1200 = tpu.vector_load %arg14[%swap3A_1198, %swap3A_1199] {strides = array<i32>} : memref<80x128xf32, #tpu.memory_space<vmem>>, vector<16xf32>,
        tpu.vector_store %arg14[%swap3A_1198, %swap3A_1199], %mul3A_1197 {strides = array<i32>} : memref<80x128xf32, #tpu.memory_space<vmem>>, vector<16xf32>,
      }
      %scan3A_964 = arith.constant 80 : i32
      "tpu.region"() ({
        %run_scoped3A = tpu.sem_alloc : memref<!tpu.dma_semaphore, #tpu.memory_space<semaphore_mem>>
        %dma_start3A_1120 = arith.constant 0 : i32
        %dma_start3A_1121 = arith.constant 0 : i32
        %dma_start3A_1122 = tpu.memref_slice %arg18[%dma_start3A_1120, %dma_start3A_1121] : memref<10368x128xf32, #tpu.memory_space<vmem_shared>> -> memref<10368x128xf32, #tpu.memory_space<vmem_shared>>
        tpu.enqueue_indirect_dma source(%arg14 : memref<80x128xf32, #tpu.memory_space<vmem>>) target(%dma_start3A_1122 : memref<10368x128xf32, #tpu.memory_space<vmem_shared>>) offsets(%arg9 : memref<80xi32, #tpu.memory_space<vmem>>) semaphore(%run_scoped3A : memref<!tpu.dma_semaphore, #tpu.memory_space<semaphore_mem>>) {add = true}
        %dma_wait3A_1123 = arith.constant 0 : i32
        %dma_wait3A_1124 = arith.constant 0 : i32
        %dma_wait3A_1125 = tpu.memref_slice %arg18[%dma_wait3A_1123, %dma_wait3A_1124] : memref<10368x128xf32, #tpu.memory_space<vmem_shared>> -> memref<10368x128xf32, #tpu.memory_space<vmem_shared>>
        tpu.wait_indirect_dma semaphore(%run_scoped3A : memref<!tpu.dma_semaphore, #tpu.memory_space<semaphore_mem>>) src(%arg14 : memref<80x128xf32, #tpu.memory_space<vmem>>) dst(%dma_wait3A_1125 : memref<10368x128xf32, #tpu.memory_space<vmem_shared>>)
        tpu.yield
      }) : () -> ()
      "tpu.region"() ({
        %run_scoped3A = tpu.sem_alloc : memref<!tpu.dma_semaphore, #tpu.memory_space<semaphore_mem>>
        %dma_start3A_1120 = arith.constant 0 : i32
        %dma_start3A_1121 = arith.constant 0 : i32
        %dma_start3A_1122 = tpu.memref_slice %arg18[%dma_start3A_1120, %dma_start3A_1121] : memref<10368x128xf32, #tpu.memory_space<vmem_shared>> -> memref<10368x128xf32, #tpu.memory_space<vmem_shared>>
        tpu.enqueue_indirect_dma source(%arg15 : memref<80x128xf32, #tpu.memory_space<vmem>>) target(%dma_start3A_1122 : memref<10368x128xf32, #tpu.memory_space<vmem_shared>>) offsets(%arg11 : memref<80xi32, #tpu.memory_space<vmem>>) semaphore(%run_scoped3A : memref<!tpu.dma_semaphore, #tpu.memory_space<semaphore_mem>>) {add = true}
        %dma_wait3A_1123 = arith.constant 0 : i32
        %dma_wait3A_1124 = arith.constant 0 : i32
        %dma_wait3A_1125 = tpu.memref_slice %arg18[%dma_wait3A_1123, %dma_wait3A_1124] : memref<10368x128xf32, #tpu.memory_space<vmem_shared>> -> memref<10368x128xf32, #tpu.memory_space<vmem_shared>>
        tpu.wait_indirect_dma semaphore(%run_scoped3A : memref<!tpu.dma_semaphore, #tpu.memory_space<semaphore_mem>>) src(%arg15 : memref<80x128xf32, #tpu.memory_space<vmem>>) dst(%dma_wait3A_1125 : memref<10368x128xf32, #tpu.memory_space<vmem_shared>>)
        tpu.yield
      }) : () -> ()
      %add3A_965 = arith.constant 0 : i32
      %add3A_966 = vector.broadcast %add3A_965 : i32 to vector<16xi32>
      %add3A_967 = arith.addi %add3A_966, %iota3A : vector<16xi32>
      %get3A_968 = arith.constant 0 : index
      %get3A_969 = tpu.vector_load %arg9[%get3A_968] {strides = array<i32>} : memref<80xi32, #tpu.memory_space<vmem>>, vector<16xi32>,
      %and3A_970 = arith.constant 31 : i32
      %and3A_971 = vector.broadcast %and3A_970 : i32 to vector<16xi32>
      %and3A_972 = arith.andi %get3A_969, %and3A_971 : vector<16xi32>
      %mul3A_973 = arith.constant 4 : i32
      %mul3A_974 = vector.broadcast %mul3A_973 : i32 to vector<16xi32>
      %mul3A_975 = arith.muli %and3A_972, %mul3A_974 : vector<16xi32>
      %add3A_976 = arith.constant 0 : i32
      %add3A_977 = vector.broadcast %add3A_976 : i32 to vector<16xi32>
      %add3A_978 = arith.addi %mul3A_975, %add3A_977 : vector<16xi32>
      %broadcast_in_dim3A_979 = arith.constant 0.000000e+00 : f32
      %broadcast_in_dim3A_980 = vector.broadcast %broadcast_in_dim3A_979 : f32 to vector<16xf32>
      tpu.vector_store_idx %arg15[%add3A_967, %add3A_978], %broadcast_in_dim3A_980 : memref<80x128xf32, #tpu.memory_space<vmem>>[vector<16xi32>, vector<16xi32>], vector<16xf32>,
      %add3A_981 = arith.constant 1 : i32
      %add3A_982 = vector.broadcast %add3A_981 : i32 to vector<16xi32>
      %add3A_983 = arith.addi %mul3A_975, %add3A_982 : vector<16xi32>
      %broadcast_in_dim3A_984 = arith.constant 0.000000e+00 : f32
      %broadcast_in_dim3A_985 = vector.broadcast %broadcast_in_dim3A_984 : f32 to vector<16xf32>
      tpu.vector_store_idx %arg15[%add3A_967, %add3A_983], %broadcast_in_dim3A_985 : memref<80x128xf32, #tpu.memory_space<vmem>>[vector<16xi32>, vector<16xi32>], vector<16xf32>,
      %add3A_986 = arith.constant 2 : i32
      %add3A_987 = vector.broadcast %add3A_986 : i32 to vector<16xi32>
      %add3A_988 = arith.addi %mul3A_975, %add3A_987 : vector<16xi32>
      %broadcast_in_dim3A_989 = arith.constant 0.000000e+00 : f32
      %broadcast_in_dim3A_990 = vector.broadcast %broadcast_in_dim3A_989 : f32 to vector<16xf32>
      tpu.vector_store_idx %arg15[%add3A_967, %add3A_988], %broadcast_in_dim3A_990 : memref<80x128xf32, #tpu.memory_space<vmem>>[vector<16xi32>, vector<16xi32>], vector<16xf32>,
      %add3A_991 = arith.constant 3 : i32
      %add3A_992 = vector.broadcast %add3A_991 : i32 to vector<16xi32>
      %add3A_993 = arith.addi %mul3A_975, %add3A_992 : vector<16xi32>
      %broadcast_in_dim3A_994 = arith.constant 0.000000e+00 : f32
      %broadcast_in_dim3A_995 = vector.broadcast %broadcast_in_dim3A_994 : f32 to vector<16xf32>
      tpu.vector_store_idx %arg15[%add3A_967, %add3A_993], %broadcast_in_dim3A_995 : memref<80x128xf32, #tpu.memory_space<vmem>>[vector<16xi32>, vector<16xi32>], vector<16xf32>,
      %add3A_996 = arith.constant 16 : i32
      %add3A_997 = vector.broadcast %add3A_996 : i32 to vector<16xi32>
      %add3A_998 = arith.addi %add3A_997, %iota3A : vector<16xi32>
      %get3A_999 = arith.constant 16 : index
      %get3A_1000 = tpu.vector_load %arg9[%get3A_999] {strides = array<i32>} : memref<80xi32, #tpu.memory_space<vmem>>, vector<16xi32>,
      %and3A_1001 = arith.constant 31 : i32
      %and3A_1002 = vector.broadcast %and3A_1001 : i32 to vector<16xi32>
      %and3A_1003 = arith.andi %get3A_1000, %and3A_1002 : vector<16xi32>
      %mul3A_1004 = arith.constant 4 : i32
      %mul3A_1005 = vector.broadcast %mul3A_1004 : i32 to vector<16xi32>
      %mul3A_1006 = arith.muli %and3A_1003, %mul3A_1005 : vector<16xi32>
      %add3A_1007 = arith.constant 0 : i32
      %add3A_1008 = vector.broadcast %add3A_1007 : i32 to vector<16xi32>
      %add3A_1009 = arith.addi %mul3A_1006, %add3A_1008 : vector<16xi32>
      %broadcast_in_dim3A_1010 = arith.constant 0.000000e+00 : f32
      %broadcast_in_dim3A_1011 = vector.broadcast %broadcast_in_dim3A_1010 : f32 to vector<16xf32>
      tpu.vector_store_idx %arg15[%add3A_998, %add3A_1009], %broadcast_in_dim3A_1011 : memref<80x128xf32, #tpu.memory_space<vmem>>[vector<16xi32>, vector<16xi32>], vector<16xf32>,
      %add3A_1012 = arith.constant 1 : i32
      %add3A_1013 = vector.broadcast %add3A_1012 : i32 to vector<16xi32>
      %add3A_1014 = arith.addi %mul3A_1006, %add3A_1013 : vector<16xi32>
      %broadcast_in_dim3A_1015 = arith.constant 0.000000e+00 : f32
      %broadcast_in_dim3A_1016 = vector.broadcast %broadcast_in_dim3A_1015 : f32 to vector<16xf32>
      tpu.vector_store_idx %arg15[%add3A_998, %add3A_1014], %broadcast_in_dim3A_1016 : memref<80x128xf32, #tpu.memory_space<vmem>>[vector<16xi32>, vector<16xi32>], vector<16xf32>,
      %add3A_1017 = arith.constant 2 : i32
      %add3A_1018 = vector.broadcast %add3A_1017 : i32 to vector<16xi32>
      %add3A_1019 = arith.addi %mul3A_1006, %add3A_1018 : vector<16xi32>
      %broadcast_in_dim3A_1020 = arith.constant 0.000000e+00 : f32
      %broadcast_in_dim3A_1021 = vector.broadcast %broadcast_in_dim3A_1020 : f32 to vector<16xf32>
      tpu.vector_store_idx %arg15[%add3A_998, %add3A_1019], %broadcast_in_dim3A_1021 : memref<80x128xf32, #tpu.memory_space<vmem>>[vector<16xi32>, vector<16xi32>], vector<16xf32>,
      %add3A_1022 = arith.constant 3 : i32
      %add3A_1023 = vector.broadcast %add3A_1022 : i32 to vector<16xi32>
      %add3A_1024 = arith.addi %mul3A_1006, %add3A_1023 : vector<16xi32>
      %broadcast_in_dim3A_1025 = arith.constant 0.000000e+00 : f32
      %broadcast_in_dim3A_1026 = vector.broadcast %broadcast_in_dim3A_1025 : f32 to vector<16xf32>
      tpu.vector_store_idx %arg15[%add3A_998, %add3A_1024], %broadcast_in_dim3A_1026 : memref<80x128xf32, #tpu.memory_space<vmem>>[vector<16xi32>, vector<16xi32>], vector<16xf32>,
      %add3A_1027 = arith.constant 32 : i32
      %add3A_1028 = vector.broadcast %add3A_1027 : i32 to vector<16xi32>
      %add3A_1029 = arith.addi %add3A_1028, %iota3A : vector<16xi32>
      %get3A_1030 = arith.constant 32 : index
      %get3A_1031 = tpu.vector_load %arg9[%get3A_1030] {strides = array<i32>} : memref<80xi32, #tpu.memory_space<vmem>>, vector<16xi32>,
      %and3A_1032 = arith.constant 31 : i32
      %and3A_1033 = vector.broadcast %and3A_1032 : i32 to vector<16xi32>
      %and3A_1034 = arith.andi %get3A_1031, %and3A_1033 : vector<16xi32>
      %mul3A_1035 = arith.constant 4 : i32
      %mul3A_1036 = vector.broadcast %mul3A_1035 : i32 to vector<16xi32>
      %mul3A_1037 = arith.muli %and3A_1034, %mul3A_1036 : vector<16xi32>
      %add3A_1038 = arith.constant 0 : i32
      %add3A_1039 = vector.broadcast %add3A_1038 : i32 to vector<16xi32>
      %add3A_1040 = arith.addi %mul3A_1037, %add3A_1039 : vector<16xi32>
      %broadcast_in_dim3A_1041 = arith.constant 0.000000e+00 : f32
      %broadcast_in_dim3A_1042 = vector.broadcast %broadcast_in_dim3A_1041 : f32 to vector<16xf32>
      tpu.vector_store_idx %arg15[%add3A_1029, %add3A_1040], %broadcast_in_dim3A_1042 : memref<80x128xf32, #tpu.memory_space<vmem>>[vector<16xi32>, vector<16xi32>], vector<16xf32>,
      %add3A_1043 = arith.constant 1 : i32
      %add3A_1044 = vector.broadcast %add3A_1043 : i32 to vector<16xi32>
      %add3A_1045 = arith.addi %mul3A_1037, %add3A_1044 : vector<16xi32>
      %broadcast_in_dim3A_1046 = arith.constant 0.000000e+00 : f32
      %broadcast_in_dim3A_1047 = vector.broadcast %broadcast_in_dim3A_1046 : f32 to vector<16xf32>
      tpu.vector_store_idx %arg15[%add3A_1029, %add3A_1045], %broadcast_in_dim3A_1047 : memref<80x128xf32, #tpu.memory_space<vmem>>[vector<16xi32>, vector<16xi32>], vector<16xf32>,
      %add3A_1048 = arith.constant 2 : i32
      %add3A_1049 = vector.broadcast %add3A_1048 : i32 to vector<16xi32>
      %add3A_1050 = arith.addi %mul3A_1037, %add3A_1049 : vector<16xi32>
      %broadcast_in_dim3A_1051 = arith.constant 0.000000e+00 : f32
      %broadcast_in_dim3A_1052 = vector.broadcast %broadcast_in_dim3A_1051 : f32 to vector<16xf32>
      tpu.vector_store_idx %arg15[%add3A_1029, %add3A_1050], %broadcast_in_dim3A_1052 : memref<80x128xf32, #tpu.memory_space<vmem>>[vector<16xi32>, vector<16xi32>], vector<16xf32>,
      %add3A_1053 = arith.constant 3 : i32
      %add3A_1054 = vector.broadcast %add3A_1053 : i32 to vector<16xi32>
      %add3A_1055 = arith.addi %mul3A_1037, %add3A_1054 : vector<16xi32>
      %broadcast_in_dim3A_1056 = arith.constant 0.000000e+00 : f32
      %broadcast_in_dim3A_1057 = vector.broadcast %broadcast_in_dim3A_1056 : f32 to vector<16xf32>
      tpu.vector_store_idx %arg15[%add3A_1029, %add3A_1055], %broadcast_in_dim3A_1057 : memref<80x128xf32, #tpu.memory_space<vmem>>[vector<16xi32>, vector<16xi32>], vector<16xf32>,
      %add3A_1058 = arith.constant 48 : i32
      %add3A_1059 = vector.broadcast %add3A_1058 : i32 to vector<16xi32>
      %add3A_1060 = arith.addi %add3A_1059, %iota3A : vector<16xi32>
      %get3A_1061 = arith.constant 48 : index
      %get3A_1062 = tpu.vector_load %arg9[%get3A_1061] {strides = array<i32>} : memref<80xi32, #tpu.memory_space<vmem>>, vector<16xi32>,
      %and3A_1063 = arith.constant 31 : i32
      %and3A_1064 = vector.broadcast %and3A_1063 : i32 to vector<16xi32>
      %and3A_1065 = arith.andi %get3A_1062, %and3A_1064 : vector<16xi32>
      %mul3A_1066 = arith.constant 4 : i32
      %mul3A_1067 = vector.broadcast %mul3A_1066 : i32 to vector<16xi32>
      %mul3A_1068 = arith.muli %and3A_1065, %mul3A_1067 : vector<16xi32>
      %add3A_1069 = arith.constant 0 : i32
      %add3A_1070 = vector.broadcast %add3A_1069 : i32 to vector<16xi32>
      %add3A_1071 = arith.addi %mul3A_1068, %add3A_1070 : vector<16xi32>
      %broadcast_in_dim3A_1072 = arith.constant 0.000000e+00 : f32
      %broadcast_in_dim3A_1073 = vector.broadcast %broadcast_in_dim3A_1072 : f32 to vector<16xf32>
      tpu.vector_store_idx %arg15[%add3A_1060, %add3A_1071], %broadcast_in_dim3A_1073 : memref<80x128xf32, #tpu.memory_space<vmem>>[vector<16xi32>, vector<16xi32>], vector<16xf32>,
      %add3A_1074 = arith.constant 1 : i32
      %add3A_1075 = vector.broadcast %add3A_1074 : i32 to vector<16xi32>
      %add3A_1076 = arith.addi %mul3A_1068, %add3A_1075 : vector<16xi32>
      %broadcast_in_dim3A_1077 = arith.constant 0.000000e+00 : f32
      %broadcast_in_dim3A_1078 = vector.broadcast %broadcast_in_dim3A_1077 : f32 to vector<16xf32>
      tpu.vector_store_idx %arg15[%add3A_1060, %add3A_1076], %broadcast_in_dim3A_1078 : memref<80x128xf32, #tpu.memory_space<vmem>>[vector<16xi32>, vector<16xi32>], vector<16xf32>,
      %add3A_1079 = arith.constant 2 : i32
      %add3A_1080 = vector.broadcast %add3A_1079 : i32 to vector<16xi32>
      %add3A_1081 = arith.addi %mul3A_1068, %add3A_1080 : vector<16xi32>
      %broadcast_in_dim3A_1082 = arith.constant 0.000000e+00 : f32
      %broadcast_in_dim3A_1083 = vector.broadcast %broadcast_in_dim3A_1082 : f32 to vector<16xf32>
      tpu.vector_store_idx %arg15[%add3A_1060, %add3A_1081], %broadcast_in_dim3A_1083 : memref<80x128xf32, #tpu.memory_space<vmem>>[vector<16xi32>, vector<16xi32>], vector<16xf32>,
      %add3A_1084 = arith.constant 3 : i32
      %add3A_1085 = vector.broadcast %add3A_1084 : i32 to vector<16xi32>
      %add3A_1086 = arith.addi %mul3A_1068, %add3A_1085 : vector<16xi32>
      %broadcast_in_dim3A_1087 = arith.constant 0.000000e+00 : f32
      %broadcast_in_dim3A_1088 = vector.broadcast %broadcast_in_dim3A_1087 : f32 to vector<16xf32>
      tpu.vector_store_idx %arg15[%add3A_1060, %add3A_1086], %broadcast_in_dim3A_1088 : memref<80x128xf32, #tpu.memory_space<vmem>>[vector<16xi32>, vector<16xi32>], vector<16xf32>,
      %add3A_1089 = arith.constant 64 : i32
      %add3A_1090 = vector.broadcast %add3A_1089 : i32 to vector<16xi32>
      %add3A_1091 = arith.addi %add3A_1090, %iota3A : vector<16xi32>
      %get3A_1092 = arith.constant 64 : index
      %get3A_1093 = tpu.vector_load %arg9[%get3A_1092] {strides = array<i32>} : memref<80xi32, #tpu.memory_space<vmem>>, vector<16xi32>,
      %and3A_1094 = arith.constant 31 : i32
      %and3A_1095 = vector.broadcast %and3A_1094 : i32 to vector<16xi32>
      %and3A_1096 = arith.andi %get3A_1093, %and3A_1095 : vector<16xi32>
      %mul3A_1097 = arith.constant 4 : i32
      %mul3A_1098 = vector.broadcast %mul3A_1097 : i32 to vector<16xi32>
      %mul3A_1099 = arith.muli %and3A_1096, %mul3A_1098 : vector<16xi32>
      %add3A_1100 = arith.constant 0 : i32
      %add3A_1101 = vector.broadcast %add3A_1100 : i32 to vector<16xi32>
      %add3A_1102 = arith.addi %mul3A_1099, %add3A_1101 : vector<16xi32>
      %broadcast_in_dim3A_1103 = arith.constant 0.000000e+00 : f32
      %broadcast_in_dim3A_1104 = vector.broadcast %broadcast_in_dim3A_1103 : f32 to vector<16xf32>
      tpu.vector_store_idx %arg15[%add3A_1091, %add3A_1102], %broadcast_in_dim3A_1104 : memref<80x128xf32, #tpu.memory_space<vmem>>[vector<16xi32>, vector<16xi32>], vector<16xf32>,
      %add3A_1105 = arith.constant 1 : i32
      %add3A_1106 = vector.broadcast %add3A_1105 : i32 to vector<16xi32>
      %add3A_1107 = arith.addi %mul3A_1099, %add3A_1106 : vector<16xi32>
      %broadcast_in_dim3A_1108 = arith.constant 0.000000e+00 : f32
      %broadcast_in_dim3A_1109 = vector.broadcast %broadcast_in_dim3A_1108 : f32 to vector<16xf32>
      tpu.vector_store_idx %arg15[%add3A_1091, %add3A_1107], %broadcast_in_dim3A_1109 : memref<80x128xf32, #tpu.memory_space<vmem>>[vector<16xi32>, vector<16xi32>], vector<16xf32>,
      %add3A_1110 = arith.constant 2 : i32
      %add3A_1111 = vector.broadcast %add3A_1110 : i32 to vector<16xi32>
      %add3A_1112 = arith.addi %mul3A_1099, %add3A_1111 : vector<16xi32>
      %broadcast_in_dim3A_1113 = arith.constant 0.000000e+00 : f32
      %broadcast_in_dim3A_1114 = vector.broadcast %broadcast_in_dim3A_1113 : f32 to vector<16xf32>
      tpu.vector_store_idx %arg15[%add3A_1091, %add3A_1112], %broadcast_in_dim3A_1114 : memref<80x128xf32, #tpu.memory_space<vmem>>[vector<16xi32>, vector<16xi32>], vector<16xf32>,
      %add3A_1115 = arith.constant 3 : i32
      %add3A_1116 = vector.broadcast %add3A_1115 : i32 to vector<16xi32>
      %add3A_1117 = arith.addi %mul3A_1099, %add3A_1116 : vector<16xi32>
      %broadcast_in_dim3A_1118 = arith.constant 0.000000e+00 : f32
      %broadcast_in_dim3A_1119 = vector.broadcast %broadcast_in_dim3A_1118 : f32 to vector<16xf32>
      tpu.vector_store_idx %arg15[%add3A_1091, %add3A_1117], %broadcast_in_dim3A_1119 : memref<80x128xf32, #tpu.memory_space<vmem>>[vector<16xi32>, vector<16xi32>], vector<16xf32>,
    }
    %scan3A_49 = arith.constant 125 : i32
    %barrier3A_50 = arith.constant 0 : index
    tpu.barrier barrier_id(%barrier3A_50)
    %mul3A_51 = arith.constant 648 : i32
    %mul3A_52 = arith.muli %arg1, %mul3A_51 : i32
    %mul3A_53 = arith.constant 648 : i32
    %mul3A_54 = arith.muli %arg1, %mul3A_53 : i32
    "tpu.region"() ({
      %run_scoped3A = tpu.sem_alloc : memref<!tpu.dma_semaphore, #tpu.memory_space<semaphore_mem>>
      %dma_start3A = arith.constant 0 : i32
      %dma_start3A_55 = tpu.memref_slice %arg7[%arg0, %mul3A_54, %dma_start3A] : memref<2x10368x128xf32, #tpu.memory_space<hbm>> -> memref<1x648x128xf32, #tpu.memory_space<hbm>>
      %dma_start3A_56 = tpu.memref_squeeze %dma_start3A_55 : memref<1x648x128xf32, #tpu.memory_space<hbm>> -> memref<648x128xf32, #tpu.memory_space<hbm>>
      %dma_start3A_57 = arith.constant 0 : i32
      %dma_start3A_58 = tpu.memref_slice %arg18[%mul3A_52, %dma_start3A_57] : memref<10368x128xf32, #tpu.memory_space<vmem_shared>> -> memref<648x128xf32, #tpu.memory_space<vmem_shared>>
      tpu.enqueue_dma source(%dma_start3A_58 : memref<648x128xf32, #tpu.memory_space<vmem_shared>>) target(%dma_start3A_56 : memref<648x128xf32, #tpu.memory_space<hbm>>) target_semaphore(%run_scoped3A : memref<!tpu.dma_semaphore, #tpu.memory_space<semaphore_mem>>)
      %dma_wait3A = arith.constant 0 : i32
      %dma_wait3A_59 = tpu.memref_slice %arg7[%arg0, %mul3A_54, %dma_wait3A] : memref<2x10368x128xf32, #tpu.memory_space<hbm>> -> memref<1x648x128xf32, #tpu.memory_space<hbm>>
      %dma_wait3A_60 = tpu.memref_squeeze %dma_wait3A_59 : memref<1x648x128xf32, #tpu.memory_space<hbm>> -> memref<648x128xf32, #tpu.memory_space<hbm>>
      %dma_wait3A_61 = arith.constant 0 : i32
      %dma_wait3A_62 = tpu.memref_slice %arg18[%mul3A_52, %dma_wait3A_61] : memref<10368x128xf32, #tpu.memory_space<vmem_shared>> -> memref<648x128xf32, #tpu.memory_space<vmem_shared>>
      tpu.wait_dma2 semaphore(%run_scoped3A : memref<!tpu.dma_semaphore, #tpu.memory_space<semaphore_mem>>) src(%dma_wait3A_62 : memref<648x128xf32, #tpu.memory_space<vmem_shared>>) dst(%dma_wait3A_60 : memref<648x128xf32, #tpu.memory_space<hbm>>)
      tpu.yield
    }) : () -> ()
    return
  }
}

module attributes {stable_mosaic.version = 14 : i64} {
  func.func @_dense_in_body(%arg0: memref<10000x128xf32, #tpu.memory_space<vmem>>, %arg1: memref<128x128xf32, #tpu.memory_space<vmem>>, %arg2: memref<128x16xf32, #tpu.memory_space<vmem>>, %arg3: memref<10000x128xf32, #tpu.memory_space<vmem>>, %arg4: memref<10000x16xf32, #tpu.memory_space<vmem>>, %arg5: memref<1x16xf32, #tpu.memory_space<vmem>>) attributes {dimension_semantics = [], scalar_prefetch = 0 : i64, scratch_operands = 0 : i64, tpu.core_type = #tpu.core_type<tc>} {
    %get3A = arith.constant 0 : index
    %get3A_0 = arith.constant 0 : index
    %get3A_1 = vector.load %arg0[%get3A, %get3A_0] : memref<10000x128xf32, #tpu.memory_space<vmem>>, vector<10000x128xf32>
    %get3A_2 = arith.constant 0 : index
    %get3A_3 = arith.constant 0 : index
    %get3A_4 = vector.load %arg1[%get3A_2, %get3A_3] : memref<128x128xf32, #tpu.memory_space<vmem>>, vector<128x128xf32>
    %dot_general3A = arith.constant dense<0.000000e+00> : vector<10000x128xf32>
    %dot_general3A_5 = tpu.matmul %get3A_1, %get3A_4, %dot_general3A {dimension_numbers = #tpu.dot_dimension_numbers<[1], [0], [0], [1], [0, 0, 1, 1], [], []>, transpose_lhs_hint = false} : vector<10000x128xf32>, vector<128x128xf32>, vector<10000x128xf32> -> vector<10000x128xf32>
    %swap3A = arith.constant 0 : index
    %swap3A_6 = arith.constant 0 : index
    %swap3A_7 = vector.load %arg3[%swap3A, %swap3A_6] : memref<10000x128xf32, #tpu.memory_space<vmem>>, vector<10000x128xf32>
    tpu.vector_store %arg3[%swap3A, %swap3A_6], %dot_general3A_5 {strides = array<i32>} : memref<10000x128xf32, #tpu.memory_space<vmem>>, vector<10000x128xf32>,
    %get3A_8 = arith.constant 0 : index
    %get3A_9 = arith.constant 0 : index
    %get3A_10 = vector.load %arg2[%get3A_8, %get3A_9] : memref<128x16xf32, #tpu.memory_space<vmem>>, vector<128x16xf32>
    %dot_general3A_11 = arith.constant dense<0.000000e+00> : vector<10000x16xf32>
    %dot_general3A_12 = tpu.matmul %dot_general3A_5, %get3A_10, %dot_general3A_11 {dimension_numbers = #tpu.dot_dimension_numbers<[1], [0], [0], [1], [0, 0, 1, 1], [], []>, transpose_lhs_hint = false} : vector<10000x128xf32>, vector<128x16xf32>, vector<10000x16xf32> -> vector<10000x16xf32>
    %swap3A_13 = arith.constant 0 : index
    %swap3A_14 = arith.constant 0 : index
    %swap3A_15 = vector.load %arg4[%swap3A_13, %swap3A_14] : memref<10000x16xf32, #tpu.memory_space<vmem>>, vector<10000x16xf32>
    tpu.vector_store %arg4[%swap3A_13, %swap3A_14], %dot_general3A_12 {strides = array<i32>} : memref<10000x16xf32, #tpu.memory_space<vmem>>, vector<10000x16xf32>,
    %slice3A = vector.extract_strided_slice %dot_general3A_12 {offsets = [0, 0], sizes = [10000, 4], strides = [1, 1]} : vector<10000x16xf32> to vector<10000x4xf32>
    %reduce_max3A = vector.shape_cast %slice3A : vector<10000x4xf32> to vector<1x10000x4xf32>
    %reduce_max3A_16 = arith.constant dense<0xFF800000> : vector<1xf32>
    %reduce_max3A_17 = vector.multi_reduction <maximumf>, %reduce_max3A, %reduce_max3A_16 [1, 2] : vector<1x10000x4xf32> to vector<1xf32>
    %reduce_max3A_18 = vector.shape_cast %reduce_max3A_17 : vector<1xf32> to vector<1x1x1xf32>
    %reduce_max3A_19 = vector.extract %reduce_max3A_18[0, 0, 0] : f32 from vector<1x1x1xf32>
    %slice3A_20 = vector.extract_strided_slice %dot_general3A_12 {offsets = [0, 4], sizes = [10000, 4], strides = [1, 1]} : vector<10000x16xf32> to vector<10000x4xf32>
    %reduce_max3A_21 = vector.shape_cast %slice3A_20 : vector<10000x4xf32> to vector<1x10000x4xf32>
    %reduce_max3A_22 = arith.constant dense<0xFF800000> : vector<1xf32>
    %reduce_max3A_23 = vector.multi_reduction <maximumf>, %reduce_max3A_21, %reduce_max3A_22 [1, 2] : vector<1x10000x4xf32> to vector<1xf32>
    %reduce_max3A_24 = vector.shape_cast %reduce_max3A_23 : vector<1xf32> to vector<1x1x1xf32>
    %reduce_max3A_25 = vector.extract %reduce_max3A_24[0, 0, 0] : f32 from vector<1x1x1xf32>
    %add3A = arith.addf %reduce_max3A_19, %reduce_max3A_25 : f32
    %mul3A = arith.constant 2.000000e-01 : f32
    %mul3A_26 = arith.mulf %mul3A, %add3A : f32
    %max3A = arith.maximumf %add3A, %mul3A_26 : f32
    %broadcast_in_dim3A = vector.broadcast %max3A : f32 to vector<1x16xf32>
    %swap3A_27 = arith.constant 0 : index
    %swap3A_28 = arith.constant 0 : index
    %swap3A_29 = vector.load %arg5[%swap3A_27, %swap3A_28] : memref<1x16xf32, #tpu.memory_space<vmem>>, vector<1x16xf32>
    tpu.vector_store %arg5[%swap3A_27, %swap3A_28], %broadcast_in_dim3A {strides = array<i32>} : memref<1x16xf32, #tpu.memory_space<vmem>>, vector<1x16xf32>,
    return
  }
}

module attributes {stable_mosaic.version = 14 : i64} {
  func.func @_dense_mid_body(%arg0: memref<2x10000x128xf32, #tpu.memory_space<vmem>>, %arg1: memref<2x10000x4xf32, #tpu.memory_space<vmem>>, %arg2: memref<1x128xf32, #tpu.memory_space<vmem>>, %arg3: memref<128x128xf32, #tpu.memory_space<vmem>>, %arg4: memref<128x16xf32, #tpu.memory_space<vmem>>, %arg5: memref<4x128xf32, #tpu.memory_space<vmem>>, %arg6: memref<10000x128xf32, #tpu.memory_space<vmem>>, %arg7: memref<10000x16xf32, #tpu.memory_space<vmem>>, %arg8: memref<1x16xf32, #tpu.memory_space<vmem>>) attributes {dimension_semantics = [], scalar_prefetch = 0 : i64, scratch_operands = 0 : i64, tpu.core_type = #tpu.core_type<tc>} {
    %get3A = arith.constant 0 : index
    %get3A_0 = arith.constant 0 : index
    %get3A_1 = arith.constant 0 : index
    %get3A_2 = vector.load %arg0[%get3A, %get3A_0, %get3A_1] : memref<2x10000x128xf32, #tpu.memory_space<vmem>>, vector<1x10000x128xf32>
    %get3A_3 = vector.shape_cast %get3A_2 : vector<1x10000x128xf32> to vector<10000x128xf32>
    %get3A_4 = arith.constant 1 : index
    %get3A_5 = arith.constant 0 : index
    %get3A_6 = arith.constant 0 : index
    %get3A_7 = vector.load %arg0[%get3A_4, %get3A_5, %get3A_6] : memref<2x10000x128xf32, #tpu.memory_space<vmem>>, vector<1x10000x128xf32>
    %get3A_8 = vector.shape_cast %get3A_7 : vector<1x10000x128xf32> to vector<10000x128xf32>
    %add3A = arith.addf %get3A_3, %get3A_8 : vector<10000x128xf32>
    %get3A_9 = arith.constant 0 : index
    %get3A_10 = arith.constant 0 : index
    %get3A_11 = arith.constant 0 : index
    %get3A_12 = vector.load %arg1[%get3A_9, %get3A_10, %get3A_11] : memref<2x10000x4xf32, #tpu.memory_space<vmem>>, vector<1x10000x4xf32>
    %get3A_13 = vector.shape_cast %get3A_12 : vector<1x10000x4xf32> to vector<10000x4xf32>
    %get3A_14 = arith.constant 1 : index
    %get3A_15 = arith.constant 0 : index
    %get3A_16 = arith.constant 0 : index
    %get3A_17 = vector.load %arg1[%get3A_14, %get3A_15, %get3A_16] : memref<2x10000x4xf32, #tpu.memory_space<vmem>>, vector<1x10000x4xf32>
    %get3A_18 = vector.shape_cast %get3A_17 : vector<1x10000x4xf32> to vector<10000x4xf32>
    %add3A_19 = arith.addf %get3A_13, %get3A_18 : vector<10000x4xf32>
    %get3A_20 = arith.constant 0 : index
    %get3A_21 = arith.constant 0 : index
    %get3A_22 = vector.load %arg5[%get3A_20, %get3A_21] : memref<4x128xf32, #tpu.memory_space<vmem>>, vector<4x128xf32>
    %dot_general3A = arith.constant dense<0.000000e+00> : vector<10000x128xf32>
    %dot_general3A_23 = tpu.matmul %add3A_19, %get3A_22, %dot_general3A {dimension_numbers = #tpu.dot_dimension_numbers<[1], [0], [0], [1], [0, 0, 1, 1], [], []>, transpose_lhs_hint = false} : vector<10000x4xf32>, vector<4x128xf32>, vector<10000x128xf32> -> vector<10000x128xf32>
    %add3A_24 = arith.constant 1.000000e-16 : f32
    %add3A_25 = vector.broadcast %add3A_24 : f32 to vector<10000x128xf32>
    %add3A_26 = arith.addf %dot_general3A_23, %add3A_25 : vector<10000x128xf32>
    %div3A = arith.divf %add3A, %add3A_26 : vector<10000x128xf32>
    %get3A_27 = arith.constant 0 : index
    %get3A_28 = arith.constant 0 : index
    %get3A_29 = vector.load %arg2[%get3A_27, %get3A_28] : memref<1x128xf32, #tpu.memory_space<vmem>>, vector<1x128xf32>
    %add3A_30 = vector.broadcast %get3A_29 : vector<1x128xf32> to vector<10000x128xf32>
    %add3A_31 = arith.addf %div3A, %add3A_30 : vector<10000x128xf32>
    %max3A = arith.constant 0.000000e+00 : f32
    %max3A_32 = vector.broadcast %max3A : f32 to vector<10000x128xf32>
    %max3A_33 = arith.maximumf %add3A_31, %max3A_32 : vector<10000x128xf32>
    %get3A_34 = arith.constant 0 : index
    %get3A_35 = arith.constant 0 : index
    %get3A_36 = vector.load %arg3[%get3A_34, %get3A_35] : memref<128x128xf32, #tpu.memory_space<vmem>>, vector<128x128xf32>
    %dot_general3A_37 = arith.constant dense<0.000000e+00> : vector<10000x128xf32>
    %dot_general3A_38 = tpu.matmul %max3A_33, %get3A_36, %dot_general3A_37 {dimension_numbers = #tpu.dot_dimension_numbers<[1], [0], [0], [1], [0, 0, 1, 1], [], []>, transpose_lhs_hint = false} : vector<10000x128xf32>, vector<128x128xf32>, vector<10000x128xf32> -> vector<10000x128xf32>
    %swap3A = arith.constant 0 : index
    %swap3A_39 = arith.constant 0 : index
    %swap3A_40 = vector.load %arg6[%swap3A, %swap3A_39] : memref<10000x128xf32, #tpu.memory_space<vmem>>, vector<10000x128xf32>
    tpu.vector_store %arg6[%swap3A, %swap3A_39], %dot_general3A_38 {strides = array<i32>} : memref<10000x128xf32, #tpu.memory_space<vmem>>, vector<10000x128xf32>,
    %get3A_41 = arith.constant 0 : index
    %get3A_42 = arith.constant 0 : index
    %get3A_43 = vector.load %arg4[%get3A_41, %get3A_42] : memref<128x16xf32, #tpu.memory_space<vmem>>, vector<128x16xf32>
    %dot_general3A_44 = arith.constant dense<0.000000e+00> : vector<10000x16xf32>
    %dot_general3A_45 = tpu.matmul %dot_general3A_38, %get3A_43, %dot_general3A_44 {dimension_numbers = #tpu.dot_dimension_numbers<[1], [0], [0], [1], [0, 0, 1, 1], [], []>, transpose_lhs_hint = false} : vector<10000x128xf32>, vector<128x16xf32>, vector<10000x16xf32> -> vector<10000x16xf32>
    %swap3A_46 = arith.constant 0 : index
    %swap3A_47 = arith.constant 0 : index
    %swap3A_48 = vector.load %arg7[%swap3A_46, %swap3A_47] : memref<10000x16xf32, #tpu.memory_space<vmem>>, vector<10000x16xf32>
    tpu.vector_store %arg7[%swap3A_46, %swap3A_47], %dot_general3A_45 {strides = array<i32>} : memref<10000x16xf32, #tpu.memory_space<vmem>>, vector<10000x16xf32>,
    %slice3A = vector.extract_strided_slice %dot_general3A_45 {offsets = [0, 0], sizes = [10000, 4], strides = [1, 1]} : vector<10000x16xf32> to vector<10000x4xf32>
    %reduce_max3A = vector.shape_cast %slice3A : vector<10000x4xf32> to vector<1x10000x4xf32>
    %reduce_max3A_49 = arith.constant dense<0xFF800000> : vector<1xf32>
    %reduce_max3A_50 = vector.multi_reduction <maximumf>, %reduce_max3A, %reduce_max3A_49 [1, 2] : vector<1x10000x4xf32> to vector<1xf32>
    %reduce_max3A_51 = vector.shape_cast %reduce_max3A_50 : vector<1xf32> to vector<1x1x1xf32>
    %reduce_max3A_52 = vector.extract %reduce_max3A_51[0, 0, 0] : f32 from vector<1x1x1xf32>
    %slice3A_53 = vector.extract_strided_slice %dot_general3A_45 {offsets = [0, 4], sizes = [10000, 4], strides = [1, 1]} : vector<10000x16xf32> to vector<10000x4xf32>
    %reduce_max3A_54 = vector.shape_cast %slice3A_53 : vector<10000x4xf32> to vector<1x10000x4xf32>
    %reduce_max3A_55 = arith.constant dense<0xFF800000> : vector<1xf32>
    %reduce_max3A_56 = vector.multi_reduction <maximumf>, %reduce_max3A_54, %reduce_max3A_55 [1, 2] : vector<1x10000x4xf32> to vector<1xf32>
    %reduce_max3A_57 = vector.shape_cast %reduce_max3A_56 : vector<1xf32> to vector<1x1x1xf32>
    %reduce_max3A_58 = vector.extract %reduce_max3A_57[0, 0, 0] : f32 from vector<1x1x1xf32>
    %add3A_59 = arith.addf %reduce_max3A_52, %reduce_max3A_58 : f32
    %mul3A = arith.constant 2.000000e-01 : f32
    %mul3A_60 = arith.mulf %mul3A, %add3A_59 : f32
    %max3A_61 = arith.maximumf %add3A_59, %mul3A_60 : f32
    %broadcast_in_dim3A = vector.broadcast %max3A_61 : f32 to vector<1x16xf32>
    %swap3A_62 = arith.constant 0 : index
    %swap3A_63 = arith.constant 0 : index
    %swap3A_64 = vector.load %arg8[%swap3A_62, %swap3A_63] : memref<1x16xf32, #tpu.memory_space<vmem>>, vector<1x16xf32>
    tpu.vector_store %arg8[%swap3A_62, %swap3A_63], %broadcast_in_dim3A {strides = array<i32>} : memref<1x16xf32, #tpu.memory_space<vmem>>, vector<1x16xf32>,
    return
  }
}

module attributes {stable_mosaic.version = 14 : i64} {
  func.func @_dense_out_body(%arg0: memref<2x10000x128xf32, #tpu.memory_space<vmem>>, %arg1: memref<2x10000x4xf32, #tpu.memory_space<vmem>>, %arg2: memref<1x128xf32, #tpu.memory_space<vmem>>, %arg3: memref<4x128xf32, #tpu.memory_space<vmem>>, %arg4: memref<128x40xf32, #tpu.memory_space<vmem>>, %arg5: memref<1x40xf32, #tpu.memory_space<vmem>>, %arg6: memref<10000x40xf32, #tpu.memory_space<vmem>>) attributes {dimension_semantics = [], scalar_prefetch = 0 : i64, scratch_operands = 0 : i64, tpu.core_type = #tpu.core_type<tc>} {
    %get3A = arith.constant 0 : index
    %get3A_0 = arith.constant 0 : index
    %get3A_1 = arith.constant 0 : index
    %get3A_2 = vector.load %arg0[%get3A, %get3A_0, %get3A_1] : memref<2x10000x128xf32, #tpu.memory_space<vmem>>, vector<1x10000x128xf32>
    %get3A_3 = vector.shape_cast %get3A_2 : vector<1x10000x128xf32> to vector<10000x128xf32>
    %get3A_4 = arith.constant 1 : index
    %get3A_5 = arith.constant 0 : index
    %get3A_6 = arith.constant 0 : index
    %get3A_7 = vector.load %arg0[%get3A_4, %get3A_5, %get3A_6] : memref<2x10000x128xf32, #tpu.memory_space<vmem>>, vector<1x10000x128xf32>
    %get3A_8 = vector.shape_cast %get3A_7 : vector<1x10000x128xf32> to vector<10000x128xf32>
    %add3A = arith.addf %get3A_3, %get3A_8 : vector<10000x128xf32>
    %get3A_9 = arith.constant 0 : index
    %get3A_10 = arith.constant 0 : index
    %get3A_11 = arith.constant 0 : index
    %get3A_12 = vector.load %arg1[%get3A_9, %get3A_10, %get3A_11] : memref<2x10000x4xf32, #tpu.memory_space<vmem>>, vector<1x10000x4xf32>
    %get3A_13 = vector.shape_cast %get3A_12 : vector<1x10000x4xf32> to vector<10000x4xf32>
    %get3A_14 = arith.constant 1 : index
    %get3A_15 = arith.constant 0 : index
    %get3A_16 = arith.constant 0 : index
    %get3A_17 = vector.load %arg1[%get3A_14, %get3A_15, %get3A_16] : memref<2x10000x4xf32, #tpu.memory_space<vmem>>, vector<1x10000x4xf32>
    %get3A_18 = vector.shape_cast %get3A_17 : vector<1x10000x4xf32> to vector<10000x4xf32>
    %add3A_19 = arith.addf %get3A_13, %get3A_18 : vector<10000x4xf32>
    %get3A_20 = arith.constant 0 : index
    %get3A_21 = arith.constant 0 : index
    %get3A_22 = vector.load %arg3[%get3A_20, %get3A_21] : memref<4x128xf32, #tpu.memory_space<vmem>>, vector<4x128xf32>
    %dot_general3A = arith.constant dense<0.000000e+00> : vector<10000x128xf32>
    %dot_general3A_23 = tpu.matmul %add3A_19, %get3A_22, %dot_general3A {dimension_numbers = #tpu.dot_dimension_numbers<[1], [0], [0], [1], [0, 0, 1, 1], [], []>, transpose_lhs_hint = false} : vector<10000x4xf32>, vector<4x128xf32>, vector<10000x128xf32> -> vector<10000x128xf32>
    %add3A_24 = arith.constant 1.000000e-16 : f32
    %add3A_25 = vector.broadcast %add3A_24 : f32 to vector<10000x128xf32>
    %add3A_26 = arith.addf %dot_general3A_23, %add3A_25 : vector<10000x128xf32>
    %div3A = arith.divf %add3A, %add3A_26 : vector<10000x128xf32>
    %get3A_27 = arith.constant 0 : index
    %get3A_28 = arith.constant 0 : index
    %get3A_29 = vector.load %arg2[%get3A_27, %get3A_28] : memref<1x128xf32, #tpu.memory_space<vmem>>, vector<1x128xf32>
    %add3A_30 = vector.broadcast %get3A_29 : vector<1x128xf32> to vector<10000x128xf32>
    %add3A_31 = arith.addf %div3A, %add3A_30 : vector<10000x128xf32>
    %max3A = arith.constant 0.000000e+00 : f32
    %max3A_32 = vector.broadcast %max3A : f32 to vector<10000x128xf32>
    %max3A_33 = arith.maximumf %add3A_31, %max3A_32 : vector<10000x128xf32>
    %get3A_34 = arith.constant 0 : index
    %get3A_35 = arith.constant 0 : index
    %get3A_36 = vector.load %arg4[%get3A_34, %get3A_35] : memref<128x40xf32, #tpu.memory_space<vmem>>, vector<128x40xf32>
    %dot_general3A_37 = arith.constant dense<0.000000e+00> : vector<10000x40xf32>
    %dot_general3A_38 = tpu.matmul %max3A_33, %get3A_36, %dot_general3A_37 {dimension_numbers = #tpu.dot_dimension_numbers<[1], [0], [0], [1], [0, 0, 1, 1], [], []>, transpose_lhs_hint = false} : vector<10000x128xf32>, vector<128x40xf32>, vector<10000x40xf32> -> vector<10000x40xf32>
    %get3A_39 = arith.constant 0 : index
    %get3A_40 = arith.constant 0 : index
    %get3A_41 = vector.load %arg5[%get3A_39, %get3A_40] : memref<1x40xf32, #tpu.memory_space<vmem>>, vector<1x40xf32>
    %add3A_42 = vector.broadcast %get3A_41 : vector<1x40xf32> to vector<10000x40xf32>
    %add3A_43 = arith.addf %dot_general3A_38, %add3A_42 : vector<10000x40xf32>
    %reduce_max3A = arith.constant dense<0xFF800000> : vector<10000xf32>
    %reduce_max3A_44 = vector.multi_reduction <maximumf>, %add3A_43, %reduce_max3A [1] : vector<10000x40xf32> to vector<10000xf32>
    %broadcast_in_dim3A = vector.shape_cast %reduce_max3A_44 : vector<10000xf32> to vector<10000x1xf32>
    %sub3A = vector.broadcast %broadcast_in_dim3A : vector<10000x1xf32> to vector<10000x40xf32>
    %sub3A_45 = arith.subf %add3A_43, %sub3A : vector<10000x40xf32>
    %exp3A = math.exp %sub3A_45 : vector<10000x40xf32>
    %reduce_sum3A = arith.constant dense<0.000000e+00> : vector<10000xf32>
    %reduce_sum3A_46 = vector.multi_reduction <add>, %exp3A, %reduce_sum3A [1] : vector<10000x40xf32> to vector<10000xf32>
    %broadcast_in_dim3A_47 = vector.shape_cast %reduce_sum3A_46 : vector<10000xf32> to vector<10000x1xf32>
    %log3A = math.log %broadcast_in_dim3A_47 : vector<10000x1xf32>
    %sub3A_48 = vector.broadcast %log3A : vector<10000x1xf32> to vector<10000x40xf32>
    %sub3A_49 = arith.subf %sub3A_45, %sub3A_48 : vector<10000x40xf32>
    %swap3A = arith.constant 0 : index
    %swap3A_50 = arith.constant 0 : index
    %swap3A_51 = vector.load %arg6[%swap3A, %swap3A_50] : memref<10000x40xf32, #tpu.memory_space<vmem>>, vector<10000x40xf32>
    tpu.vector_store %arg6[%swap3A, %swap3A_50], %sub3A_49 {strides = array<i32>} : memref<10000x40xf32, #tpu.memory_space<vmem>>, vector<10000x40xf32>,
    return
  }
}

</mosaic_0001>

<sc_bundles>
// kernel: kernel.10.cloned.1.call-start
scs
__scs_entry_jumppad:
0x0: {  	(pc) =	sbr.rel $0x88, $3  }
0x1: {  	(tag) =	ssettag $0x0;
	lr =	simm.s32 $0x1  }
0x2: {  	[smem:$0x3F95] =	sst lr;
	_ =	strace $0xD0000000  }
0x3: {  	_ = 	snop  }
0x4: {  	_ = 	snop  }
0x5: {  	_ = 	snop  }
0x6: {  	_ = 	snop  }
0x7: {  	_ = 	snop  }
__scs_overlays_trampoline_lowered:
0x8: {  	[smem:$0x3FA4] =	sst s0  }
0x9: {  	[smem:$0x3FA5] =	sst s1  }
0xa: {  	[smem:$0x3FA6] =	sst s2  }
0xb: {  	[smem:$0x3FA7] =	sst s3  }
0xc: {  	[smem:$0x3FA8] =	sst s4  }
0xd: {  	[smem:$0x3FA9] =	sst s5  }
0xe: {  	[smem:$0x3FAA] =	sst s6  }
0xf: {  	[smem:$0x3FAB] =	sst s7  }
0x10: {  	[smem:$0x3FAC] =	sst s8  }
0x11: {  	[smem:$0x3FAD] =	sst s9;
	s0 =	simm.s32 @!p0 $0x0  }
0x12: {  	s1 =	sld [smem:$0x3F93];
	s0 =	simm.s32 @p0 $0x1  }
0x13: {  	[smem:$0x3FAE] =	sst s0;
	s0 =	simm.s32 @!p1 $0x0  }
0x14: {  	s2 =	sld [smem:$0x3F92];
	s0 =	simm.s32 @p1 $0x1  }
0x15: {  	[smem:$0x3FAF] =	sst s0;
	s0 =	simm.s32 @!p2 $0x0  }
0x16: {  	s3 =	sld [smem:$0x3FDB];
	s0 =	simm.s32 @p2 $0x1  }
0x17: {  	s4 =	simm.s32 $0x1BF5;
	[smem:$0x3FB1] =	sst s0  }
0x18: {  	s0 =	sld [smem:$0x3F94];
	_ =	swait.ge [sflag:s4], $0x0  }
0x19: {  	s7 =	sld [smem:$0x3F95]  }
0x1a: {  	s8 =	sadd.s32 $0xFFFFE003, lr  }
0x1b: {  	s9 =	sadd.s32 $0xFFFFFEF7, lr;
	s5 =	simm.s32 $0xFFFFFFFF;
	p2 =	slt.u32 s8, $0xFFFFF086  }
0x1c: {  	p1 =	slt.u32 s9, $0xF7A;
	s5 =	simm.s32 @!p2 $0x0  }
0x1d: {  	s5 =	simm.s32 @p1 $0x1;
	p0 =	seq.s32 s7, s2  }
0x1e: {  	s7 =	smul.u32 @!p0 $0xF7A, s2;
	p2 =	seq.s32 @!p0 s5, $0x0  }
0x1f: {  	s9 =	smul.u32 $0xF7A, s1;
	s8 =	simm.s32 @!p0 $0x1BF5;
	p2 =	por !p2, p0  }
0x20: {  	[sflag:s8] =	ssyncset.s32 @!p0 $0xFFFFF086;
	s6 =	sadd.s32 @!p0 s3, s7;
	s7 =	simm.s32 @!p0 $0x108  }
0x21: {  	s3 =	sadd.s32 s3, s9;
	s6 =	sadd.s32 @!p0 $0x88, s6;
	s7 =	simm.s32 @p2 $0x1082  }
0x22: {  	[simem:s7], [sflag:s8] =	dma.local @!p0 [hbm:s6], $0xF7A  }
0x23: {  	s9 =	sor.u32 $0xD0000000, s2;
	s6 =	simm.s32 $0x108;
	_ =	swait.ge @!p0 [sflag:s8], $0x0  }
0x24: {  	s3 =	sadd.s32 $0x88, s3;
	s6 =	simm.s32 @!p1 $0x1082;
	[sflag:s4] =	ssyncset.s32 $0xFFFFF086  }
0x25: {  	[simem:s6], [sflag:s4] =	dma.local [hbm:s3], $0xF7A  }
0x26: {  	[smem:$0x3F95] =	sst s1;
	(tag) =	ssettag s2;
	_ =	strace s9  }
0x27: {  	s1 =	sld [smem:$0x3FA5]  }
0x28: {  	s2 =	sld [smem:$0x3FA6]  }
0x29: {  	s4 =	sld [smem:$0x3FA8]  }
0x2a: {  	p0 =	seq.s32 s5, $0x0;
	s5 =	sld [smem:$0x3FA9]  }
0x2b: {  	s6 =	sld [smem:$0x3FAA]  }
0x2c: {  	s7 =	sld [smem:$0x3FAB]  }
0x2d: {  	s3 =	simm.s32 $0x108;
	s8 =	sld [smem:$0x3FAC]  }
0x2e: {  	s3 =	simm.s32 @!p0 $0x1082;
	s9 =	sld [smem:$0x3FAD]  }
0x2f: {  	lr =	sadd.s32 s0, s3;
	s0 =	sld [smem:$0x3FA4]  }
0x30: {  	s3 =	sld [smem:$0x3FA7]  }
0x31: {  	[smem:$0x3FB0] =	sst s10  }
0x32: {  	s10 =	sld [smem:$0x3FAE];
	_ =	sdelay $0x3  }
0x33: {  	p0 =	seq.s32 s10, $0x1;
	s10 =	sld [smem:$0x3FB0];
	_ =	sdelay $0x3  }
0x34: {  	[smem:$0x3FB0] =	sst s10  }
0x35: {  	s10 =	sld [smem:$0x3FAF];
	_ =	sdelay $0x3  }
0x36: {  	p1 =	seq.s32 s10, $0x1;
	s10 =	sld [smem:$0x3FB0];
	_ =	sdelay $0x3  }
0x37: {  	[smem:$0x3FB0] =	sst s10  }
0x38: {  	s10 =	sld [smem:$0x3FB1]  }
0x39: {  	_ = 	snop;
	(pc) =	sbr.ind lr, $3  }
0x3a: {  	_ = 	snop  }
0x3b: {  	_ = 	snop  }
0x3c: {  	p2 =	seq.s32 s10, $0x1;
	s10 =	sld [smem:$0x3FB0]  }
0x3d: {  	_ =	shalt  }
0x3e: {  	_ =	shalt  }
0x3f: {  	_ =	shalt  }
0x40: {  	_ =	shalt  }
0x41: {  	_ =	shalt  }
0x42: {  	_ =	shalt  }
0x43: {  	_ =	shalt  }
0x44: {  	_ =	shalt  }
0x45: {  	_ =	shalt  }
0x46: {  	_ =	shalt  }
0x47: {  	_ =	shalt  }
0x48: {  	_ =	shalt  }
0x49: {  	_ =	shalt  }
0x4a: {  	_ =	shalt  }
0x4b: {  	_ =	shalt  }
0x4c: {  	_ =	shalt  }
0x4d: {  	_ =	shalt  }
0x4e: {  	_ =	shalt  }
0x4f: {  	_ =	shalt  }
0x50: {  	_ =	shalt  }
0x51: {  	_ =	shalt  }
0x52: {  	_ =	shalt  }
0x53: {  	_ =	shalt  }
0x54: {  	_ =	shalt  }
0x55: {  	_ =	shalt  }
0x56: {  	_ =	shalt  }
0x57: {  	_ =	shalt  }
0x58: {  	_ =	shalt  }
0x59: {  	_ =	shalt  }
0x5a: {  	_ =	shalt  }
0x5b: {  	_ =	shalt  }
0x5c: {  	_ =	shalt  }
0x5d: {  	_ =	shalt  }
0x5e: {  	_ =	shalt  }
0x5f: {  	_ =	shalt  }
0x60: {  	_ =	shalt  }
0x61: {  	_ =	shalt  }
0x62: {  	_ =	shalt  }
0x63: {  	_ =	shalt  }
0x64: {  	_ =	shalt  }
0x65: {  	_ =	shalt  }
0x66: {  	_ =	shalt  }
0x67: {  	_ =	shalt  }
0x68: {  	_ =	shalt  }
0x69: {  	_ =	shalt  }
0x6a: {  	_ =	shalt  }
0x6b: {  	_ =	shalt  }
0x6c: {  	_ =	shalt  }
0x6d: {  	_ =	shalt  }
0x6e: {  	_ =	shalt  }
0x6f: {  	_ =	shalt  }
0x70: {  	_ =	shalt  }
0x71: {  	_ =	shalt  }
0x72: {  	_ =	shalt  }
0x73: {  	_ =	shalt  }
0x74: {  	_ =	shalt  }
0x75: {  	_ =	shalt  }
0x76: {  	_ =	shalt  }
0x77: {  	_ =	shalt  }
0x78: {  	_ =	shalt  }
0x79: {  	_ =	shalt  }
0x7a: {  	_ =	shalt  }
0x7b: {  	_ =	shalt  }
0x7c: {  	_ =	shalt  }
0x7d: {  	_ =	shalt  }
0x7e: {  	_ =	shalt  }
0x7f: {  	_ =	shalt  }
0x80: {  	_ =	shalt  }
0x81: {  	_ =	shalt  }
0x82: {  	_ =	shalt  }
0x83: {  	_ =	shalt  }
0x84: {  	_ =	shalt  }
0x85: {  	_ =	shalt  }
0x86: {  	_ =	shalt  }
0x87: {  	_ =	shalt  }
.Lfunc_end0:
.L_simem_size_0:
called_computation.1_lowered:
.L_overlay_start_0:
0x88: {  	s2 =	sld [smem:$0x3FD9]  }
0x89: {  	s3 =	sld [smem:$0x3FFE];
	_ =	sdelay $0x1  }
0x8a: {  	s1 =	srdreg.scid  }
0x8b: {  	s0 =	sand.u32 $0x1, s1  }
0x8c: {  	s17 =	sshll.u32 s0, $0xA;
	s2 =	sadd.s32 s3, s2  }
0x8d: {  	s2 =	sadd.s32 s2, s17  }
0x8e: {  	[smem:$0x3FBC] =	sst s2  }
0x8f: {  	_ = 	snop  }
0x90: {  	s2 =	sld [smem:$0x3FD0];
	(tm) =	ssettm $0x1  }
0x91: {  	s18 =	sld [smem:$0x3FFB];
	_ =	sdelay $0x3  }
0x92: {  	_ =	strace s18  }
0x93: {  	s3 =	sld [smem:$0x3FFC];
	_ =	sdelay $0x3  }
0x94: {  	_ =	strace s3  }
0x95: {  	s3 =	sld [smem:$0x3FFD];
	_ =	sdelay $0x3  }
0x96: {  	_ =	strace s3  }
0x97: {  	_ =	strace $0x8FFFFFFF  }
0x98: {  	s19 =	sld [smem:$0x3FDB];
	_ =	sdelay $0x1  }
0x99: {  	s4 =	simm.s32 $_scs_section_size  }
0x9a: {  	s5 =	simm.s32 $_size__tile_overlayer_lowered;
	s6 =	simm.s32 $_tile_overlayer_lowered  }
0x9b: {  	s22 =	simm.s32 $0x1BFF;
	s21 =	sshll.u32 s6, $0x1;
	s3 =	sadd.s32 s4, s19  }
0x9c: {  	s7 =	simm.s32 $0x0;
	s20 =	sshll.u32 s5, $0x1;
	s5 =	sadd.s32 s21, s3  }
0x9d: {  	[timem:s7], [sflag:s22] =	dma.local [hbm:s5], s20  }
0x9e: {  	_ =	swait.ge [sflag:s22], s20  }
0x9f: {  	s4 =	ssub.s32 $0x0, s20;
	[sflag:s22] =	ssyncset.done $0x0  }
0xa0: {  	[sflag:s22] =	ssyncadd.s32 s4;
	_ =	sdelay $0x1  }
0xa1: {  	s23 =	simm.s32 $0x1B8B  }
0xa2: {  	_ =	swait.ge [sflag:s23], $0x1  }
0xa3: {  	[sflag:s23] =	ssyncset.done $0x0  }
0xa4: {  	s25 =	simm.s32 $0x1B8E;
	s24 =	sld [smem:$0x3FFE];
	[sflag:s23] =	ssyncadd.s32 $0xFFFFFFFF  }
0xa5: {  	s26 =	simm.s32 $execute0_lowered;
	[smem:$0x3FD2] =	sst s25  }
0xa6: {  	s5 =	sshll.u32 s26, $0x1;
	_ =	strace $0x80000049;
	[dreg:$0x1] =	wrdreg $0xFFFFFFFF  }
0xa7: {  	s28 =	simm.s32 $_size_execute0_lowered;
	s3 =	sadd.s32 s3, s5;
	[dreg:$0x0] =	wrdreg $0x0  }
0xa8: {  	s5 =	sshll.u32 s28, $0x1;
	[dreg:$0x2] =	wrdreg s3  }
0xa9: {  	[dreg:$0x3] =	wrdreg s5  }
0xaa: {  	[dreg:$0x4] =	wrdreg $0xC0  }
0xab: {  	_ =	task [dreg:s7], $0x5FFFF  }
0xac: {  	[dreg:$0x1] =	wrdreg $0xFFFFFFFF  }
0xad: {  	[dreg:$0x0] =	wrdreg $0x60  }
0xae: {  	[dreg:$0x2] =	wrdreg s24  }
0xaf: {  	[dreg:$0x3] =	wrdreg s2  }
0xb0: {  	[dreg:$0x4] =	wrdreg $0xA4000  }
0xb1: {  	[dreg:$0x5] =	wrdreg $0x9  }
0xb2: {  	_ =	task.clear_ibuf [dreg:s7], $0x6FFFF;
	_ =	strace $0x90000049  }
0xb3: {  	s29 =	simm.s32 $0x9;
	_ =	strace $0x8000004B  }
0xb4: {  	_ =	swait.ge [sflag:s29], $0x1  }
0xb5: {  	[sflag:s29] =	ssyncadd.s32 $0xFFFFFFFF  }
0xb6: {  	_ =	strace $0x9000004B  }
0xb7: {  	_ =	sfence  }
0xb8: {  	s30 =	sld [smem:$0x0];
	_ =	sdelay $0x2  }
0xb9: {  	s31 =	sshll.u32 s1, $0xD;
	s1 =	sshrl.u32 s1, $0x2  }
0xba: {  	s3 =	sand.u32 $0x4000, s31;
	s1 =	sadd.s32 s1, s30  }
0xbb: {  	s0 =	sor.u32 s3, s0;
	s1 =	sshll.u32 s1, $0x11  }
0xbc: {  	s0 =	sor.u32 s1, s0  }
0xbd: {  	s0 =	sadd.s32 $0x8F2B, s0  }
0xbe: {  	[sflag:s0] =	ssyncadd.remote.s32 $0x1  }
0xbf: {  	_ =	sfence.sel $0xFFFF  }
0xc0: {  	[dreg:$0x0] =	wrdreg $0xFFFFFFFF;
	(pc) =	sbr.abs _section_cstart, $3  }
0xc1: {  	[dreg:$0x1] =	wrdreg $0xFFFFFFFF  }
0xc2: {  	_ =	task.clear_ibuf [dreg:s7], $0x2FFFF;
	_ =	strace $0x9FFFFFFF  }
0xc3: {  	(tm) =	ssettm $0x7FFFFFFF  }
tec
execute0_lowered:
.L_overlay_start_1:
0x0: {  	(tag) =	ssettag $0x1  }
0x1: {  	v36 =	vlaneseq.u32  }
0x2: {  	v0 =	vmul.u32 $0x80, v36  }
0x3: {  	s1 =	rddreg [dreg:$0x0]  }
0x4: {  	v1 =	vimm.f32 $0.0e+00;
	s0 =	rddreg [dreg:$0x1];
	v36 =	vmul.u32 $0x4, v36;
	v2 =	vor.u32 $0x4, v0  }
0x5: {  	s2 =	rddreg [dreg:$0x2];
	s3 =	srdreg.scid;
	v3 =	vor.u32 $0x1, v0;
	v4 =	vor.u32 $0x5, v0;
	v5 =	vor.u32 $0x2, v0  }
0x6: {  	s4 =	simm.s32 $0x0;
	s11 =	stileid.u32;
	s28 =	simm.s32 $0x100;
	v6 =	vor.u32 $0x6, v0;
	v7 =	vor.u32 $0x3, v0;
	v8 =	vor.u32 $0x7, v0  }
0x7: {  	s29 =	simm.s32 $0x200;
	s31 =	simm.s32 $0xA200;
	s3 =	sand.u32 $0x1, s3;
	v9 =	vor.u32 $0x800, v0;
	v10 =	vor.u32 $0x804, v0;
	v11 =	vor.u32 $0x801, v0  }
0x8: {  	[smem:$0x7FF] =	sst s4;
	s8 =	smul.u32 $0x14400, s11;
	s5 =	sadd.s32 $0x3800, s1;
	v12 =	vor.u32 $0x805, v0;
	v13 =	vor.u32 $0x802, v0;
	v14 =	vor.u32 $0x806, v0  }
0x9: {  	s6 =	sadd.s32 $0x2AC00, s1;
	s9 =	smul.u32 $0x51000, s11;
	s18 =	sadd.s32 $0x2AA00, s1;
	v15 =	vor.u32 $0x803, v0;
	v16 =	vor.u32 $0x807, v0;
	v17 =	vor.u32 $0x1000, v0  }
0xa: {  	s30 =	simm.s32 $0x2;
	s7 =	smul.u32 $0x144000, s3;
	_ =	strace $0x8000004A;
	v18 =	vor.u32 $0x1004, v0;
	v19 =	vor.u32 $0x1001, v0;
	v20 =	vor.u32 $0x1005, v0  }
0xb: {  	[dreg:$0x4] =	wrdreg s18;
	s19 =	ssub.s32 $0x2, s3;
	v21 =	vor.u32 $0x1002, v0;
	v22 =	vor.u32 $0x1006, v0;
	v23 =	vor.u32 $0x1003, v0;
	s9 =	sshrl.u32 s9, $0x2  }
0xc: {  	s3 =	sshll.u32 s3, $0x4;
	v24 =	vor.u32 $0x1007, v0;
	v25 =	vor.u32 $0x1800, v0;
	v26 =	vor.u32 $0x1804, v0;
	s10 =	sshrl.u32 s19, $0x1;
	s9 =	sadd.s32 s9, s2  }
0xd: {  	v27 =	vor.u32 $0x1801, v0;
	v28 =	vor.u32 $0x1805, v0;
	v29 =	vor.u32 $0x1802, v0;
	s3 =	sor.u32 s11, s3;
	s7 =	sadd.s32 s8, s7;
	s20 =	sadd.s32 $0x2800, s9  }
0xe: {  	v30 =	vor.u32 $0x1806, v0;
	v31 =	vor.u32 $0x1803, v0;
	v32 =	vor.u32 $0x1807, v0;
	s8 =	sadd.s32 $0x2D400, s1;
	s21 =	sadd.s32 $0x5000, s9;
	[dreg:$0x5] =	wrdreg s20  }
0xf: {  	v33 =	vor.u32 $0x2000, v0;
	v34 =	vor.u32 $0x2004, v0;
	v35 =	vor.u32 $0x2001, v0;
	s18 =	smul.u32 $0x2710, s3;
	s22 =	sadd.s32 $0x7800, s9;
	[dreg:$0x6] =	wrdreg s21  }
0x10: {  	v37 =	vor.u32 $0x2005, v0;
	v38 =	vor.u32 $0x2002, v0;
	v39 =	vor.u32 $0x2006, v0;
	s3 =	simm.s32 $0x180;
	s23 =	sadd.s32 $0xA000, s9;
	[dreg:$0x7] =	wrdreg s22  }
0x11: {  	v40 =	vor.u32 $0x2003, v0;
	v41 =	vor.u32 $0x2007, v0;
	v42 =	vor.u32 $0x1, v36;
	s7 =	sshrl.u32 s7, $0x3;
	s24 =	sadd.s32 $0xC800, s9;
	[dreg:$0x8] =	wrdreg s23  }
0x12: {  	v61 =	vor.u32 $0x2, v36;
	v62 =	vor.u32 $0x3, v36;
	v63 =	vor.u32 $0x40, v36;
	s25 =	sadd.s32 $0xF000, s9;
	s26 =	sadd.s32 $0x11800, s9;
	[dreg:$0x9] =	wrdreg s24  }
0x13: {  	v46 =	vor.u32 $0x41, v36;
	v47 =	vor.u32 $0x42, v36;
	v48 =	vor.u32 $0x43, v36;
	s17 =	sadd.s32 $0x14000, s9;
	s1 =	sadd.s32 s7, s1;
	[dreg:$0xa] =	wrdreg s25  }
0x14: {  	v49 =	vor.u32 $0x80, v36;
	v50 =	vor.u32 $0x81, v36;
	v51 =	vor.u32 $0x82, v36;
	[tilespmem:$0x1FFC0] =	vst v42;
	s7 =	ssub.s32 s19, s10;
	[dreg:$0xb] =	wrdreg s26;
	s21 =	simm.s32 $0x5200  }
0x15: {  	v52 =	vor.u32 $0x83, v36;
	v53 =	vor.u32 $0xC0, v36;
	v54 =	vor.u32 $0xC1, v36;
	[tilespmem:$0x1FFD0] =	vst v61;
	s22 =	simm.s32 $0x3;
	s24 =	simm.s32 $0x80;
	s25 =	simm.s32 $0x50  }
0x16: {  	v55 =	vor.u32 $0xC2, v36;
	v56 =	vor.u32 $0xC3, v36;
	v57 =	vor.u32 $0x100, v36;
	[tilespmem:$0x1FFE0] =	vst v62;
	s26 =	simm.s32 $0x2A00;
	s23 =	simm.s32 $0x1;
	s19 =	sadd.s32 $0x37200, s1  }
0x17: {  	v58 =	vor.u32 $0x101, v36;
	v59 =	vor.u32 $0x102, v36;
	v45 =	vmovc v36;
	v60 =	vor.u32 $0x103, v36;
	[tilespmem:$0x1FFF0] =	vst v63;
	s20 =	smax.u32 s7, $0x1;
	s1 =	simm.s32 $0x7A00;
	s7 =	simm.s32 $0x0  }
.LBB2_1:
0x18: {  	s10 =	simm.s32 $0x40;
	s11 =	simm.s32 $0x0  }
.LBB2_2:
0x19: {  	p0 =	sne.s32 s10, $0x9FC0;
	[tilespmem:s11+$0x5200] =	vst v1;
	s12 =	smov.u32 s10;
	s10 =	sadd.s32 $0x40, s10  }
.Ltmp0:
0x1a: {  	[tilespmem:s11+$0x7A00] =	vst v1;
	(pc) =	sbr.rel @p0 .LBB2_2-.Ltmp0, $2  }
0x1b: {  	_ =	sdelay $0x2  }
0x1c: {  	s11 =	sshra.s32 s12, $0x2  }
0x1d: {  	[tilespmem:s11+$0x5200] =	vst v1  }
0x1e: {  	[tilespmem:s11+$0x7A00] =	vst v1  }
0x1f: {  	[spmem:s9] =	stream.linear.scatter [tilespmem:s21], [sflag:$0x3], $0x2800, $0x38;
	[tilespmem:$0x1E800] =	vst v63  }
0x20: {  	_ =	swait.ge [sflag:s22], $0x2800  }
0x21: {  	[sflag:s22] =	ssyncset.done $0x0  }
0x22: {  	s10 =	rddreg [dreg:$0x5];
	[sflag:s22] =	ssyncadd.s32 $0xFFFFD800  }
0x23: {  	[spmem:s10] =	stream.linear.scatter [tilespmem:s21], [sflag:$0x3], $0x2800, $0x38;
	[tilespmem:$0x1E800] =	vst v63  }
0x24: {  	_ =	swait.ge [sflag:s22], $0x2800  }
0x25: {  	[sflag:s22] =	ssyncset.done $0x0  }
0x26: {  	s16 =	rddreg [dreg:$0x6];
	[sflag:s22] =	ssyncadd.s32 $0xFFFFD800  }
0x27: {  	[spmem:s16] =	stream.linear.scatter [tilespmem:s21], [sflag:$0x3], $0x2800, $0x38;
	[tilespmem:$0x1E800] =	vst v63  }
0x28: {  	_ =	swait.ge [sflag:s22], $0x2800  }
0x29: {  	[sflag:s22] =	ssyncset.done $0x0  }
0x2a: {  	s11 =	rddreg [dreg:$0x7];
	[sflag:s22] =	ssyncadd.s32 $0xFFFFD800  }
0x2b: {  	[spmem:s11] =	stream.linear.scatter [tilespmem:s21], [sflag:$0x3], $0x2800, $0x38;
	[tilespmem:$0x1E800] =	vst v63  }
0x2c: {  	_ =	swait.ge [sflag:s22], $0x2800  }
0x2d: {  	[sflag:s22] =	ssyncset.done $0x0  }
0x2e: {  	s12 =	rddreg [dreg:$0x8];
	[sflag:s22] =	ssyncadd.s32 $0xFFFFD800  }
0x2f: {  	[spmem:s12] =	stream.linear.scatter [tilespmem:s21], [sflag:$0x3], $0x2800, $0x38;
	[tilespmem:$0x1E800] =	vst v63  }
0x30: {  	_ =	swait.ge [sflag:s22], $0x2800  }
0x31: {  	[sflag:s22] =	ssyncset.done $0x0  }
0x32: {  	s13 =	rddreg [dreg:$0x9];
	[sflag:s22] =	ssyncadd.s32 $0xFFFFD800  }
0x33: {  	[spmem:s13] =	stream.linear.scatter [tilespmem:s21], [sflag:$0x3], $0x2800, $0x38;
	[tilespmem:$0x1E800] =	vst v63  }
0x34: {  	_ =	swait.ge [sflag:s22], $0x2800  }
0x35: {  	[sflag:s22] =	ssyncset.done $0x0  }
0x36: {  	s14 =	rddreg [dreg:$0xa];
	[sflag:s22] =	ssyncadd.s32 $0xFFFFD800  }
0x37: {  	[spmem:s14] =	stream.linear.scatter [tilespmem:s21], [sflag:$0x3], $0x2800, $0x38;
	[tilespmem:$0x1E800] =	vst v63  }
0x38: {  	_ =	swait.ge [sflag:s22], $0x2800  }
0x39: {  	[sflag:s22] =	ssyncset.done $0x0  }
0x3a: {  	s15 =	rddreg [dreg:$0xb];
	[sflag:s22] =	ssyncadd.s32 $0xFFFFD800  }
0x3b: {  	[spmem:s15] =	stream.linear.scatter [tilespmem:s21], [sflag:$0x3], $0x2800, $0x38;
	[tilespmem:$0x1E800] =	vst v63  }
0x3c: {  	_ =	swait.ge [sflag:s22], $0x2800  }
0x3d: {  	[sflag:s22] =	ssyncset.done $0x0  }
0x3e: {  	[sflag:s22] =	ssyncadd.s32 $0xFFFFD800  }
0x3f: {  	[spmem:s17] =	stream.linear.scatter [tilespmem:s21], [sflag:$0x3], $0x400, $0x38;
	[tilespmem:$0x1E800] =	vst v63  }
0x40: {  	_ =	swait.ge [sflag:s22], $0x400  }
0x41: {  	[sflag:s22] =	ssyncset.done $0x0  }
0x42: {  	[sflag:s22] =	ssyncadd.s32 $0xFFFFFC00  }
0x43: {  	[bflag:$0x0] =	sbarrier.arrive $0xFFFF  }
0x44: {  	s10 =	simm.s32 $0x0;
	s12 =	simm.s32 $0xA380;
	s16 =	rddreg [dreg:$0x4]  }
0x45: {  	[tilespmem:s12], [sflag:$0x3] =	stream.linear.gather [hbm4b:s16+s10], $0x80, $0x38;
	[tilespmem:$0x1E800] =	vst v63  }
0x46: {  	_ =	swait.ge [sflag:s22], $0x80  }
0x47: {  	[sflag:s22] =	ssyncset.done $0x0  }
0x48: {  	[sflag:s22] =	ssyncadd.s32 $0xFFFFFF80  }
0x49: {  	v61 =	vld [tilespmem:$0xA380]  }
.LBB2_4:
0x4a: {  	s11 =	smul.u32 $0x50, s10;
	_ =	sdelay $0x1  }
0x4b: {  	s11 =	sadd.s32 s18, s11  }
0x4c: {  	s12 =	sshrl.u32 s11, $0x3  }
0x4d: {  	s14 =	simm.s32 $0x3;
	s11 =	sadd.s32 s8, s12  }
0x4e: {  	[tilespmem:s4], [sflag:$0x3] =	stream.linear.gather [hbm4b:s11+s4], $0x50, $0x38;
	[tilespmem:$0x1E800] =	vst v63  }
0x4f: {  	_ =	swait.ge [sflag:s14], $0x50  }
0x50: {  	[sflag:s14] =	ssyncset.done $0x0  }
0x51: {  	s12 =	sadd.s32 s0, s12;
	[sflag:s14] =	ssyncadd.s32 $0xFFFFFFB0  }
0x52: {  	[tilespmem:s24], [sflag:$0x3] =	stream.linear.gather [hbm4b:s12+s4], $0x50, $0x38;
	[tilespmem:$0x1E800] =	vst v63  }
0x53: {  	_ =	swait.ge [sflag:s14], $0x50  }
0x54: {  	[sflag:s14] =	ssyncset.done $0x0  }
0x55: {  	[sflag:s14] =	ssyncadd.s32 $0xFFFFFFB0  }
0x56: {  	[tilespmem:s26], [sflag:$0x1] =	stream.indirect.gather [hbm4b:s5+s25], $0x80, s4, s25, $0xb8;
	[tilespmem:$0x1E800] =	vst v63  }
0x57: {  	v62 =	vld [tilespmem:$0x0]  }
0x58: {  	v63 =	vld [tilespmem:$0x10]  }
0x59: {  	v42 =	vld [tilespmem:$0x20]  }
0x5a: {  	v36 =	vld [tilespmem:$0x30]  }
0x5b: {  	v43 =	vld [tilespmem:$0x40]  }
0x5c: {  	v62 =	vshrl.u32 v62, $0x4  }
0x5d: {  	v44 =	vshrl.u32 v63, $0x4;
	[tilespmem:$0x100] =	vst v62  }
0x5e: {  	v42 =	vshrl.u32 v42, $0x4;
	[tilespmem:$0x110] =	vst v44  }
0x5f: {  	v36 =	vshrl.u32 v36, $0x4;
	[tilespmem:$0x120] =	vst v42  }
0x60: {  	[tilespmem:$0x130] =	vst v36;
	v44 =	vshrl.u32 v43, $0x4  }
0x61: {  	[tilespmem:$0x140] =	vst v44  }
0x62: {  	[tilespmem:s29], [sflag:$0x2] =	stream.indirect.gather [hbm4b:s6+s25], $0x80, s28, s25, $0xb8;
	[tilespmem:$0x1E800] =	vst v63  }
0x63: {  	_ =	swait.ge [sflag:s30], $0x2800  }
0x64: {  	[sflag:s30] =	ssyncset.done $0x0  }
0x65: {  	[sflag:s30] =	ssyncadd.s32 $0xFFFFD800  }
0x66: {  	v62 =	vld [tilespmem:$0x0];
	_ =	sdelay $0x4  }
0x67: {  	v36 =	vshll.u32 v62, $0x3  }
0x68: {  	v36 =	vand.u32 $0x78, v36  }
0x69: {  	v63 =	vor.u32 v0, v36;
	_ =	sdelay $0x4  }
0x6a: {  	v42 =	vld.idx.msk [tilespmem:v63+s29+$0x0], $0xffff  }
0x6b: {  	v62 =	vor.u32 v3, v36;
	_ =	sdelay $0x3  }
0x6c: {  	[tilespmem:v2+s21+$0x0] =	vst.idx.msk $0xffff, v42  }
0x6d: {  	v42 =	vld.idx.msk [tilespmem:v62+s29+$0x0], $0xffff  }
0x6e: {  	v63 =	vor.u32 v5, v36;
	_ =	sdelay $0x3  }
0x6f: {  	[tilespmem:v4+s21+$0x0] =	vst.idx.msk $0xffff, v42  }
0x70: {  	v42 =	vld.idx.msk [tilespmem:v63+s29+$0x0], $0xffff  }
0x71: {  	v36 =	vor.u32 v7, v36;
	_ =	sdelay $0x3  }
0x72: {  	[tilespmem:v6+s21+$0x0] =	vst.idx.msk $0xffff, v42  }
0x73: {  	v36 =	vld.idx.msk [tilespmem:v36+s29+$0x0], $0xffff;
	_ =	sdelay $0x4  }
0x74: {  	[tilespmem:v8+s21+$0x0] =	vst.idx.msk $0xffff, v36  }
0x75: {  	v36 =	vld [tilespmem:$0x10];
	_ =	sdelay $0x4  }
0x76: {  	v36 =	vshll.u32 v36, $0x3  }
0x77: {  	v36 =	vand.u32 $0x78, v36  }
0x78: {  	v62 =	vor.u32 v9, v36;
	_ =	sdelay $0x4  }
0x79: {  	v42 =	vld.idx.msk [tilespmem:v62+s29+$0x0], $0xffff  }
0x7a: {  	v63 =	vor.u32 v11, v36;
	_ =	sdelay $0x3  }
0x7b: {  	[tilespmem:v10+s21+$0x0] =	vst.idx.msk $0xffff, v42  }
0x7c: {  	v42 =	vld.idx.msk [tilespmem:v63+s29+$0x0], $0xffff  }
0x7d: {  	v62 =	vor.u32 v13, v36;
	_ =	sdelay $0x3  }
0x7e: {  	[tilespmem:v12+s21+$0x0] =	vst.idx.msk $0xffff, v42  }
0x7f: {  	v42 =	vld.idx.msk [tilespmem:v62+s29+$0x0], $0xffff  }
0x80: {  	v36 =	vor.u32 v15, v36;
	_ =	sdelay $0x3  }
0x81: {  	[tilespmem:v14+s21+$0x0] =	vst.idx.msk $0xffff, v42  }
0x82: {  	v36 =	vld.idx.msk [tilespmem:v36+s29+$0x0], $0xffff;
	_ =	sdelay $0x4  }
0x83: {  	[tilespmem:v16+s21+$0x0] =	vst.idx.msk $0xffff, v36  }
0x84: {  	v36 =	vld [tilespmem:$0x20];
	_ =	sdelay $0x4  }
0x85: {  	v36 =	vshll.u32 v36, $0x3  }
0x86: {  	v36 =	vand.u32 $0x78, v36  }
0x87: {  	v63 =	vor.u32 v17, v36;
	_ =	sdelay $0x4  }
0x88: {  	v42 =	vld.idx.msk [tilespmem:v63+s29+$0x0], $0xffff  }
0x89: {  	v62 =	vor.u32 v19, v36;
	_ =	sdelay $0x3  }
0x8a: {  	[tilespmem:v18+s21+$0x0] =	vst.idx.msk $0xffff, v42  }
0x8b: {  	v42 =	vld.idx.msk [tilespmem:v62+s29+$0x0], $0xffff  }
0x8c: {  	v63 =	vor.u32 v21, v36;
	_ =	sdelay $0x3  }
0x8d: {  	[tilespmem:v20+s21+$0x0] =	vst.idx.msk $0xffff, v42  }
0x8e: {  	v42 =	vld.idx.msk [tilespmem:v63+s29+$0x0], $0xffff  }
0x8f: {  	v36 =	vor.u32 v23, v36;
	_ =	sdelay $0x3  }
0x90: {  	[tilespmem:v22+s21+$0x0] =	vst.idx.msk $0xffff, v42  }
0x91: {  	v36 =	vld.idx.msk [tilespmem:v36+s29+$0x0], $0xffff;
	_ =	sdelay $0x4  }
0x92: {  	[tilespmem:v24+s21+$0x0] =	vst.idx.msk $0xffff, v36  }
0x93: {  	v36 =	vld [tilespmem:$0x30];
	_ =	sdelay $0x4  }
0x94: {  	v36 =	vshll.u32 v36, $0x3  }
0x95: {  	v36 =	vand.u32 $0x78, v36  }
0x96: {  	v62 =	vor.u32 v25, v36;
	_ =	sdelay $0x4  }
0x97: {  	v42 =	vld.idx.msk [tilespmem:v62+s29+$0x0], $0xffff  }
0x98: {  	v63 =	vor.u32 v27, v36;
	_ =	sdelay $0x3  }
0x99: {  	[tilespmem:v26+s21+$0x0] =	vst.idx.msk $0xffff, v42  }
0x9a: {  	v42 =	vld.idx.msk [tilespmem:v63+s29+$0x0], $0xffff  }
0x9b: {  	v62 =	vor.u32 v29, v36;
	_ =	sdelay $0x3  }
0x9c: {  	[tilespmem:v28+s21+$0x0] =	vst.idx.msk $0xffff, v42  }
0x9d: {  	v42 =	vld.idx.msk [tilespmem:v62+s29+$0x0], $0xffff  }
0x9e: {  	v36 =	vor.u32 v31, v36;
	_ =	sdelay $0x3  }
0x9f: {  	[tilespmem:v30+s21+$0x0] =	vst.idx.msk $0xffff, v42  }
0xa0: {  	v36 =	vld.idx.msk [tilespmem:v36+s29+$0x0], $0xffff;
	_ =	sdelay $0x4  }
0xa1: {  	[tilespmem:v32+s21+$0x0] =	vst.idx.msk $0xffff, v36  }
0xa2: {  	v36 =	vld [tilespmem:$0x40];
	_ =	sdelay $0x4  }
0xa3: {  	v36 =	vshll.u32 v36, $0x3  }
0xa4: {  	v36 =	vand.u32 $0x78, v36  }
0xa5: {  	v63 =	vor.u32 v33, v36;
	_ =	sdelay $0x4  }
0xa6: {  	v42 =	vld.idx.msk [tilespmem:v63+s29+$0x0], $0xffff  }
0xa7: {  	v62 =	vor.u32 v35, v36;
	_ =	sdelay $0x3  }
0xa8: {  	[tilespmem:v34+s21+$0x0] =	vst.idx.msk $0xffff, v42  }
0xa9: {  	v42 =	vld.idx.msk [tilespmem:v62+s29+$0x0], $0xffff  }
0xaa: {  	v63 =	vor.u32 v38, v36;
	_ =	sdelay $0x3  }
0xab: {  	[tilespmem:v37+s21+$0x0] =	vst.idx.msk $0xffff, v42  }
0xac: {  	v42 =	vld.idx.msk [tilespmem:v63+s29+$0x0], $0xffff  }
0xad: {  	v36 =	vor.u32 v40, v36;
	_ =	sdelay $0x3  }
0xae: {  	[tilespmem:v39+s21+$0x0] =	vst.idx.msk $0xffff, v42  }
0xaf: {  	v36 =	vld.idx.msk [tilespmem:v36+s29+$0x0], $0xffff;
	_ =	sdelay $0x4  }
0xb0: {  	[tilespmem:v41+s21+$0x0] =	vst.idx.msk $0xffff, v36  }
0xb1: {  	v36 =	vld [tilespmem:$0x80]  }
0xb2: {  	v42 =	vld [tilespmem:$0x90]  }
0xb3: {  	v43 =	vld [tilespmem:$0xA0]  }
0xb4: {  	v44 =	vld [tilespmem:$0xB0]  }
0xb5: {  	v63 =	vld [tilespmem:$0xC0]  }
0xb6: {  	v36 =	vshrl.u32 v36, $0x4  }
0xb7: {  	v42 =	vshrl.u32 v42, $0x4;
	[tilespmem:$0x100] =	vst v36  }
0xb8: {  	v43 =	vshrl.u32 v43, $0x4;
	[tilespmem:$0x110] =	vst v42  }
0xb9: {  	v44 =	vshrl.u32 v44, $0x4;
	[tilespmem:$0x120] =	vst v43  }
0xba: {  	v62 =	vshrl.u32 v63, $0x4;
	[tilespmem:$0x130] =	vst v44  }
0xbb: {  	[tilespmem:$0x140] =	vst v62  }
0xbc: {  	[tilespmem:s29], [sflag:$0x2] =	stream.indirect.gather [hbm4b:s6+s25], $0x80, s28, s25, $0xb8;
	[tilespmem:$0x1E800] =	vst v63  }
0xbd: {  	_ =	swait.ge [sflag:s30], $0x2800  }
0xbe: {  	[sflag:s30] =	ssyncset.done $0x0  }
0xbf: {  	[sflag:s30] =	ssyncadd.s32 $0xFFFFD800  }
0xc0: {  	v36 =	vld [tilespmem:$0x80];
	_ =	sdelay $0x4  }
0xc1: {  	v63 =	vshll.u32 v36, $0x3  }
0xc2: {  	v42 =	vand.u32 $0x78, v63  }
0xc3: {  	v43 =	vor.u32 v2, v42  }
0xc4: {  	v44 =	vshrl.u32 v36, $0x5  }
0xc5: {  	v62 =	vadd.s32 $0x2710, v44  }
0xc6: {  	[tilespmem:$0x180] =	vst v62  }
0xc7: {  	v62 =	vld.idx.msk [tilespmem:v2+s21+$0x0], $0xffff  }
0xc8: {  	v43 =	vld.idx.msk [tilespmem:v43+s29+$0x0], $0xffff;
	_ =	sdelay $0x4  }
0xc9: {  	v43 =	vadd.f32 v62, v43;
	_ =	sdelay $0x1  }
0xca: {  	v62 =	vmul.f32 $2.000000030e-01, v43  }
0xcb: {  	vm0 =	vgt.f32 v43, $0.0e+00  }
0xcc: {  	v43 =	vsel vm0, v43, v62  }
0xcd: {  	v43 =	vsub.f32 v43, v61;
	_ =	sdelay $0x1  }
0xce: {  	v43 =	vmul.f32 $1.442695020e+00, v43;
	_ =	sdelay $0x1  }
0xcf: {  	(erf) = vpow2.f32 v43;
	_ =	sdelay $0x3  }
0xd0: {  	v36 =	vshll.u32 v36, $0x2  }
0xd1: {  	v36 =	vand.u32 $0x7C, v36  }
0xd2: {  	v43 =	vor.u32 v0, v36  }
0xd3: {  	v62 =	vor.u32 v4, v42;
	_ =	sdelay $0x1  }
0xd4: {  	v44 =	vpop (erf)  }
0xd5: {  	[tilespmem:v45+s31+$0x0] =	vst.idx.msk $0xffff, v44  }
0xd6: {  	[tilespmem:v43+s1+$0x0] =	vst.idx.msk $0xffff, v44  }
0xd7: {  	v43 =	vld.idx.msk [tilespmem:v62+s29+$0x0], $0xffff  }
0xd8: {  	v44 =	vld.idx.msk [tilespmem:v4+s21+$0x0], $0xffff;
	_ =	sdelay $0x4  }
0xd9: {  	v43 =	vadd.f32 v44, v43;
	_ =	sdelay $0x1  }
0xda: {  	v62 =	vmul.f32 $2.000000030e-01, v43  }
0xdb: {  	vm9 =	vgt.f32 v43, $0.0e+00  }
0xdc: {  	v43 =	vsel vm9, v43, v62  }
0xdd: {  	v43 =	vsub.f32 v43, v61;
	_ =	sdelay $0x1  }
0xde: {  	v43 =	vmul.f32 $1.442695020e+00, v43;
	_ =	sdelay $0x1  }
0xdf: {  	(erf) = vpow2.f32 v43;
	_ =	sdelay $0x1  }
0xe0: {  	v44 =	vld [tilespmem:$0x1FFC0];
	_ =	sdelay $0x3  }
0xe1: {  	v43 =	vor.u32 v3, v36  }
0xe2: {  	v62 =	vor.u32 v6, v42;
	_ =	sdelay $0x1  }
0xe3: {  	v63 =	vpop (erf)  }
0xe4: {  	[tilespmem:v44+s31+$0x0] =	vst.idx.msk $0xffff, v63  }
0xe5: {  	[tilespmem:v43+s1+$0x0] =	vst.idx.msk $0xffff, v63  }
0xe6: {  	v43 =	vld.idx.msk [tilespmem:v62+s29+$0x0], $0xffff  }
0xe7: {  	v44 =	vld.idx.msk [tilespmem:v6+s21+$0x0], $0xffff;
	_ =	sdelay $0x4  }
0xe8: {  	v43 =	vadd.f32 v44, v43;
	_ =	sdelay $0x1  }
0xe9: {  	v62 =	vmul.f32 $2.000000030e-01, v43  }
0xea: {  	vm10 =	vgt.f32 v43, $0.0e+00  }
0xeb: {  	v43 =	vsel vm10, v43, v62  }
0xec: {  	v43 =	vsub.f32 v43, v61;
	_ =	sdelay $0x1  }
0xed: {  	v43 =	vmul.f32 $1.442695020e+00, v43;
	_ =	sdelay $0x1  }
0xee: {  	(erf) = vpow2.f32 v43;
	_ =	sdelay $0x1  }
0xef: {  	v63 =	vld [tilespmem:$0x1FFD0];
	_ =	sdelay $0x3  }
0xf0: {  	v43 =	vor.u32 v5, v36  }
0xf1: {  	v42 =	vor.u32 v8, v42;
	_ =	sdelay $0x1  }
0xf2: {  	v62 =	vpop (erf)  }
0xf3: {  	[tilespmem:v63+s31+$0x0] =	vst.idx.msk $0xffff, v62  }
0xf4: {  	[tilespmem:v43+s1+$0x0] =	vst.idx.msk $0xffff, v62  }
0xf5: {  	v42 =	vld.idx.msk [tilespmem:v42+s29+$0x0], $0xffff  }
0xf6: {  	v43 =	vld.idx.msk [tilespmem:v8+s21+$0x0], $0xffff;
	_ =	sdelay $0x4  }
0xf7: {  	v42 =	vadd.f32 v43, v42;
	_ =	sdelay $0x1  }
0xf8: {  	v43 =	vmul.f32 $2.000000030e-01, v42  }
0xf9: {  	vm11 =	vgt.f32 v42, $0.0e+00  }
0xfa: {  	v42 =	vsel vm11, v42, v43  }
0xfb: {  	v42 =	vsub.f32 v42, v61;
	_ =	sdelay $0x1  }
0xfc: {  	v42 =	vmul.f32 $1.442695020e+00, v42;
	_ =	sdelay $0x1  }
0xfd: {  	(erf) = vpow2.f32 v42;
	_ =	sdelay $0x1  }
0xfe: {  	v62 =	vld [tilespmem:$0x1FFE0];
	_ =	sdelay $0x3  }
0xff: {  	v36 =	vor.u32 v7, v36;
	_ =	sdelay $0x2  }
0x100: {  	v42 =	vpop (erf)  }
0x101: {  	[tilespmem:v62+s31+$0x0] =	vst.idx.msk $0xffff, v42  }
0x102: {  	[tilespmem:v36+s1+$0x0] =	vst.idx.msk $0xffff, v42  }
0x103: {  	v36 =	vld [tilespmem:$0x90];
	_ =	sdelay $0x4  }
0x104: {  	v63 =	vshll.u32 v36, $0x3  }
0x105: {  	v42 =	vand.u32 $0x78, v63  }
0x106: {  	v43 =	vor.u32 v10, v42  }
0x107: {  	v44 =	vshrl.u32 v36, $0x5  }
0x108: {  	v62 =	vadd.s32 $0x2710, v44  }
0x109: {  	[tilespmem:$0x190] =	vst v62  }
0x10a: {  	v62 =	vld.idx.msk [tilespmem:v10+s21+$0x0], $0xffff  }
0x10b: {  	v43 =	vld.idx.msk [tilespmem:v43+s29+$0x0], $0xffff;
	_ =	sdelay $0x4  }
0x10c: {  	v43 =	vadd.f32 v62, v43;
	_ =	sdelay $0x1  }
0x10d: {  	v62 =	vmul.f32 $2.000000030e-01, v43  }
0x10e: {  	vm12 =	vgt.f32 v43, $0.0e+00  }
0x10f: {  	v43 =	vsel vm12, v43, v62  }
0x110: {  	v43 =	vsub.f32 v43, v61;
	_ =	sdelay $0x1  }
0x111: {  	v43 =	vmul.f32 $1.442695020e+00, v43;
	_ =	sdelay $0x1  }
0x112: {  	(erf) = vpow2.f32 v43;
	_ =	sdelay $0x1  }
0x113: {  	v44 =	vld [tilespmem:$0x1FFF0];
	_ =	sdelay $0x1  }
0x114: {  	v36 =	vshll.u32 v36, $0x2  }
0x115: {  	v36 =	vand.u32 $0x7C, v36  }
0x116: {  	v43 =	vor.u32 v9, v36  }
0x117: {  	v62 =	vor.u32 v12, v42;
	_ =	sdelay $0x1  }
0x118: {  	v63 =	vpop (erf)  }
0x119: {  	[tilespmem:v44+s31+$0x0] =	vst.idx.msk $0xffff, v63  }
0x11a: {  	[tilespmem:v43+s1+$0x0] =	vst.idx.msk $0xffff, v63  }
0x11b: {  	v43 =	vld.idx.msk [tilespmem:v62+s29+$0x0], $0xffff  }
0x11c: {  	v44 =	vld.idx.msk [tilespmem:v12+s21+$0x0], $0xffff;
	_ =	sdelay $0x4  }
0x11d: {  	v43 =	vadd.f32 v44, v43;
	_ =	sdelay $0x1  }
0x11e: {  	v62 =	vmul.f32 $2.000000030e-01, v43  }
0x11f: {  	vm13 =	vgt.f32 v43, $0.0e+00  }
0x120: {  	v43 =	vsel vm13, v43, v62  }
0x121: {  	v43 =	vsub.f32 v43, v61;
	_ =	sdelay $0x1  }
0x122: {  	v43 =	vmul.f32 $1.442695020e+00, v43;
	_ =	sdelay $0x1  }
0x123: {  	(erf) = vpow2.f32 v43;
	_ =	sdelay $0x5  }
0x124: {  	v43 =	vor.u32 v11, v36  }
0x125: {  	v62 =	vor.u32 v14, v42;
	_ =	sdelay $0x1  }
0x126: {  	v44 =	vpop (erf)  }
0x127: {  	[tilespmem:v46+s31+$0x0] =	vst.idx.msk $0xffff, v44  }
0x128: {  	[tilespmem:v43+s1+$0x0] =	vst.idx.msk $0xffff, v44  }
0x129: {  	v43 =	vld.idx.msk [tilespmem:v62+s29+$0x0], $0xffff  }
0x12a: {  	v44 =	vld.idx.msk [tilespmem:v14+s21+$0x0], $0xffff;
	_ =	sdelay $0x4  }
0x12b: {  	v43 =	vadd.f32 v44, v43;
	_ =	sdelay $0x1  }
0x12c: {  	v62 =	vmul.f32 $2.000000030e-01, v43  }
0x12d: {  	vm14 =	vgt.f32 v43, $0.0e+00  }
0x12e: {  	v43 =	vsel vm14, v43, v62  }
0x12f: {  	v43 =	vsub.f32 v43, v61;
	_ =	sdelay $0x1  }
0x130: {  	v43 =	vmul.f32 $1.442695020e+00, v43;
	_ =	sdelay $0x1  }
0x131: {  	(erf) = vpow2.f32 v43;
	_ =	sdelay $0x5  }
0x132: {  	v43 =	vor.u32 v13, v36  }
0x133: {  	v42 =	vor.u32 v16, v42;
	_ =	sdelay $0x1  }
0x134: {  	v44 =	vpop (erf)  }
0x135: {  	[tilespmem:v47+s31+$0x0] =	vst.idx.msk $0xffff, v44  }
0x136: {  	[tilespmem:v43+s1+$0x0] =	vst.idx.msk $0xffff, v44  }
0x137: {  	v42 =	vld.idx.msk [tilespmem:v42+s29+$0x0], $0xffff  }
0x138: {  	v43 =	vld.idx.msk [tilespmem:v16+s21+$0x0], $0xffff;
	_ =	sdelay $0x4  }
0x139: {  	v42 =	vadd.f32 v43, v42;
	_ =	sdelay $0x1  }
0x13a: {  	v43 =	vmul.f32 $2.000000030e-01, v42  }
0x13b: {  	vm15 =	vgt.f32 v42, $0.0e+00  }
0x13c: {  	v42 =	vsel vm15, v42, v43  }
0x13d: {  	v42 =	vsub.f32 v42, v61;
	_ =	sdelay $0x1  }
0x13e: {  	v42 =	vmul.f32 $1.442695020e+00, v42;
	_ =	sdelay $0x1  }
0x13f: {  	(erf) = vpow2.f32 v42;
	_ =	sdelay $0x5  }
0x140: {  	v36 =	vor.u32 v15, v36;
	_ =	sdelay $0x2  }
0x141: {  	v42 =	vpop (erf)  }
0x142: {  	[tilespmem:v48+s31+$0x0] =	vst.idx.msk $0xffff, v42  }
0x143: {  	[tilespmem:v36+s1+$0x0] =	vst.idx.msk $0xffff, v42  }
0x144: {  	v36 =	vld [tilespmem:$0xA0];
	_ =	sdelay $0x4  }
0x145: {  	v63 =	vshll.u32 v36, $0x3  }
0x146: {  	v42 =	vand.u32 $0x78, v63  }
0x147: {  	v43 =	vor.u32 v18, v42  }
0x148: {  	v44 =	vshrl.u32 v36, $0x5  }
0x149: {  	v62 =	vadd.s32 $0x2710, v44  }
0x14a: {  	[tilespmem:$0x1A0] =	vst v62  }
0x14b: {  	v62 =	vld.idx.msk [tilespmem:v18+s21+$0x0], $0xffff  }
0x14c: {  	v43 =	vld.idx.msk [tilespmem:v43+s29+$0x0], $0xffff;
	_ =	sdelay $0x4  }
0x14d: {  	v43 =	vadd.f32 v62, v43;
	_ =	sdelay $0x1  }
0x14e: {  	v62 =	vmul.f32 $2.000000030e-01, v43  }
0x14f: {  	vm4 =	vgt.f32 v43, $0.0e+00  }
0x150: {  	v43 =	vsel vm4, v43, v62  }
0x151: {  	v43 =	vsub.f32 v43, v61;
	_ =	sdelay $0x1  }
0x152: {  	v43 =	vmul.f32 $1.442695020e+00, v43;
	_ =	sdelay $0x1  }
0x153: {  	(erf) = vpow2.f32 v43;
	_ =	sdelay $0x3  }
0x154: {  	v36 =	vshll.u32 v36, $0x2  }
0x155: {  	v36 =	vand.u32 $0x7C, v36  }
0x156: {  	v43 =	vor.u32 v17, v36  }
0x157: {  	v62 =	vor.u32 v20, v42;
	_ =	sdelay $0x1  }
0x158: {  	v44 =	vpop (erf)  }
0x159: {  	[tilespmem:v49+s31+$0x0] =	vst.idx.msk $0xffff, v44  }
0x15a: {  	[tilespmem:v43+s1+$0x0] =	vst.idx.msk $0xffff, v44  }
0x15b: {  	v43 =	vld.idx.msk [tilespmem:v62+s29+$0x0], $0xffff  }
0x15c: {  	v44 =	vld.idx.msk [tilespmem:v20+s21+$0x0], $0xffff;
	_ =	sdelay $0x4  }
0x15d: {  	v43 =	vadd.f32 v44, v43;
	_ =	sdelay $0x1  }
0x15e: {  	v62 =	vmul.f32 $2.000000030e-01, v43  }
0x15f: {  	vm5 =	vgt.f32 v43, $0.0e+00  }
0x160: {  	v43 =	vsel vm5, v43, v62  }
0x161: {  	v43 =	vsub.f32 v43, v61;
	_ =	sdelay $0x1  }
0x162: {  	v43 =	vmul.f32 $1.442695020e+00, v43;
	_ =	sdelay $0x1  }
0x163: {  	(erf) = vpow2.f32 v43;
	_ =	sdelay $0x5  }
0x164: {  	v43 =	vor.u32 v19, v36  }
0x165: {  	v62 =	vor.u32 v22, v42;
	_ =	sdelay $0x1  }
0x166: {  	v44 =	vpop (erf)  }
0x167: {  	[tilespmem:v50+s31+$0x0] =	vst.idx.msk $0xffff, v44  }
0x168: {  	[tilespmem:v43+s1+$0x0] =	vst.idx.msk $0xffff, v44  }
0x169: {  	v43 =	vld.idx.msk [tilespmem:v62+s29+$0x0], $0xffff  }
0x16a: {  	v44 =	vld.idx.msk [tilespmem:v22+s21+$0x0], $0xffff;
	_ =	sdelay $0x4  }
0x16b: {  	v43 =	vadd.f32 v44, v43;
	_ =	sdelay $0x1  }
0x16c: {  	v62 =	vmul.f32 $2.000000030e-01, v43  }
0x16d: {  	vm6 =	vgt.f32 v43, $0.0e+00  }
0x16e: {  	v43 =	vsel vm6, v43, v62  }
0x16f: {  	v43 =	vsub.f32 v43, v61;
	_ =	sdelay $0x1  }
0x170: {  	v43 =	vmul.f32 $1.442695020e+00, v43;
	_ =	sdelay $0x1  }
0x171: {  	(erf) = vpow2.f32 v43;
	_ =	sdelay $0x5  }
0x172: {  	v43 =	vor.u32 v21, v36  }
0x173: {  	v42 =	vor.u32 v24, v42;
	_ =	sdelay $0x1  }
0x174: {  	v44 =	vpop (erf)  }
0x175: {  	[tilespmem:v51+s31+$0x0] =	vst.idx.msk $0xffff, v44  }
0x176: {  	[tilespmem:v43+s1+$0x0] =	vst.idx.msk $0xffff, v44  }
0x177: {  	v42 =	vld.idx.msk [tilespmem:v42+s29+$0x0], $0xffff  }
0x178: {  	v43 =	vld.idx.msk [tilespmem:v24+s21+$0x0], $0xffff;
	_ =	sdelay $0x4  }
0x179: {  	v42 =	vadd.f32 v43, v42;
	_ =	sdelay $0x1  }
0x17a: {  	v43 =	vmul.f32 $2.000000030e-01, v42  }
0x17b: {  	vm7 =	vgt.f32 v42, $0.0e+00  }
0x17c: {  	v42 =	vsel vm7, v42, v43  }
0x17d: {  	v42 =	vsub.f32 v42, v61;
	_ =	sdelay $0x1  }
0x17e: {  	v42 =	vmul.f32 $1.442695020e+00, v42;
	_ =	sdelay $0x1  }
0x17f: {  	(erf) = vpow2.f32 v42;
	_ =	sdelay $0x5  }
0x180: {  	v36 =	vor.u32 v23, v36;
	_ =	sdelay $0x2  }
0x181: {  	v42 =	vpop (erf)  }
0x182: {  	[tilespmem:v52+s31+$0x0] =	vst.idx.msk $0xffff, v42  }
0x183: {  	[tilespmem:v36+s1+$0x0] =	vst.idx.msk $0xffff, v42  }
0x184: {  	v36 =	vld [tilespmem:$0xB0];
	_ =	sdelay $0x4  }
0x185: {  	v63 =	vshll.u32 v36, $0x3  }
0x186: {  	v42 =	vand.u32 $0x78, v63  }
0x187: {  	v43 =	vor.u32 v26, v42  }
0x188: {  	v44 =	vshrl.u32 v36, $0x5  }
0x189: {  	v62 =	vadd.s32 $0x2710, v44  }
0x18a: {  	[tilespmem:$0x1B0] =	vst v62  }
0x18b: {  	v62 =	vld.idx.msk [tilespmem:v26+s21+$0x0], $0xffff  }
0x18c: {  	v43 =	vld.idx.msk [tilespmem:v43+s29+$0x0], $0xffff;
	_ =	sdelay $0x4  }
0x18d: {  	v43 =	vadd.f32 v62, v43;
	_ =	sdelay $0x1  }
0x18e: {  	v62 =	vmul.f32 $2.000000030e-01, v43  }
0x18f: {  	vm8 =	vgt.f32 v43, $0.0e+00  }
0x190: {  	v43 =	vsel vm8, v43, v62  }
0x191: {  	v43 =	vsub.f32 v43, v61;
	_ =	sdelay $0x1  }
0x192: {  	v43 =	vmul.f32 $1.442695020e+00, v43;
	_ =	sdelay $0x1  }
0x193: {  	(erf) = vpow2.f32 v43;
	_ =	sdelay $0x3  }
0x194: {  	v36 =	vshll.u32 v36, $0x2  }
0x195: {  	v36 =	vand.u32 $0x7C, v36  }
0x196: {  	v43 =	vor.u32 v25, v36  }
0x197: {  	v62 =	vor.u32 v28, v42;
	_ =	sdelay $0x1  }
0x198: {  	v44 =	vpop (erf)  }
0x199: {  	[tilespmem:v53+s31+$0x0] =	vst.idx.msk $0xffff, v44  }
0x19a: {  	[tilespmem:v43+s1+$0x0] =	vst.idx.msk $0xffff, v44  }
0x19b: {  	v43 =	vld.idx.msk [tilespmem:v62+s29+$0x0], $0xffff  }
0x19c: {  	v44 =	vld.idx.msk [tilespmem:v28+s21+$0x0], $0xffff;
	_ =	sdelay $0x4  }
0x19d: {  	v43 =	vadd.f32 v44, v43;
	_ =	sdelay $0x1  }
0x19e: {  	v62 =	vmul.f32 $2.000000030e-01, v43  }
0x19f: {  	vm9 =	vgt.f32 v43, $0.0e+00  }
0x1a0: {  	v43 =	vsel vm9, v43, v62  }
0x1a1: {  	v43 =	vsub.f32 v43, v61;
	_ =	sdelay $0x1  }
0x1a2: {  	v43 =	vmul.f32 $1.442695020e+00, v43;
	_ =	sdelay $0x1  }
0x1a3: {  	(erf) = vpow2.f32 v43;
	_ =	sdelay $0x5  }
0x1a4: {  	v43 =	vor.u32 v27, v36  }
0x1a5: {  	v62 =	vor.u32 v30, v42;
	_ =	sdelay $0x1  }
0x1a6: {  	v44 =	vpop (erf)  }
0x1a7: {  	[tilespmem:v54+s31+$0x0] =	vst.idx.msk $0xffff, v44  }
0x1a8: {  	[tilespmem:v43+s1+$0x0] =	vst.idx.msk $0xffff, v44  }
0x1a9: {  	v43 =	vld.idx.msk [tilespmem:v62+s29+$0x0], $0xffff  }
0x1aa: {  	v44 =	vld.idx.msk [tilespmem:v30+s21+$0x0], $0xffff;
	_ =	sdelay $0x4  }
0x1ab: {  	v43 =	vadd.f32 v44, v43;
	_ =	sdelay $0x1  }
0x1ac: {  	v62 =	vmul.f32 $2.000000030e-01, v43  }
0x1ad: {  	vm10 =	vgt.f32 v43, $0.0e+00  }
0x1ae: {  	v43 =	vsel vm10, v43, v62  }
0x1af: {  	v43 =	vsub.f32 v43, v61;
	_ =	sdelay $0x1  }
0x1b0: {  	v43 =	vmul.f32 $1.442695020e+00, v43;
	_ =	sdelay $0x1  }
0x1b1: {  	(erf) = vpow2.f32 v43;
	_ =	sdelay $0x5  }
0x1b2: {  	v43 =	vor.u32 v29, v36  }
0x1b3: {  	v42 =	vor.u32 v32, v42;
	_ =	sdelay $0x1  }
0x1b4: {  	v44 =	vpop (erf)  }
0x1b5: {  	[tilespmem:v55+s31+$0x0] =	vst.idx.msk $0xffff, v44  }
0x1b6: {  	[tilespmem:v43+s1+$0x0] =	vst.idx.msk $0xffff, v44  }
0x1b7: {  	v42 =	vld.idx.msk [tilespmem:v42+s29+$0x0], $0xffff  }
0x1b8: {  	v43 =	vld.idx.msk [tilespmem:v32+s21+$0x0], $0xffff;
	_ =	sdelay $0x4  }
0x1b9: {  	v42 =	vadd.f32 v43, v42;
	_ =	sdelay $0x1  }
0x1ba: {  	v43 =	vmul.f32 $2.000000030e-01, v42  }
0x1bb: {  	vm11 =	vgt.f32 v42, $0.0e+00  }
0x1bc: {  	v42 =	vsel vm11, v42, v43  }
0x1bd: {  	v42 =	vsub.f32 v42, v61;
	_ =	sdelay $0x1  }
0x1be: {  	v42 =	vmul.f32 $1.442695020e+00, v42;
	_ =	sdelay $0x1  }
0x1bf: {  	(erf) = vpow2.f32 v42;
	_ =	sdelay $0x5  }
0x1c0: {  	v36 =	vor.u32 v31, v36;
	_ =	sdelay $0x2  }
0x1c1: {  	v42 =	vpop (erf)  }
0x1c2: {  	[tilespmem:v56+s31+$0x0] =	vst.idx.msk $0xffff, v42  }
0x1c3: {  	[tilespmem:v36+s1+$0x0] =	vst.idx.msk $0xffff, v42  }
0x1c4: {  	v36 =	vld [tilespmem:$0xC0];
	_ =	sdelay $0x4  }
0x1c5: {  	v63 =	vshll.u32 v36, $0x3  }
0x1c6: {  	v42 =	vand.u32 $0x78, v63  }
0x1c7: {  	v43 =	vor.u32 v34, v42  }
0x1c8: {  	v44 =	vshrl.u32 v36, $0x5  }
0x1c9: {  	v62 =	vadd.s32 $0x2710, v44  }
0x1ca: {  	[tilespmem:$0x1C0] =	vst v62  }
0x1cb: {  	v62 =	vld.idx.msk [tilespmem:v34+s21+$0x0], $0xffff  }
0x1cc: {  	v43 =	vld.idx.msk [tilespmem:v43+s29+$0x0], $0xffff;
	_ =	sdelay $0x4  }
0x1cd: {  	v43 =	vadd.f32 v62, v43;
	_ =	sdelay $0x1  }
0x1ce: {  	v62 =	vmul.f32 $2.000000030e-01, v43  }
0x1cf: {  	vm12 =	vgt.f32 v43, $0.0e+00  }
0x1d0: {  	v43 =	vsel vm12, v43, v62  }
0x1d1: {  	v43 =	vsub.f32 v43, v61;
	_ =	sdelay $0x1  }
0x1d2: {  	v43 =	vmul.f32 $1.442695020e+00, v43;
	_ =	sdelay $0x1  }
0x1d3: {  	(erf) = vpow2.f32 v43;
	_ =	sdelay $0x3  }
0x1d4: {  	v36 =	vshll.u32 v36, $0x2  }
0x1d5: {  	v36 =	vand.u32 $0x7C, v36  }
0x1d6: {  	v43 =	vor.u32 v33, v36  }
0x1d7: {  	v62 =	vor.u32 v37, v42;
	_ =	sdelay $0x1  }
0x1d8: {  	v44 =	vpop (erf)  }
0x1d9: {  	[tilespmem:v57+s31+$0x0] =	vst.idx.msk $0xffff, v44  }
0x1da: {  	[tilespmem:v43+s1+$0x0] =	vst.idx.msk $0xffff, v44  }
0x1db: {  	v43 =	vld.idx.msk [tilespmem:v62+s29+$0x0], $0xffff  }
0x1dc: {  	v44 =	vld.idx.msk [tilespmem:v37+s21+$0x0], $0xffff;
	_ =	sdelay $0x4  }
0x1dd: {  	v43 =	vadd.f32 v44, v43;
	_ =	sdelay $0x1  }
0x1de: {  	v62 =	vmul.f32 $2.000000030e-01, v43  }
0x1df: {  	vm13 =	vgt.f32 v43, $0.0e+00  }
0x1e0: {  	v43 =	vsel vm13, v43, v62  }
0x1e1: {  	v43 =	vsub.f32 v43, v61;
	_ =	sdelay $0x1  }
0x1e2: {  	v43 =	vmul.f32 $1.442695020e+00, v43;
	_ =	sdelay $0x1  }
0x1e3: {  	(erf) = vpow2.f32 v43;
	_ =	sdelay $0x5  }
0x1e4: {  	v43 =	vor.u32 v35, v36  }
0x1e5: {  	v62 =	vor.u32 v39, v42;
	_ =	sdelay $0x1  }
0x1e6: {  	v44 =	vpop (erf)  }
0x1e7: {  	[tilespmem:v58+s31+$0x0] =	vst.idx.msk $0xffff, v44  }
0x1e8: {  	[tilespmem:v43+s1+$0x0] =	vst.idx.msk $0xffff, v44  }
0x1e9: {  	v43 =	vld.idx.msk [tilespmem:v62+s29+$0x0], $0xffff  }
0x1ea: {  	v44 =	vld.idx.msk [tilespmem:v39+s21+$0x0], $0xffff;
	_ =	sdelay $0x4  }
0x1eb: {  	v43 =	vadd.f32 v44, v43;
	_ =	sdelay $0x1  }
0x1ec: {  	v62 =	vmul.f32 $2.000000030e-01, v43  }
0x1ed: {  	vm14 =	vgt.f32 v43, $0.0e+00  }
0x1ee: {  	v43 =	vsel vm14, v43, v62  }
0x1ef: {  	v43 =	vsub.f32 v43, v61;
	_ =	sdelay $0x1  }
0x1f0: {  	v43 =	vmul.f32 $1.442695020e+00, v43;
	_ =	sdelay $0x1  }
0x1f1: {  	(erf) = vpow2.f32 v43;
	_ =	sdelay $0x5  }
0x1f2: {  	v43 =	vor.u32 v38, v36  }
0x1f3: {  	v42 =	vor.u32 v41, v42;
	_ =	sdelay $0x1  }
0x1f4: {  	v44 =	vpop (erf)  }
0x1f5: {  	[tilespmem:v59+s31+$0x0] =	vst.idx.msk $0xffff, v44  }
0x1f6: {  	[tilespmem:v43+s1+$0x0] =	vst.idx.msk $0xffff, v44  }
0x1f7: {  	v42 =	vld.idx.msk [tilespmem:v42+s29+$0x0], $0xffff  }
0x1f8: {  	v43 =	vld.idx.msk [tilespmem:v41+s21+$0x0], $0xffff;
	_ =	sdelay $0x4  }
0x1f9: {  	v42 =	vadd.f32 v43, v42;
	_ =	sdelay $0x1  }
0x1fa: {  	v43 =	vmul.f32 $2.000000030e-01, v42  }
0x1fb: {  	vm15 =	vgt.f32 v42, $0.0e+00  }
0x1fc: {  	v42 =	vsel vm15, v42, v43  }
0x1fd: {  	v42 =	vsub.f32 v42, v61;
	_ =	sdelay $0x1  }
0x1fe: {  	v42 =	vmul.f32 $1.442695020e+00, v42;
	_ =	sdelay $0x1  }
0x1ff: {  	(erf) = vpow2.f32 v42;
	_ =	sdelay $0x5  }
0x200: {  	s15 =	simm.s32 $0x0;
	v36 =	vor.u32 v40, v36  }
0x201: {  	v63 =	vmov s15  }
0x202: {  	v42 =	vand.u32 $0xFFFFFFFC, v63  }
0x203: {  	v42 =	vbroadcast v42, $0x0;
	v62 =	vpop (erf)  }
0x204: {  	[tilespmem:v60+s31+$0x0] =	vst.idx.msk $0xffff, v62  }
0x205: {  	[tilespmem:v36+s1+$0x0] =	vst.idx.msk $0xffff, v62  }
0x206: {  	s13 =	simm.s32 $0x1;
	_ =	swait.ge [sflag:s23], $0x2800  }
0x207: {  	v43 =	vmov s13;
	[sflag:s23] =	ssyncset.done $0x0  }
0x208: {  	s16 =	simm.s32 $0x2;
	v43 =	vand.u32 $0xFFFFFFFD, v43;
	[sflag:s23] =	ssyncadd.s32 $0xFFFFD800  }
0x209: {  	s12 =	simm.s32 $0x2A40;
	v43 =	vbroadcast v43, $0x0;
	v63 =	vmov s16;
	v42 =	vld.idx.msk [tilespmem:v42+s31+$0x0], $0xffff  }
0x20a: {  	v36 =	vand.u32 $0xFFFFFFFE, v63;
	v44 =	vld [tilespmem:s12+$0xFFFFFFC0]  }
0x20b: {  	v62 =	vmov s14;
	v36 =	vbroadcast v36, $0x0;
	_ =	sdelay $0x3  }
0x20c: {  	v43 =	vld.idx.msk [tilespmem:v43+s31+$0x0], $0xffff;
	v63 =	vmul.f32 v44, v42  }
0x20d: {  	s11 =	simm.s32 $0x5240;
	v62 =	vld.idx.msk [tilespmem:v62+s31+$0x0], $0xffff  }
0x20e: {  	v36 =	vld.idx.msk [tilespmem:v36+s31+$0x0], $0xffff;
	[tilespmem:s11+$0xFFFFFFC0] =	vst v63  }
0x20f: {  	v63 =	vld [tilespmem:s12+$0xFFFFFFD0];
	_ =	sdelay $0x4  }
0x210: {  	v42 =	vmul.f32 v63, v42;
	_ =	sdelay $0x1  }
0x211: {  	[tilespmem:s11+$0xFFFFFFD0] =	vst v42  }
0x212: {  	v42 =	vld [tilespmem:s12+$0xFFFFFFE0];
	_ =	sdelay $0x4  }
0x213: {  	v42 =	vmul.f32 v42, v43;
	_ =	sdelay $0x1  }
0x214: {  	[tilespmem:s11+$0xFFFFFFE0] =	vst v42  }
0x215: {  	v42 =	vld [tilespmem:s12+$0xFFFFFFF0];
	_ =	sdelay $0x4  }
0x216: {  	v42 =	vmul.f32 v42, v43;
	_ =	sdelay $0x1  }
0x217: {  	[tilespmem:s11+$0xFFFFFFF0] =	vst v42  }
0x218: {  	v42 =	vld [tilespmem:s12+$0x0];
	_ =	sdelay $0x4  }
0x219: {  	v42 =	vmul.f32 v42, v36;
	_ =	sdelay $0x1  }
0x21a: {  	[tilespmem:s11+$0x0] =	vst v42  }
0x21b: {  	v42 =	vld [tilespmem:s12+$0x10];
	_ =	sdelay $0x4  }
0x21c: {  	v36 =	vmul.f32 v42, v36;
	_ =	sdelay $0x1  }
0x21d: {  	[tilespmem:s11+$0x10] =	vst v36  }
0x21e: {  	v36 =	vld [tilespmem:s12+$0x20];
	_ =	sdelay $0x4  }
0x21f: {  	v36 =	vmul.f32 v36, v62;
	_ =	sdelay $0x1  }
0x220: {  	s15 =	simm.s32 $0x4;
	s13 =	simm.s32 $0x7;
	s14 =	simm.s32 $0xB;
	[tilespmem:s11+$0x20] =	vst v36  }
.LBB2_5:
0x221: {  	p0 =	sne.s32 s14, $0x13F;
	v36 =	vmov s15;
	v42 =	vld [tilespmem:s12+$0x30]  }
0x222: {  	v36 =	vand.u32 $0xFFFFFFFC, v36  }
0x223: {  	s15 =	sadd.s32 $0xFFFFFFFF, s13;
	v36 =	vbroadcast v36, $0x0  }
0x224: {  	s16 =	sadd.s32 $0xFFFFFFFE, s13;
	v43 =	vmov s15  }
0x225: {  	v44 =	vmov s13;
	s13 =	smov.u32 s14;
	v63 =	vmov s16;
	v43 =	vand.u32 $0xFFFFFFFE, v43  }
0x226: {  	v63 =	vand.u32 $0xFFFFFFFD, v63;
	v43 =	vbroadcast v43, $0x0;
	v42 =	vmul.f32 v42, v62  }
0x227: {  	v63 =	vbroadcast v63, $0x0  }
0x228: {  	[tilespmem:s11+$0x30] =	vst v42  }
0x229: {  	s12 =	sadd.s32 $0x80, s12;
	v36 =	vld.idx.msk [tilespmem:v36+s31+$0x0], $0xffff  }
0x22a: {  	v42 =	vld [tilespmem:s12+$0xFFFFFFC0]  }
0x22b: {  	v62 =	vld.idx.msk [tilespmem:v44+s31+$0x0], $0xffff  }
0x22c: {  	v43 =	vld.idx.msk [tilespmem:v43+s31+$0x0], $0xffff  }
0x22d: {  	v44 =	vld.idx.msk [tilespmem:v63+s31+$0x0], $0xffff;
	_ =	sdelay $0x1  }
0x22e: {  	v42 =	vmul.f32 v42, v36  }
0x22f: {  	s11 =	sadd.s32 $0x80, s11  }
0x230: {  	[tilespmem:s11+$0xFFFFFFC0] =	vst v42  }
0x231: {  	v42 =	vld [tilespmem:s12+$0xFFFFFFD0];
	_ =	sdelay $0x4  }
0x232: {  	v36 =	vmul.f32 v42, v36;
	_ =	sdelay $0x1  }
0x233: {  	[tilespmem:s11+$0xFFFFFFD0] =	vst v36  }
0x234: {  	v36 =	vld [tilespmem:s12+$0xFFFFFFE0];
	_ =	sdelay $0x4  }
0x235: {  	v36 =	vmul.f32 v36, v44;
	_ =	sdelay $0x1  }
0x236: {  	[tilespmem:s11+$0xFFFFFFE0] =	vst v36  }
0x237: {  	v36 =	vld [tilespmem:s12+$0xFFFFFFF0];
	_ =	sdelay $0x4  }
0x238: {  	v36 =	vmul.f32 v36, v44;
	_ =	sdelay $0x1  }
0x239: {  	[tilespmem:s11+$0xFFFFFFF0] =	vst v36  }
0x23a: {  	v36 =	vld [tilespmem:s12+$0x0];
	_ =	sdelay $0x4  }
0x23b: {  	v36 =	vmul.f32 v36, v43;
	_ =	sdelay $0x1  }
0x23c: {  	[tilespmem:s11+$0x0] =	vst v36  }
0x23d: {  	v36 =	vld [tilespmem:s12+$0x10];
	_ =	sdelay $0x4  }
0x23e: {  	v36 =	vmul.f32 v36, v43;
	_ =	sdelay $0x1  }
0x23f: {  	[tilespmem:s11+$0x10] =	vst v36  }
0x240: {  	v36 =	vld [tilespmem:s12+$0x20];
	_ =	sdelay $0x2  }
.Ltmp1:
0x241: {  	(pc) =	sbr.rel @p0 .LBB2_5-.Ltmp1, $3  }
0x242: {  	_ = 	snop  }
0x243: {  	v36 =	vmul.f32 v36, v62;
	_ =	sdelay $0x1  }
0x244: {  	s14 =	sadd.s32 $0x4, s14;
	s15 =	sadd.s32 $0xFFFFFFFD, s13;
	[tilespmem:s11+$0x20] =	vst v36  }
0x245: {  	v36 =	vmov s15;
	v42 =	vld [tilespmem:s12+$0x30]  }
0x246: {  	v36 =	vand.u32 $0xFFFFFFFC, v36  }
0x247: {  	v36 =	vbroadcast v36, $0x0;
	_ =	sdelay $0x2  }
0x248: {  	s14 =	sadd.s32 $0xFFFFFFFF, s13;
	v42 =	vmul.f32 v42, v62  }
0x249: {  	s16 =	sadd.s32 $0xFFFFFFFE, s13;
	v43 =	vmov s14  }
0x24a: {  	v44 =	vmov s16;
	v43 =	vand.u32 $0xFFFFFFFE, v43;
	[tilespmem:s11+$0x30] =	vst v42  }
0x24b: {  	s15 =	sadd.s32 $0x80, s12;
	v44 =	vand.u32 $0xFFFFFFFD, v44;
	v43 =	vbroadcast v43, $0x0;
	v36 =	vld.idx.msk [tilespmem:v36+s31+$0x0], $0xffff  }
0x24c: {  	v44 =	vbroadcast v44, $0x0;
	v62 =	vld [tilespmem:s15+$0xFFFFFFC0];
	_ =	sdelay $0x1  }
0x24d: {  	v42 =	vmov s13;
	_ =	sdelay $0x2  }
0x24e: {  	v43 =	vld.idx.msk [tilespmem:v43+s31+$0x0], $0xffff;
	v62 =	vmul.f32 v62, v36  }
0x24f: {  	s16 =	sadd.s32 $0x80, s11;
	v44 =	vld.idx.msk [tilespmem:v44+s31+$0x0], $0xffff  }
0x250: {  	v42 =	vld.idx.msk [tilespmem:v42+s31+$0x0], $0xffff;
	[tilespmem:s16+$0xFFFFFFC0] =	vst v62  }
0x251: {  	v62 =	vld [tilespmem:s15+$0xFFFFFFD0];
	_ =	sdelay $0x4  }
0x252: {  	v36 =	vmul.f32 v62, v36;
	_ =	sdelay $0x1  }
0x253: {  	[tilespmem:s16+$0xFFFFFFD0] =	vst v36  }
0x254: {  	v36 =	vld [tilespmem:s15+$0xFFFFFFE0];
	_ =	sdelay $0x4  }
0x255: {  	v36 =	vmul.f32 v36, v44;
	_ =	sdelay $0x1  }
0x256: {  	[tilespmem:s16+$0xFFFFFFE0] =	vst v36  }
0x257: {  	v36 =	vld [tilespmem:s15+$0xFFFFFFF0];
	_ =	sdelay $0x4  }
0x258: {  	v36 =	vmul.f32 v36, v44;
	_ =	sdelay $0x1  }
0x259: {  	[tilespmem:s16+$0xFFFFFFF0] =	vst v36  }
0x25a: {  	v36 =	vld [tilespmem:s15+$0x0];
	_ =	sdelay $0x4  }
0x25b: {  	v36 =	vmul.f32 v36, v43;
	_ =	sdelay $0x1  }
0x25c: {  	[tilespmem:s16+$0x0] =	vst v36  }
0x25d: {  	v36 =	vld [tilespmem:s15+$0x10];
	_ =	sdelay $0x4  }
0x25e: {  	v36 =	vmul.f32 v36, v43;
	_ =	sdelay $0x1  }
0x25f: {  	[tilespmem:s16+$0x10] =	vst v36  }
0x260: {  	v36 =	vld [tilespmem:s15+$0x20];
	_ =	sdelay $0x4  }
0x261: {  	v36 =	vmul.f32 v36, v42;
	_ =	sdelay $0x1  }
0x262: {  	[tilespmem:s16+$0x20] =	vst v36  }
0x263: {  	v36 =	vld [tilespmem:s15+$0x30];
	_ =	sdelay $0x4  }
0x264: {  	v36 =	vmul.f32 v36, v42;
	_ =	sdelay $0x1  }
0x265: {  	[tilespmem:s16+$0x30] =	vst v36  }
0x266: {  	[spmem:s2] =	stream.indirect.scatter.add.f32 [tilespmem:s21], [sflag:$0x3], $0x80, s24, s25, $0xb8;
	[tilespmem:$0x1E800] =	vst v63  }
0x267: {  	_ =	swait.ge [sflag:s22], $0x2800  }
0x268: {  	[sflag:s22] =	ssyncset.done $0x0  }
0x269: {  	[sflag:s22] =	ssyncadd.s32 $0xFFFFD800  }
0x26a: {  	[spmem:s2] =	stream.indirect.scatter.add.f32 [tilespmem:s1], [sflag:$0x3], $0x80, s3, s25, $0xb8;
	[tilespmem:$0x1E800] =	vst v63  }
0x26b: {  	_ =	swait.ge [sflag:s22], $0x2800  }
0x26c: {  	[sflag:s22] =	ssyncset.done $0x0  }
0x26d: {  	[sflag:s22] =	ssyncadd.s32 $0xFFFFD800  }
0x26e: {  	v44 =	vld [tilespmem:$0x80];
	_ =	sdelay $0x4  }
0x26f: {  	v36 =	vshll.u32 v44, $0x2  }
0x270: {  	v36 =	vand.u32 $0x7C, v36  }
0x271: {  	v42 =	vor.u32 v0, v36  }
0x272: {  	v62 =	vor.u32 v3, v36  }
0x273: {  	v63 =	vor.u32 v5, v36  }
0x274: {  	v36 =	vor.u32 v7, v36;
	_ =	sdelay $0x1  }
0x275: {  	[tilespmem:v42+s1+$0x0] =	vst.idx.msk $0xffff, v1  }
0x276: {  	[tilespmem:v62+s1+$0x0] =	vst.idx.msk $0xffff, v1  }
0x277: {  	[tilespmem:v63+s1+$0x0] =	vst.idx.msk $0xffff, v1  }
0x278: {  	[tilespmem:v36+s1+$0x0] =	vst.idx.msk $0xffff, v1  }
0x279: {  	v36 =	vld [tilespmem:$0x90];
	_ =	sdelay $0x4  }
0x27a: {  	v36 =	vshll.u32 v36, $0x2  }
0x27b: {  	v36 =	vand.u32 $0x7C, v36  }
0x27c: {  	v42 =	vor.u32 v9, v36  }
0x27d: {  	v62 =	vor.u32 v11, v36  }
0x27e: {  	v63 =	vor.u32 v13, v36  }
0x27f: {  	v36 =	vor.u32 v15, v36;
	_ =	sdelay $0x1  }
0x280: {  	[tilespmem:v42+s1+$0x0] =	vst.idx.msk $0xffff, v1  }
0x281: {  	[tilespmem:v62+s1+$0x0] =	vst.idx.msk $0xffff, v1  }
0x282: {  	[tilespmem:v63+s1+$0x0] =	vst.idx.msk $0xffff, v1  }
0x283: {  	[tilespmem:v36+s1+$0x0] =	vst.idx.msk $0xffff, v1  }
0x284: {  	v36 =	vld [tilespmem:$0xA0];
	_ =	sdelay $0x4  }
0x285: {  	v36 =	vshll.u32 v36, $0x2  }
0x286: {  	v36 =	vand.u32 $0x7C, v36  }
0x287: {  	v42 =	vor.u32 v17, v36  }
0x288: {  	v62 =	vor.u32 v19, v36  }
0x289: {  	v63 =	vor.u32 v21, v36  }
0x28a: {  	v36 =	vor.u32 v23, v36;
	_ =	sdelay $0x1  }
0x28b: {  	[tilespmem:v42+s1+$0x0] =	vst.idx.msk $0xffff, v1  }
0x28c: {  	[tilespmem:v62+s1+$0x0] =	vst.idx.msk $0xffff, v1  }
0x28d: {  	[tilespmem:v63+s1+$0x0] =	vst.idx.msk $0xffff, v1  }
0x28e: {  	[tilespmem:v36+s1+$0x0] =	vst.idx.msk $0xffff, v1  }
0x28f: {  	v36 =	vld [tilespmem:$0xB0];
	_ =	sdelay $0x4  }
0x290: {  	v36 =	vshll.u32 v36, $0x2  }
0x291: {  	v36 =	vand.u32 $0x7C, v36  }
0x292: {  	v42 =	vor.u32 v25, v36  }
0x293: {  	v62 =	vor.u32 v27, v36  }
0x294: {  	v63 =	vor.u32 v29, v36  }
0x295: {  	v36 =	vor.u32 v31, v36;
	_ =	sdelay $0x1  }
0x296: {  	[tilespmem:v42+s1+$0x0] =	vst.idx.msk $0xffff, v1  }
0x297: {  	[tilespmem:v62+s1+$0x0] =	vst.idx.msk $0xffff, v1  }
0x298: {  	[tilespmem:v63+s1+$0x0] =	vst.idx.msk $0xffff, v1  }
0x299: {  	[tilespmem:v36+s1+$0x0] =	vst.idx.msk $0xffff, v1  }
0x29a: {  	v36 =	vld [tilespmem:$0xC0];
	_ =	sdelay $0x4  }
0x29b: {  	v36 =	vshll.u32 v36, $0x2  }
0x29c: {  	v36 =	vand.u32 $0x7C, v36  }
0x29d: {  	v42 =	vor.u32 v33, v36  }
0x29e: {  	v62 =	vor.u32 v35, v36  }
0x29f: {  	s10 =	sadd.s32 $0x1, s10;
	v63 =	vor.u32 v38, v36  }
0x2a0: {  	p0 =	sne.s32 s10, $0x7D;
	v36 =	vor.u32 v40, v36  }
.Ltmp2:
0x2a1: {  	_ = 	snop;
	(pc) =	sbr.rel @p0 .LBB2_4-.Ltmp2, $4  }
0x2a2: {  	[tilespmem:v42+s1+$0x0] =	vst.idx.msk $0xffff, v1  }
0x2a3: {  	[tilespmem:v62+s1+$0x0] =	vst.idx.msk $0xffff, v1  }
0x2a4: {  	[tilespmem:v63+s1+$0x0] =	vst.idx.msk $0xffff, v1  }
0x2a5: {  	[tilespmem:v36+s1+$0x0] =	vst.idx.msk $0xffff, v1  }
0x2a6: {  	s10 =	stileid.u32;
	s7 =	sadd.s32 $0x1, s7  }
0x2a7: {  	[bflag:$0x0] =	sbarrier.arrive $0xFFFF;
	s10 =	sshll.u32 s10, $0x6;
	p0 =	sne.s32 s7, s20  }
.Ltmp3:
0x2a8: {  	s11 =	sshrl.u32 s9, $0x3;
	s10 =	sor.u32 $0x1C03, s10;
	(pc) =	sbr.rel @p0 .LBB2_1-.Ltmp3, $4  }
0x2a9: {  	[hbm:s19], [sflag:s10] =	dma.local [spmem:s11], $0x2880  }
0x2aa: {  	_ =	swait.ge [sflag:s22], $0x2880  }
0x2ab: {  	[sflag:s22] =	ssyncset.done $0x0  }
0x2ac: {  	[sflag:s22] =	ssyncadd.s32 $0xFFFFD780  }
0x2ad: {  	_ =	sfence.sel $0x180000  }
0x2ae: {  	[bflag:$0x0] =	sbarrier.arrive $0xFFFF  }
0x2af: {  	_ =	strace $0x9000004A  }
0x2b0: {  	s0 =	stileid.u32;
	[bflag:$0x2] =	sbarrier.arrive $0xFFFF  }
0x2b1: {  	p0 =	sne.s32 s0, $0x0;
	s0 =	rddreg [dreg:$0x3]  }
0x2b2: {  	s0 =	sadd.s32 @!p0 $0x100000, s0  }
0x2b3: {  	[sflag:s0] =	ssyncadd.tile.s32 @!p0 $0x1;
	_ =	shalt  }
.Lfunc_end2:
_tile_overlayer_lowered:
.L_overlay_start_2:
0x2b4: {  	(tag) =	ssettag $0x2  }
0x2b5: {  	s0 =	rddreg [dreg:$0x0];
	s2 =	stileid.u32  }
0x2b6: {  	s1 =	rddreg [dreg:$0x1];
	p0 =	sne.s32 s2, $0x0  }
0x2b7: {  	s3 =	rddreg [dreg:$0x2];
	[bflag:$0x3] =	sbarrier.arrive $0xFFFF;
	s2 =	simm.s32 @!p0 $0x1C03  }
0x2b8: {  	[timem:s3], [sflag:s2] =	dma.local @!p0 [hbm:s0], s1  }
0x2b9: {  	s0 =	simm.s32 @!p0 $0x3  }
0x2ba: {  	_ =	swait.ge @!p0 [sflag:s0], s1  }
0x2bb: {  	s1 =	ssub.s32 @!p0 $0x0, s1;
	[sflag:s0] =	ssyncset.done @!p0 $0x0  }
0x2bc: {  	[sflag:s0] =	ssyncadd.s32 @!p0 s1  }
0x2bd: {  	[bflag:$0x3] =	sbarrier.arrive $0xFFFF  }
0x2be: {  	_ =	shalt  }

// kernel: kernel.7.cloned.1.call-start
scs
__scs_entry_jumppad:
0x0: {  	(pc) =	sbr.rel $0x88, $3  }
0x1: {  	(tag) =	ssettag $0x0;
	lr =	simm.s32 $0x1  }
0x2: {  	[smem:$0x3F95] =	sst lr;
	_ =	strace $0xD0000000  }
0x3: {  	_ = 	snop  }
0x4: {  	_ = 	snop  }
0x5: {  	_ = 	snop  }
0x6: {  	_ = 	snop  }
0x7: {  	_ = 	snop  }
__scs_overlays_trampoline_lowered:
0x8: {  	[smem:$0x3FA4] =	sst s0  }
0x9: {  	[smem:$0x3FA5] =	sst s1  }
0xa: {  	[smem:$0x3FA6] =	sst s2  }
0xb: {  	[smem:$0x3FA7] =	sst s3  }
0xc: {  	[smem:$0x3FA8] =	sst s4  }
0xd: {  	[smem:$0x3FA9] =	sst s5  }
0xe: {  	[smem:$0x3FAA] =	sst s6  }
0xf: {  	[smem:$0x3FAB] =	sst s7  }
0x10: {  	[smem:$0x3FAC] =	sst s8  }
0x11: {  	[smem:$0x3FAD] =	sst s9;
	s0 =	simm.s32 @!p0 $0x0  }
0x12: {  	s1 =	sld [smem:$0x3F93];
	s0 =	simm.s32 @p0 $0x1  }
0x13: {  	[smem:$0x3FAE] =	sst s0;
	s0 =	simm.s32 @!p1 $0x0  }
0x14: {  	s2 =	sld [smem:$0x3F92];
	s0 =	simm.s32 @p1 $0x1  }
0x15: {  	[smem:$0x3FAF] =	sst s0;
	s0 =	simm.s32 @!p2 $0x0  }
0x16: {  	s3 =	sld [smem:$0x3FDB];
	s0 =	simm.s32 @p2 $0x1  }
0x17: {  	s4 =	simm.s32 $0x1BF5;
	[smem:$0x3FB1] =	sst s0  }
0x18: {  	s0 =	sld [smem:$0x3F94];
	_ =	swait.ge [sflag:s4], $0x0  }
0x19: {  	s7 =	sld [smem:$0x3F95]  }
0x1a: {  	s8 =	sadd.s32 $0xFFFFE003, lr  }
0x1b: {  	s9 =	sadd.s32 $0xFFFFFEF7, lr;
	s5 =	simm.s32 $0xFFFFFFFF;
	p2 =	slt.u32 s8, $0xFFFFF086  }
0x1c: {  	p1 =	slt.u32 s9, $0xF7A;
	s5 =	simm.s32 @!p2 $0x0  }
0x1d: {  	s5 =	simm.s32 @p1 $0x1;
	p0 =	seq.s32 s7, s2  }
0x1e: {  	s7 =	smul.u32 @!p0 $0xF7A, s2;
	p2 =	seq.s32 @!p0 s5, $0x0  }
0x1f: {  	s9 =	smul.u32 $0xF7A, s1;
	s8 =	simm.s32 @!p0 $0x1BF5;
	p2 =	por !p2, p0  }
0x20: {  	[sflag:s8] =	ssyncset.s32 @!p0 $0xFFFFF086;
	s6 =	sadd.s32 @!p0 s3, s7;
	s7 =	simm.s32 @!p0 $0x108  }
0x21: {  	s3 =	sadd.s32 s3, s9;
	s6 =	sadd.s32 @!p0 $0x88, s6;
	s7 =	simm.s32 @p2 $0x1082  }
0x22: {  	[simem:s7], [sflag:s8] =	dma.local @!p0 [hbm:s6], $0xF7A  }
0x23: {  	s9 =	sor.u32 $0xD0000000, s2;
	s6 =	simm.s32 $0x108;
	_ =	swait.ge @!p0 [sflag:s8], $0x0  }
0x24: {  	s3 =	sadd.s32 $0x88, s3;
	s6 =	simm.s32 @!p1 $0x1082;
	[sflag:s4] =	ssyncset.s32 $0xFFFFF086  }
0x25: {  	[simem:s6], [sflag:s4] =	dma.local [hbm:s3], $0xF7A  }
0x26: {  	[smem:$0x3F95] =	sst s1;
	(tag) =	ssettag s2;
	_ =	strace s9  }
0x27: {  	s1 =	sld [smem:$0x3FA5]  }
0x28: {  	s2 =	sld [smem:$0x3FA6]  }
0x29: {  	s4 =	sld [smem:$0x3FA8]  }
0x2a: {  	p0 =	seq.s32 s5, $0x0;
	s5 =	sld [smem:$0x3FA9]  }
0x2b: {  	s6 =	sld [smem:$0x3FAA]  }
0x2c: {  	s7 =	sld [smem:$0x3FAB]  }
0x2d: {  	s3 =	simm.s32 $0x108;
	s8 =	sld [smem:$0x3FAC]  }
0x2e: {  	s3 =	simm.s32 @!p0 $0x1082;
	s9 =	sld [smem:$0x3FAD]  }
0x2f: {  	lr =	sadd.s32 s0, s3;
	s0 =	sld [smem:$0x3FA4]  }
0x30: {  	s3 =	sld [smem:$0x3FA7]  }
0x31: {  	[smem:$0x3FB0] =	sst s10  }
0x32: {  	s10 =	sld [smem:$0x3FAE];
	_ =	sdelay $0x3  }
0x33: {  	p0 =	seq.s32 s10, $0x1;
	s10 =	sld [smem:$0x3FB0];
	_ =	sdelay $0x3  }
0x34: {  	[smem:$0x3FB0] =	sst s10  }
0x35: {  	s10 =	sld [smem:$0x3FAF];
	_ =	sdelay $0x3  }
0x36: {  	p1 =	seq.s32 s10, $0x1;
	s10 =	sld [smem:$0x3FB0];
	_ =	sdelay $0x3  }
0x37: {  	[smem:$0x3FB0] =	sst s10  }
0x38: {  	s10 =	sld [smem:$0x3FB1]  }
0x39: {  	_ = 	snop;
	(pc) =	sbr.ind lr, $3  }
0x3a: {  	_ = 	snop  }
0x3b: {  	_ = 	snop  }
0x3c: {  	p2 =	seq.s32 s10, $0x1;
	s10 =	sld [smem:$0x3FB0]  }
0x3d: {  	_ =	shalt  }
0x3e: {  	_ =	shalt  }
0x3f: {  	_ =	shalt  }
0x40: {  	_ =	shalt  }
0x41: {  	_ =	shalt  }
0x42: {  	_ =	shalt  }
0x43: {  	_ =	shalt  }
0x44: {  	_ =	shalt  }
0x45: {  	_ =	shalt  }
0x46: {  	_ =	shalt  }
0x47: {  	_ =	shalt  }
0x48: {  	_ =	shalt  }
0x49: {  	_ =	shalt  }
0x4a: {  	_ =	shalt  }
0x4b: {  	_ =	shalt  }
0x4c: {  	_ =	shalt  }
0x4d: {  	_ =	shalt  }
0x4e: {  	_ =	shalt  }
0x4f: {  	_ =	shalt  }
0x50: {  	_ =	shalt  }
0x51: {  	_ =	shalt  }
0x52: {  	_ =	shalt  }
0x53: {  	_ =	shalt  }
0x54: {  	_ =	shalt  }
0x55: {  	_ =	shalt  }
0x56: {  	_ =	shalt  }
0x57: {  	_ =	shalt  }
0x58: {  	_ =	shalt  }
0x59: {  	_ =	shalt  }
0x5a: {  	_ =	shalt  }
0x5b: {  	_ =	shalt  }
0x5c: {  	_ =	shalt  }
0x5d: {  	_ =	shalt  }
0x5e: {  	_ =	shalt  }
0x5f: {  	_ =	shalt  }
0x60: {  	_ =	shalt  }
0x61: {  	_ =	shalt  }
0x62: {  	_ =	shalt  }
0x63: {  	_ =	shalt  }
0x64: {  	_ =	shalt  }
0x65: {  	_ =	shalt  }
0x66: {  	_ =	shalt  }
0x67: {  	_ =	shalt  }
0x68: {  	_ =	shalt  }
0x69: {  	_ =	shalt  }
0x6a: {  	_ =	shalt  }
0x6b: {  	_ =	shalt  }
0x6c: {  	_ =	shalt  }
0x6d: {  	_ =	shalt  }
0x6e: {  	_ =	shalt  }
0x6f: {  	_ =	shalt  }
0x70: {  	_ =	shalt  }
0x71: {  	_ =	shalt  }
0x72: {  	_ =	shalt  }
0x73: {  	_ =	shalt  }
0x74: {  	_ =	shalt  }
0x75: {  	_ =	shalt  }
0x76: {  	_ =	shalt  }
0x77: {  	_ =	shalt  }
0x78: {  	_ =	shalt  }
0x79: {  	_ =	shalt  }
0x7a: {  	_ =	shalt  }
0x7b: {  	_ =	shalt  }
0x7c: {  	_ =	shalt  }
0x7d: {  	_ =	shalt  }
0x7e: {  	_ =	shalt  }
0x7f: {  	_ =	shalt  }
0x80: {  	_ =	shalt  }
0x81: {  	_ =	shalt  }
0x82: {  	_ =	shalt  }
0x83: {  	_ =	shalt  }
0x84: {  	_ =	shalt  }
0x85: {  	_ =	shalt  }
0x86: {  	_ =	shalt  }
0x87: {  	_ =	shalt  }
.Lfunc_end0:
.L_simem_size_0:
called_computation_lowered:
.L_overlay_start_0:
0x88: {  	s2 =	sld [smem:$0x3FD9]  }
0x89: {  	s3 =	sld [smem:$0x3FFE];
	_ =	sdelay $0x1  }
0x8a: {  	s1 =	srdreg.scid  }
0x8b: {  	s0 =	sand.u32 $0x1, s1  }
0x8c: {  	s17 =	sshll.u32 s0, $0xA;
	s2 =	sadd.s32 s3, s2  }
0x8d: {  	s2 =	sadd.s32 s2, s17  }
0x8e: {  	[smem:$0x3FBC] =	sst s2  }
0x8f: {  	_ = 	snop  }
0x90: {  	s2 =	sld [smem:$0x3FD0];
	(tm) =	ssettm $0x1  }
0x91: {  	s18 =	sld [smem:$0x3FFB];
	_ =	sdelay $0x3  }
0x92: {  	_ =	strace s18  }
0x93: {  	s3 =	sld [smem:$0x3FFC];
	_ =	sdelay $0x3  }
0x94: {  	_ =	strace s3  }
0x95: {  	s3 =	sld [smem:$0x3FFD];
	_ =	sdelay $0x3  }
0x96: {  	_ =	strace s3  }
0x97: {  	_ =	strace $0x8FFFFFFF  }
0x98: {  	s19 =	sld [smem:$0x3FDB];
	_ =	sdelay $0x1  }
0x99: {  	s4 =	simm.s32 $_scs_section_size  }
0x9a: {  	s5 =	simm.s32 $_size__tile_overlayer_lowered;
	s6 =	simm.s32 $_tile_overlayer_lowered  }
0x9b: {  	s22 =	simm.s32 $0x1BFF;
	s21 =	sshll.u32 s6, $0x1;
	s3 =	sadd.s32 s4, s19  }
0x9c: {  	s7 =	simm.s32 $0x0;
	s20 =	sshll.u32 s5, $0x1;
	s5 =	sadd.s32 s21, s3  }
0x9d: {  	[timem:s7], [sflag:s22] =	dma.local [hbm:s5], s20  }
0x9e: {  	_ =	swait.ge [sflag:s22], s20  }
0x9f: {  	s4 =	ssub.s32 $0x0, s20;
	[sflag:s22] =	ssyncset.done $0x0  }
0xa0: {  	[sflag:s22] =	ssyncadd.s32 s4;
	_ =	sdelay $0x1  }
0xa1: {  	s23 =	simm.s32 $0x1B8B  }
0xa2: {  	_ =	swait.ge [sflag:s23], $0x1  }
0xa3: {  	[sflag:s23] =	ssyncset.done $0x0  }
0xa4: {  	s25 =	simm.s32 $0x1B8E;
	s24 =	sld [smem:$0x3FFE];
	[sflag:s23] =	ssyncadd.s32 $0xFFFFFFFF  }
0xa5: {  	s26 =	simm.s32 $execute0_lowered;
	[smem:$0x3FD2] =	sst s25  }
0xa6: {  	s5 =	sshll.u32 s26, $0x1;
	_ =	strace $0x80000046;
	[dreg:$0x1] =	wrdreg $0xFFFFFFFF  }
0xa7: {  	s28 =	simm.s32 $_size_execute0_lowered;
	s3 =	sadd.s32 s3, s5;
	[dreg:$0x0] =	wrdreg $0x0  }
0xa8: {  	s5 =	sshll.u32 s28, $0x1;
	[dreg:$0x2] =	wrdreg s3  }
0xa9: {  	[dreg:$0x3] =	wrdreg s5  }
0xaa: {  	[dreg:$0x4] =	wrdreg $0xC0  }
0xab: {  	_ =	task [dreg:s7], $0x5FFFF  }
0xac: {  	[dreg:$0x1] =	wrdreg $0xFFFFFFFF  }
0xad: {  	[dreg:$0x0] =	wrdreg $0x60  }
0xae: {  	[dreg:$0x2] =	wrdreg s24  }
0xaf: {  	[dreg:$0x3] =	wrdreg s2  }
0xb0: {  	[dreg:$0x4] =	wrdreg $0xA4000  }
0xb1: {  	[dreg:$0x5] =	wrdreg $0x9  }
0xb2: {  	_ =	task.clear_ibuf [dreg:s7], $0x6FFFF;
	_ =	strace $0x90000046  }
0xb3: {  	s29 =	simm.s32 $0x9;
	_ =	strace $0x80000048  }
0xb4: {  	_ =	swait.ge [sflag:s29], $0x1  }
0xb5: {  	[sflag:s29] =	ssyncadd.s32 $0xFFFFFFFF  }
0xb6: {  	_ =	strace $0x90000048  }
0xb7: {  	_ =	sfence  }
0xb8: {  	s30 =	sld [smem:$0x0];
	_ =	sdelay $0x2  }
0xb9: {  	s31 =	sshll.u32 s1, $0xD;
	s1 =	sshrl.u32 s1, $0x2  }
0xba: {  	s3 =	sand.u32 $0x4000, s31;
	s1 =	sadd.s32 s1, s30  }
0xbb: {  	s0 =	sor.u32 s3, s0;
	s1 =	sshll.u32 s1, $0x11  }
0xbc: {  	s0 =	sor.u32 s1, s0  }
0xbd: {  	s0 =	sadd.s32 $0x8F2B, s0  }
0xbe: {  	[sflag:s0] =	ssyncadd.remote.s32 $0x1  }
0xbf: {  	_ =	sfence.sel $0xFFFF  }
0xc0: {  	[dreg:$0x0] =	wrdreg $0xFFFFFFFF;
	(pc) =	sbr.abs _section_cstart, $3  }
0xc1: {  	[dreg:$0x1] =	wrdreg $0xFFFFFFFF  }
0xc2: {  	_ =	task.clear_ibuf [dreg:s7], $0x2FFFF;
	_ =	strace $0x9FFFFFFF  }
0xc3: {  	(tm) =	ssettm $0x7FFFFFFF  }
tec
execute0_lowered:
.L_overlay_start_1:
0x0: {  	(tag) =	ssettag $0x1  }
0x1: {  	v36 =	vlaneseq.u32  }
0x2: {  	v0 =	vmul.u32 $0x80, v36  }
0x3: {  	s1 =	rddreg [dreg:$0x0]  }
0x4: {  	v1 =	vimm.f32 $0.0e+00;
	s0 =	rddreg [dreg:$0x1];
	v36 =	vmul.u32 $0x4, v36;
	v2 =	vor.u32 $0x4, v0  }
0x5: {  	s2 =	rddreg [dreg:$0x2];
	s3 =	srdreg.scid;
	v3 =	vor.u32 $0x1, v0;
	v4 =	vor.u32 $0x5, v0;
	v5 =	vor.u32 $0x2, v0  }
0x6: {  	s4 =	simm.s32 $0x0;
	s11 =	stileid.u32;
	s28 =	simm.s32 $0x100;
	v6 =	vor.u32 $0x6, v0;
	v7 =	vor.u32 $0x3, v0;
	v8 =	vor.u32 $0x7, v0  }
0x7: {  	s29 =	simm.s32 $0x200;
	s31 =	simm.s32 $0xA200;
	s3 =	sand.u32 $0x1, s3;
	v9 =	vor.u32 $0x800, v0;
	v10 =	vor.u32 $0x804, v0;
	v11 =	vor.u32 $0x801, v0  }
0x8: {  	[smem:$0x7FF] =	sst s4;
	s8 =	smul.u32 $0x14400, s11;
	s5 =	sadd.s32 $0x3800, s1;
	v12 =	vor.u32 $0x805, v0;
	v13 =	vor.u32 $0x802, v0;
	v14 =	vor.u32 $0x806, v0  }
0x9: {  	s6 =	sadd.s32 $0x2AC00, s1;
	s9 =	smul.u32 $0x51000, s11;
	s18 =	sadd.s32 $0x2AA00, s1;
	v15 =	vor.u32 $0x803, v0;
	v16 =	vor.u32 $0x807, v0;
	v17 =	vor.u32 $0x1000, v0  }
0xa: {  	s30 =	simm.s32 $0x2;
	s7 =	smul.u32 $0x144000, s3;
	_ =	strace $0x80000047;
	v18 =	vor.u32 $0x1004, v0;
	v19 =	vor.u32 $0x1001, v0;
	v20 =	vor.u32 $0x1005, v0  }
0xb: {  	[dreg:$0x4] =	wrdreg s18;
	s19 =	ssub.s32 $0x2, s3;
	v21 =	vor.u32 $0x1002, v0;
	v22 =	vor.u32 $0x1006, v0;
	v23 =	vor.u32 $0x1003, v0;
	s9 =	sshrl.u32 s9, $0x2  }
0xc: {  	s3 =	sshll.u32 s3, $0x4;
	v24 =	vor.u32 $0x1007, v0;
	v25 =	vor.u32 $0x1800, v0;
	v26 =	vor.u32 $0x1804, v0;
	s10 =	sshrl.u32 s19, $0x1;
	s9 =	sadd.s32 s9, s2  }
0xd: {  	v27 =	vor.u32 $0x1801, v0;
	v28 =	vor.u32 $0x1805, v0;
	v29 =	vor.u32 $0x1802, v0;
	s3 =	sor.u32 s11, s3;
	s7 =	sadd.s32 s8, s7;
	s20 =	sadd.s32 $0x2800, s9  }
0xe: {  	v30 =	vor.u32 $0x1806, v0;
	v31 =	vor.u32 $0x1803, v0;
	v32 =	vor.u32 $0x1807, v0;
	s8 =	sadd.s32 $0x2D400, s1;
	s21 =	sadd.s32 $0x5000, s9;
	[dreg:$0x5] =	wrdreg s20  }
0xf: {  	v33 =	vor.u32 $0x2000, v0;
	v34 =	vor.u32 $0x2004, v0;
	v35 =	vor.u32 $0x2001, v0;
	s18 =	smul.u32 $0x2710, s3;
	s22 =	sadd.s32 $0x7800, s9;
	[dreg:$0x6] =	wrdreg s21  }
0x10: {  	v37 =	vor.u32 $0x2005, v0;
	v38 =	vor.u32 $0x2002, v0;
	v39 =	vor.u32 $0x2006, v0;
	s3 =	simm.s32 $0x180;
	s23 =	sadd.s32 $0xA000, s9;
	[dreg:$0x7] =	wrdreg s22  }
0x11: {  	v40 =	vor.u32 $0x2003, v0;
	v41 =	vor.u32 $0x2007, v0;
	v42 =	vor.u32 $0x1, v36;
	s7 =	sshrl.u32 s7, $0x3;
	s24 =	sadd.s32 $0xC800, s9;
	[dreg:$0x8] =	wrdreg s23  }
0x12: {  	v61 =	vor.u32 $0x2, v36;
	v62 =	vor.u32 $0x3, v36;
	v63 =	vor.u32 $0x40, v36;
	s25 =	sadd.s32 $0xF000, s9;
	s26 =	sadd.s32 $0x11800, s9;
	[dreg:$0x9] =	wrdreg s24  }
0x13: {  	v46 =	vor.u32 $0x41, v36;
	v47 =	vor.u32 $0x42, v36;
	v48 =	vor.u32 $0x43, v36;
	s17 =	sadd.s32 $0x14000, s9;
	s1 =	sadd.s32 s7, s1;
	[dreg:$0xa] =	wrdreg s25  }
0x14: {  	v49 =	vor.u32 $0x80, v36;
	v50 =	vor.u32 $0x81, v36;
	v51 =	vor.u32 $0x82, v36;
	[tilespmem:$0x1FFC0] =	vst v42;
	s7 =	ssub.s32 s19, s10;
	[dreg:$0xb] =	wrdreg s26;
	s21 =	simm.s32 $0x5200  }
0x15: {  	v52 =	vor.u32 $0x83, v36;
	v53 =	vor.u32 $0xC0, v36;
	v54 =	vor.u32 $0xC1, v36;
	[tilespmem:$0x1FFD0] =	vst v61;
	s22 =	simm.s32 $0x3;
	s24 =	simm.s32 $0x80;
	s25 =	simm.s32 $0x50  }
0x16: {  	v55 =	vor.u32 $0xC2, v36;
	v56 =	vor.u32 $0xC3, v36;
	v57 =	vor.u32 $0x100, v36;
	[tilespmem:$0x1FFE0] =	vst v62;
	s26 =	simm.s32 $0x2A00;
	s23 =	simm.s32 $0x1;
	s19 =	sadd.s32 $0x37200, s1  }
0x17: {  	v58 =	vor.u32 $0x101, v36;
	v59 =	vor.u32 $0x102, v36;
	v45 =	vmovc v36;
	v60 =	vor.u32 $0x103, v36;
	[tilespmem:$0x1FFF0] =	vst v63;
	s20 =	smax.u32 s7, $0x1;
	s1 =	simm.s32 $0x7A00;
	s7 =	simm.s32 $0x0  }
.LBB2_1:
0x18: {  	s10 =	simm.s32 $0x40;
	s11 =	simm.s32 $0x0  }
.LBB2_2:
0x19: {  	p0 =	sne.s32 s10, $0x9FC0;
	[tilespmem:s11+$0x5200] =	vst v1;
	s12 =	smov.u32 s10;
	s10 =	sadd.s32 $0x40, s10  }
.Ltmp0:
0x1a: {  	[tilespmem:s11+$0x7A00] =	vst v1;
	(pc) =	sbr.rel @p0 .LBB2_2-.Ltmp0, $2  }
0x1b: {  	_ =	sdelay $0x2  }
0x1c: {  	s11 =	sshra.s32 s12, $0x2  }
0x1d: {  	[tilespmem:s11+$0x5200] =	vst v1  }
0x1e: {  	[tilespmem:s11+$0x7A00] =	vst v1  }
0x1f: {  	[spmem:s9] =	stream.linear.scatter [tilespmem:s21], [sflag:$0x3], $0x2800, $0x38;
	[tilespmem:$0x1E800] =	vst v63  }
0x20: {  	_ =	swait.ge [sflag:s22], $0x2800  }
0x21: {  	[sflag:s22] =	ssyncset.done $0x0  }
0x22: {  	s10 =	rddreg [dreg:$0x5];
	[sflag:s22] =	ssyncadd.s32 $0xFFFFD800  }
0x23: {  	[spmem:s10] =	stream.linear.scatter [tilespmem:s21], [sflag:$0x3], $0x2800, $0x38;
	[tilespmem:$0x1E800] =	vst v63  }
0x24: {  	_ =	swait.ge [sflag:s22], $0x2800  }
0x25: {  	[sflag:s22] =	ssyncset.done $0x0  }
0x26: {  	s16 =	rddreg [dreg:$0x6];
	[sflag:s22] =	ssyncadd.s32 $0xFFFFD800  }
0x27: {  	[spmem:s16] =	stream.linear.scatter [tilespmem:s21], [sflag:$0x3], $0x2800, $0x38;
	[tilespmem:$0x1E800] =	vst v63  }
0x28: {  	_ =	swait.ge [sflag:s22], $0x2800  }
0x29: {  	[sflag:s22] =	ssyncset.done $0x0  }
0x2a: {  	s11 =	rddreg [dreg:$0x7];
	[sflag:s22] =	ssyncadd.s32 $0xFFFFD800  }
0x2b: {  	[spmem:s11] =	stream.linear.scatter [tilespmem:s21], [sflag:$0x3], $0x2800, $0x38;
	[tilespmem:$0x1E800] =	vst v63  }
0x2c: {  	_ =	swait.ge [sflag:s22], $0x2800  }
0x2d: {  	[sflag:s22] =	ssyncset.done $0x0  }
0x2e: {  	s12 =	rddreg [dreg:$0x8];
	[sflag:s22] =	ssyncadd.s32 $0xFFFFD800  }
0x2f: {  	[spmem:s12] =	stream.linear.scatter [tilespmem:s21], [sflag:$0x3], $0x2800, $0x38;
	[tilespmem:$0x1E800] =	vst v63  }
0x30: {  	_ =	swait.ge [sflag:s22], $0x2800  }
0x31: {  	[sflag:s22] =	ssyncset.done $0x0  }
0x32: {  	s13 =	rddreg [dreg:$0x9];
	[sflag:s22] =	ssyncadd.s32 $0xFFFFD800  }
0x33: {  	[spmem:s13] =	stream.linear.scatter [tilespmem:s21], [sflag:$0x3], $0x2800, $0x38;
	[tilespmem:$0x1E800] =	vst v63  }
0x34: {  	_ =	swait.ge [sflag:s22], $0x2800  }
0x35: {  	[sflag:s22] =	ssyncset.done $0x0  }
0x36: {  	s14 =	rddreg [dreg:$0xa];
	[sflag:s22] =	ssyncadd.s32 $0xFFFFD800  }
0x37: {  	[spmem:s14] =	stream.linear.scatter [tilespmem:s21], [sflag:$0x3], $0x2800, $0x38;
	[tilespmem:$0x1E800] =	vst v63  }
0x38: {  	_ =	swait.ge [sflag:s22], $0x2800  }
0x39: {  	[sflag:s22] =	ssyncset.done $0x0  }
0x3a: {  	s15 =	rddreg [dreg:$0xb];
	[sflag:s22] =	ssyncadd.s32 $0xFFFFD800  }
0x3b: {  	[spmem:s15] =	stream.linear.scatter [tilespmem:s21], [sflag:$0x3], $0x2800, $0x38;
	[tilespmem:$0x1E800] =	vst v63  }
0x3c: {  	_ =	swait.ge [sflag:s22], $0x2800  }
0x3d: {  	[sflag:s22] =	ssyncset.done $0x0  }
0x3e: {  	[sflag:s22] =	ssyncadd.s32 $0xFFFFD800  }
0x3f: {  	[spmem:s17] =	stream.linear.scatter [tilespmem:s21], [sflag:$0x3], $0x400, $0x38;
	[tilespmem:$0x1E800] =	vst v63  }
0x40: {  	_ =	swait.ge [sflag:s22], $0x400  }
0x41: {  	[sflag:s22] =	ssyncset.done $0x0  }
0x42: {  	[sflag:s22] =	ssyncadd.s32 $0xFFFFFC00  }
0x43: {  	[bflag:$0x0] =	sbarrier.arrive $0xFFFF  }
0x44: {  	s10 =	simm.s32 $0x0;
	s12 =	simm.s32 $0xA380;
	s16 =	rddreg [dreg:$0x4]  }
0x45: {  	[tilespmem:s12], [sflag:$0x3] =	stream.linear.gather [hbm4b:s16+s10], $0x80, $0x38;
	[tilespmem:$0x1E800] =	vst v63  }
0x46: {  	_ =	swait.ge [sflag:s22], $0x80  }
0x47: {  	[sflag:s22] =	ssyncset.done $0x0  }
0x48: {  	[sflag:s22] =	ssyncadd.s32 $0xFFFFFF80  }
0x49: {  	v61 =	vld [tilespmem:$0xA380]  }
.LBB2_4:
0x4a: {  	s11 =	smul.u32 $0x50, s10;
	_ =	sdelay $0x1  }
0x4b: {  	s11 =	sadd.s32 s18, s11  }
0x4c: {  	s12 =	sshrl.u32 s11, $0x3  }
0x4d: {  	s14 =	simm.s32 $0x3;
	s11 =	sadd.s32 s8, s12  }
0x4e: {  	[tilespmem:s4], [sflag:$0x3] =	stream.linear.gather [hbm4b:s11+s4], $0x50, $0x38;
	[tilespmem:$0x1E800] =	vst v63  }
0x4f: {  	_ =	swait.ge [sflag:s14], $0x50  }
0x50: {  	[sflag:s14] =	ssyncset.done $0x0  }
0x51: {  	s12 =	sadd.s32 s0, s12;
	[sflag:s14] =	ssyncadd.s32 $0xFFFFFFB0  }
0x52: {  	[tilespmem:s24], [sflag:$0x3] =	stream.linear.gather [hbm4b:s12+s4], $0x50, $0x38;
	[tilespmem:$0x1E800] =	vst v63  }
0x53: {  	_ =	swait.ge [sflag:s14], $0x50  }
0x54: {  	[sflag:s14] =	ssyncset.done $0x0  }
0x55: {  	[sflag:s14] =	ssyncadd.s32 $0xFFFFFFB0  }
0x56: {  	[tilespmem:s26], [sflag:$0x1] =	stream.indirect.gather [hbm4b:s5+s25], $0x80, s4, s25, $0xb8;
	[tilespmem:$0x1E800] =	vst v63  }
0x57: {  	v62 =	vld [tilespmem:$0x0]  }
0x58: {  	v63 =	vld [tilespmem:$0x10]  }
0x59: {  	v42 =	vld [tilespmem:$0x20]  }
0x5a: {  	v36 =	vld [tilespmem:$0x30]  }
0x5b: {  	v43 =	vld [tilespmem:$0x40]  }
0x5c: {  	v62 =	vshrl.u32 v62, $0x4  }
0x5d: {  	v44 =	vshrl.u32 v63, $0x4;
	[tilespmem:$0x100] =	vst v62  }
0x5e: {  	v42 =	vshrl.u32 v42, $0x4;
	[tilespmem:$0x110] =	vst v44  }
0x5f: {  	v36 =	vshrl.u32 v36, $0x4;
	[tilespmem:$0x120] =	vst v42  }
0x60: {  	[tilespmem:$0x130] =	vst v36;
	v44 =	vshrl.u32 v43, $0x4  }
0x61: {  	[tilespmem:$0x140] =	vst v44  }
0x62: {  	[tilespmem:s29], [sflag:$0x2] =	stream.indirect.gather [hbm4b:s6+s25], $0x80, s28, s25, $0xb8;
	[tilespmem:$0x1E800] =	vst v63  }
0x63: {  	_ =	swait.ge [sflag:s30], $0x2800  }
0x64: {  	[sflag:s30] =	ssyncset.done $0x0  }
0x65: {  	[sflag:s30] =	ssyncadd.s32 $0xFFFFD800  }
0x66: {  	v62 =	vld [tilespmem:$0x0];
	_ =	sdelay $0x4  }
0x67: {  	v36 =	vshll.u32 v62, $0x3  }
0x68: {  	v36 =	vand.u32 $0x78, v36  }
0x69: {  	v63 =	vor.u32 v0, v36;
	_ =	sdelay $0x4  }
0x6a: {  	v42 =	vld.idx.msk [tilespmem:v63+s29+$0x0], $0xffff  }
0x6b: {  	v62 =	vor.u32 v3, v36;
	_ =	sdelay $0x3  }
0x6c: {  	[tilespmem:v2+s21+$0x0] =	vst.idx.msk $0xffff, v42  }
0x6d: {  	v42 =	vld.idx.msk [tilespmem:v62+s29+$0x0], $0xffff  }
0x6e: {  	v63 =	vor.u32 v5, v36;
	_ =	sdelay $0x3  }
0x6f: {  	[tilespmem:v4+s21+$0x0] =	vst.idx.msk $0xffff, v42  }
0x70: {  	v42 =	vld.idx.msk [tilespmem:v63+s29+$0x0], $0xffff  }
0x71: {  	v36 =	vor.u32 v7, v36;
	_ =	sdelay $0x3  }
0x72: {  	[tilespmem:v6+s21+$0x0] =	vst.idx.msk $0xffff, v42  }
0x73: {  	v36 =	vld.idx.msk [tilespmem:v36+s29+$0x0], $0xffff;
	_ =	sdelay $0x4  }
0x74: {  	[tilespmem:v8+s21+$0x0] =	vst.idx.msk $0xffff, v36  }
0x75: {  	v36 =	vld [tilespmem:$0x10];
	_ =	sdelay $0x4  }
0x76: {  	v36 =	vshll.u32 v36, $0x3  }
0x77: {  	v36 =	vand.u32 $0x78, v36  }
0x78: {  	v62 =	vor.u32 v9, v36;
	_ =	sdelay $0x4  }
0x79: {  	v42 =	vld.idx.msk [tilespmem:v62+s29+$0x0], $0xffff  }
0x7a: {  	v63 =	vor.u32 v11, v36;
	_ =	sdelay $0x3  }
0x7b: {  	[tilespmem:v10+s21+$0x0] =	vst.idx.msk $0xffff, v42  }
0x7c: {  	v42 =	vld.idx.msk [tilespmem:v63+s29+$0x0], $0xffff  }
0x7d: {  	v62 =	vor.u32 v13, v36;
	_ =	sdelay $0x3  }
0x7e: {  	[tilespmem:v12+s21+$0x0] =	vst.idx.msk $0xffff, v42  }
0x7f: {  	v42 =	vld.idx.msk [tilespmem:v62+s29+$0x0], $0xffff  }
0x80: {  	v36 =	vor.u32 v15, v36;
	_ =	sdelay $0x3  }
0x81: {  	[tilespmem:v14+s21+$0x0] =	vst.idx.msk $0xffff, v42  }
0x82: {  	v36 =	vld.idx.msk [tilespmem:v36+s29+$0x0], $0xffff;
	_ =	sdelay $0x4  }
0x83: {  	[tilespmem:v16+s21+$0x0] =	vst.idx.msk $0xffff, v36  }
0x84: {  	v36 =	vld [tilespmem:$0x20];
	_ =	sdelay $0x4  }
0x85: {  	v36 =	vshll.u32 v36, $0x3  }
0x86: {  	v36 =	vand.u32 $0x78, v36  }
0x87: {  	v63 =	vor.u32 v17, v36;
	_ =	sdelay $0x4  }
0x88: {  	v42 =	vld.idx.msk [tilespmem:v63+s29+$0x0], $0xffff  }
0x89: {  	v62 =	vor.u32 v19, v36;
	_ =	sdelay $0x3  }
0x8a: {  	[tilespmem:v18+s21+$0x0] =	vst.idx.msk $0xffff, v42  }
0x8b: {  	v42 =	vld.idx.msk [tilespmem:v62+s29+$0x0], $0xffff  }
0x8c: {  	v63 =	vor.u32 v21, v36;
	_ =	sdelay $0x3  }
0x8d: {  	[tilespmem:v20+s21+$0x0] =	vst.idx.msk $0xffff, v42  }
0x8e: {  	v42 =	vld.idx.msk [tilespmem:v63+s29+$0x0], $0xffff  }
0x8f: {  	v36 =	vor.u32 v23, v36;
	_ =	sdelay $0x3  }
0x90: {  	[tilespmem:v22+s21+$0x0] =	vst.idx.msk $0xffff, v42  }
0x91: {  	v36 =	vld.idx.msk [tilespmem:v36+s29+$0x0], $0xffff;
	_ =	sdelay $0x4  }
0x92: {  	[tilespmem:v24+s21+$0x0] =	vst.idx.msk $0xffff, v36  }
0x93: {  	v36 =	vld [tilespmem:$0x30];
	_ =	sdelay $0x4  }
0x94: {  	v36 =	vshll.u32 v36, $0x3  }
0x95: {  	v36 =	vand.u32 $0x78, v36  }
0x96: {  	v62 =	vor.u32 v25, v36;
	_ =	sdelay $0x4  }
0x97: {  	v42 =	vld.idx.msk [tilespmem:v62+s29+$0x0], $0xffff  }
0x98: {  	v63 =	vor.u32 v27, v36;
	_ =	sdelay $0x3  }
0x99: {  	[tilespmem:v26+s21+$0x0] =	vst.idx.msk $0xffff, v42  }
0x9a: {  	v42 =	vld.idx.msk [tilespmem:v63+s29+$0x0], $0xffff  }
0x9b: {  	v62 =	vor.u32 v29, v36;
	_ =	sdelay $0x3  }
0x9c: {  	[tilespmem:v28+s21+$0x0] =	vst.idx.msk $0xffff, v42  }
0x9d: {  	v42 =	vld.idx.msk [tilespmem:v62+s29+$0x0], $0xffff  }
0x9e: {  	v36 =	vor.u32 v31, v36;
	_ =	sdelay $0x3  }
0x9f: {  	[tilespmem:v30+s21+$0x0] =	vst.idx.msk $0xffff, v42  }
0xa0: {  	v36 =	vld.idx.msk [tilespmem:v36+s29+$0x0], $0xffff;
	_ =	sdelay $0x4  }
0xa1: {  	[tilespmem:v32+s21+$0x0] =	vst.idx.msk $0xffff, v36  }
0xa2: {  	v36 =	vld [tilespmem:$0x40];
	_ =	sdelay $0x4  }
0xa3: {  	v36 =	vshll.u32 v36, $0x3  }
0xa4: {  	v36 =	vand.u32 $0x78, v36  }
0xa5: {  	v63 =	vor.u32 v33, v36;
	_ =	sdelay $0x4  }
0xa6: {  	v42 =	vld.idx.msk [tilespmem:v63+s29+$0x0], $0xffff  }
0xa7: {  	v62 =	vor.u32 v35, v36;
	_ =	sdelay $0x3  }
0xa8: {  	[tilespmem:v34+s21+$0x0] =	vst.idx.msk $0xffff, v42  }
0xa9: {  	v42 =	vld.idx.msk [tilespmem:v62+s29+$0x0], $0xffff  }
0xaa: {  	v63 =	vor.u32 v38, v36;
	_ =	sdelay $0x3  }
0xab: {  	[tilespmem:v37+s21+$0x0] =	vst.idx.msk $0xffff, v42  }
0xac: {  	v42 =	vld.idx.msk [tilespmem:v63+s29+$0x0], $0xffff  }
0xad: {  	v36 =	vor.u32 v40, v36;
	_ =	sdelay $0x3  }
0xae: {  	[tilespmem:v39+s21+$0x0] =	vst.idx.msk $0xffff, v42  }
0xaf: {  	v36 =	vld.idx.msk [tilespmem:v36+s29+$0x0], $0xffff;
	_ =	sdelay $0x4  }
0xb0: {  	[tilespmem:v41+s21+$0x0] =	vst.idx.msk $0xffff, v36  }
0xb1: {  	v36 =	vld [tilespmem:$0x80]  }
0xb2: {  	v42 =	vld [tilespmem:$0x90]  }
0xb3: {  	v43 =	vld [tilespmem:$0xA0]  }
0xb4: {  	v44 =	vld [tilespmem:$0xB0]  }
0xb5: {  	v63 =	vld [tilespmem:$0xC0]  }
0xb6: {  	v36 =	vshrl.u32 v36, $0x4  }
0xb7: {  	v42 =	vshrl.u32 v42, $0x4;
	[tilespmem:$0x100] =	vst v36  }
0xb8: {  	v43 =	vshrl.u32 v43, $0x4;
	[tilespmem:$0x110] =	vst v42  }
0xb9: {  	v44 =	vshrl.u32 v44, $0x4;
	[tilespmem:$0x120] =	vst v43  }
0xba: {  	v62 =	vshrl.u32 v63, $0x4;
	[tilespmem:$0x130] =	vst v44  }
0xbb: {  	[tilespmem:$0x140] =	vst v62  }
0xbc: {  	[tilespmem:s29], [sflag:$0x2] =	stream.indirect.gather [hbm4b:s6+s25], $0x80, s28, s25, $0xb8;
	[tilespmem:$0x1E800] =	vst v63  }
0xbd: {  	_ =	swait.ge [sflag:s30], $0x2800  }
0xbe: {  	[sflag:s30] =	ssyncset.done $0x0  }
0xbf: {  	[sflag:s30] =	ssyncadd.s32 $0xFFFFD800  }
0xc0: {  	v36 =	vld [tilespmem:$0x80];
	_ =	sdelay $0x4  }
0xc1: {  	v63 =	vshll.u32 v36, $0x3  }
0xc2: {  	v42 =	vand.u32 $0x78, v63  }
0xc3: {  	v43 =	vor.u32 v2, v42  }
0xc4: {  	v44 =	vshrl.u32 v36, $0x5  }
0xc5: {  	v62 =	vadd.s32 $0x2710, v44  }
0xc6: {  	[tilespmem:$0x180] =	vst v62  }
0xc7: {  	v62 =	vld.idx.msk [tilespmem:v2+s21+$0x0], $0xffff  }
0xc8: {  	v43 =	vld.idx.msk [tilespmem:v43+s29+$0x0], $0xffff;
	_ =	sdelay $0x4  }
0xc9: {  	v43 =	vadd.f32 v62, v43;
	_ =	sdelay $0x1  }
0xca: {  	v62 =	vmul.f32 $2.000000030e-01, v43  }
0xcb: {  	vm0 =	vgt.f32 v43, $0.0e+00  }
0xcc: {  	v43 =	vsel vm0, v43, v62  }
0xcd: {  	v43 =	vsub.f32 v43, v61;
	_ =	sdelay $0x1  }
0xce: {  	v43 =	vmul.f32 $1.442695020e+00, v43;
	_ =	sdelay $0x1  }
0xcf: {  	(erf) = vpow2.f32 v43;
	_ =	sdelay $0x3  }
0xd0: {  	v36 =	vshll.u32 v36, $0x2  }
0xd1: {  	v36 =	vand.u32 $0x7C, v36  }
0xd2: {  	v43 =	vor.u32 v0, v36  }
0xd3: {  	v62 =	vor.u32 v4, v42;
	_ =	sdelay $0x1  }
0xd4: {  	v44 =	vpop (erf)  }
0xd5: {  	[tilespmem:v45+s31+$0x0] =	vst.idx.msk $0xffff, v44  }
0xd6: {  	[tilespmem:v43+s1+$0x0] =	vst.idx.msk $0xffff, v44  }
0xd7: {  	v43 =	vld.idx.msk [tilespmem:v62+s29+$0x0], $0xffff  }
0xd8: {  	v44 =	vld.idx.msk [tilespmem:v4+s21+$0x0], $0xffff;
	_ =	sdelay $0x4  }
0xd9: {  	v43 =	vadd.f32 v44, v43;
	_ =	sdelay $0x1  }
0xda: {  	v62 =	vmul.f32 $2.000000030e-01, v43  }
0xdb: {  	vm9 =	vgt.f32 v43, $0.0e+00  }
0xdc: {  	v43 =	vsel vm9, v43, v62  }
0xdd: {  	v43 =	vsub.f32 v43, v61;
	_ =	sdelay $0x1  }
0xde: {  	v43 =	vmul.f32 $1.442695020e+00, v43;
	_ =	sdelay $0x1  }
0xdf: {  	(erf) = vpow2.f32 v43;
	_ =	sdelay $0x1  }
0xe0: {  	v44 =	vld [tilespmem:$0x1FFC0];
	_ =	sdelay $0x3  }
0xe1: {  	v43 =	vor.u32 v3, v36  }
0xe2: {  	v62 =	vor.u32 v6, v42;
	_ =	sdelay $0x1  }
0xe3: {  	v63 =	vpop (erf)  }
0xe4: {  	[tilespmem:v44+s31+$0x0] =	vst.idx.msk $0xffff, v63  }
0xe5: {  	[tilespmem:v43+s1+$0x0] =	vst.idx.msk $0xffff, v63  }
0xe6: {  	v43 =	vld.idx.msk [tilespmem:v62+s29+$0x0], $0xffff  }
0xe7: {  	v44 =	vld.idx.msk [tilespmem:v6+s21+$0x0], $0xffff;
	_ =	sdelay $0x4  }
0xe8: {  	v43 =	vadd.f32 v44, v43;
	_ =	sdelay $0x1  }
0xe9: {  	v62 =	vmul.f32 $2.000000030e-01, v43  }
0xea: {  	vm10 =	vgt.f32 v43, $0.0e+00  }
0xeb: {  	v43 =	vsel vm10, v43, v62  }
0xec: {  	v43 =	vsub.f32 v43, v61;
	_ =	sdelay $0x1  }
0xed: {  	v43 =	vmul.f32 $1.442695020e+00, v43;
	_ =	sdelay $0x1  }
0xee: {  	(erf) = vpow2.f32 v43;
	_ =	sdelay $0x1  }
0xef: {  	v63 =	vld [tilespmem:$0x1FFD0];
	_ =	sdelay $0x3  }
0xf0: {  	v43 =	vor.u32 v5, v36  }
0xf1: {  	v42 =	vor.u32 v8, v42;
	_ =	sdelay $0x1  }
0xf2: {  	v62 =	vpop (erf)  }
0xf3: {  	[tilespmem:v63+s31+$0x0] =	vst.idx.msk $0xffff, v62  }
0xf4: {  	[tilespmem:v43+s1+$0x0] =	vst.idx.msk $0xffff, v62  }
0xf5: {  	v42 =	vld.idx.msk [tilespmem:v42+s29+$0x0], $0xffff  }
0xf6: {  	v43 =	vld.idx.msk [tilespmem:v8+s21+$0x0], $0xffff;
	_ =	sdelay $0x4  }
0xf7: {  	v42 =	vadd.f32 v43, v42;
	_ =	sdelay $0x1  }
0xf8: {  	v43 =	vmul.f32 $2.000000030e-01, v42  }
0xf9: {  	vm11 =	vgt.f32 v42, $0.0e+00  }
0xfa: {  	v42 =	vsel vm11, v42, v43  }
0xfb: {  	v42 =	vsub.f32 v42, v61;
	_ =	sdelay $0x1  }
0xfc: {  	v42 =	vmul.f32 $1.442695020e+00, v42;
	_ =	sdelay $0x1  }
0xfd: {  	(erf) = vpow2.f32 v42;
	_ =	sdelay $0x1  }
0xfe: {  	v62 =	vld [tilespmem:$0x1FFE0];
	_ =	sdelay $0x3  }
0xff: {  	v36 =	vor.u32 v7, v36;
	_ =	sdelay $0x2  }
0x100: {  	v42 =	vpop (erf)  }
0x101: {  	[tilespmem:v62+s31+$0x0] =	vst.idx.msk $0xffff, v42  }
0x102: {  	[tilespmem:v36+s1+$0x0] =	vst.idx.msk $0xffff, v42  }
0x103: {  	v36 =	vld [tilespmem:$0x90];
	_ =	sdelay $0x4  }
0x104: {  	v63 =	vshll.u32 v36, $0x3  }
0x105: {  	v42 =	vand.u32 $0x78, v63  }
0x106: {  	v43 =	vor.u32 v10, v42  }
0x107: {  	v44 =	vshrl.u32 v36, $0x5  }
0x108: {  	v62 =	vadd.s32 $0x2710, v44  }
0x109: {  	[tilespmem:$0x190] =	vst v62  }
0x10a: {  	v62 =	vld.idx.msk [tilespmem:v10+s21+$0x0], $0xffff  }
0x10b: {  	v43 =	vld.idx.msk [tilespmem:v43+s29+$0x0], $0xffff;
	_ =	sdelay $0x4  }
0x10c: {  	v43 =	vadd.f32 v62, v43;
	_ =	sdelay $0x1  }
0x10d: {  	v62 =	vmul.f32 $2.000000030e-01, v43  }
0x10e: {  	vm12 =	vgt.f32 v43, $0.0e+00  }
0x10f: {  	v43 =	vsel vm12, v43, v62  }
0x110: {  	v43 =	vsub.f32 v43, v61;
	_ =	sdelay $0x1  }
0x111: {  	v43 =	vmul.f32 $1.442695020e+00, v43;
	_ =	sdelay $0x1  }
0x112: {  	(erf) = vpow2.f32 v43;
	_ =	sdelay $0x1  }
0x113: {  	v44 =	vld [tilespmem:$0x1FFF0];
	_ =	sdelay $0x1  }
0x114: {  	v36 =	vshll.u32 v36, $0x2  }
0x115: {  	v36 =	vand.u32 $0x7C, v36  }
0x116: {  	v43 =	vor.u32 v9, v36  }
0x117: {  	v62 =	vor.u32 v12, v42;
	_ =	sdelay $0x1  }
0x118: {  	v63 =	vpop (erf)  }
0x119: {  	[tilespmem:v44+s31+$0x0] =	vst.idx.msk $0xffff, v63  }
0x11a: {  	[tilespmem:v43+s1+$0x0] =	vst.idx.msk $0xffff, v63  }
0x11b: {  	v43 =	vld.idx.msk [tilespmem:v62+s29+$0x0], $0xffff  }
0x11c: {  	v44 =	vld.idx.msk [tilespmem:v12+s21+$0x0], $0xffff;
	_ =	sdelay $0x4  }
0x11d: {  	v43 =	vadd.f32 v44, v43;
	_ =	sdelay $0x1  }
0x11e: {  	v62 =	vmul.f32 $2.000000030e-01, v43  }
0x11f: {  	vm13 =	vgt.f32 v43, $0.0e+00  }
0x120: {  	v43 =	vsel vm13, v43, v62  }
0x121: {  	v43 =	vsub.f32 v43, v61;
	_ =	sdelay $0x1  }
0x122: {  	v43 =	vmul.f32 $1.442695020e+00, v43;
	_ =	sdelay $0x1  }
0x123: {  	(erf) = vpow2.f32 v43;
	_ =	sdelay $0x5  }
0x124: {  	v43 =	vor.u32 v11, v36  }
0x125: {  	v62 =	vor.u32 v14, v42;
	_ =	sdelay $0x1  }
0x126: {  	v44 =	vpop (erf)  }
0x127: {  	[tilespmem:v46+s31+$0x0] =	vst.idx.msk $0xffff, v44  }
0x128: {  	[tilespmem:v43+s1+$0x0] =	vst.idx.msk $0xffff, v44  }
0x129: {  	v43 =	vld.idx.msk [tilespmem:v62+s29+$0x0], $0xffff  }
0x12a: {  	v44 =	vld.idx.msk [tilespmem:v14+s21+$0x0], $0xffff;
	_ =	sdelay $0x4  }
0x12b: {  	v43 =	vadd.f32 v44, v43;
	_ =	sdelay $0x1  }
0x12c: {  	v62 =	vmul.f32 $2.000000030e-01, v43  }
0x12d: {  	vm14 =	vgt.f32 v43, $0.0e+00  }
0x12e: {  	v43 =	vsel vm14, v43, v62  }
0x12f: {  	v43 =	vsub.f32 v43, v61;
	_ =	sdelay $0x1  }
0x130: {  	v43 =	vmul.f32 $1.442695020e+00, v43;
	_ =	sdelay $0x1  }
0x131: {  	(erf) = vpow2.f32 v43;
	_ =	sdelay $0x5  }
0x132: {  	v43 =	vor.u32 v13, v36  }
0x133: {  	v42 =	vor.u32 v16, v42;
	_ =	sdelay $0x1  }
0x134: {  	v44 =	vpop (erf)  }
0x135: {  	[tilespmem:v47+s31+$0x0] =	vst.idx.msk $0xffff, v44  }
0x136: {  	[tilespmem:v43+s1+$0x0] =	vst.idx.msk $0xffff, v44  }
0x137: {  	v42 =	vld.idx.msk [tilespmem:v42+s29+$0x0], $0xffff  }
0x138: {  	v43 =	vld.idx.msk [tilespmem:v16+s21+$0x0], $0xffff;
	_ =	sdelay $0x4  }
0x139: {  	v42 =	vadd.f32 v43, v42;
	_ =	sdelay $0x1  }
0x13a: {  	v43 =	vmul.f32 $2.000000030e-01, v42  }
0x13b: {  	vm15 =	vgt.f32 v42, $0.0e+00  }
0x13c: {  	v42 =	vsel vm15, v42, v43  }
0x13d: {  	v42 =	vsub.f32 v42, v61;
	_ =	sdelay $0x1  }
0x13e: {  	v42 =	vmul.f32 $1.442695020e+00, v42;
	_ =	sdelay $0x1  }
0x13f: {  	(erf) = vpow2.f32 v42;
	_ =	sdelay $0x5  }
0x140: {  	v36 =	vor.u32 v15, v36;
	_ =	sdelay $0x2  }
0x141: {  	v42 =	vpop (erf)  }
0x142: {  	[tilespmem:v48+s31+$0x0] =	vst.idx.msk $0xffff, v42  }
0x143: {  	[tilespmem:v36+s1+$0x0] =	vst.idx.msk $0xffff, v42  }
0x144: {  	v36 =	vld [tilespmem:$0xA0];
	_ =	sdelay $0x4  }
0x145: {  	v63 =	vshll.u32 v36, $0x3  }
0x146: {  	v42 =	vand.u32 $0x78, v63  }
0x147: {  	v43 =	vor.u32 v18, v42  }
0x148: {  	v44 =	vshrl.u32 v36, $0x5  }
0x149: {  	v62 =	vadd.s32 $0x2710, v44  }
0x14a: {  	[tilespmem:$0x1A0] =	vst v62  }
0x14b: {  	v62 =	vld.idx.msk [tilespmem:v18+s21+$0x0], $0xffff  }
0x14c: {  	v43 =	vld.idx.msk [tilespmem:v43+s29+$0x0], $0xffff;
	_ =	sdelay $0x4  }
0x14d: {  	v43 =	vadd.f32 v62, v43;
	_ =	sdelay $0x1  }
0x14e: {  	v62 =	vmul.f32 $2.000000030e-01, v43  }
0x14f: {  	vm4 =	vgt.f32 v43, $0.0e+00  }
0x150: {  	v43 =	vsel vm4, v43, v62  }
0x151: {  	v43 =	vsub.f32 v43, v61;
	_ =	sdelay $0x1  }
0x152: {  	v43 =	vmul.f32 $1.442695020e+00, v43;
	_ =	sdelay $0x1  }
0x153: {  	(erf) = vpow2.f32 v43;
	_ =	sdelay $0x3  }
0x154: {  	v36 =	vshll.u32 v36, $0x2  }
0x155: {  	v36 =	vand.u32 $0x7C, v36  }
0x156: {  	v43 =	vor.u32 v17, v36  }
0x157: {  	v62 =	vor.u32 v20, v42;
	_ =	sdelay $0x1  }
0x158: {  	v44 =	vpop (erf)  }
0x159: {  	[tilespmem:v49+s31+$0x0] =	vst.idx.msk $0xffff, v44  }
0x15a: {  	[tilespmem:v43+s1+$0x0] =	vst.idx.msk $0xffff, v44  }
0x15b: {  	v43 =	vld.idx.msk [tilespmem:v62+s29+$0x0], $0xffff  }
0x15c: {  	v44 =	vld.idx.msk [tilespmem:v20+s21+$0x0], $0xffff;
	_ =	sdelay $0x4  }
0x15d: {  	v43 =	vadd.f32 v44, v43;
	_ =	sdelay $0x1  }
0x15e: {  	v62 =	vmul.f32 $2.000000030e-01, v43  }
0x15f: {  	vm5 =	vgt.f32 v43, $0.0e+00  }
0x160: {  	v43 =	vsel vm5, v43, v62  }
0x161: {  	v43 =	vsub.f32 v43, v61;
	_ =	sdelay $0x1  }
0x162: {  	v43 =	vmul.f32 $1.442695020e+00, v43;
	_ =	sdelay $0x1  }
0x163: {  	(erf) = vpow2.f32 v43;
	_ =	sdelay $0x5  }
0x164: {  	v43 =	vor.u32 v19, v36  }
0x165: {  	v62 =	vor.u32 v22, v42;
	_ =	sdelay $0x1  }
0x166: {  	v44 =	vpop (erf)  }
0x167: {  	[tilespmem:v50+s31+$0x0] =	vst.idx.msk $0xffff, v44  }
0x168: {  	[tilespmem:v43+s1+$0x0] =	vst.idx.msk $0xffff, v44  }
0x169: {  	v43 =	vld.idx.msk [tilespmem:v62+s29+$0x0], $0xffff  }
0x16a: {  	v44 =	vld.idx.msk [tilespmem:v22+s21+$0x0], $0xffff;
	_ =	sdelay $0x4  }
0x16b: {  	v43 =	vadd.f32 v44, v43;
	_ =	sdelay $0x1  }
0x16c: {  	v62 =	vmul.f32 $2.000000030e-01, v43  }
0x16d: {  	vm6 =	vgt.f32 v43, $0.0e+00  }
0x16e: {  	v43 =	vsel vm6, v43, v62  }
0x16f: {  	v43 =	vsub.f32 v43, v61;
	_ =	sdelay $0x1  }
0x170: {  	v43 =	vmul.f32 $1.442695020e+00, v43;
	_ =	sdelay $0x1  }
0x171: {  	(erf) = vpow2.f32 v43;
	_ =	sdelay $0x5  }
0x172: {  	v43 =	vor.u32 v21, v36  }
0x173: {  	v42 =	vor.u32 v24, v42;
	_ =	sdelay $0x1  }
0x174: {  	v44 =	vpop (erf)  }
0x175: {  	[tilespmem:v51+s31+$0x0] =	vst.idx.msk $0xffff, v44  }
0x176: {  	[tilespmem:v43+s1+$0x0] =	vst.idx.msk $0xffff, v44  }
0x177: {  	v42 =	vld.idx.msk [tilespmem:v42+s29+$0x0], $0xffff  }
0x178: {  	v43 =	vld.idx.msk [tilespmem:v24+s21+$0x0], $0xffff;
	_ =	sdelay $0x4  }
0x179: {  	v42 =	vadd.f32 v43, v42;
	_ =	sdelay $0x1  }
0x17a: {  	v43 =	vmul.f32 $2.000000030e-01, v42  }
0x17b: {  	vm7 =	vgt.f32 v42, $0.0e+00  }
0x17c: {  	v42 =	vsel vm7, v42, v43  }
0x17d: {  	v42 =	vsub.f32 v42, v61;
	_ =	sdelay $0x1  }
0x17e: {  	v42 =	vmul.f32 $1.442695020e+00, v42;
	_ =	sdelay $0x1  }
0x17f: {  	(erf) = vpow2.f32 v42;
	_ =	sdelay $0x5  }
0x180: {  	v36 =	vor.u32 v23, v36;
	_ =	sdelay $0x2  }
0x181: {  	v42 =	vpop (erf)  }
0x182: {  	[tilespmem:v52+s31+$0x0] =	vst.idx.msk $0xffff, v42  }
0x183: {  	[tilespmem:v36+s1+$0x0] =	vst.idx.msk $0xffff, v42  }
0x184: {  	v36 =	vld [tilespmem:$0xB0];
	_ =	sdelay $0x4  }
0x185: {  	v63 =	vshll.u32 v36, $0x3  }
0x186: {  	v42 =	vand.u32 $0x78, v63  }
0x187: {  	v43 =	vor.u32 v26, v42  }
0x188: {  	v44 =	vshrl.u32 v36, $0x5  }
0x189: {  	v62 =	vadd.s32 $0x2710, v44  }
0x18a: {  	[tilespmem:$0x1B0] =	vst v62  }
0x18b: {  	v62 =	vld.idx.msk [tilespmem:v26+s21+$0x0], $0xffff  }
0x18c: {  	v43 =	vld.idx.msk [tilespmem:v43+s29+$0x0], $0xffff;
	_ =	sdelay $0x4  }
0x18d: {  	v43 =	vadd.f32 v62, v43;
	_ =	sdelay $0x1  }
0x18e: {  	v62 =	vmul.f32 $2.000000030e-01, v43  }
0x18f: {  	vm8 =	vgt.f32 v43, $0.0e+00  }
0x190: {  	v43 =	vsel vm8, v43, v62  }
0x191: {  	v43 =	vsub.f32 v43, v61;
	_ =	sdelay $0x1  }
0x192: {  	v43 =	vmul.f32 $1.442695020e+00, v43;
	_ =	sdelay $0x1  }
0x193: {  	(erf) = vpow2.f32 v43;
	_ =	sdelay $0x3  }
0x194: {  	v36 =	vshll.u32 v36, $0x2  }
0x195: {  	v36 =	vand.u32 $0x7C, v36  }
0x196: {  	v43 =	vor.u32 v25, v36  }
0x197: {  	v62 =	vor.u32 v28, v42;
	_ =	sdelay $0x1  }
0x198: {  	v44 =	vpop (erf)  }
0x199: {  	[tilespmem:v53+s31+$0x0] =	vst.idx.msk $0xffff, v44  }
0x19a: {  	[tilespmem:v43+s1+$0x0] =	vst.idx.msk $0xffff, v44  }
0x19b: {  	v43 =	vld.idx.msk [tilespmem:v62+s29+$0x0], $0xffff  }
0x19c: {  	v44 =	vld.idx.msk [tilespmem:v28+s21+$0x0], $0xffff;
	_ =	sdelay $0x4  }
0x19d: {  	v43 =	vadd.f32 v44, v43;
	_ =	sdelay $0x1  }
0x19e: {  	v62 =	vmul.f32 $2.000000030e-01, v43  }
0x19f: {  	vm9 =	vgt.f32 v43, $0.0e+00  }
0x1a0: {  	v43 =	vsel vm9, v43, v62  }
0x1a1: {  	v43 =	vsub.f32 v43, v61;
	_ =	sdelay $0x1  }
0x1a2: {  	v43 =	vmul.f32 $1.442695020e+00, v43;
	_ =	sdelay $0x1  }
0x1a3: {  	(erf) = vpow2.f32 v43;
	_ =	sdelay $0x5  }
0x1a4: {  	v43 =	vor.u32 v27, v36  }
0x1a5: {  	v62 =	vor.u32 v30, v42;
	_ =	sdelay $0x1  }
0x1a6: {  	v44 =	vpop (erf)  }
0x1a7: {  	[tilespmem:v54+s31+$0x0] =	vst.idx.msk $0xffff, v44  }
0x1a8: {  	[tilespmem:v43+s1+$0x0] =	vst.idx.msk $0xffff, v44  }
0x1a9: {  	v43 =	vld.idx.msk [tilespmem:v62+s29+$0x0], $0xffff  }
0x1aa: {  	v44 =	vld.idx.msk [tilespmem:v30+s21+$0x0], $0xffff;
	_ =	sdelay $0x4  }
0x1ab: {  	v43 =	vadd.f32 v44, v43;
	_ =	sdelay $0x1  }
0x1ac: {  	v62 =	vmul.f32 $2.000000030e-01, v43  }
0x1ad: {  	vm10 =	vgt.f32 v43, $0.0e+00  }
0x1ae: {  	v43 =	vsel vm10, v43, v62  }
0x1af: {  	v43 =	vsub.f32 v43, v61;
	_ =	sdelay $0x1  }
0x1b0: {  	v43 =	vmul.f32 $1.442695020e+00, v43;
	_ =	sdelay $0x1  }
0x1b1: {  	(erf) = vpow2.f32 v43;
	_ =	sdelay $0x5  }
0x1b2: {  	v43 =	vor.u32 v29, v36  }
0x1b3: {  	v42 =	vor.u32 v32, v42;
	_ =	sdelay $0x1  }
0x1b4: {  	v44 =	vpop (erf)  }
0x1b5: {  	[tilespmem:v55+s31+$0x0] =	vst.idx.msk $0xffff, v44  }
0x1b6: {  	[tilespmem:v43+s1+$0x0] =	vst.idx.msk $0xffff, v44  }
0x1b7: {  	v42 =	vld.idx.msk [tilespmem:v42+s29+$0x0], $0xffff  }
0x1b8: {  	v43 =	vld.idx.msk [tilespmem:v32+s21+$0x0], $0xffff;
	_ =	sdelay $0x4  }
0x1b9: {  	v42 =	vadd.f32 v43, v42;
	_ =	sdelay $0x1  }
0x1ba: {  	v43 =	vmul.f32 $2.000000030e-01, v42  }
0x1bb: {  	vm11 =	vgt.f32 v42, $0.0e+00  }
0x1bc: {  	v42 =	vsel vm11, v42, v43  }
0x1bd: {  	v42 =	vsub.f32 v42, v61;
	_ =	sdelay $0x1  }
0x1be: {  	v42 =	vmul.f32 $1.442695020e+00, v42;
	_ =	sdelay $0x1  }
0x1bf: {  	(erf) = vpow2.f32 v42;
	_ =	sdelay $0x5  }
0x1c0: {  	v36 =	vor.u32 v31, v36;
	_ =	sdelay $0x2  }
0x1c1: {  	v42 =	vpop (erf)  }
0x1c2: {  	[tilespmem:v56+s31+$0x0] =	vst.idx.msk $0xffff, v42  }
0x1c3: {  	[tilespmem:v36+s1+$0x0] =	vst.idx.msk $0xffff, v42  }
0x1c4: {  	v36 =	vld [tilespmem:$0xC0];
	_ =	sdelay $0x4  }
0x1c5: {  	v63 =	vshll.u32 v36, $0x3  }
0x1c6: {  	v42 =	vand.u32 $0x78, v63  }
0x1c7: {  	v43 =	vor.u32 v34, v42  }
0x1c8: {  	v44 =	vshrl.u32 v36, $0x5  }
0x1c9: {  	v62 =	vadd.s32 $0x2710, v44  }
0x1ca: {  	[tilespmem:$0x1C0] =	vst v62  }
0x1cb: {  	v62 =	vld.idx.msk [tilespmem:v34+s21+$0x0], $0xffff  }
0x1cc: {  	v43 =	vld.idx.msk [tilespmem:v43+s29+$0x0], $0xffff;
	_ =	sdelay $0x4  }
0x1cd: {  	v43 =	vadd.f32 v62, v43;
	_ =	sdelay $0x1  }
0x1ce: {  	v62 =	vmul.f32 $2.000000030e-01, v43  }
0x1cf: {  	vm12 =	vgt.f32 v43, $0.0e+00  }
0x1d0: {  	v43 =	vsel vm12, v43, v62  }
0x1d1: {  	v43 =	vsub.f32 v43, v61;
	_ =	sdelay $0x1  }
0x1d2: {  	v43 =	vmul.f32 $1.442695020e+00, v43;
	_ =	sdelay $0x1  }
0x1d3: {  	(erf) = vpow2.f32 v43;
	_ =	sdelay $0x3  }
0x1d4: {  	v36 =	vshll.u32 v36, $0x2  }
0x1d5: {  	v36 =	vand.u32 $0x7C, v36  }
0x1d6: {  	v43 =	vor.u32 v33, v36  }
0x1d7: {  	v62 =	vor.u32 v37, v42;
	_ =	sdelay $0x1  }
0x1d8: {  	v44 =	vpop (erf)  }
0x1d9: {  	[tilespmem:v57+s31+$0x0] =	vst.idx.msk $0xffff, v44  }
0x1da: {  	[tilespmem:v43+s1+$0x0] =	vst.idx.msk $0xffff, v44  }
0x1db: {  	v43 =	vld.idx.msk [tilespmem:v62+s29+$0x0], $0xffff  }
0x1dc: {  	v44 =	vld.idx.msk [tilespmem:v37+s21+$0x0], $0xffff;
	_ =	sdelay $0x4  }
0x1dd: {  	v43 =	vadd.f32 v44, v43;
	_ =	sdelay $0x1  }
0x1de: {  	v62 =	vmul.f32 $2.000000030e-01, v43  }
0x1df: {  	vm13 =	vgt.f32 v43, $0.0e+00  }
0x1e0: {  	v43 =	vsel vm13, v43, v62  }
0x1e1: {  	v43 =	vsub.f32 v43, v61;
	_ =	sdelay $0x1  }
0x1e2: {  	v43 =	vmul.f32 $1.442695020e+00, v43;
	_ =	sdelay $0x1  }
0x1e3: {  	(erf) = vpow2.f32 v43;
	_ =	sdelay $0x5  }
0x1e4: {  	v43 =	vor.u32 v35, v36  }
0x1e5: {  	v62 =	vor.u32 v39, v42;
	_ =	sdelay $0x1  }
0x1e6: {  	v44 =	vpop (erf)  }
0x1e7: {  	[tilespmem:v58+s31+$0x0] =	vst.idx.msk $0xffff, v44  }
0x1e8: {  	[tilespmem:v43+s1+$0x0] =	vst.idx.msk $0xffff, v44  }
0x1e9: {  	v43 =	vld.idx.msk [tilespmem:v62+s29+$0x0], $0xffff  }
0x1ea: {  	v44 =	vld.idx.msk [tilespmem:v39+s21+$0x0], $0xffff;
	_ =	sdelay $0x4  }
0x1eb: {  	v43 =	vadd.f32 v44, v43;
	_ =	sdelay $0x1  }
0x1ec: {  	v62 =	vmul.f32 $2.000000030e-01, v43  }
0x1ed: {  	vm14 =	vgt.f32 v43, $0.0e+00  }
0x1ee: {  	v43 =	vsel vm14, v43, v62  }
0x1ef: {  	v43 =	vsub.f32 v43, v61;
	_ =	sdelay $0x1  }
0x1f0: {  	v43 =	vmul.f32 $1.442695020e+00, v43;
	_ =	sdelay $0x1  }
0x1f1: {  	(erf) = vpow2.f32 v43;
	_ =	sdelay $0x5  }
0x1f2: {  	v43 =	vor.u32 v38, v36  }
0x1f3: {  	v42 =	vor.u32 v41, v42;
	_ =	sdelay $0x1  }
0x1f4: {  	v44 =	vpop (erf)  }
0x1f5: {  	[tilespmem:v59+s31+$0x0] =	vst.idx.msk $0xffff, v44  }
0x1f6: {  	[tilespmem:v43+s1+$0x0] =	vst.idx.msk $0xffff, v44  }
0x1f7: {  	v42 =	vld.idx.msk [tilespmem:v42+s29+$0x0], $0xffff  }
0x1f8: {  	v43 =	vld.idx.msk [tilespmem:v41+s21+$0x0], $0xffff;
	_ =	sdelay $0x4  }
0x1f9: {  	v42 =	vadd.f32 v43, v42;
	_ =	sdelay $0x1  }
0x1fa: {  	v43 =	vmul.f32 $2.000000030e-01, v42  }
0x1fb: {  	vm15 =	vgt.f32 v42, $0.0e+00  }
0x1fc: {  	v42 =	vsel vm15, v42, v43  }
0x1fd: {  	v42 =	vsub.f32 v42, v61;
	_ =	sdelay $0x1  }
0x1fe: {  	v42 =	vmul.f32 $1.442695020e+00, v42;
	_ =	sdelay $0x1  }
0x1ff: {  	(erf) = vpow2.f32 v42;
	_ =	sdelay $0x5  }
0x200: {  	s15 =	simm.s32 $0x0;
	v36 =	vor.u32 v40, v36  }
0x201: {  	v63 =	vmov s15  }
0x202: {  	v42 =	vand.u32 $0xFFFFFFFC, v63  }
0x203: {  	v42 =	vbroadcast v42, $0x0;
	v62 =	vpop (erf)  }
0x204: {  	[tilespmem:v60+s31+$0x0] =	vst.idx.msk $0xffff, v62  }
0x205: {  	[tilespmem:v36+s1+$0x0] =	vst.idx.msk $0xffff, v62  }
0x206: {  	s13 =	simm.s32 $0x1;
	_ =	swait.ge [sflag:s23], $0x2800  }
0x207: {  	v43 =	vmov s13;
	[sflag:s23] =	ssyncset.done $0x0  }
0x208: {  	s16 =	simm.s32 $0x2;
	v43 =	vand.u32 $0xFFFFFFFD, v43;
	[sflag:s23] =	ssyncadd.s32 $0xFFFFD800  }
0x209: {  	s12 =	simm.s32 $0x2A40;
	v43 =	vbroadcast v43, $0x0;
	v63 =	vmov s16;
	v42 =	vld.idx.msk [tilespmem:v42+s31+$0x0], $0xffff  }
0x20a: {  	v36 =	vand.u32 $0xFFFFFFFE, v63;
	v44 =	vld [tilespmem:s12+$0xFFFFFFC0]  }
0x20b: {  	v62 =	vmov s14;
	v36 =	vbroadcast v36, $0x0;
	_ =	sdelay $0x3  }
0x20c: {  	v43 =	vld.idx.msk [tilespmem:v43+s31+$0x0], $0xffff;
	v63 =	vmul.f32 v44, v42  }
0x20d: {  	s11 =	simm.s32 $0x5240;
	v62 =	vld.idx.msk [tilespmem:v62+s31+$0x0], $0xffff  }
0x20e: {  	v36 =	vld.idx.msk [tilespmem:v36+s31+$0x0], $0xffff;
	[tilespmem:s11+$0xFFFFFFC0] =	vst v63  }
0x20f: {  	v63 =	vld [tilespmem:s12+$0xFFFFFFD0];
	_ =	sdelay $0x4  }
0x210: {  	v42 =	vmul.f32 v63, v42;
	_ =	sdelay $0x1  }
0x211: {  	[tilespmem:s11+$0xFFFFFFD0] =	vst v42  }
0x212: {  	v42 =	vld [tilespmem:s12+$0xFFFFFFE0];
	_ =	sdelay $0x4  }
0x213: {  	v42 =	vmul.f32 v42, v43;
	_ =	sdelay $0x1  }
0x214: {  	[tilespmem:s11+$0xFFFFFFE0] =	vst v42  }
0x215: {  	v42 =	vld [tilespmem:s12+$0xFFFFFFF0];
	_ =	sdelay $0x4  }
0x216: {  	v42 =	vmul.f32 v42, v43;
	_ =	sdelay $0x1  }
0x217: {  	[tilespmem:s11+$0xFFFFFFF0] =	vst v42  }
0x218: {  	v42 =	vld [tilespmem:s12+$0x0];
	_ =	sdelay $0x4  }
0x219: {  	v42 =	vmul.f32 v42, v36;
	_ =	sdelay $0x1  }
0x21a: {  	[tilespmem:s11+$0x0] =	vst v42  }
0x21b: {  	v42 =	vld [tilespmem:s12+$0x10];
	_ =	sdelay $0x4  }
0x21c: {  	v36 =	vmul.f32 v42, v36;
	_ =	sdelay $0x1  }
0x21d: {  	[tilespmem:s11+$0x10] =	vst v36  }
0x21e: {  	v36 =	vld [tilespmem:s12+$0x20];
	_ =	sdelay $0x4  }
0x21f: {  	v36 =	vmul.f32 v36, v62;
	_ =	sdelay $0x1  }
0x220: {  	s15 =	simm.s32 $0x4;
	s13 =	simm.s32 $0x7;
	s14 =	simm.s32 $0xB;
	[tilespmem:s11+$0x20] =	vst v36  }
.LBB2_5:
0x221: {  	p0 =	sne.s32 s14, $0x13F;
	v36 =	vmov s15;
	v42 =	vld [tilespmem:s12+$0x30]  }
0x222: {  	v36 =	vand.u32 $0xFFFFFFFC, v36  }
0x223: {  	s15 =	sadd.s32 $0xFFFFFFFF, s13;
	v36 =	vbroadcast v36, $0x0  }
0x224: {  	s16 =	sadd.s32 $0xFFFFFFFE, s13;
	v43 =	vmov s15  }
0x225: {  	v44 =	vmov s13;
	s13 =	smov.u32 s14;
	v63 =	vmov s16;
	v43 =	vand.u32 $0xFFFFFFFE, v43  }
0x226: {  	v63 =	vand.u32 $0xFFFFFFFD, v63;
	v43 =	vbroadcast v43, $0x0;
	v42 =	vmul.f32 v42, v62  }
0x227: {  	v63 =	vbroadcast v63, $0x0  }
0x228: {  	[tilespmem:s11+$0x30] =	vst v42  }
0x229: {  	s12 =	sadd.s32 $0x80, s12;
	v36 =	vld.idx.msk [tilespmem:v36+s31+$0x0], $0xffff  }
0x22a: {  	v42 =	vld [tilespmem:s12+$0xFFFFFFC0]  }
0x22b: {  	v62 =	vld.idx.msk [tilespmem:v44+s31+$0x0], $0xffff  }
0x22c: {  	v43 =	vld.idx.msk [tilespmem:v43+s31+$0x0], $0xffff  }
0x22d: {  	v44 =	vld.idx.msk [tilespmem:v63+s31+$0x0], $0xffff;
	_ =	sdelay $0x1  }
0x22e: {  	v42 =	vmul.f32 v42, v36  }
0x22f: {  	s11 =	sadd.s32 $0x80, s11  }
0x230: {  	[tilespmem:s11+$0xFFFFFFC0] =	vst v42  }
0x231: {  	v42 =	vld [tilespmem:s12+$0xFFFFFFD0];
	_ =	sdelay $0x4  }
0x232: {  	v36 =	vmul.f32 v42, v36;
	_ =	sdelay $0x1  }
0x233: {  	[tilespmem:s11+$0xFFFFFFD0] =	vst v36  }
0x234: {  	v36 =	vld [tilespmem:s12+$0xFFFFFFE0];
	_ =	sdelay $0x4  }
0x235: {  	v36 =	vmul.f32 v36, v44;
	_ =	sdelay $0x1  }
0x236: {  	[tilespmem:s11+$0xFFFFFFE0] =	vst v36  }
0x237: {  	v36 =	vld [tilespmem:s12+$0xFFFFFFF0];
	_ =	sdelay $0x4  }
0x238: {  	v36 =	vmul.f32 v36, v44;
	_ =	sdelay $0x1  }
0x239: {  	[tilespmem:s11+$0xFFFFFFF0] =	vst v36  }
0x23a: {  	v36 =	vld [tilespmem:s12+$0x0];
	_ =	sdelay $0x4  }
0x23b: {  	v36 =	vmul.f32 v36, v43;
	_ =	sdelay $0x1  }
0x23c: {  	[tilespmem:s11+$0x0] =	vst v36  }
0x23d: {  	v36 =	vld [tilespmem:s12+$0x10];
	_ =	sdelay $0x4  }
0x23e: {  	v36 =	vmul.f32 v36, v43;
	_ =	sdelay $0x1  }
0x23f: {  	[tilespmem:s11+$0x10] =	vst v36  }
0x240: {  	v36 =	vld [tilespmem:s12+$0x20];
	_ =	sdelay $0x2  }
.Ltmp1:
0x241: {  	(pc) =	sbr.rel @p0 .LBB2_5-.Ltmp1, $3  }
0x242: {  	_ = 	snop  }
0x243: {  	v36 =	vmul.f32 v36, v62;
	_ =	sdelay $0x1  }
0x244: {  	s14 =	sadd.s32 $0x4, s14;
	s15 =	sadd.s32 $0xFFFFFFFD, s13;
	[tilespmem:s11+$0x20] =	vst v36  }
0x245: {  	v36 =	vmov s15;
	v42 =	vld [tilespmem:s12+$0x30]  }
0x246: {  	v36 =	vand.u32 $0xFFFFFFFC, v36  }
0x247: {  	v36 =	vbroadcast v36, $0x0;
	_ =	sdelay $0x2  }
0x248: {  	s14 =	sadd.s32 $0xFFFFFFFF, s13;
	v42 =	vmul.f32 v42, v62  }
0x249: {  	s16 =	sadd.s32 $0xFFFFFFFE, s13;
	v43 =	vmov s14  }
0x24a: {  	v44 =	vmov s16;
	v43 =	vand.u32 $0xFFFFFFFE, v43;
	[tilespmem:s11+$0x30] =	vst v42  }
0x24b: {  	s15 =	sadd.s32 $0x80, s12;
	v44 =	vand.u32 $0xFFFFFFFD, v44;
	v43 =	vbroadcast v43, $0x0;
	v36 =	vld.idx.msk [tilespmem:v36+s31+$0x0], $0xffff  }
0x24c: {  	v44 =	vbroadcast v44, $0x0;
	v62 =	vld [tilespmem:s15+$0xFFFFFFC0];
	_ =	sdelay $0x1  }
0x24d: {  	v42 =	vmov s13;
	_ =	sdelay $0x2  }
0x24e: {  	v43 =	vld.idx.msk [tilespmem:v43+s31+$0x0], $0xffff;
	v62 =	vmul.f32 v62, v36  }
0x24f: {  	s16 =	sadd.s32 $0x80, s11;
	v44 =	vld.idx.msk [tilespmem:v44+s31+$0x0], $0xffff  }
0x250: {  	v42 =	vld.idx.msk [tilespmem:v42+s31+$0x0], $0xffff;
	[tilespmem:s16+$0xFFFFFFC0] =	vst v62  }
0x251: {  	v62 =	vld [tilespmem:s15+$0xFFFFFFD0];
	_ =	sdelay $0x4  }
0x252: {  	v36 =	vmul.f32 v62, v36;
	_ =	sdelay $0x1  }
0x253: {  	[tilespmem:s16+$0xFFFFFFD0] =	vst v36  }
0x254: {  	v36 =	vld [tilespmem:s15+$0xFFFFFFE0];
	_ =	sdelay $0x4  }
0x255: {  	v36 =	vmul.f32 v36, v44;
	_ =	sdelay $0x1  }
0x256: {  	[tilespmem:s16+$0xFFFFFFE0] =	vst v36  }
0x257: {  	v36 =	vld [tilespmem:s15+$0xFFFFFFF0];
	_ =	sdelay $0x4  }
0x258: {  	v36 =	vmul.f32 v36, v44;
	_ =	sdelay $0x1  }
0x259: {  	[tilespmem:s16+$0xFFFFFFF0] =	vst v36  }
0x25a: {  	v36 =	vld [tilespmem:s15+$0x0];
	_ =	sdelay $0x4  }
0x25b: {  	v36 =	vmul.f32 v36, v43;
	_ =	sdelay $0x1  }
0x25c: {  	[tilespmem:s16+$0x0] =	vst v36  }
0x25d: {  	v36 =	vld [tilespmem:s15+$0x10];
	_ =	sdelay $0x4  }
0x25e: {  	v36 =	vmul.f32 v36, v43;
	_ =	sdelay $0x1  }
0x25f: {  	[tilespmem:s16+$0x10] =	vst v36  }
0x260: {  	v36 =	vld [tilespmem:s15+$0x20];
	_ =	sdelay $0x4  }
0x261: {  	v36 =	vmul.f32 v36, v42;
	_ =	sdelay $0x1  }
0x262: {  	[tilespmem:s16+$0x20] =	vst v36  }
0x263: {  	v36 =	vld [tilespmem:s15+$0x30];
	_ =	sdelay $0x4  }
0x264: {  	v36 =	vmul.f32 v36, v42;
	_ =	sdelay $0x1  }
0x265: {  	[tilespmem:s16+$0x30] =	vst v36  }
0x266: {  	[spmem:s2] =	stream.indirect.scatter.add.f32 [tilespmem:s21], [sflag:$0x3], $0x80, s24, s25, $0xb8;
	[tilespmem:$0x1E800] =	vst v63  }
0x267: {  	_ =	swait.ge [sflag:s22], $0x2800  }
0x268: {  	[sflag:s22] =	ssyncset.done $0x0  }
0x269: {  	[sflag:s22] =	ssyncadd.s32 $0xFFFFD800  }
0x26a: {  	[spmem:s2] =	stream.indirect.scatter.add.f32 [tilespmem:s1], [sflag:$0x3], $0x80, s3, s25, $0xb8;
	[tilespmem:$0x1E800] =	vst v63  }
0x26b: {  	_ =	swait.ge [sflag:s22], $0x2800  }
0x26c: {  	[sflag:s22] =	ssyncset.done $0x0  }
0x26d: {  	[sflag:s22] =	ssyncadd.s32 $0xFFFFD800  }
0x26e: {  	v44 =	vld [tilespmem:$0x80];
	_ =	sdelay $0x4  }
0x26f: {  	v36 =	vshll.u32 v44, $0x2  }
0x270: {  	v36 =	vand.u32 $0x7C, v36  }
0x271: {  	v42 =	vor.u32 v0, v36  }
0x272: {  	v62 =	vor.u32 v3, v36  }
0x273: {  	v63 =	vor.u32 v5, v36  }
0x274: {  	v36 =	vor.u32 v7, v36;
	_ =	sdelay $0x1  }
0x275: {  	[tilespmem:v42+s1+$0x0] =	vst.idx.msk $0xffff, v1  }
0x276: {  	[tilespmem:v62+s1+$0x0] =	vst.idx.msk $0xffff, v1  }
0x277: {  	[tilespmem:v63+s1+$0x0] =	vst.idx.msk $0xffff, v1  }
0x278: {  	[tilespmem:v36+s1+$0x0] =	vst.idx.msk $0xffff, v1  }
0x279: {  	v36 =	vld [tilespmem:$0x90];
	_ =	sdelay $0x4  }
0x27a: {  	v36 =	vshll.u32 v36, $0x2  }
0x27b: {  	v36 =	vand.u32 $0x7C, v36  }
0x27c: {  	v42 =	vor.u32 v9, v36  }
0x27d: {  	v62 =	vor.u32 v11, v36  }
0x27e: {  	v63 =	vor.u32 v13, v36  }
0x27f: {  	v36 =	vor.u32 v15, v36;
	_ =	sdelay $0x1  }
0x280: {  	[tilespmem:v42+s1+$0x0] =	vst.idx.msk $0xffff, v1  }
0x281: {  	[tilespmem:v62+s1+$0x0] =	vst.idx.msk $0xffff, v1  }
0x282: {  	[tilespmem:v63+s1+$0x0] =	vst.idx.msk $0xffff, v1  }
0x283: {  	[tilespmem:v36+s1+$0x0] =	vst.idx.msk $0xffff, v1  }
0x284: {  	v36 =	vld [tilespmem:$0xA0];
	_ =	sdelay $0x4  }
0x285: {  	v36 =	vshll.u32 v36, $0x2  }
0x286: {  	v36 =	vand.u32 $0x7C, v36  }
0x287: {  	v42 =	vor.u32 v17, v36  }
0x288: {  	v62 =	vor.u32 v19, v36  }
0x289: {  	v63 =	vor.u32 v21, v36  }
0x28a: {  	v36 =	vor.u32 v23, v36;
	_ =	sdelay $0x1  }
0x28b: {  	[tilespmem:v42+s1+$0x0] =	vst.idx.msk $0xffff, v1  }
0x28c: {  	[tilespmem:v62+s1+$0x0] =	vst.idx.msk $0xffff, v1  }
0x28d: {  	[tilespmem:v63+s1+$0x0] =	vst.idx.msk $0xffff, v1  }
0x28e: {  	[tilespmem:v36+s1+$0x0] =	vst.idx.msk $0xffff, v1  }
0x28f: {  	v36 =	vld [tilespmem:$0xB0];
	_ =	sdelay $0x4  }
0x290: {  	v36 =	vshll.u32 v36, $0x2  }
0x291: {  	v36 =	vand.u32 $0x7C, v36  }
0x292: {  	v42 =	vor.u32 v25, v36  }
0x293: {  	v62 =	vor.u32 v27, v36  }
0x294: {  	v63 =	vor.u32 v29, v36  }
0x295: {  	v36 =	vor.u32 v31, v36;
	_ =	sdelay $0x1  }
0x296: {  	[tilespmem:v42+s1+$0x0] =	vst.idx.msk $0xffff, v1  }
0x297: {  	[tilespmem:v62+s1+$0x0] =	vst.idx.msk $0xffff, v1  }
0x298: {  	[tilespmem:v63+s1+$0x0] =	vst.idx.msk $0xffff, v1  }
0x299: {  	[tilespmem:v36+s1+$0x0] =	vst.idx.msk $0xffff, v1  }
0x29a: {  	v36 =	vld [tilespmem:$0xC0];
	_ =	sdelay $0x4  }
0x29b: {  	v36 =	vshll.u32 v36, $0x2  }
0x29c: {  	v36 =	vand.u32 $0x7C, v36  }
0x29d: {  	v42 =	vor.u32 v33, v36  }
0x29e: {  	v62 =	vor.u32 v35, v36  }
0x29f: {  	s10 =	sadd.s32 $0x1, s10;
	v63 =	vor.u32 v38, v36  }
0x2a0: {  	p0 =	sne.s32 s10, $0x7D;
	v36 =	vor.u32 v40, v36  }
.Ltmp2:
0x2a1: {  	_ = 	snop;
	(pc) =	sbr.rel @p0 .LBB2_4-.Ltmp2, $4  }
0x2a2: {  	[tilespmem:v42+s1+$0x0] =	vst.idx.msk $0xffff, v1  }
0x2a3: {  	[tilespmem:v62+s1+$0x0] =	vst.idx.msk $0xffff, v1  }
0x2a4: {  	[tilespmem:v63+s1+$0x0] =	vst.idx.msk $0xffff, v1  }
0x2a5: {  	[tilespmem:v36+s1+$0x0] =	vst.idx.msk $0xffff, v1  }
0x2a6: {  	s10 =	stileid.u32;
	s7 =	sadd.s32 $0x1, s7  }
0x2a7: {  	[bflag:$0x0] =	sbarrier.arrive $0xFFFF;
	s10 =	sshll.u32 s10, $0x6;
	p0 =	sne.s32 s7, s20  }
.Ltmp3:
0x2a8: {  	s11 =	sshrl.u32 s9, $0x3;
	s10 =	sor.u32 $0x1C03, s10;
	(pc) =	sbr.rel @p0 .LBB2_1-.Ltmp3, $4  }
0x2a9: {  	[hbm:s19], [sflag:s10] =	dma.local [spmem:s11], $0x2880  }
0x2aa: {  	_ =	swait.ge [sflag:s22], $0x2880  }
0x2ab: {  	[sflag:s22] =	ssyncset.done $0x0  }
0x2ac: {  	[sflag:s22] =	ssyncadd.s32 $0xFFFFD780  }
0x2ad: {  	_ =	sfence.sel $0x180000  }
0x2ae: {  	[bflag:$0x0] =	sbarrier.arrive $0xFFFF  }
0x2af: {  	_ =	strace $0x90000047  }
0x2b0: {  	s0 =	stileid.u32;
	[bflag:$0x2] =	sbarrier.arrive $0xFFFF  }
0x2b1: {  	p0 =	sne.s32 s0, $0x0;
	s0 =	rddreg [dreg:$0x3]  }
0x2b2: {  	s0 =	sadd.s32 @!p0 $0x100000, s0  }
0x2b3: {  	[sflag:s0] =	ssyncadd.tile.s32 @!p0 $0x1;
	_ =	shalt  }
.Lfunc_end2:
_tile_overlayer_lowered:
.L_overlay_start_2:
0x2b4: {  	(tag) =	ssettag $0x2  }
0x2b5: {  	s0 =	rddreg [dreg:$0x0];
	s2 =	stileid.u32  }
0x2b6: {  	s1 =	rddreg [dreg:$0x1];
	p0 =	sne.s32 s2, $0x0  }
0x2b7: {  	s3 =	rddreg [dreg:$0x2];
	[bflag:$0x3] =	sbarrier.arrive $0xFFFF;
	s2 =	simm.s32 @!p0 $0x1C03  }
0x2b8: {  	[timem:s3], [sflag:s2] =	dma.local @!p0 [hbm:s0], s1  }
0x2b9: {  	s0 =	simm.s32 @!p0 $0x3  }
0x2ba: {  	_ =	swait.ge @!p0 [sflag:s0], s1  }
0x2bb: {  	s1 =	ssub.s32 @!p0 $0x0, s1;
	[sflag:s0] =	ssyncset.done @!p0 $0x0  }
0x2bc: {  	[sflag:s0] =	ssyncadd.s32 @!p0 s1  }
0x2bd: {  	[bflag:$0x3] =	sbarrier.arrive $0xFFFF  }
0x2be: {  	_ =	shalt  }

</sc_bundles>
